<compile_context>
chip_gen: v7x
topology: tpu7x:2x2x1
jax: 0.10.2.dev20260603
libtpu: 0.0.44.dev20260713+nightly
codegen_flags: <defaults>
</compile_context>

<pallas_src>
import functools

import jax
import jax.numpy as jnp
from jax import lax
from jax.experimental import pallas as pl
from jax.experimental.pallas import tpu as pltpu
from jax.experimental.pallas import tpu_sc as plsc

NC = 2
NS = 16
NW = NC * NS
LANES = 16
SLOTS = 126


def _sc_body(C,
             coord2_hbm, field_hbm, comp_hbm, cflat_hbm, obs_hbm, n_hbm,
             out_hbm, obsidx, cidx, craw, nraw, outbuf, sem):
    wid = lax.axis_index("s") * NC + lax.axis_index("c")
    B = out_hbm.shape[0]
    rows_per = B // NW
    nch = rows_per // C
    iota = lax.broadcasted_iota(jnp.int32, (LANES,), 0)

    @pl.loop(0, nch)
    def _chunk(g):
        r0 = wid * rows_per + g * C
        pltpu.sync_copy(obs_hbm.at[pl.ds(r0, C)], obsidx)
        pltpu.sync_copy(cflat_hbm.at[pl.ds(2 * r0, 2 * C)], craw)
        pltpu.sync_copy(n_hbm.at[pl.ds(r0, C)], nraw)
        for k in range((2 * C) // LANES):
            p = iota + (k * LANES)
            c = craw[pl.ds(k * LANES, LANES)]
            pos = jnp.right_shift(p, 1) * 16 + jnp.bitwise_and(p, 1) * 2
            plsc.store_scatter(cidx, [pos], c * 2)
            plsc.store_scatter(cidx, [pos + 1], c * 2 + 1)
        for k in range(C // LANES):
            pos = (iota + (k * LANES)) * 16 + 8
            n = nraw[pl.ds(k * LANES, LANES)]
            plsc.store_scatter(cidx, [pos], n)
        cps = []
        for i in range(C):
            cps.append(pltpu.async_copy(
                coord2_hbm.at[cidx.at[pl.ds(16 * i, 4)]],
                outbuf.at[i, pl.ds(0, 4)], sem))
            cps.append(pltpu.async_copy(
                field_hbm.at[obsidx.at[i]],
                outbuf.at[i, pl.ds(4, 121)], sem))
            cps.append(pltpu.async_copy(
                comp_hbm.at[cidx.at[pl.ds(16 * i + 8, 1)]],
                outbuf.at[i, pl.ds(SLOTS - 1, 1)], sem))
        for cp in cps:
            cp.wait()
        pltpu.sync_copy(outbuf, out_hbm.at[pl.ds(r0, C)])


def kernel(coords, obses, n_completed, coord_table, field_table,
           completed_table):
    B = coords.shape[0]
    coords = coords.astype(jnp.int32)
    obses = obses.astype(jnp.int32)
    n_completed = n_completed.astype(jnp.int32)
    fdim = field_table.shape[1]
    coord2 = coord_table.reshape(-1, fdim)
    obs2 = obses.reshape(B, -1)
    cflat = coords.reshape(-1)
    nflat = n_completed.reshape(-1)

    C = 32
    mesh = plsc.VectorSubcoreMesh(core_axis_name="c", subcore_axis_name="s")
    out = pl.kernel(
        functools.partial(_sc_body, C),
        out_type=jax.ShapeDtypeStruct((B, SLOTS, fdim), jnp.float32),
        mesh=mesh,
        compiler_params=pltpu.CompilerParams(
            use_tc_tiling_on_sc=False,
            needs_layout_passes=False,
        ),
        scratch_types=[
            pltpu.VMEM((C, 121), jnp.int32),
            pltpu.VMEM((16 * C,), jnp.int32),
            pltpu.VMEM((2 * C,), jnp.int32),
            pltpu.VMEM((C,), jnp.int32),
            pltpu.VMEM((C, SLOTS, fdim), jnp.float32),
            pltpu.SemaphoreType.DMA,
        ],
    )(coord2, field_table, completed_table, cflat, obs2, nflat)
    return out.reshape(B, SLOTS * fdim)

# --- scband reference (transcript-rebuilt; emitter-appended) ---
"""Pipeline reference for scband-state-preprocessor-73126113181771 (READ-ONLY COPY).

The authoritative reference and input builder live on the scoring server;
editing this copy changes nothing except your own understanding.
"""

import jax, jax.numpy as jnp
import numpy as np

COORD_RANGE = 100000
FIELD_RANGE = 1000
N_COMPLETED = 100
COORD_DIM = 32
FIELD_DIM = 16
COMPLETED_DIM = 16
BATCH = 16384
RF = 11


def setup_inputs(seed: int = 0) -> dict:
    key = jax.random.key(seed)
    k1, k2, k3, k4, k5, k6 = jax.random.split(key, 6)
    coords = jax.random.randint(k1, (BATCH, 2), 0, COORD_RANGE, dtype=jnp.int64 if jax.config.read('jax_enable_x64') else jnp.int32)
    obses = jax.random.randint(k2, (BATCH, RF, RF), 0, FIELD_RANGE, dtype=jnp.int32)
    n_completed = jax.random.randint(k3, (BATCH, 1), 0, N_COMPLETED + 1, dtype=jnp.int32)
    # learned parameters (nn.Embedding weights, default init ~ N(0,1))
    coord_table = jax.random.normal(k4, (COORD_RANGE, COORD_DIM), dtype=jnp.float32)
    field_table = jax.random.normal(k5, (FIELD_RANGE, FIELD_DIM), dtype=jnp.float32)
    completed_table = jax.random.normal(k6, (N_COMPLETED + 1, COMPLETED_DIM), dtype=jnp.float32)
    return {
        'coords': coords,
        'obses': obses,
        'n_completed': n_completed,
        'coord_table': coord_table,
        'field_table': field_table,
        'completed_table': completed_table,
    }


def reference(coords, obses, n_completed, coord_table, field_table, completed_table):
    batch_size = coords.shape[0]
    coords_emb = jnp.take(coord_table, coords, axis=0).reshape(batch_size, -1)
    field_emb = jnp.take(field_table, obses.reshape(batch_size, -1), axis=0).reshape(batch_size, -1)
    completed_emb = jnp.take(completed_table, n_completed, axis=0).reshape(batch_size, -1)
    return jnp.concatenate([coords_emb, field_emb, completed_emb], axis=1)

if __name__ == "__main__":
    import jax
    _d = setup_inputs()
    print(jax.jit(kernel)(*tuple(_d.values())))

</pallas_src>

<mosaic_0001>
#map = affine_map<(d0, d1) -> (0, 0)>
#map1 = affine_map<(d0, d1) -> (0)>
#map2 = affine_map<(d0, d1) -> (0, 0, 0)>
module attributes {stable_mosaic.version = 14 : i64} {
  func.func @_sc_body(%arg0: i32, %arg1: i32, %arg2: memref<200000x16xf32, #tpu.memory_space<hbm>>, %arg3: memref<1000x16xf32, #tpu.memory_space<hbm>>, %arg4: memref<101x16xf32, #tpu.memory_space<hbm>>, %arg5: memref<32768xi32, #tpu.memory_space<hbm>>, %arg6: memref<16384x121xi32, #tpu.memory_space<hbm>>, %arg7: memref<16384xi32, #tpu.memory_space<hbm>>, %arg8: memref<16384x126x16xf32, #tpu.memory_space<hbm>>, %arg9: memref<32x121xi32, #tpu.memory_space<vmem>>, %arg10: memref<512xi32, #tpu.memory_space<vmem>>, %arg11: memref<64xi32, #tpu.memory_space<vmem>>, %arg12: memref<32xi32, #tpu.memory_space<vmem>>, %arg13: memref<32x126x16xf32, #tpu.memory_space<vmem>>, %arg14: memref<!tpu.dma_semaphore, #tpu.memory_space<semaphore_mem>>) attributes {dimension_semantics = [#tpu.dimension_semantics<core_parallel>, #tpu.dimension_semantics<subcore_parallel>], iteration_bounds = array<i64: 2, 16>, scalar_prefetch = 0 : i64, scratch_operands = 6 : i64, tpu.core_type = #tpu.core_type<sc_vector_subcore>, window_params = [{transform_indices = #map}, {transform_indices = #map}, {transform_indices = #map}, {transform_indices = #map1}, {transform_indices = #map}, {transform_indices = #map1}, {transform_indices = #map2}]} {
    %mul3A = arith.constant 2 : i32
    %mul3A_0 = arith.muli %arg1, %mul3A : i32
    %add3A = arith.addi %mul3A_0, %arg0 : i32
    %iota3A = tpu.iota {dimensions = array<i32: 0>} : vector<16xi32>
    %scan3A = arith.constant 0 : i32
    %scan3A_1 = arith.constant 16 : i32
    %scan3A_2 = arith.addi %scan3A, %scan3A_1 : i32
    %scan3A_3 = arith.constant 1 : i32
    scf.for %scan3A_5 = %scan3A to %scan3A_2 step %scan3A_3  : i32 {
      %mul3A_6 = arith.constant 1 : i32
      %mul3A_7 = arith.muli %scan3A_5, %mul3A_6 : i32
      %add3A_8 = arith.constant 0 : i32
      %add3A_9 = arith.addi %add3A_8, %mul3A_7 : i32
      %mul3A_10 = arith.constant 512 : i32
      %mul3A_11 = arith.muli %add3A, %mul3A_10 : i32
      %mul3A_12 = arith.constant 32 : i32
      %mul3A_13 = arith.muli %add3A_9, %mul3A_12 : i32
      %add3A_14 = arith.addi %mul3A_11, %mul3A_13 : i32
      "tpu.region"() ({
        %run_scoped3A = tpu.sem_alloc : memref<!tpu.dma_semaphore, #tpu.memory_space<semaphore_mem>>
        %dma_start3A_2202 = arith.constant 0 : i32
        %dma_start3A_2203 = tpu.memref_slice %arg6[%add3A_14, %dma_start3A_2202] : memref<16384x121xi32, #tpu.memory_space<hbm>> -> memref<32x121xi32, #tpu.memory_space<hbm>>
        %dma_start3A_2204 = arith.constant 0 : i32
        %dma_start3A_2205 = tpu.memref_slice %arg6[%add3A_14, %dma_start3A_2204] : memref<16384x121xi32, #tpu.memory_space<hbm>> -> memref<32x121xi32, #tpu.memory_space<hbm>>
        tpu.enqueue_dma source(%dma_start3A_2205 : memref<32x121xi32, #tpu.memory_space<hbm>>) target(%arg9 : memref<32x121xi32, #tpu.memory_space<vmem>>) target_semaphore(%run_scoped3A : memref<!tpu.dma_semaphore, #tpu.memory_space<semaphore_mem>>)
        %dma_wait3A_2206 = arith.constant 0 : i32
        %dma_wait3A_2207 = tpu.memref_slice %arg6[%add3A_14, %dma_wait3A_2206] : memref<16384x121xi32, #tpu.memory_space<hbm>> -> memref<32x121xi32, #tpu.memory_space<hbm>>
        %dma_wait3A_2208 = arith.constant 0 : i32
        %dma_wait3A_2209 = tpu.memref_slice %arg6[%add3A_14, %dma_wait3A_2208] : memref<16384x121xi32, #tpu.memory_space<hbm>> -> memref<32x121xi32, #tpu.memory_space<hbm>>
        tpu.wait_dma2 semaphore(%run_scoped3A : memref<!tpu.dma_semaphore, #tpu.memory_space<semaphore_mem>>) src(%dma_wait3A_2209 : memref<32x121xi32, #tpu.memory_space<hbm>>) dst(%arg9 : memref<32x121xi32, #tpu.memory_space<vmem>>)
        tpu.yield
      }) : () -> ()
      %mul3A_15 = arith.constant 2 : i32
      %mul3A_16 = arith.muli %mul3A_15, %add3A_14 : i32
      "tpu.region"() ({
        %run_scoped3A = tpu.sem_alloc : memref<!tpu.dma_semaphore, #tpu.memory_space<semaphore_mem>>
        %dma_start3A_2202 = tpu.memref_slice %arg5[%mul3A_16] : memref<32768xi32, #tpu.memory_space<hbm>> -> memref<64xi32, #tpu.memory_space<hbm>>
        %dma_start3A_2203 = tpu.memref_slice %arg5[%mul3A_16] : memref<32768xi32, #tpu.memory_space<hbm>> -> memref<64xi32, #tpu.memory_space<hbm>>
        tpu.enqueue_dma source(%dma_start3A_2203 : memref<64xi32, #tpu.memory_space<hbm>>) target(%arg11 : memref<64xi32, #tpu.memory_space<vmem>>) target_semaphore(%run_scoped3A : memref<!tpu.dma_semaphore, #tpu.memory_space<semaphore_mem>>)
        %dma_wait3A_2204 = tpu.memref_slice %arg5[%mul3A_16] : memref<32768xi32, #tpu.memory_space<hbm>> -> memref<64xi32, #tpu.memory_space<hbm>>
        %dma_wait3A_2205 = tpu.memref_slice %arg5[%mul3A_16] : memref<32768xi32, #tpu.memory_space<hbm>> -> memref<64xi32, #tpu.memory_space<hbm>>
        tpu.wait_dma2 semaphore(%run_scoped3A : memref<!tpu.dma_semaphore, #tpu.memory_space<semaphore_mem>>) src(%dma_wait3A_2205 : memref<64xi32, #tpu.memory_space<hbm>>) dst(%arg11 : memref<64xi32, #tpu.memory_space<vmem>>)
        tpu.yield
      }) : () -> ()
      "tpu.region"() ({
        %run_scoped3A = tpu.sem_alloc : memref<!tpu.dma_semaphore, #tpu.memory_space<semaphore_mem>>
        %dma_start3A_2202 = tpu.memref_slice %arg7[%add3A_14] : memref<16384xi32, #tpu.memory_space<hbm>> -> memref<32xi32, #tpu.memory_space<hbm>>
        %dma_start3A_2203 = tpu.memref_slice %arg7[%add3A_14] : memref<16384xi32, #tpu.memory_space<hbm>> -> memref<32xi32, #tpu.memory_space<hbm>>
        tpu.enqueue_dma source(%dma_start3A_2203 : memref<32xi32, #tpu.memory_space<hbm>>) target(%arg12 : memref<32xi32, #tpu.memory_space<vmem>>) target_semaphore(%run_scoped3A : memref<!tpu.dma_semaphore, #tpu.memory_space<semaphore_mem>>)
        %dma_wait3A_2204 = tpu.memref_slice %arg7[%add3A_14] : memref<16384xi32, #tpu.memory_space<hbm>> -> memref<32xi32, #tpu.memory_space<hbm>>
        %dma_wait3A_2205 = tpu.memref_slice %arg7[%add3A_14] : memref<16384xi32, #tpu.memory_space<hbm>> -> memref<32xi32, #tpu.memory_space<hbm>>
        tpu.wait_dma2 semaphore(%run_scoped3A : memref<!tpu.dma_semaphore, #tpu.memory_space<semaphore_mem>>) src(%dma_wait3A_2205 : memref<32xi32, #tpu.memory_space<hbm>>) dst(%arg12 : memref<32xi32, #tpu.memory_space<vmem>>)
        tpu.yield
      }) : () -> ()
      %add3A_17 = arith.constant 0 : i32
      %add3A_18 = vector.broadcast %add3A_17 : i32 to vector<16xi32>
      %add3A_19 = arith.addi %iota3A, %add3A_18 : vector<16xi32>
      %get3A = arith.constant 0 : index
      %get3A_20 = tpu.vector_load %arg11[%get3A] {strides = array<i32>} : memref<64xi32, #tpu.memory_space<vmem>>, vector<16xi32>,
      %shift_right_arithmetic3A = arith.constant 1 : i32
      %shift_right_arithmetic3A_21 = vector.broadcast %shift_right_arithmetic3A : i32 to vector<16xi32>
      %shift_right_arithmetic3A_22 = arith.shrsi %add3A_19, %shift_right_arithmetic3A_21 : vector<16xi32>
      %mul3A_23 = arith.constant 16 : i32
      %mul3A_24 = vector.broadcast %mul3A_23 : i32 to vector<16xi32>
      %mul3A_25 = arith.muli %shift_right_arithmetic3A_22, %mul3A_24 : vector<16xi32>
      %and3A = arith.constant 1 : i32
      %and3A_26 = vector.broadcast %and3A : i32 to vector<16xi32>
      %and3A_27 = arith.andi %add3A_19, %and3A_26 : vector<16xi32>
      %mul3A_28 = arith.constant 2 : i32
      %mul3A_29 = vector.broadcast %mul3A_28 : i32 to vector<16xi32>
      %mul3A_30 = arith.muli %and3A_27, %mul3A_29 : vector<16xi32>
      %add3A_31 = arith.addi %mul3A_25, %mul3A_30 : vector<16xi32>
      %mul3A_32 = arith.constant 2 : i32
      %mul3A_33 = vector.broadcast %mul3A_32 : i32 to vector<16xi32>
      %mul3A_34 = arith.muli %get3A_20, %mul3A_33 : vector<16xi32>
      tpu.vector_store_idx %arg10[%add3A_31], %mul3A_34 : memref<512xi32, #tpu.memory_space<vmem>>[vector<16xi32>], vector<16xi32>,
      %add3A_35 = arith.constant 1 : i32
      %add3A_36 = vector.broadcast %add3A_35 : i32 to vector<16xi32>
      %add3A_37 = arith.addi %add3A_31, %add3A_36 : vector<16xi32>
      %mul3A_38 = arith.constant 2 : i32
      %mul3A_39 = vector.broadcast %mul3A_38 : i32 to vector<16xi32>
      %mul3A_40 = arith.muli %get3A_20, %mul3A_39 : vector<16xi32>
      %add3A_41 = arith.constant 1 : i32
      %add3A_42 = vector.broadcast %add3A_41 : i32 to vector<16xi32>
      %add3A_43 = arith.addi %mul3A_40, %add3A_42 : vector<16xi32>
      tpu.vector_store_idx %arg10[%add3A_37], %add3A_43 : memref<512xi32, #tpu.memory_space<vmem>>[vector<16xi32>], vector<16xi32>,
      %add3A_44 = arith.constant 16 : i32
      %add3A_45 = vector.broadcast %add3A_44 : i32 to vector<16xi32>
      %add3A_46 = arith.addi %iota3A, %add3A_45 : vector<16xi32>
      %get3A_47 = arith.constant 16 : index
      %get3A_48 = tpu.vector_load %arg11[%get3A_47] {strides = array<i32>} : memref<64xi32, #tpu.memory_space<vmem>>, vector<16xi32>,
      %shift_right_arithmetic3A_49 = arith.constant 1 : i32
      %shift_right_arithmetic3A_50 = vector.broadcast %shift_right_arithmetic3A_49 : i32 to vector<16xi32>
      %shift_right_arithmetic3A_51 = arith.shrsi %add3A_46, %shift_right_arithmetic3A_50 : vector<16xi32>
      %mul3A_52 = arith.constant 16 : i32
      %mul3A_53 = vector.broadcast %mul3A_52 : i32 to vector<16xi32>
      %mul3A_54 = arith.muli %shift_right_arithmetic3A_51, %mul3A_53 : vector<16xi32>
      %and3A_55 = arith.constant 1 : i32
      %and3A_56 = vector.broadcast %and3A_55 : i32 to vector<16xi32>
      %and3A_57 = arith.andi %add3A_46, %and3A_56 : vector<16xi32>
      %mul3A_58 = arith.constant 2 : i32
      %mul3A_59 = vector.broadcast %mul3A_58 : i32 to vector<16xi32>
      %mul3A_60 = arith.muli %and3A_57, %mul3A_59 : vector<16xi32>
      %add3A_61 = arith.addi %mul3A_54, %mul3A_60 : vector<16xi32>
      %mul3A_62 = arith.constant 2 : i32
      %mul3A_63 = vector.broadcast %mul3A_62 : i32 to vector<16xi32>
      %mul3A_64 = arith.muli %get3A_48, %mul3A_63 : vector<16xi32>
      tpu.vector_store_idx %arg10[%add3A_61], %mul3A_64 : memref<512xi32, #tpu.memory_space<vmem>>[vector<16xi32>], vector<16xi32>,
      %add3A_65 = arith.constant 1 : i32
      %add3A_66 = vector.broadcast %add3A_65 : i32 to vector<16xi32>
      %add3A_67 = arith.addi %add3A_61, %add3A_66 : vector<16xi32>
      %mul3A_68 = arith.constant 2 : i32
      %mul3A_69 = vector.broadcast %mul3A_68 : i32 to vector<16xi32>
      %mul3A_70 = arith.muli %get3A_48, %mul3A_69 : vector<16xi32>
      %add3A_71 = arith.constant 1 : i32
      %add3A_72 = vector.broadcast %add3A_71 : i32 to vector<16xi32>
      %add3A_73 = arith.addi %mul3A_70, %add3A_72 : vector<16xi32>
      tpu.vector_store_idx %arg10[%add3A_67], %add3A_73 : memref<512xi32, #tpu.memory_space<vmem>>[vector<16xi32>], vector<16xi32>,
      %add3A_74 = arith.constant 32 : i32
      %add3A_75 = vector.broadcast %add3A_74 : i32 to vector<16xi32>
      %add3A_76 = arith.addi %iota3A, %add3A_75 : vector<16xi32>
      %get3A_77 = arith.constant 32 : index
      %get3A_78 = tpu.vector_load %arg11[%get3A_77] {strides = array<i32>} : memref<64xi32, #tpu.memory_space<vmem>>, vector<16xi32>,
      %shift_right_arithmetic3A_79 = arith.constant 1 : i32
      %shift_right_arithmetic3A_80 = vector.broadcast %shift_right_arithmetic3A_79 : i32 to vector<16xi32>
      %shift_right_arithmetic3A_81 = arith.shrsi %add3A_76, %shift_right_arithmetic3A_80 : vector<16xi32>
      %mul3A_82 = arith.constant 16 : i32
      %mul3A_83 = vector.broadcast %mul3A_82 : i32 to vector<16xi32>
      %mul3A_84 = arith.muli %shift_right_arithmetic3A_81, %mul3A_83 : vector<16xi32>
      %and3A_85 = arith.constant 1 : i32
      %and3A_86 = vector.broadcast %and3A_85 : i32 to vector<16xi32>
      %and3A_87 = arith.andi %add3A_76, %and3A_86 : vector<16xi32>
      %mul3A_88 = arith.constant 2 : i32
      %mul3A_89 = vector.broadcast %mul3A_88 : i32 to vector<16xi32>
      %mul3A_90 = arith.muli %and3A_87, %mul3A_89 : vector<16xi32>
      %add3A_91 = arith.addi %mul3A_84, %mul3A_90 : vector<16xi32>
      %mul3A_92 = arith.constant 2 : i32
      %mul3A_93 = vector.broadcast %mul3A_92 : i32 to vector<16xi32>
      %mul3A_94 = arith.muli %get3A_78, %mul3A_93 : vector<16xi32>
      tpu.vector_store_idx %arg10[%add3A_91], %mul3A_94 : memref<512xi32, #tpu.memory_space<vmem>>[vector<16xi32>], vector<16xi32>,
      %add3A_95 = arith.constant 1 : i32
      %add3A_96 = vector.broadcast %add3A_95 : i32 to vector<16xi32>
      %add3A_97 = arith.addi %add3A_91, %add3A_96 : vector<16xi32>
      %mul3A_98 = arith.constant 2 : i32
      %mul3A_99 = vector.broadcast %mul3A_98 : i32 to vector<16xi32>
      %mul3A_100 = arith.muli %get3A_78, %mul3A_99 : vector<16xi32>
      %add3A_101 = arith.constant 1 : i32
      %add3A_102 = vector.broadcast %add3A_101 : i32 to vector<16xi32>
      %add3A_103 = arith.addi %mul3A_100, %add3A_102 : vector<16xi32>
      tpu.vector_store_idx %arg10[%add3A_97], %add3A_103 : memref<512xi32, #tpu.memory_space<vmem>>[vector<16xi32>], vector<16xi32>,
      %add3A_104 = arith.constant 48 : i32
      %add3A_105 = vector.broadcast %add3A_104 : i32 to vector<16xi32>
      %add3A_106 = arith.addi %iota3A, %add3A_105 : vector<16xi32>
      %get3A_107 = arith.constant 48 : index
      %get3A_108 = tpu.vector_load %arg11[%get3A_107] {strides = array<i32>} : memref<64xi32, #tpu.memory_space<vmem>>, vector<16xi32>,
      %shift_right_arithmetic3A_109 = arith.constant 1 : i32
      %shift_right_arithmetic3A_110 = vector.broadcast %shift_right_arithmetic3A_109 : i32 to vector<16xi32>
      %shift_right_arithmetic3A_111 = arith.shrsi %add3A_106, %shift_right_arithmetic3A_110 : vector<16xi32>
      %mul3A_112 = arith.constant 16 : i32
      %mul3A_113 = vector.broadcast %mul3A_112 : i32 to vector<16xi32>
      %mul3A_114 = arith.muli %shift_right_arithmetic3A_111, %mul3A_113 : vector<16xi32>
      %and3A_115 = arith.constant 1 : i32
      %and3A_116 = vector.broadcast %and3A_115 : i32 to vector<16xi32>
      %and3A_117 = arith.andi %add3A_106, %and3A_116 : vector<16xi32>
      %mul3A_118 = arith.constant 2 : i32
      %mul3A_119 = vector.broadcast %mul3A_118 : i32 to vector<16xi32>
      %mul3A_120 = arith.muli %and3A_117, %mul3A_119 : vector<16xi32>
      %add3A_121 = arith.addi %mul3A_114, %mul3A_120 : vector<16xi32>
      %mul3A_122 = arith.constant 2 : i32
      %mul3A_123 = vector.broadcast %mul3A_122 : i32 to vector<16xi32>
      %mul3A_124 = arith.muli %get3A_108, %mul3A_123 : vector<16xi32>
      tpu.vector_store_idx %arg10[%add3A_121], %mul3A_124 : memref<512xi32, #tpu.memory_space<vmem>>[vector<16xi32>], vector<16xi32>,
      %add3A_125 = arith.constant 1 : i32
      %add3A_126 = vector.broadcast %add3A_125 : i32 to vector<16xi32>
      %add3A_127 = arith.addi %add3A_121, %add3A_126 : vector<16xi32>
      %mul3A_128 = arith.constant 2 : i32
      %mul3A_129 = vector.broadcast %mul3A_128 : i32 to vector<16xi32>
      %mul3A_130 = arith.muli %get3A_108, %mul3A_129 : vector<16xi32>
      %add3A_131 = arith.constant 1 : i32
      %add3A_132 = vector.broadcast %add3A_131 : i32 to vector<16xi32>
      %add3A_133 = arith.addi %mul3A_130, %add3A_132 : vector<16xi32>
      tpu.vector_store_idx %arg10[%add3A_127], %add3A_133 : memref<512xi32, #tpu.memory_space<vmem>>[vector<16xi32>], vector<16xi32>,
      %add3A_134 = arith.constant 0 : i32
      %add3A_135 = vector.broadcast %add3A_134 : i32 to vector<16xi32>
      %add3A_136 = arith.addi %iota3A, %add3A_135 : vector<16xi32>
      %mul3A_137 = arith.constant 16 : i32
      %mul3A_138 = vector.broadcast %mul3A_137 : i32 to vector<16xi32>
      %mul3A_139 = arith.muli %add3A_136, %mul3A_138 : vector<16xi32>
      %add3A_140 = arith.constant 8 : i32
      %add3A_141 = vector.broadcast %add3A_140 : i32 to vector<16xi32>
      %add3A_142 = arith.addi %mul3A_139, %add3A_141 : vector<16xi32>
      %get3A_143 = arith.constant 0 : index
      %get3A_144 = tpu.vector_load %arg12[%get3A_143] {strides = array<i32>} : memref<32xi32, #tpu.memory_space<vmem>>, vector<16xi32>,
      tpu.vector_store_idx %arg10[%add3A_142], %get3A_144 : memref<512xi32, #tpu.memory_space<vmem>>[vector<16xi32>], vector<16xi32>,
      %add3A_145 = arith.constant 16 : i32
      %add3A_146 = vector.broadcast %add3A_145 : i32 to vector<16xi32>
      %add3A_147 = arith.addi %iota3A, %add3A_146 : vector<16xi32>
      %mul3A_148 = arith.constant 16 : i32
      %mul3A_149 = vector.broadcast %mul3A_148 : i32 to vector<16xi32>
      %mul3A_150 = arith.muli %add3A_147, %mul3A_149 : vector<16xi32>
      %add3A_151 = arith.constant 8 : i32
      %add3A_152 = vector.broadcast %add3A_151 : i32 to vector<16xi32>
      %add3A_153 = arith.addi %mul3A_150, %add3A_152 : vector<16xi32>
      %get3A_154 = arith.constant 16 : index
      %get3A_155 = tpu.vector_load %arg12[%get3A_154] {strides = array<i32>} : memref<32xi32, #tpu.memory_space<vmem>>, vector<16xi32>,
      tpu.vector_store_idx %arg10[%add3A_153], %get3A_155 : memref<512xi32, #tpu.memory_space<vmem>>[vector<16xi32>], vector<16xi32>,
      %dma_start3A = arith.constant 0 : i32
      %dma_start3A_156 = arith.constant 0 : i32
      %dma_start3A_157 = arith.constant 0 : i32
      %dma_start3A_158 = tpu.memref_slice %arg13[%dma_start3A, %dma_start3A_156, %dma_start3A_157] : memref<32x126x16xf32, #tpu.memory_space<vmem>> -> memref<1x4x16xf32, #tpu.memory_space<vmem>>
      %dma_start3A_159 = tpu.memref_squeeze %dma_start3A_158 : memref<1x4x16xf32, #tpu.memory_space<vmem>> -> memref<4x16xf32, #tpu.memory_space<vmem>>
      %dma_start3A_160 = arith.constant 0 : i32
      %dma_start3A_161 = tpu.memref_slice %arg10[%dma_start3A_160] : memref<512xi32, #tpu.memory_space<vmem>> -> memref<4xi32, #tpu.memory_space<vmem>>
      %dma_start3A_162 = arith.constant 0 : i32
      %dma_start3A_163 = arith.constant 0 : i32
      %dma_start3A_164 = tpu.memref_slice %arg2[%dma_start3A_162, %dma_start3A_163] : memref<200000x16xf32, #tpu.memory_space<hbm>> -> memref<200000x16xf32, #tpu.memory_space<hbm>>
      tpu.enqueue_indirect_dma source(%dma_start3A_164 : memref<200000x16xf32, #tpu.memory_space<hbm>>) target(%dma_start3A_159 : memref<4x16xf32, #tpu.memory_space<vmem>>) offsets(%dma_start3A_161 : memref<4xi32, #tpu.memory_space<vmem>>) semaphore(%arg14 : memref<!tpu.dma_semaphore, #tpu.memory_space<semaphore_mem>>)
      %dma_start3A_165 = arith.constant 0 : i32
      %dma_start3A_166 = arith.constant 0 : i32
      %dma_start3A_167 = arith.constant 4 : i32
      %dma_start3A_168 = arith.constant 0 : i32
      %dma_start3A_169 = tpu.memref_slice %arg13[%dma_start3A_166, %dma_start3A_167, %dma_start3A_168] : memref<32x126x16xf32, #tpu.memory_space<vmem>> -> memref<1x121x16xf32, #tpu.memory_space<vmem>>
      %dma_start3A_170 = tpu.memref_squeeze %dma_start3A_169 : memref<1x121x16xf32, #tpu.memory_space<vmem>> -> memref<121x16xf32, #tpu.memory_space<vmem>>
      %dma_start3A_171 = arith.constant 0 : i32
      %dma_start3A_172 = tpu.memref_slice %arg9[%dma_start3A_165, %dma_start3A_171] : memref<32x121xi32, #tpu.memory_space<vmem>> -> memref<1x121xi32, #tpu.memory_space<vmem>>
      %dma_start3A_173 = tpu.memref_squeeze %dma_start3A_172 : memref<1x121xi32, #tpu.memory_space<vmem>> -> memref<121xi32, #tpu.memory_space<vmem>>
      %dma_start3A_174 = arith.constant 0 : i32
      %dma_start3A_175 = arith.constant 0 : i32
      %dma_start3A_176 = tpu.memref_slice %arg3[%dma_start3A_174, %dma_start3A_175] : memref<1000x16xf32, #tpu.memory_space<hbm>> -> memref<1000x16xf32, #tpu.memory_space<hbm>>
      tpu.enqueue_indirect_dma source(%dma_start3A_176 : memref<1000x16xf32, #tpu.memory_space<hbm>>) target(%dma_start3A_170 : memref<121x16xf32, #tpu.memory_space<vmem>>) offsets(%dma_start3A_173 : memref<121xi32, #tpu.memory_space<vmem>>) semaphore(%arg14 : memref<!tpu.dma_semaphore, #tpu.memory_space<semaphore_mem>>)
      %dma_start3A_177 = arith.constant 0 : i32
      %dma_start3A_178 = arith.constant 125 : i32
      %dma_start3A_179 = arith.constant 0 : i32
      %dma_start3A_180 = tpu.memref_slice %arg13[%dma_start3A_177, %dma_start3A_178, %dma_start3A_179] : memref<32x126x16xf32, #tpu.memory_space<vmem>> -> memref<1x1x16xf32, #tpu.memory_space<vmem>>
      %dma_start3A_181 = tpu.memref_squeeze %dma_start3A_180 : memref<1x1x16xf32, #tpu.memory_space<vmem>> -> memref<1x16xf32, #tpu.memory_space<vmem>>
      %dma_start3A_182 = arith.constant 8 : i32
      %dma_start3A_183 = tpu.memref_slice %arg10[%dma_start3A_182] : memref<512xi32, #tpu.memory_space<vmem>> -> memref<1xi32, #tpu.memory_space<vmem>>
      %dma_start3A_184 = arith.constant 0 : i32
      %dma_start3A_185 = arith.constant 0 : i32
      %dma_start3A_186 = tpu.memref_slice %arg4[%dma_start3A_184, %dma_start3A_185] : memref<101x16xf32, #tpu.memory_space<hbm>> -> memref<101x16xf32, #tpu.memory_space<hbm>>
      tpu.enqueue_indirect_dma source(%dma_start3A_186 : memref<101x16xf32, #tpu.memory_space<hbm>>) target(%dma_start3A_181 : memref<1x16xf32, #tpu.memory_space<vmem>>) offsets(%dma_start3A_183 : memref<1xi32, #tpu.memory_space<vmem>>) semaphore(%arg14 : memref<!tpu.dma_semaphore, #tpu.memory_space<semaphore_mem>>)
      %dma_start3A_187 = arith.constant 1 : i32
      %dma_start3A_188 = arith.constant 0 : i32
      %dma_start3A_189 = arith.constant 0 : i32
      %dma_start3A_190 = tpu.memref_slice %arg13[%dma_start3A_187, %dma_start3A_188, %dma_start3A_189] : memref<32x126x16xf32, #tpu.memory_space<vmem>> -> memref<1x4x16xf32, #tpu.memory_space<vmem>>
      %dma_start3A_191 = tpu.memref_squeeze %dma_start3A_190 : memref<1x4x16xf32, #tpu.memory_space<vmem>> -> memref<4x16xf32, #tpu.memory_space<vmem>>
      %dma_start3A_192 = arith.constant 16 : i32
      %dma_start3A_193 = tpu.memref_slice %arg10[%dma_start3A_192] : memref<512xi32, #tpu.memory_space<vmem>> -> memref<4xi32, #tpu.memory_space<vmem>>
      %dma_start3A_194 = arith.constant 0 : i32
      %dma_start3A_195 = arith.constant 0 : i32
      %dma_start3A_196 = tpu.memref_slice %arg2[%dma_start3A_194, %dma_start3A_195] : memref<200000x16xf32, #tpu.memory_space<hbm>> -> memref<200000x16xf32, #tpu.memory_space<hbm>>
      tpu.enqueue_indirect_dma source(%dma_start3A_196 : memref<200000x16xf32, #tpu.memory_space<hbm>>) target(%dma_start3A_191 : memref<4x16xf32, #tpu.memory_space<vmem>>) offsets(%dma_start3A_193 : memref<4xi32, #tpu.memory_space<vmem>>) semaphore(%arg14 : memref<!tpu.dma_semaphore, #tpu.memory_space<semaphore_mem>>)
      %dma_start3A_197 = arith.constant 1 : i32
      %dma_start3A_198 = arith.constant 1 : i32
      %dma_start3A_199 = arith.constant 4 : i32
      %dma_start3A_200 = arith.constant 0 : i32
      %dma_start3A_201 = tpu.memref_slice %arg13[%dma_start3A_198, %dma_start3A_199, %dma_start3A_200] : memref<32x126x16xf32, #tpu.memory_space<vmem>> -> memref<1x121x16xf32, #tpu.memory_space<vmem>>
      %dma_start3A_202 = tpu.memref_squeeze %dma_start3A_201 : memref<1x121x16xf32, #tpu.memory_space<vmem>> -> memref<121x16xf32, #tpu.memory_space<vmem>>
      %dma_start3A_203 = arith.constant 0 : i32
      %dma_start3A_204 = tpu.memref_slice %arg9[%dma_start3A_197, %dma_start3A_203] : memref<32x121xi32, #tpu.memory_space<vmem>> -> memref<1x121xi32, #tpu.memory_space<vmem>>
      %dma_start3A_205 = tpu.memref_squeeze %dma_start3A_204 : memref<1x121xi32, #tpu.memory_space<vmem>> -> memref<121xi32, #tpu.memory_space<vmem>>
      %dma_start3A_206 = arith.constant 0 : i32
      %dma_start3A_207 = arith.constant 0 : i32
      %dma_start3A_208 = tpu.memref_slice %arg3[%dma_start3A_206, %dma_start3A_207] : memref<1000x16xf32, #tpu.memory_space<hbm>> -> memref<1000x16xf32, #tpu.memory_space<hbm>>
      tpu.enqueue_indirect_dma source(%dma_start3A_208 : memref<1000x16xf32, #tpu.memory_space<hbm>>) target(%dma_start3A_202 : memref<121x16xf32, #tpu.memory_space<vmem>>) offsets(%dma_start3A_205 : memref<121xi32, #tpu.memory_space<vmem>>) semaphore(%arg14 : memref<!tpu.dma_semaphore, #tpu.memory_space<semaphore_mem>>)
      %dma_start3A_209 = arith.constant 1 : i32
      %dma_start3A_210 = arith.constant 125 : i32
      %dma_start3A_211 = arith.constant 0 : i32
      %dma_start3A_212 = tpu.memref_slice %arg13[%dma_start3A_209, %dma_start3A_210, %dma_start3A_211] : memref<32x126x16xf32, #tpu.memory_space<vmem>> -> memref<1x1x16xf32, #tpu.memory_space<vmem>>
      %dma_start3A_213 = tpu.memref_squeeze %dma_start3A_212 : memref<1x1x16xf32, #tpu.memory_space<vmem>> -> memref<1x16xf32, #tpu.memory_space<vmem>>
      %dma_start3A_214 = arith.constant 24 : i32
      %dma_start3A_215 = tpu.memref_slice %arg10[%dma_start3A_214] : memref<512xi32, #tpu.memory_space<vmem>> -> memref<1xi32, #tpu.memory_space<vmem>>
      %dma_start3A_216 = arith.constant 0 : i32
      %dma_start3A_217 = arith.constant 0 : i32
      %dma_start3A_218 = tpu.memref_slice %arg4[%dma_start3A_216, %dma_start3A_217] : memref<101x16xf32, #tpu.memory_space<hbm>> -> memref<101x16xf32, #tpu.memory_space<hbm>>
      tpu.enqueue_indirect_dma source(%dma_start3A_218 : memref<101x16xf32, #tpu.memory_space<hbm>>) target(%dma_start3A_213 : memref<1x16xf32, #tpu.memory_space<vmem>>) offsets(%dma_start3A_215 : memref<1xi32, #tpu.memory_space<vmem>>) semaphore(%arg14 : memref<!tpu.dma_semaphore, #tpu.memory_space<semaphore_mem>>)
      %dma_start3A_219 = arith.constant 2 : i32
      %dma_start3A_220 = arith.constant 0 : i32
      %dma_start3A_221 = arith.constant 0 : i32
      %dma_start3A_222 = tpu.memref_slice %arg13[%dma_start3A_219, %dma_start3A_220, %dma_start3A_221] : memref<32x126x16xf32, #tpu.memory_space<vmem>> -> memref<1x4x16xf32, #tpu.memory_space<vmem>>
      %dma_start3A_223 = tpu.memref_squeeze %dma_start3A_222 : memref<1x4x16xf32, #tpu.memory_space<vmem>> -> memref<4x16xf32, #tpu.memory_space<vmem>>
      %dma_start3A_224 = arith.constant 32 : i32
      %dma_start3A_225 = tpu.memref_slice %arg10[%dma_start3A_224] : memref<512xi32, #tpu.memory_space<vmem>> -> memref<4xi32, #tpu.memory_space<vmem>>
      %dma_start3A_226 = arith.constant 0 : i32
      %dma_start3A_227 = arith.constant 0 : i32
      %dma_start3A_228 = tpu.memref_slice %arg2[%dma_start3A_226, %dma_start3A_227] : memref<200000x16xf32, #tpu.memory_space<hbm>> -> memref<200000x16xf32, #tpu.memory_space<hbm>>
      tpu.enqueue_indirect_dma source(%dma_start3A_228 : memref<200000x16xf32, #tpu.memory_space<hbm>>) target(%dma_start3A_223 : memref<4x16xf32, #tpu.memory_space<vmem>>) offsets(%dma_start3A_225 : memref<4xi32, #tpu.memory_space<vmem>>) semaphore(%arg14 : memref<!tpu.dma_semaphore, #tpu.memory_space<semaphore_mem>>)
      %dma_start3A_229 = arith.constant 2 : i32
      %dma_start3A_230 = arith.constant 2 : i32
      %dma_start3A_231 = arith.constant 4 : i32
      %dma_start3A_232 = arith.constant 0 : i32
      %dma_start3A_233 = tpu.memref_slice %arg13[%dma_start3A_230, %dma_start3A_231, %dma_start3A_232] : memref<32x126x16xf32, #tpu.memory_space<vmem>> -> memref<1x121x16xf32, #tpu.memory_space<vmem>>
      %dma_start3A_234 = tpu.memref_squeeze %dma_start3A_233 : memref<1x121x16xf32, #tpu.memory_space<vmem>> -> memref<121x16xf32, #tpu.memory_space<vmem>>
      %dma_start3A_235 = arith.constant 0 : i32
      %dma_start3A_236 = tpu.memref_slice %arg9[%dma_start3A_229, %dma_start3A_235] : memref<32x121xi32, #tpu.memory_space<vmem>> -> memref<1x121xi32, #tpu.memory_space<vmem>>
      %dma_start3A_237 = tpu.memref_squeeze %dma_start3A_236 : memref<1x121xi32, #tpu.memory_space<vmem>> -> memref<121xi32, #tpu.memory_space<vmem>>
      %dma_start3A_238 = arith.constant 0 : i32
      %dma_start3A_239 = arith.constant 0 : i32
      %dma_start3A_240 = tpu.memref_slice %arg3[%dma_start3A_238, %dma_start3A_239] : memref<1000x16xf32, #tpu.memory_space<hbm>> -> memref<1000x16xf32, #tpu.memory_space<hbm>>
      tpu.enqueue_indirect_dma source(%dma_start3A_240 : memref<1000x16xf32, #tpu.memory_space<hbm>>) target(%dma_start3A_234 : memref<121x16xf32, #tpu.memory_space<vmem>>) offsets(%dma_start3A_237 : memref<121xi32, #tpu.memory_space<vmem>>) semaphore(%arg14 : memref<!tpu.dma_semaphore, #tpu.memory_space<semaphore_mem>>)
      %dma_start3A_241 = arith.constant 2 : i32
      %dma_start3A_242 = arith.constant 125 : i32
      %dma_start3A_243 = arith.constant 0 : i32
      %dma_start3A_244 = tpu.memref_slice %arg13[%dma_start3A_241, %dma_start3A_242, %dma_start3A_243] : memref<32x126x16xf32, #tpu.memory_space<vmem>> -> memref<1x1x16xf32, #tpu.memory_space<vmem>>
      %dma_start3A_245 = tpu.memref_squeeze %dma_start3A_244 : memref<1x1x16xf32, #tpu.memory_space<vmem>> -> memref<1x16xf32, #tpu.memory_space<vmem>>
      %dma_start3A_246 = arith.constant 40 : i32
      %dma_start3A_247 = tpu.memref_slice %arg10[%dma_start3A_246] : memref<512xi32, #tpu.memory_space<vmem>> -> memref<1xi32, #tpu.memory_space<vmem>>
      %dma_start3A_248 = arith.constant 0 : i32
      %dma_start3A_249 = arith.constant 0 : i32
      %dma_start3A_250 = tpu.memref_slice %arg4[%dma_start3A_248, %dma_start3A_249] : memref<101x16xf32, #tpu.memory_space<hbm>> -> memref<101x16xf32, #tpu.memory_space<hbm>>
      tpu.enqueue_indirect_dma source(%dma_start3A_250 : memref<101x16xf32, #tpu.memory_space<hbm>>) target(%dma_start3A_245 : memref<1x16xf32, #tpu.memory_space<vmem>>) offsets(%dma_start3A_247 : memref<1xi32, #tpu.memory_space<vmem>>) semaphore(%arg14 : memref<!tpu.dma_semaphore, #tpu.memory_space<semaphore_mem>>)
      %dma_start3A_251 = arith.constant 3 : i32
      %dma_start3A_252 = arith.constant 0 : i32
      %dma_start3A_253 = arith.constant 0 : i32
      %dma_start3A_254 = tpu.memref_slice %arg13[%dma_start3A_251, %dma_start3A_252, %dma_start3A_253] : memref<32x126x16xf32, #tpu.memory_space<vmem>> -> memref<1x4x16xf32, #tpu.memory_space<vmem>>
      %dma_start3A_255 = tpu.memref_squeeze %dma_start3A_254 : memref<1x4x16xf32, #tpu.memory_space<vmem>> -> memref<4x16xf32, #tpu.memory_space<vmem>>
      %dma_start3A_256 = arith.constant 48 : i32
      %dma_start3A_257 = tpu.memref_slice %arg10[%dma_start3A_256] : memref<512xi32, #tpu.memory_space<vmem>> -> memref<4xi32, #tpu.memory_space<vmem>>
      %dma_start3A_258 = arith.constant 0 : i32
      %dma_start3A_259 = arith.constant 0 : i32
      %dma_start3A_260 = tpu.memref_slice %arg2[%dma_start3A_258, %dma_start3A_259] : memref<200000x16xf32, #tpu.memory_space<hbm>> -> memref<200000x16xf32, #tpu.memory_space<hbm>>
      tpu.enqueue_indirect_dma source(%dma_start3A_260 : memref<200000x16xf32, #tpu.memory_space<hbm>>) target(%dma_start3A_255 : memref<4x16xf32, #tpu.memory_space<vmem>>) offsets(%dma_start3A_257 : memref<4xi32, #tpu.memory_space<vmem>>) semaphore(%arg14 : memref<!tpu.dma_semaphore, #tpu.memory_space<semaphore_mem>>)
      %dma_start3A_261 = arith.constant 3 : i32
      %dma_start3A_262 = arith.constant 3 : i32
      %dma_start3A_263 = arith.constant 4 : i32
      %dma_start3A_264 = arith.constant 0 : i32
      %dma_start3A_265 = tpu.memref_slice %arg13[%dma_start3A_262, %dma_start3A_263, %dma_start3A_264] : memref<32x126x16xf32, #tpu.memory_space<vmem>> -> memref<1x121x16xf32, #tpu.memory_space<vmem>>
      %dma_start3A_266 = tpu.memref_squeeze %dma_start3A_265 : memref<1x121x16xf32, #tpu.memory_space<vmem>> -> memref<121x16xf32, #tpu.memory_space<vmem>>
      %dma_start3A_267 = arith.constant 0 : i32
      %dma_start3A_268 = tpu.memref_slice %arg9[%dma_start3A_261, %dma_start3A_267] : memref<32x121xi32, #tpu.memory_space<vmem>> -> memref<1x121xi32, #tpu.memory_space<vmem>>
      %dma_start3A_269 = tpu.memref_squeeze %dma_start3A_268 : memref<1x121xi32, #tpu.memory_space<vmem>> -> memref<121xi32, #tpu.memory_space<vmem>>
      %dma_start3A_270 = arith.constant 0 : i32
      %dma_start3A_271 = arith.constant 0 : i32
      %dma_start3A_272 = tpu.memref_slice %arg3[%dma_start3A_270, %dma_start3A_271] : memref<1000x16xf32, #tpu.memory_space<hbm>> -> memref<1000x16xf32, #tpu.memory_space<hbm>>
      tpu.enqueue_indirect_dma source(%dma_start3A_272 : memref<1000x16xf32, #tpu.memory_space<hbm>>) target(%dma_start3A_266 : memref<121x16xf32, #tpu.memory_space<vmem>>) offsets(%dma_start3A_269 : memref<121xi32, #tpu.memory_space<vmem>>) semaphore(%arg14 : memref<!tpu.dma_semaphore, #tpu.memory_space<semaphore_mem>>)
      %dma_start3A_273 = arith.constant 3 : i32
      %dma_start3A_274 = arith.constant 125 : i32
      %dma_start3A_275 = arith.constant 0 : i32
      %dma_start3A_276 = tpu.memref_slice %arg13[%dma_start3A_273, %dma_start3A_274, %dma_start3A_275] : memref<32x126x16xf32, #tpu.memory_space<vmem>> -> memref<1x1x16xf32, #tpu.memory_space<vmem>>
      %dma_start3A_277 = tpu.memref_squeeze %dma_start3A_276 : memref<1x1x16xf32, #tpu.memory_space<vmem>> -> memref<1x16xf32, #tpu.memory_space<vmem>>
      %dma_start3A_278 = arith.constant 56 : i32
      %dma_start3A_279 = tpu.memref_slice %arg10[%dma_start3A_278] : memref<512xi32, #tpu.memory_space<vmem>> -> memref<1xi32, #tpu.memory_space<vmem>>
      %dma_start3A_280 = arith.constant 0 : i32
      %dma_start3A_281 = arith.constant 0 : i32
      %dma_start3A_282 = tpu.memref_slice %arg4[%dma_start3A_280, %dma_start3A_281] : memref<101x16xf32, #tpu.memory_space<hbm>> -> memref<101x16xf32, #tpu.memory_space<hbm>>
      tpu.enqueue_indirect_dma source(%dma_start3A_282 : memref<101x16xf32, #tpu.memory_space<hbm>>) target(%dma_start3A_277 : memref<1x16xf32, #tpu.memory_space<vmem>>) offsets(%dma_start3A_279 : memref<1xi32, #tpu.memory_space<vmem>>) semaphore(%arg14 : memref<!tpu.dma_semaphore, #tpu.memory_space<semaphore_mem>>)
      %dma_start3A_283 = arith.constant 4 : i32
      %dma_start3A_284 = arith.constant 0 : i32
      %dma_start3A_285 = arith.constant 0 : i32
      %dma_start3A_286 = tpu.memref_slice %arg13[%dma_start3A_283, %dma_start3A_284, %dma_start3A_285] : memref<32x126x16xf32, #tpu.memory_space<vmem>> -> memref<1x4x16xf32, #tpu.memory_space<vmem>>
      %dma_start3A_287 = tpu.memref_squeeze %dma_start3A_286 : memref<1x4x16xf32, #tpu.memory_space<vmem>> -> memref<4x16xf32, #tpu.memory_space<vmem>>
      %dma_start3A_288 = arith.constant 64 : i32
      %dma_start3A_289 = tpu.memref_slice %arg10[%dma_start3A_288] : memref<512xi32, #tpu.memory_space<vmem>> -> memref<4xi32, #tpu.memory_space<vmem>>
      %dma_start3A_290 = arith.constant 0 : i32
      %dma_start3A_291 = arith.constant 0 : i32
      %dma_start3A_292 = tpu.memref_slice %arg2[%dma_start3A_290, %dma_start3A_291] : memref<200000x16xf32, #tpu.memory_space<hbm>> -> memref<200000x16xf32, #tpu.memory_space<hbm>>
      tpu.enqueue_indirect_dma source(%dma_start3A_292 : memref<200000x16xf32, #tpu.memory_space<hbm>>) target(%dma_start3A_287 : memref<4x16xf32, #tpu.memory_space<vmem>>) offsets(%dma_start3A_289 : memref<4xi32, #tpu.memory_space<vmem>>) semaphore(%arg14 : memref<!tpu.dma_semaphore, #tpu.memory_space<semaphore_mem>>)
      %dma_start3A_293 = arith.constant 4 : i32
      %dma_start3A_294 = arith.constant 4 : i32
      %dma_start3A_295 = arith.constant 4 : i32
      %dma_start3A_296 = arith.constant 0 : i32
      %dma_start3A_297 = tpu.memref_slice %arg13[%dma_start3A_294, %dma_start3A_295, %dma_start3A_296] : memref<32x126x16xf32, #tpu.memory_space<vmem>> -> memref<1x121x16xf32, #tpu.memory_space<vmem>>
      %dma_start3A_298 = tpu.memref_squeeze %dma_start3A_297 : memref<1x121x16xf32, #tpu.memory_space<vmem>> -> memref<121x16xf32, #tpu.memory_space<vmem>>
      %dma_start3A_299 = arith.constant 0 : i32
      %dma_start3A_300 = tpu.memref_slice %arg9[%dma_start3A_293, %dma_start3A_299] : memref<32x121xi32, #tpu.memory_space<vmem>> -> memref<1x121xi32, #tpu.memory_space<vmem>>
      %dma_start3A_301 = tpu.memref_squeeze %dma_start3A_300 : memref<1x121xi32, #tpu.memory_space<vmem>> -> memref<121xi32, #tpu.memory_space<vmem>>
      %dma_start3A_302 = arith.constant 0 : i32
      %dma_start3A_303 = arith.constant 0 : i32
      %dma_start3A_304 = tpu.memref_slice %arg3[%dma_start3A_302, %dma_start3A_303] : memref<1000x16xf32, #tpu.memory_space<hbm>> -> memref<1000x16xf32, #tpu.memory_space<hbm>>
      tpu.enqueue_indirect_dma source(%dma_start3A_304 : memref<1000x16xf32, #tpu.memory_space<hbm>>) target(%dma_start3A_298 : memref<121x16xf32, #tpu.memory_space<vmem>>) offsets(%dma_start3A_301 : memref<121xi32, #tpu.memory_space<vmem>>) semaphore(%arg14 : memref<!tpu.dma_semaphore, #tpu.memory_space<semaphore_mem>>)
      %dma_start3A_305 = arith.constant 4 : i32
      %dma_start3A_306 = arith.constant 125 : i32
      %dma_start3A_307 = arith.constant 0 : i32
      %dma_start3A_308 = tpu.memref_slice %arg13[%dma_start3A_305, %dma_start3A_306, %dma_start3A_307] : memref<32x126x16xf32, #tpu.memory_space<vmem>> -> memref<1x1x16xf32, #tpu.memory_space<vmem>>
      %dma_start3A_309 = tpu.memref_squeeze %dma_start3A_308 : memref<1x1x16xf32, #tpu.memory_space<vmem>> -> memref<1x16xf32, #tpu.memory_space<vmem>>
      %dma_start3A_310 = arith.constant 72 : i32
      %dma_start3A_311 = tpu.memref_slice %arg10[%dma_start3A_310] : memref<512xi32, #tpu.memory_space<vmem>> -> memref<1xi32, #tpu.memory_space<vmem>>
      %dma_start3A_312 = arith.constant 0 : i32
      %dma_start3A_313 = arith.constant 0 : i32
      %dma_start3A_314 = tpu.memref_slice %arg4[%dma_start3A_312, %dma_start3A_313] : memref<101x16xf32, #tpu.memory_space<hbm>> -> memref<101x16xf32, #tpu.memory_space<hbm>>
      tpu.enqueue_indirect_dma source(%dma_start3A_314 : memref<101x16xf32, #tpu.memory_space<hbm>>) target(%dma_start3A_309 : memref<1x16xf32, #tpu.memory_space<vmem>>) offsets(%dma_start3A_311 : memref<1xi32, #tpu.memory_space<vmem>>) semaphore(%arg14 : memref<!tpu.dma_semaphore, #tpu.memory_space<semaphore_mem>>)
      %dma_start3A_315 = arith.constant 5 : i32
      %dma_start3A_316 = arith.constant 0 : i32
      %dma_start3A_317 = arith.constant 0 : i32
      %dma_start3A_318 = tpu.memref_slice %arg13[%dma_start3A_315, %dma_start3A_316, %dma_start3A_317] : memref<32x126x16xf32, #tpu.memory_space<vmem>> -> memref<1x4x16xf32, #tpu.memory_space<vmem>>
      %dma_start3A_319 = tpu.memref_squeeze %dma_start3A_318 : memref<1x4x16xf32, #tpu.memory_space<vmem>> -> memref<4x16xf32, #tpu.memory_space<vmem>>
      %dma_start3A_320 = arith.constant 80 : i32
      %dma_start3A_321 = tpu.memref_slice %arg10[%dma_start3A_320] : memref<512xi32, #tpu.memory_space<vmem>> -> memref<4xi32, #tpu.memory_space<vmem>>
      %dma_start3A_322 = arith.constant 0 : i32
      %dma_start3A_323 = arith.constant 0 : i32
      %dma_start3A_324 = tpu.memref_slice %arg2[%dma_start3A_322, %dma_start3A_323] : memref<200000x16xf32, #tpu.memory_space<hbm>> -> memref<200000x16xf32, #tpu.memory_space<hbm>>
      tpu.enqueue_indirect_dma source(%dma_start3A_324 : memref<200000x16xf32, #tpu.memory_space<hbm>>) target(%dma_start3A_319 : memref<4x16xf32, #tpu.memory_space<vmem>>) offsets(%dma_start3A_321 : memref<4xi32, #tpu.memory_space<vmem>>) semaphore(%arg14 : memref<!tpu.dma_semaphore, #tpu.memory_space<semaphore_mem>>)
      %dma_start3A_325 = arith.constant 5 : i32
      %dma_start3A_326 = arith.constant 5 : i32
      %dma_start3A_327 = arith.constant 4 : i32
      %dma_start3A_328 = arith.constant 0 : i32
      %dma_start3A_329 = tpu.memref_slice %arg13[%dma_start3A_326, %dma_start3A_327, %dma_start3A_328] : memref<32x126x16xf32, #tpu.memory_space<vmem>> -> memref<1x121x16xf32, #tpu.memory_space<vmem>>
      %dma_start3A_330 = tpu.memref_squeeze %dma_start3A_329 : memref<1x121x16xf32, #tpu.memory_space<vmem>> -> memref<121x16xf32, #tpu.memory_space<vmem>>
      %dma_start3A_331 = arith.constant 0 : i32
      %dma_start3A_332 = tpu.memref_slice %arg9[%dma_start3A_325, %dma_start3A_331] : memref<32x121xi32, #tpu.memory_space<vmem>> -> memref<1x121xi32, #tpu.memory_space<vmem>>
      %dma_start3A_333 = tpu.memref_squeeze %dma_start3A_332 : memref<1x121xi32, #tpu.memory_space<vmem>> -> memref<121xi32, #tpu.memory_space<vmem>>
      %dma_start3A_334 = arith.constant 0 : i32
      %dma_start3A_335 = arith.constant 0 : i32
      %dma_start3A_336 = tpu.memref_slice %arg3[%dma_start3A_334, %dma_start3A_335] : memref<1000x16xf32, #tpu.memory_space<hbm>> -> memref<1000x16xf32, #tpu.memory_space<hbm>>
      tpu.enqueue_indirect_dma source(%dma_start3A_336 : memref<1000x16xf32, #tpu.memory_space<hbm>>) target(%dma_start3A_330 : memref<121x16xf32, #tpu.memory_space<vmem>>) offsets(%dma_start3A_333 : memref<121xi32, #tpu.memory_space<vmem>>) semaphore(%arg14 : memref<!tpu.dma_semaphore, #tpu.memory_space<semaphore_mem>>)
      %dma_start3A_337 = arith.constant 5 : i32
      %dma_start3A_338 = arith.constant 125 : i32
      %dma_start3A_339 = arith.constant 0 : i32
      %dma_start3A_340 = tpu.memref_slice %arg13[%dma_start3A_337, %dma_start3A_338, %dma_start3A_339] : memref<32x126x16xf32, #tpu.memory_space<vmem>> -> memref<1x1x16xf32, #tpu.memory_space<vmem>>
      %dma_start3A_341 = tpu.memref_squeeze %dma_start3A_340 : memref<1x1x16xf32, #tpu.memory_space<vmem>> -> memref<1x16xf32, #tpu.memory_space<vmem>>
      %dma_start3A_342 = arith.constant 88 : i32
      %dma_start3A_343 = tpu.memref_slice %arg10[%dma_start3A_342] : memref<512xi32, #tpu.memory_space<vmem>> -> memref<1xi32, #tpu.memory_space<vmem>>
      %dma_start3A_344 = arith.constant 0 : i32
      %dma_start3A_345 = arith.constant 0 : i32
      %dma_start3A_346 = tpu.memref_slice %arg4[%dma_start3A_344, %dma_start3A_345] : memref<101x16xf32, #tpu.memory_space<hbm>> -> memref<101x16xf32, #tpu.memory_space<hbm>>
      tpu.enqueue_indirect_dma source(%dma_start3A_346 : memref<101x16xf32, #tpu.memory_space<hbm>>) target(%dma_start3A_341 : memref<1x16xf32, #tpu.memory_space<vmem>>) offsets(%dma_start3A_343 : memref<1xi32, #tpu.memory_space<vmem>>) semaphore(%arg14 : memref<!tpu.dma_semaphore, #tpu.memory_space<semaphore_mem>>)
      %dma_start3A_347 = arith.constant 6 : i32
      %dma_start3A_348 = arith.constant 0 : i32
      %dma_start3A_349 = arith.constant 0 : i32
      %dma_start3A_350 = tpu.memref_slice %arg13[%dma_start3A_347, %dma_start3A_348, %dma_start3A_349] : memref<32x126x16xf32, #tpu.memory_space<vmem>> -> memref<1x4x16xf32, #tpu.memory_space<vmem>>
      %dma_start3A_351 = tpu.memref_squeeze %dma_start3A_350 : memref<1x4x16xf32, #tpu.memory_space<vmem>> -> memref<4x16xf32, #tpu.memory_space<vmem>>
      %dma_start3A_352 = arith.constant 96 : i32
      %dma_start3A_353 = tpu.memref_slice %arg10[%dma_start3A_352] : memref<512xi32, #tpu.memory_space<vmem>> -> memref<4xi32, #tpu.memory_space<vmem>>
      %dma_start3A_354 = arith.constant 0 : i32
      %dma_start3A_355 = arith.constant 0 : i32
      %dma_start3A_356 = tpu.memref_slice %arg2[%dma_start3A_354, %dma_start3A_355] : memref<200000x16xf32, #tpu.memory_space<hbm>> -> memref<200000x16xf32, #tpu.memory_space<hbm>>
      tpu.enqueue_indirect_dma source(%dma_start3A_356 : memref<200000x16xf32, #tpu.memory_space<hbm>>) target(%dma_start3A_351 : memref<4x16xf32, #tpu.memory_space<vmem>>) offsets(%dma_start3A_353 : memref<4xi32, #tpu.memory_space<vmem>>) semaphore(%arg14 : memref<!tpu.dma_semaphore, #tpu.memory_space<semaphore_mem>>)
      %dma_start3A_357 = arith.constant 6 : i32
      %dma_start3A_358 = arith.constant 6 : i32
      %dma_start3A_359 = arith.constant 4 : i32
      %dma_start3A_360 = arith.constant 0 : i32
      %dma_start3A_361 = tpu.memref_slice %arg13[%dma_start3A_358, %dma_start3A_359, %dma_start3A_360] : memref<32x126x16xf32, #tpu.memory_space<vmem>> -> memref<1x121x16xf32, #tpu.memory_space<vmem>>
      %dma_start3A_362 = tpu.memref_squeeze %dma_start3A_361 : memref<1x121x16xf32, #tpu.memory_space<vmem>> -> memref<121x16xf32, #tpu.memory_space<vmem>>
      %dma_start3A_363 = arith.constant 0 : i32
      %dma_start3A_364 = tpu.memref_slice %arg9[%dma_start3A_357, %dma_start3A_363] : memref<32x121xi32, #tpu.memory_space<vmem>> -> memref<1x121xi32, #tpu.memory_space<vmem>>
      %dma_start3A_365 = tpu.memref_squeeze %dma_start3A_364 : memref<1x121xi32, #tpu.memory_space<vmem>> -> memref<121xi32, #tpu.memory_space<vmem>>
      %dma_start3A_366 = arith.constant 0 : i32
      %dma_start3A_367 = arith.constant 0 : i32
      %dma_start3A_368 = tpu.memref_slice %arg3[%dma_start3A_366, %dma_start3A_367] : memref<1000x16xf32, #tpu.memory_space<hbm>> -> memref<1000x16xf32, #tpu.memory_space<hbm>>
      tpu.enqueue_indirect_dma source(%dma_start3A_368 : memref<1000x16xf32, #tpu.memory_space<hbm>>) target(%dma_start3A_362 : memref<121x16xf32, #tpu.memory_space<vmem>>) offsets(%dma_start3A_365 : memref<121xi32, #tpu.memory_space<vmem>>) semaphore(%arg14 : memref<!tpu.dma_semaphore, #tpu.memory_space<semaphore_mem>>)
      %dma_start3A_369 = arith.constant 6 : i32
      %dma_start3A_370 = arith.constant 125 : i32
      %dma_start3A_371 = arith.constant 0 : i32
      %dma_start3A_372 = tpu.memref_slice %arg13[%dma_start3A_369, %dma_start3A_370, %dma_start3A_371] : memref<32x126x16xf32, #tpu.memory_space<vmem>> -> memref<1x1x16xf32, #tpu.memory_space<vmem>>
      %dma_start3A_373 = tpu.memref_squeeze %dma_start3A_372 : memref<1x1x16xf32, #tpu.memory_space<vmem>> -> memref<1x16xf32, #tpu.memory_space<vmem>>
      %dma_start3A_374 = arith.constant 104 : i32
      %dma_start3A_375 = tpu.memref_slice %arg10[%dma_start3A_374] : memref<512xi32, #tpu.memory_space<vmem>> -> memref<1xi32, #tpu.memory_space<vmem>>
      %dma_start3A_376 = arith.constant 0 : i32
      %dma_start3A_377 = arith.constant 0 : i32
      %dma_start3A_378 = tpu.memref_slice %arg4[%dma_start3A_376, %dma_start3A_377] : memref<101x16xf32, #tpu.memory_space<hbm>> -> memref<101x16xf32, #tpu.memory_space<hbm>>
      tpu.enqueue_indirect_dma source(%dma_start3A_378 : memref<101x16xf32, #tpu.memory_space<hbm>>) target(%dma_start3A_373 : memref<1x16xf32, #tpu.memory_space<vmem>>) offsets(%dma_start3A_375 : memref<1xi32, #tpu.memory_space<vmem>>) semaphore(%arg14 : memref<!tpu.dma_semaphore, #tpu.memory_space<semaphore_mem>>)
      %dma_start3A_379 = arith.constant 7 : i32
      %dma_start3A_380 = arith.constant 0 : i32
      %dma_start3A_381 = arith.constant 0 : i32
      %dma_start3A_382 = tpu.memref_slice %arg13[%dma_start3A_379, %dma_start3A_380, %dma_start3A_381] : memref<32x126x16xf32, #tpu.memory_space<vmem>> -> memref<1x4x16xf32, #tpu.memory_space<vmem>>
      %dma_start3A_383 = tpu.memref_squeeze %dma_start3A_382 : memref<1x4x16xf32, #tpu.memory_space<vmem>> -> memref<4x16xf32, #tpu.memory_space<vmem>>
      %dma_start3A_384 = arith.constant 112 : i32
      %dma_start3A_385 = tpu.memref_slice %arg10[%dma_start3A_384] : memref<512xi32, #tpu.memory_space<vmem>> -> memref<4xi32, #tpu.memory_space<vmem>>
      %dma_start3A_386 = arith.constant 0 : i32
      %dma_start3A_387 = arith.constant 0 : i32
      %dma_start3A_388 = tpu.memref_slice %arg2[%dma_start3A_386, %dma_start3A_387] : memref<200000x16xf32, #tpu.memory_space<hbm>> -> memref<200000x16xf32, #tpu.memory_space<hbm>>
      tpu.enqueue_indirect_dma source(%dma_start3A_388 : memref<200000x16xf32, #tpu.memory_space<hbm>>) target(%dma_start3A_383 : memref<4x16xf32, #tpu.memory_space<vmem>>) offsets(%dma_start3A_385 : memref<4xi32, #tpu.memory_space<vmem>>) semaphore(%arg14 : memref<!tpu.dma_semaphore, #tpu.memory_space<semaphore_mem>>)
      %dma_start3A_389 = arith.constant 7 : i32
      %dma_start3A_390 = arith.constant 7 : i32
      %dma_start3A_391 = arith.constant 4 : i32
      %dma_start3A_392 = arith.constant 0 : i32
      %dma_start3A_393 = tpu.memref_slice %arg13[%dma_start3A_390, %dma_start3A_391, %dma_start3A_392] : memref<32x126x16xf32, #tpu.memory_space<vmem>> -> memref<1x121x16xf32, #tpu.memory_space<vmem>>
      %dma_start3A_394 = tpu.memref_squeeze %dma_start3A_393 : memref<1x121x16xf32, #tpu.memory_space<vmem>> -> memref<121x16xf32, #tpu.memory_space<vmem>>
      %dma_start3A_395 = arith.constant 0 : i32
      %dma_start3A_396 = tpu.memref_slice %arg9[%dma_start3A_389, %dma_start3A_395] : memref<32x121xi32, #tpu.memory_space<vmem>> -> memref<1x121xi32, #tpu.memory_space<vmem>>
      %dma_start3A_397 = tpu.memref_squeeze %dma_start3A_396 : memref<1x121xi32, #tpu.memory_space<vmem>> -> memref<121xi32, #tpu.memory_space<vmem>>
      %dma_start3A_398 = arith.constant 0 : i32
      %dma_start3A_399 = arith.constant 0 : i32
      %dma_start3A_400 = tpu.memref_slice %arg3[%dma_start3A_398, %dma_start3A_399] : memref<1000x16xf32, #tpu.memory_space<hbm>> -> memref<1000x16xf32, #tpu.memory_space<hbm>>
      tpu.enqueue_indirect_dma source(%dma_start3A_400 : memref<1000x16xf32, #tpu.memory_space<hbm>>) target(%dma_start3A_394 : memref<121x16xf32, #tpu.memory_space<vmem>>) offsets(%dma_start3A_397 : memref<121xi32, #tpu.memory_space<vmem>>) semaphore(%arg14 : memref<!tpu.dma_semaphore, #tpu.memory_space<semaphore_mem>>)
      %dma_start3A_401 = arith.constant 7 : i32
      %dma_start3A_402 = arith.constant 125 : i32
      %dma_start3A_403 = arith.constant 0 : i32
      %dma_start3A_404 = tpu.memref_slice %arg13[%dma_start3A_401, %dma_start3A_402, %dma_start3A_403] : memref<32x126x16xf32, #tpu.memory_space<vmem>> -> memref<1x1x16xf32, #tpu.memory_space<vmem>>
      %dma_start3A_405 = tpu.memref_squeeze %dma_start3A_404 : memref<1x1x16xf32, #tpu.memory_space<vmem>> -> memref<1x16xf32, #tpu.memory_space<vmem>>
      %dma_start3A_406 = arith.constant 120 : i32
      %dma_start3A_407 = tpu.memref_slice %arg10[%dma_start3A_406] : memref<512xi32, #tpu.memory_space<vmem>> -> memref<1xi32, #tpu.memory_space<vmem>>
      %dma_start3A_408 = arith.constant 0 : i32
      %dma_start3A_409 = arith.constant 0 : i32
      %dma_start3A_410 = tpu.memref_slice %arg4[%dma_start3A_408, %dma_start3A_409] : memref<101x16xf32, #tpu.memory_space<hbm>> -> memref<101x16xf32, #tpu.memory_space<hbm>>
      tpu.enqueue_indirect_dma source(%dma_start3A_410 : memref<101x16xf32, #tpu.memory_space<hbm>>) target(%dma_start3A_405 : memref<1x16xf32, #tpu.memory_space<vmem>>) offsets(%dma_start3A_407 : memref<1xi32, #tpu.memory_space<vmem>>) semaphore(%arg14 : memref<!tpu.dma_semaphore, #tpu.memory_space<semaphore_mem>>)
      %dma_start3A_411 = arith.constant 8 : i32
      %dma_start3A_412 = arith.constant 0 : i32
      %dma_start3A_413 = arith.constant 0 : i32
      %dma_start3A_414 = tpu.memref_slice %arg13[%dma_start3A_411, %dma_start3A_412, %dma_start3A_413] : memref<32x126x16xf32, #tpu.memory_space<vmem>> -> memref<1x4x16xf32, #tpu.memory_space<vmem>>
      %dma_start3A_415 = tpu.memref_squeeze %dma_start3A_414 : memref<1x4x16xf32, #tpu.memory_space<vmem>> -> memref<4x16xf32, #tpu.memory_space<vmem>>
      %dma_start3A_416 = arith.constant 128 : i32
      %dma_start3A_417 = tpu.memref_slice %arg10[%dma_start3A_416] : memref<512xi32, #tpu.memory_space<vmem>> -> memref<4xi32, #tpu.memory_space<vmem>>
      %dma_start3A_418 = arith.constant 0 : i32
      %dma_start3A_419 = arith.constant 0 : i32
      %dma_start3A_420 = tpu.memref_slice %arg2[%dma_start3A_418, %dma_start3A_419] : memref<200000x16xf32, #tpu.memory_space<hbm>> -> memref<200000x16xf32, #tpu.memory_space<hbm>>
      tpu.enqueue_indirect_dma source(%dma_start3A_420 : memref<200000x16xf32, #tpu.memory_space<hbm>>) target(%dma_start3A_415 : memref<4x16xf32, #tpu.memory_space<vmem>>) offsets(%dma_start3A_417 : memref<4xi32, #tpu.memory_space<vmem>>) semaphore(%arg14 : memref<!tpu.dma_semaphore, #tpu.memory_space<semaphore_mem>>)
      %dma_start3A_421 = arith.constant 8 : i32
      %dma_start3A_422 = arith.constant 8 : i32
      %dma_start3A_423 = arith.constant 4 : i32
      %dma_start3A_424 = arith.constant 0 : i32
      %dma_start3A_425 = tpu.memref_slice %arg13[%dma_start3A_422, %dma_start3A_423, %dma_start3A_424] : memref<32x126x16xf32, #tpu.memory_space<vmem>> -> memref<1x121x16xf32, #tpu.memory_space<vmem>>
      %dma_start3A_426 = tpu.memref_squeeze %dma_start3A_425 : memref<1x121x16xf32, #tpu.memory_space<vmem>> -> memref<121x16xf32, #tpu.memory_space<vmem>>
      %dma_start3A_427 = arith.constant 0 : i32
      %dma_start3A_428 = tpu.memref_slice %arg9[%dma_start3A_421, %dma_start3A_427] : memref<32x121xi32, #tpu.memory_space<vmem>> -> memref<1x121xi32, #tpu.memory_space<vmem>>
      %dma_start3A_429 = tpu.memref_squeeze %dma_start3A_428 : memref<1x121xi32, #tpu.memory_space<vmem>> -> memref<121xi32, #tpu.memory_space<vmem>>
      %dma_start3A_430 = arith.constant 0 : i32
      %dma_start3A_431 = arith.constant 0 : i32
      %dma_start3A_432 = tpu.memref_slice %arg3[%dma_start3A_430, %dma_start3A_431] : memref<1000x16xf32, #tpu.memory_space<hbm>> -> memref<1000x16xf32, #tpu.memory_space<hbm>>
      tpu.enqueue_indirect_dma source(%dma_start3A_432 : memref<1000x16xf32, #tpu.memory_space<hbm>>) target(%dma_start3A_426 : memref<121x16xf32, #tpu.memory_space<vmem>>) offsets(%dma_start3A_429 : memref<121xi32, #tpu.memory_space<vmem>>) semaphore(%arg14 : memref<!tpu.dma_semaphore, #tpu.memory_space<semaphore_mem>>)
      %dma_start3A_433 = arith.constant 8 : i32
      %dma_start3A_434 = arith.constant 125 : i32
      %dma_start3A_435 = arith.constant 0 : i32
      %dma_start3A_436 = tpu.memref_slice %arg13[%dma_start3A_433, %dma_start3A_434, %dma_start3A_435] : memref<32x126x16xf32, #tpu.memory_space<vmem>> -> memref<1x1x16xf32, #tpu.memory_space<vmem>>
      %dma_start3A_437 = tpu.memref_squeeze %dma_start3A_436 : memref<1x1x16xf32, #tpu.memory_space<vmem>> -> memref<1x16xf32, #tpu.memory_space<vmem>>
      %dma_start3A_438 = arith.constant 136 : i32
      %dma_start3A_439 = tpu.memref_slice %arg10[%dma_start3A_438] : memref<512xi32, #tpu.memory_space<vmem>> -> memref<1xi32, #tpu.memory_space<vmem>>
      %dma_start3A_440 = arith.constant 0 : i32
      %dma_start3A_441 = arith.constant 0 : i32
      %dma_start3A_442 = tpu.memref_slice %arg4[%dma_start3A_440, %dma_start3A_441] : memref<101x16xf32, #tpu.memory_space<hbm>> -> memref<101x16xf32, #tpu.memory_space<hbm>>
      tpu.enqueue_indirect_dma source(%dma_start3A_442 : memref<101x16xf32, #tpu.memory_space<hbm>>) target(%dma_start3A_437 : memref<1x16xf32, #tpu.memory_space<vmem>>) offsets(%dma_start3A_439 : memref<1xi32, #tpu.memory_space<vmem>>) semaphore(%arg14 : memref<!tpu.dma_semaphore, #tpu.memory_space<semaphore_mem>>)
      %dma_start3A_443 = arith.constant 9 : i32
      %dma_start3A_444 = arith.constant 0 : i32
      %dma_start3A_445 = arith.constant 0 : i32
      %dma_start3A_446 = tpu.memref_slice %arg13[%dma_start3A_443, %dma_start3A_444, %dma_start3A_445] : memref<32x126x16xf32, #tpu.memory_space<vmem>> -> memref<1x4x16xf32, #tpu.memory_space<vmem>>
      %dma_start3A_447 = tpu.memref_squeeze %dma_start3A_446 : memref<1x4x16xf32, #tpu.memory_space<vmem>> -> memref<4x16xf32, #tpu.memory_space<vmem>>
      %dma_start3A_448 = arith.constant 144 : i32
      %dma_start3A_449 = tpu.memref_slice %arg10[%dma_start3A_448] : memref<512xi32, #tpu.memory_space<vmem>> -> memref<4xi32, #tpu.memory_space<vmem>>
      %dma_start3A_450 = arith.constant 0 : i32
      %dma_start3A_451 = arith.constant 0 : i32
      %dma_start3A_452 = tpu.memref_slice %arg2[%dma_start3A_450, %dma_start3A_451] : memref<200000x16xf32, #tpu.memory_space<hbm>> -> memref<200000x16xf32, #tpu.memory_space<hbm>>
      tpu.enqueue_indirect_dma source(%dma_start3A_452 : memref<200000x16xf32, #tpu.memory_space<hbm>>) target(%dma_start3A_447 : memref<4x16xf32, #tpu.memory_space<vmem>>) offsets(%dma_start3A_449 : memref<4xi32, #tpu.memory_space<vmem>>) semaphore(%arg14 : memref<!tpu.dma_semaphore, #tpu.memory_space<semaphore_mem>>)
      %dma_start3A_453 = arith.constant 9 : i32
      %dma_start3A_454 = arith.constant 9 : i32
      %dma_start3A_455 = arith.constant 4 : i32
      %dma_start3A_456 = arith.constant 0 : i32
      %dma_start3A_457 = tpu.memref_slice %arg13[%dma_start3A_454, %dma_start3A_455, %dma_start3A_456] : memref<32x126x16xf32, #tpu.memory_space<vmem>> -> memref<1x121x16xf32, #tpu.memory_space<vmem>>
      %dma_start3A_458 = tpu.memref_squeeze %dma_start3A_457 : memref<1x121x16xf32, #tpu.memory_space<vmem>> -> memref<121x16xf32, #tpu.memory_space<vmem>>
      %dma_start3A_459 = arith.constant 0 : i32
      %dma_start3A_460 = tpu.memref_slice %arg9[%dma_start3A_453, %dma_start3A_459] : memref<32x121xi32, #tpu.memory_space<vmem>> -> memref<1x121xi32, #tpu.memory_space<vmem>>
      %dma_start3A_461 = tpu.memref_squeeze %dma_start3A_460 : memref<1x121xi32, #tpu.memory_space<vmem>> -> memref<121xi32, #tpu.memory_space<vmem>>
      %dma_start3A_462 = arith.constant 0 : i32
      %dma_start3A_463 = arith.constant 0 : i32
      %dma_start3A_464 = tpu.memref_slice %arg3[%dma_start3A_462, %dma_start3A_463] : memref<1000x16xf32, #tpu.memory_space<hbm>> -> memref<1000x16xf32, #tpu.memory_space<hbm>>
      tpu.enqueue_indirect_dma source(%dma_start3A_464 : memref<1000x16xf32, #tpu.memory_space<hbm>>) target(%dma_start3A_458 : memref<121x16xf32, #tpu.memory_space<vmem>>) offsets(%dma_start3A_461 : memref<121xi32, #tpu.memory_space<vmem>>) semaphore(%arg14 : memref<!tpu.dma_semaphore, #tpu.memory_space<semaphore_mem>>)
      %dma_start3A_465 = arith.constant 9 : i32
      %dma_start3A_466 = arith.constant 125 : i32
      %dma_start3A_467 = arith.constant 0 : i32
      %dma_start3A_468 = tpu.memref_slice %arg13[%dma_start3A_465, %dma_start3A_466, %dma_start3A_467] : memref<32x126x16xf32, #tpu.memory_space<vmem>> -> memref<1x1x16xf32, #tpu.memory_space<vmem>>
      %dma_start3A_469 = tpu.memref_squeeze %dma_start3A_468 : memref<1x1x16xf32, #tpu.memory_space<vmem>> -> memref<1x16xf32, #tpu.memory_space<vmem>>
      %dma_start3A_470 = arith.constant 152 : i32
      %dma_start3A_471 = tpu.memref_slice %arg10[%dma_start3A_470] : memref<512xi32, #tpu.memory_space<vmem>> -> memref<1xi32, #tpu.memory_space<vmem>>
      %dma_start3A_472 = arith.constant 0 : i32
      %dma_start3A_473 = arith.constant 0 : i32
      %dma_start3A_474 = tpu.memref_slice %arg4[%dma_start3A_472, %dma_start3A_473] : memref<101x16xf32, #tpu.memory_space<hbm>> -> memref<101x16xf32, #tpu.memory_space<hbm>>
      tpu.enqueue_indirect_dma source(%dma_start3A_474 : memref<101x16xf32, #tpu.memory_space<hbm>>) target(%dma_start3A_469 : memref<1x16xf32, #tpu.memory_space<vmem>>) offsets(%dma_start3A_471 : memref<1xi32, #tpu.memory_space<vmem>>) semaphore(%arg14 : memref<!tpu.dma_semaphore, #tpu.memory_space<semaphore_mem>>)
      %dma_start3A_475 = arith.constant 10 : i32
      %dma_start3A_476 = arith.constant 0 : i32
      %dma_start3A_477 = arith.constant 0 : i32
      %dma_start3A_478 = tpu.memref_slice %arg13[%dma_start3A_475, %dma_start3A_476, %dma_start3A_477] : memref<32x126x16xf32, #tpu.memory_space<vmem>> -> memref<1x4x16xf32, #tpu.memory_space<vmem>>
      %dma_start3A_479 = tpu.memref_squeeze %dma_start3A_478 : memref<1x4x16xf32, #tpu.memory_space<vmem>> -> memref<4x16xf32, #tpu.memory_space<vmem>>
      %dma_start3A_480 = arith.constant 160 : i32
      %dma_start3A_481 = tpu.memref_slice %arg10[%dma_start3A_480] : memref<512xi32, #tpu.memory_space<vmem>> -> memref<4xi32, #tpu.memory_space<vmem>>
      %dma_start3A_482 = arith.constant 0 : i32
      %dma_start3A_483 = arith.constant 0 : i32
      %dma_start3A_484 = tpu.memref_slice %arg2[%dma_start3A_482, %dma_start3A_483] : memref<200000x16xf32, #tpu.memory_space<hbm>> -> memref<200000x16xf32, #tpu.memory_space<hbm>>
      tpu.enqueue_indirect_dma source(%dma_start3A_484 : memref<200000x16xf32, #tpu.memory_space<hbm>>) target(%dma_start3A_479 : memref<4x16xf32, #tpu.memory_space<vmem>>) offsets(%dma_start3A_481 : memref<4xi32, #tpu.memory_space<vmem>>) semaphore(%arg14 : memref<!tpu.dma_semaphore, #tpu.memory_space<semaphore_mem>>)
      %dma_start3A_485 = arith.constant 10 : i32
      %dma_start3A_486 = arith.constant 10 : i32
      %dma_start3A_487 = arith.constant 4 : i32
      %dma_start3A_488 = arith.constant 0 : i32
      %dma_start3A_489 = tpu.memref_slice %arg13[%dma_start3A_486, %dma_start3A_487, %dma_start3A_488] : memref<32x126x16xf32, #tpu.memory_space<vmem>> -> memref<1x121x16xf32, #tpu.memory_space<vmem>>
      %dma_start3A_490 = tpu.memref_squeeze %dma_start3A_489 : memref<1x121x16xf32, #tpu.memory_space<vmem>> -> memref<121x16xf32, #tpu.memory_space<vmem>>
      %dma_start3A_491 = arith.constant 0 : i32
      %dma_start3A_492 = tpu.memref_slice %arg9[%dma_start3A_485, %dma_start3A_491] : memref<32x121xi32, #tpu.memory_space<vmem>> -> memref<1x121xi32, #tpu.memory_space<vmem>>
      %dma_start3A_493 = tpu.memref_squeeze %dma_start3A_492 : memref<1x121xi32, #tpu.memory_space<vmem>> -> memref<121xi32, #tpu.memory_space<vmem>>
      %dma_start3A_494 = arith.constant 0 : i32
      %dma_start3A_495 = arith.constant 0 : i32
      %dma_start3A_496 = tpu.memref_slice %arg3[%dma_start3A_494, %dma_start3A_495] : memref<1000x16xf32, #tpu.memory_space<hbm>> -> memref<1000x16xf32, #tpu.memory_space<hbm>>
      tpu.enqueue_indirect_dma source(%dma_start3A_496 : memref<1000x16xf32, #tpu.memory_space<hbm>>) target(%dma_start3A_490 : memref<121x16xf32, #tpu.memory_space<vmem>>) offsets(%dma_start3A_493 : memref<121xi32, #tpu.memory_space<vmem>>) semaphore(%arg14 : memref<!tpu.dma_semaphore, #tpu.memory_space<semaphore_mem>>)
      %dma_start3A_497 = arith.constant 10 : i32
      %dma_start3A_498 = arith.constant 125 : i32
      %dma_start3A_499 = arith.constant 0 : i32
      %dma_start3A_500 = tpu.memref_slice %arg13[%dma_start3A_497, %dma_start3A_498, %dma_start3A_499] : memref<32x126x16xf32, #tpu.memory_space<vmem>> -> memref<1x1x16xf32, #tpu.memory_space<vmem>>
      %dma_start3A_501 = tpu.memref_squeeze %dma_start3A_500 : memref<1x1x16xf32, #tpu.memory_space<vmem>> -> memref<1x16xf32, #tpu.memory_space<vmem>>
      %dma_start3A_502 = arith.constant 168 : i32
      %dma_start3A_503 = tpu.memref_slice %arg10[%dma_start3A_502] : memref<512xi32, #tpu.memory_space<vmem>> -> memref<1xi32, #tpu.memory_space<vmem>>
      %dma_start3A_504 = arith.constant 0 : i32
      %dma_start3A_505 = arith.constant 0 : i32
      %dma_start3A_506 = tpu.memref_slice %arg4[%dma_start3A_504, %dma_start3A_505] : memref<101x16xf32, #tpu.memory_space<hbm>> -> memref<101x16xf32, #tpu.memory_space<hbm>>
      tpu.enqueue_indirect_dma source(%dma_start3A_506 : memref<101x16xf32, #tpu.memory_space<hbm>>) target(%dma_start3A_501 : memref<1x16xf32, #tpu.memory_space<vmem>>) offsets(%dma_start3A_503 : memref<1xi32, #tpu.memory_space<vmem>>) semaphore(%arg14 : memref<!tpu.dma_semaphore, #tpu.memory_space<semaphore_mem>>)
      %dma_start3A_507 = arith.constant 11 : i32
      %dma_start3A_508 = arith.constant 0 : i32
      %dma_start3A_509 = arith.constant 0 : i32
      %dma_start3A_510 = tpu.memref_slice %arg13[%dma_start3A_507, %dma_start3A_508, %dma_start3A_509] : memref<32x126x16xf32, #tpu.memory_space<vmem>> -> memref<1x4x16xf32, #tpu.memory_space<vmem>>
      %dma_start3A_511 = tpu.memref_squeeze %dma_start3A_510 : memref<1x4x16xf32, #tpu.memory_space<vmem>> -> memref<4x16xf32, #tpu.memory_space<vmem>>
      %dma_start3A_512 = arith.constant 176 : i32
      %dma_start3A_513 = tpu.memref_slice %arg10[%dma_start3A_512] : memref<512xi32, #tpu.memory_space<vmem>> -> memref<4xi32, #tpu.memory_space<vmem>>
      %dma_start3A_514 = arith.constant 0 : i32
      %dma_start3A_515 = arith.constant 0 : i32
      %dma_start3A_516 = tpu.memref_slice %arg2[%dma_start3A_514, %dma_start3A_515] : memref<200000x16xf32, #tpu.memory_space<hbm>> -> memref<200000x16xf32, #tpu.memory_space<hbm>>
      tpu.enqueue_indirect_dma source(%dma_start3A_516 : memref<200000x16xf32, #tpu.memory_space<hbm>>) target(%dma_start3A_511 : memref<4x16xf32, #tpu.memory_space<vmem>>) offsets(%dma_start3A_513 : memref<4xi32, #tpu.memory_space<vmem>>) semaphore(%arg14 : memref<!tpu.dma_semaphore, #tpu.memory_space<semaphore_mem>>)
      %dma_start3A_517 = arith.constant 11 : i32
      %dma_start3A_518 = arith.constant 11 : i32
      %dma_start3A_519 = arith.constant 4 : i32
      %dma_start3A_520 = arith.constant 0 : i32
      %dma_start3A_521 = tpu.memref_slice %arg13[%dma_start3A_518, %dma_start3A_519, %dma_start3A_520] : memref<32x126x16xf32, #tpu.memory_space<vmem>> -> memref<1x121x16xf32, #tpu.memory_space<vmem>>
      %dma_start3A_522 = tpu.memref_squeeze %dma_start3A_521 : memref<1x121x16xf32, #tpu.memory_space<vmem>> -> memref<121x16xf32, #tpu.memory_space<vmem>>
      %dma_start3A_523 = arith.constant 0 : i32
      %dma_start3A_524 = tpu.memref_slice %arg9[%dma_start3A_517, %dma_start3A_523] : memref<32x121xi32, #tpu.memory_space<vmem>> -> memref<1x121xi32, #tpu.memory_space<vmem>>
      %dma_start3A_525 = tpu.memref_squeeze %dma_start3A_524 : memref<1x121xi32, #tpu.memory_space<vmem>> -> memref<121xi32, #tpu.memory_space<vmem>>
      %dma_start3A_526 = arith.constant 0 : i32
      %dma_start3A_527 = arith.constant 0 : i32
      %dma_start3A_528 = tpu.memref_slice %arg3[%dma_start3A_526, %dma_start3A_527] : memref<1000x16xf32, #tpu.memory_space<hbm>> -> memref<1000x16xf32, #tpu.memory_space<hbm>>
      tpu.enqueue_indirect_dma source(%dma_start3A_528 : memref<1000x16xf32, #tpu.memory_space<hbm>>) target(%dma_start3A_522 : memref<121x16xf32, #tpu.memory_space<vmem>>) offsets(%dma_start3A_525 : memref<121xi32, #tpu.memory_space<vmem>>) semaphore(%arg14 : memref<!tpu.dma_semaphore, #tpu.memory_space<semaphore_mem>>)
      %dma_start3A_529 = arith.constant 11 : i32
      %dma_start3A_530 = arith.constant 125 : i32
      %dma_start3A_531 = arith.constant 0 : i32
      %dma_start3A_532 = tpu.memref_slice %arg13[%dma_start3A_529, %dma_start3A_530, %dma_start3A_531] : memref<32x126x16xf32, #tpu.memory_space<vmem>> -> memref<1x1x16xf32, #tpu.memory_space<vmem>>
      %dma_start3A_533 = tpu.memref_squeeze %dma_start3A_532 : memref<1x1x16xf32, #tpu.memory_space<vmem>> -> memref<1x16xf32, #tpu.memory_space<vmem>>
      %dma_start3A_534 = arith.constant 184 : i32
      %dma_start3A_535 = tpu.memref_slice %arg10[%dma_start3A_534] : memref<512xi32, #tpu.memory_space<vmem>> -> memref<1xi32, #tpu.memory_space<vmem>>
      %dma_start3A_536 = arith.constant 0 : i32
      %dma_start3A_537 = arith.constant 0 : i32
      %dma_start3A_538 = tpu.memref_slice %arg4[%dma_start3A_536, %dma_start3A_537] : memref<101x16xf32, #tpu.memory_space<hbm>> -> memref<101x16xf32, #tpu.memory_space<hbm>>
      tpu.enqueue_indirect_dma source(%dma_start3A_538 : memref<101x16xf32, #tpu.memory_space<hbm>>) target(%dma_start3A_533 : memref<1x16xf32, #tpu.memory_space<vmem>>) offsets(%dma_start3A_535 : memref<1xi32, #tpu.memory_space<vmem>>) semaphore(%arg14 : memref<!tpu.dma_semaphore, #tpu.memory_space<semaphore_mem>>)
      %dma_start3A_539 = arith.constant 12 : i32
      %dma_start3A_540 = arith.constant 0 : i32
      %dma_start3A_541 = arith.constant 0 : i32
      %dma_start3A_542 = tpu.memref_slice %arg13[%dma_start3A_539, %dma_start3A_540, %dma_start3A_541] : memref<32x126x16xf32, #tpu.memory_space<vmem>> -> memref<1x4x16xf32, #tpu.memory_space<vmem>>
      %dma_start3A_543 = tpu.memref_squeeze %dma_start3A_542 : memref<1x4x16xf32, #tpu.memory_space<vmem>> -> memref<4x16xf32, #tpu.memory_space<vmem>>
      %dma_start3A_544 = arith.constant 192 : i32
      %dma_start3A_545 = tpu.memref_slice %arg10[%dma_start3A_544] : memref<512xi32, #tpu.memory_space<vmem>> -> memref<4xi32, #tpu.memory_space<vmem>>
      %dma_start3A_546 = arith.constant 0 : i32
      %dma_start3A_547 = arith.constant 0 : i32
      %dma_start3A_548 = tpu.memref_slice %arg2[%dma_start3A_546, %dma_start3A_547] : memref<200000x16xf32, #tpu.memory_space<hbm>> -> memref<200000x16xf32, #tpu.memory_space<hbm>>
      tpu.enqueue_indirect_dma source(%dma_start3A_548 : memref<200000x16xf32, #tpu.memory_space<hbm>>) target(%dma_start3A_543 : memref<4x16xf32, #tpu.memory_space<vmem>>) offsets(%dma_start3A_545 : memref<4xi32, #tpu.memory_space<vmem>>) semaphore(%arg14 : memref<!tpu.dma_semaphore, #tpu.memory_space<semaphore_mem>>)
      %dma_start3A_549 = arith.constant 12 : i32
      %dma_start3A_550 = arith.constant 12 : i32
      %dma_start3A_551 = arith.constant 4 : i32
      %dma_start3A_552 = arith.constant 0 : i32
      %dma_start3A_553 = tpu.memref_slice %arg13[%dma_start3A_550, %dma_start3A_551, %dma_start3A_552] : memref<32x126x16xf32, #tpu.memory_space<vmem>> -> memref<1x121x16xf32, #tpu.memory_space<vmem>>
      %dma_start3A_554 = tpu.memref_squeeze %dma_start3A_553 : memref<1x121x16xf32, #tpu.memory_space<vmem>> -> memref<121x16xf32, #tpu.memory_space<vmem>>
      %dma_start3A_555 = arith.constant 0 : i32
      %dma_start3A_556 = tpu.memref_slice %arg9[%dma_start3A_549, %dma_start3A_555] : memref<32x121xi32, #tpu.memory_space<vmem>> -> memref<1x121xi32, #tpu.memory_space<vmem>>
      %dma_start3A_557 = tpu.memref_squeeze %dma_start3A_556 : memref<1x121xi32, #tpu.memory_space<vmem>> -> memref<121xi32, #tpu.memory_space<vmem>>
      %dma_start3A_558 = arith.constant 0 : i32
      %dma_start3A_559 = arith.constant 0 : i32
      %dma_start3A_560 = tpu.memref_slice %arg3[%dma_start3A_558, %dma_start3A_559] : memref<1000x16xf32, #tpu.memory_space<hbm>> -> memref<1000x16xf32, #tpu.memory_space<hbm>>
      tpu.enqueue_indirect_dma source(%dma_start3A_560 : memref<1000x16xf32, #tpu.memory_space<hbm>>) target(%dma_start3A_554 : memref<121x16xf32, #tpu.memory_space<vmem>>) offsets(%dma_start3A_557 : memref<121xi32, #tpu.memory_space<vmem>>) semaphore(%arg14 : memref<!tpu.dma_semaphore, #tpu.memory_space<semaphore_mem>>)
      %dma_start3A_561 = arith.constant 12 : i32
      %dma_start3A_562 = arith.constant 125 : i32
      %dma_start3A_563 = arith.constant 0 : i32
      %dma_start3A_564 = tpu.memref_slice %arg13[%dma_start3A_561, %dma_start3A_562, %dma_start3A_563] : memref<32x126x16xf32, #tpu.memory_space<vmem>> -> memref<1x1x16xf32, #tpu.memory_space<vmem>>
      %dma_start3A_565 = tpu.memref_squeeze %dma_start3A_564 : memref<1x1x16xf32, #tpu.memory_space<vmem>> -> memref<1x16xf32, #tpu.memory_space<vmem>>
      %dma_start3A_566 = arith.constant 200 : i32
      %dma_start3A_567 = tpu.memref_slice %arg10[%dma_start3A_566] : memref<512xi32, #tpu.memory_space<vmem>> -> memref<1xi32, #tpu.memory_space<vmem>>
      %dma_start3A_568 = arith.constant 0 : i32
      %dma_start3A_569 = arith.constant 0 : i32
      %dma_start3A_570 = tpu.memref_slice %arg4[%dma_start3A_568, %dma_start3A_569] : memref<101x16xf32, #tpu.memory_space<hbm>> -> memref<101x16xf32, #tpu.memory_space<hbm>>
      tpu.enqueue_indirect_dma source(%dma_start3A_570 : memref<101x16xf32, #tpu.memory_space<hbm>>) target(%dma_start3A_565 : memref<1x16xf32, #tpu.memory_space<vmem>>) offsets(%dma_start3A_567 : memref<1xi32, #tpu.memory_space<vmem>>) semaphore(%arg14 : memref<!tpu.dma_semaphore, #tpu.memory_space<semaphore_mem>>)
      %dma_start3A_571 = arith.constant 13 : i32
      %dma_start3A_572 = arith.constant 0 : i32
      %dma_start3A_573 = arith.constant 0 : i32
      %dma_start3A_574 = tpu.memref_slice %arg13[%dma_start3A_571, %dma_start3A_572, %dma_start3A_573] : memref<32x126x16xf32, #tpu.memory_space<vmem>> -> memref<1x4x16xf32, #tpu.memory_space<vmem>>
      %dma_start3A_575 = tpu.memref_squeeze %dma_start3A_574 : memref<1x4x16xf32, #tpu.memory_space<vmem>> -> memref<4x16xf32, #tpu.memory_space<vmem>>
      %dma_start3A_576 = arith.constant 208 : i32
      %dma_start3A_577 = tpu.memref_slice %arg10[%dma_start3A_576] : memref<512xi32, #tpu.memory_space<vmem>> -> memref<4xi32, #tpu.memory_space<vmem>>
      %dma_start3A_578 = arith.constant 0 : i32
      %dma_start3A_579 = arith.constant 0 : i32
      %dma_start3A_580 = tpu.memref_slice %arg2[%dma_start3A_578, %dma_start3A_579] : memref<200000x16xf32, #tpu.memory_space<hbm>> -> memref<200000x16xf32, #tpu.memory_space<hbm>>
      tpu.enqueue_indirect_dma source(%dma_start3A_580 : memref<200000x16xf32, #tpu.memory_space<hbm>>) target(%dma_start3A_575 : memref<4x16xf32, #tpu.memory_space<vmem>>) offsets(%dma_start3A_577 : memref<4xi32, #tpu.memory_space<vmem>>) semaphore(%arg14 : memref<!tpu.dma_semaphore, #tpu.memory_space<semaphore_mem>>)
      %dma_start3A_581 = arith.constant 13 : i32
      %dma_start3A_582 = arith.constant 13 : i32
      %dma_start3A_583 = arith.constant 4 : i32
      %dma_start3A_584 = arith.constant 0 : i32
      %dma_start3A_585 = tpu.memref_slice %arg13[%dma_start3A_582, %dma_start3A_583, %dma_start3A_584] : memref<32x126x16xf32, #tpu.memory_space<vmem>> -> memref<1x121x16xf32, #tpu.memory_space<vmem>>
      %dma_start3A_586 = tpu.memref_squeeze %dma_start3A_585 : memref<1x121x16xf32, #tpu.memory_space<vmem>> -> memref<121x16xf32, #tpu.memory_space<vmem>>
      %dma_start3A_587 = arith.constant 0 : i32
      %dma_start3A_588 = tpu.memref_slice %arg9[%dma_start3A_581, %dma_start3A_587] : memref<32x121xi32, #tpu.memory_space<vmem>> -> memref<1x121xi32, #tpu.memory_space<vmem>>
      %dma_start3A_589 = tpu.memref_squeeze %dma_start3A_588 : memref<1x121xi32, #tpu.memory_space<vmem>> -> memref<121xi32, #tpu.memory_space<vmem>>
      %dma_start3A_590 = arith.constant 0 : i32
      %dma_start3A_591 = arith.constant 0 : i32
      %dma_start3A_592 = tpu.memref_slice %arg3[%dma_start3A_590, %dma_start3A_591] : memref<1000x16xf32, #tpu.memory_space<hbm>> -> memref<1000x16xf32, #tpu.memory_space<hbm>>
      tpu.enqueue_indirect_dma source(%dma_start3A_592 : memref<1000x16xf32, #tpu.memory_space<hbm>>) target(%dma_start3A_586 : memref<121x16xf32, #tpu.memory_space<vmem>>) offsets(%dma_start3A_589 : memref<121xi32, #tpu.memory_space<vmem>>) semaphore(%arg14 : memref<!tpu.dma_semaphore, #tpu.memory_space<semaphore_mem>>)
      %dma_start3A_593 = arith.constant 13 : i32
      %dma_start3A_594 = arith.constant 125 : i32
      %dma_start3A_595 = arith.constant 0 : i32
      %dma_start3A_596 = tpu.memref_slice %arg13[%dma_start3A_593, %dma_start3A_594, %dma_start3A_595] : memref<32x126x16xf32, #tpu.memory_space<vmem>> -> memref<1x1x16xf32, #tpu.memory_space<vmem>>
      %dma_start3A_597 = tpu.memref_squeeze %dma_start3A_596 : memref<1x1x16xf32, #tpu.memory_space<vmem>> -> memref<1x16xf32, #tpu.memory_space<vmem>>
      %dma_start3A_598 = arith.constant 216 : i32
      %dma_start3A_599 = tpu.memref_slice %arg10[%dma_start3A_598] : memref<512xi32, #tpu.memory_space<vmem>> -> memref<1xi32, #tpu.memory_space<vmem>>
      %dma_start3A_600 = arith.constant 0 : i32
      %dma_start3A_601 = arith.constant 0 : i32
      %dma_start3A_602 = tpu.memref_slice %arg4[%dma_start3A_600, %dma_start3A_601] : memref<101x16xf32, #tpu.memory_space<hbm>> -> memref<101x16xf32, #tpu.memory_space<hbm>>
      tpu.enqueue_indirect_dma source(%dma_start3A_602 : memref<101x16xf32, #tpu.memory_space<hbm>>) target(%dma_start3A_597 : memref<1x16xf32, #tpu.memory_space<vmem>>) offsets(%dma_start3A_599 : memref<1xi32, #tpu.memory_space<vmem>>) semaphore(%arg14 : memref<!tpu.dma_semaphore, #tpu.memory_space<semaphore_mem>>)
      %dma_start3A_603 = arith.constant 14 : i32
      %dma_start3A_604 = arith.constant 0 : i32
      %dma_start3A_605 = arith.constant 0 : i32
      %dma_start3A_606 = tpu.memref_slice %arg13[%dma_start3A_603, %dma_start3A_604, %dma_start3A_605] : memref<32x126x16xf32, #tpu.memory_space<vmem>> -> memref<1x4x16xf32, #tpu.memory_space<vmem>>
      %dma_start3A_607 = tpu.memref_squeeze %dma_start3A_606 : memref<1x4x16xf32, #tpu.memory_space<vmem>> -> memref<4x16xf32, #tpu.memory_space<vmem>>
      %dma_start3A_608 = arith.constant 224 : i32
      %dma_start3A_609 = tpu.memref_slice %arg10[%dma_start3A_608] : memref<512xi32, #tpu.memory_space<vmem>> -> memref<4xi32, #tpu.memory_space<vmem>>
      %dma_start3A_610 = arith.constant 0 : i32
      %dma_start3A_611 = arith.constant 0 : i32
      %dma_start3A_612 = tpu.memref_slice %arg2[%dma_start3A_610, %dma_start3A_611] : memref<200000x16xf32, #tpu.memory_space<hbm>> -> memref<200000x16xf32, #tpu.memory_space<hbm>>
      tpu.enqueue_indirect_dma source(%dma_start3A_612 : memref<200000x16xf32, #tpu.memory_space<hbm>>) target(%dma_start3A_607 : memref<4x16xf32, #tpu.memory_space<vmem>>) offsets(%dma_start3A_609 : memref<4xi32, #tpu.memory_space<vmem>>) semaphore(%arg14 : memref<!tpu.dma_semaphore, #tpu.memory_space<semaphore_mem>>)
      %dma_start3A_613 = arith.constant 14 : i32
      %dma_start3A_614 = arith.constant 14 : i32
      %dma_start3A_615 = arith.constant 4 : i32
      %dma_start3A_616 = arith.constant 0 : i32
      %dma_start3A_617 = tpu.memref_slice %arg13[%dma_start3A_614, %dma_start3A_615, %dma_start3A_616] : memref<32x126x16xf32, #tpu.memory_space<vmem>> -> memref<1x121x16xf32, #tpu.memory_space<vmem>>
      %dma_start3A_618 = tpu.memref_squeeze %dma_start3A_617 : memref<1x121x16xf32, #tpu.memory_space<vmem>> -> memref<121x16xf32, #tpu.memory_space<vmem>>
      %dma_start3A_619 = arith.constant 0 : i32
      %dma_start3A_620 = tpu.memref_slice %arg9[%dma_start3A_613, %dma_start3A_619] : memref<32x121xi32, #tpu.memory_space<vmem>> -> memref<1x121xi32, #tpu.memory_space<vmem>>
      %dma_start3A_621 = tpu.memref_squeeze %dma_start3A_620 : memref<1x121xi32, #tpu.memory_space<vmem>> -> memref<121xi32, #tpu.memory_space<vmem>>
      %dma_start3A_622 = arith.constant 0 : i32
      %dma_start3A_623 = arith.constant 0 : i32
      %dma_start3A_624 = tpu.memref_slice %arg3[%dma_start3A_622, %dma_start3A_623] : memref<1000x16xf32, #tpu.memory_space<hbm>> -> memref<1000x16xf32, #tpu.memory_space<hbm>>
      tpu.enqueue_indirect_dma source(%dma_start3A_624 : memref<1000x16xf32, #tpu.memory_space<hbm>>) target(%dma_start3A_618 : memref<121x16xf32, #tpu.memory_space<vmem>>) offsets(%dma_start3A_621 : memref<121xi32, #tpu.memory_space<vmem>>) semaphore(%arg14 : memref<!tpu.dma_semaphore, #tpu.memory_space<semaphore_mem>>)
      %dma_start3A_625 = arith.constant 14 : i32
      %dma_start3A_626 = arith.constant 125 : i32
      %dma_start3A_627 = arith.constant 0 : i32
      %dma_start3A_628 = tpu.memref_slice %arg13[%dma_start3A_625, %dma_start3A_626, %dma_start3A_627] : memref<32x126x16xf32, #tpu.memory_space<vmem>> -> memref<1x1x16xf32, #tpu.memory_space<vmem>>
      %dma_start3A_629 = tpu.memref_squeeze %dma_start3A_628 : memref<1x1x16xf32, #tpu.memory_space<vmem>> -> memref<1x16xf32, #tpu.memory_space<vmem>>
      %dma_start3A_630 = arith.constant 232 : i32
      %dma_start3A_631 = tpu.memref_slice %arg10[%dma_start3A_630] : memref<512xi32, #tpu.memory_space<vmem>> -> memref<1xi32, #tpu.memory_space<vmem>>
      %dma_start3A_632 = arith.constant 0 : i32
      %dma_start3A_633 = arith.constant 0 : i32
      %dma_start3A_634 = tpu.memref_slice %arg4[%dma_start3A_632, %dma_start3A_633] : memref<101x16xf32, #tpu.memory_space<hbm>> -> memref<101x16xf32, #tpu.memory_space<hbm>>
      tpu.enqueue_indirect_dma source(%dma_start3A_634 : memref<101x16xf32, #tpu.memory_space<hbm>>) target(%dma_start3A_629 : memref<1x16xf32, #tpu.memory_space<vmem>>) offsets(%dma_start3A_631 : memref<1xi32, #tpu.memory_space<vmem>>) semaphore(%arg14 : memref<!tpu.dma_semaphore, #tpu.memory_space<semaphore_mem>>)
      %dma_start3A_635 = arith.constant 15 : i32
      %dma_start3A_636 = arith.constant 0 : i32
      %dma_start3A_637 = arith.constant 0 : i32
      %dma_start3A_638 = tpu.memref_slice %arg13[%dma_start3A_635, %dma_start3A_636, %dma_start3A_637] : memref<32x126x16xf32, #tpu.memory_space<vmem>> -> memref<1x4x16xf32, #tpu.memory_space<vmem>>
      %dma_start3A_639 = tpu.memref_squeeze %dma_start3A_638 : memref<1x4x16xf32, #tpu.memory_space<vmem>> -> memref<4x16xf32, #tpu.memory_space<vmem>>
      %dma_start3A_640 = arith.constant 240 : i32
      %dma_start3A_641 = tpu.memref_slice %arg10[%dma_start3A_640] : memref<512xi32, #tpu.memory_space<vmem>> -> memref<4xi32, #tpu.memory_space<vmem>>
      %dma_start3A_642 = arith.constant 0 : i32
      %dma_start3A_643 = arith.constant 0 : i32
      %dma_start3A_644 = tpu.memref_slice %arg2[%dma_start3A_642, %dma_start3A_643] : memref<200000x16xf32, #tpu.memory_space<hbm>> -> memref<200000x16xf32, #tpu.memory_space<hbm>>
      tpu.enqueue_indirect_dma source(%dma_start3A_644 : memref<200000x16xf32, #tpu.memory_space<hbm>>) target(%dma_start3A_639 : memref<4x16xf32, #tpu.memory_space<vmem>>) offsets(%dma_start3A_641 : memref<4xi32, #tpu.memory_space<vmem>>) semaphore(%arg14 : memref<!tpu.dma_semaphore, #tpu.memory_space<semaphore_mem>>)
      %dma_start3A_645 = arith.constant 15 : i32
      %dma_start3A_646 = arith.constant 15 : i32
      %dma_start3A_647 = arith.constant 4 : i32
      %dma_start3A_648 = arith.constant 0 : i32
      %dma_start3A_649 = tpu.memref_slice %arg13[%dma_start3A_646, %dma_start3A_647, %dma_start3A_648] : memref<32x126x16xf32, #tpu.memory_space<vmem>> -> memref<1x121x16xf32, #tpu.memory_space<vmem>>
      %dma_start3A_650 = tpu.memref_squeeze %dma_start3A_649 : memref<1x121x16xf32, #tpu.memory_space<vmem>> -> memref<121x16xf32, #tpu.memory_space<vmem>>
      %dma_start3A_651 = arith.constant 0 : i32
      %dma_start3A_652 = tpu.memref_slice %arg9[%dma_start3A_645, %dma_start3A_651] : memref<32x121xi32, #tpu.memory_space<vmem>> -> memref<1x121xi32, #tpu.memory_space<vmem>>
      %dma_start3A_653 = tpu.memref_squeeze %dma_start3A_652 : memref<1x121xi32, #tpu.memory_space<vmem>> -> memref<121xi32, #tpu.memory_space<vmem>>
      %dma_start3A_654 = arith.constant 0 : i32
      %dma_start3A_655 = arith.constant 0 : i32
      %dma_start3A_656 = tpu.memref_slice %arg3[%dma_start3A_654, %dma_start3A_655] : memref<1000x16xf32, #tpu.memory_space<hbm>> -> memref<1000x16xf32, #tpu.memory_space<hbm>>
      tpu.enqueue_indirect_dma source(%dma_start3A_656 : memref<1000x16xf32, #tpu.memory_space<hbm>>) target(%dma_start3A_650 : memref<121x16xf32, #tpu.memory_space<vmem>>) offsets(%dma_start3A_653 : memref<121xi32, #tpu.memory_space<vmem>>) semaphore(%arg14 : memref<!tpu.dma_semaphore, #tpu.memory_space<semaphore_mem>>)
      %dma_start3A_657 = arith.constant 15 : i32
      %dma_start3A_658 = arith.constant 125 : i32
      %dma_start3A_659 = arith.constant 0 : i32
      %dma_start3A_660 = tpu.memref_slice %arg13[%dma_start3A_657, %dma_start3A_658, %dma_start3A_659] : memref<32x126x16xf32, #tpu.memory_space<vmem>> -> memref<1x1x16xf32, #tpu.memory_space<vmem>>
      %dma_start3A_661 = tpu.memref_squeeze %dma_start3A_660 : memref<1x1x16xf32, #tpu.memory_space<vmem>> -> memref<1x16xf32, #tpu.memory_space<vmem>>
      %dma_start3A_662 = arith.constant 248 : i32
      %dma_start3A_663 = tpu.memref_slice %arg10[%dma_start3A_662] : memref<512xi32, #tpu.memory_space<vmem>> -> memref<1xi32, #tpu.memory_space<vmem>>
      %dma_start3A_664 = arith.constant 0 : i32
      %dma_start3A_665 = arith.constant 0 : i32
      %dma_start3A_666 = tpu.memref_slice %arg4[%dma_start3A_664, %dma_start3A_665] : memref<101x16xf32, #tpu.memory_space<hbm>> -> memref<101x16xf32, #tpu.memory_space<hbm>>
      tpu.enqueue_indirect_dma source(%dma_start3A_666 : memref<101x16xf32, #tpu.memory_space<hbm>>) target(%dma_start3A_661 : memref<1x16xf32, #tpu.memory_space<vmem>>) offsets(%dma_start3A_663 : memref<1xi32, #tpu.memory_space<vmem>>) semaphore(%arg14 : memref<!tpu.dma_semaphore, #tpu.memory_space<semaphore_mem>>)
      %dma_start3A_667 = arith.constant 16 : i32
      %dma_start3A_668 = arith.constant 0 : i32
      %dma_start3A_669 = arith.constant 0 : i32
      %dma_start3A_670 = tpu.memref_slice %arg13[%dma_start3A_667, %dma_start3A_668, %dma_start3A_669] : memref<32x126x16xf32, #tpu.memory_space<vmem>> -> memref<1x4x16xf32, #tpu.memory_space<vmem>>
      %dma_start3A_671 = tpu.memref_squeeze %dma_start3A_670 : memref<1x4x16xf32, #tpu.memory_space<vmem>> -> memref<4x16xf32, #tpu.memory_space<vmem>>
      %dma_start3A_672 = arith.constant 256 : i32
      %dma_start3A_673 = tpu.memref_slice %arg10[%dma_start3A_672] : memref<512xi32, #tpu.memory_space<vmem>> -> memref<4xi32, #tpu.memory_space<vmem>>
      %dma_start3A_674 = arith.constant 0 : i32
      %dma_start3A_675 = arith.constant 0 : i32
      %dma_start3A_676 = tpu.memref_slice %arg2[%dma_start3A_674, %dma_start3A_675] : memref<200000x16xf32, #tpu.memory_space<hbm>> -> memref<200000x16xf32, #tpu.memory_space<hbm>>
      tpu.enqueue_indirect_dma source(%dma_start3A_676 : memref<200000x16xf32, #tpu.memory_space<hbm>>) target(%dma_start3A_671 : memref<4x16xf32, #tpu.memory_space<vmem>>) offsets(%dma_start3A_673 : memref<4xi32, #tpu.memory_space<vmem>>) semaphore(%arg14 : memref<!tpu.dma_semaphore, #tpu.memory_space<semaphore_mem>>)
      %dma_start3A_677 = arith.constant 16 : i32
      %dma_start3A_678 = arith.constant 16 : i32
      %dma_start3A_679 = arith.constant 4 : i32
      %dma_start3A_680 = arith.constant 0 : i32
      %dma_start3A_681 = tpu.memref_slice %arg13[%dma_start3A_678, %dma_start3A_679, %dma_start3A_680] : memref<32x126x16xf32, #tpu.memory_space<vmem>> -> memref<1x121x16xf32, #tpu.memory_space<vmem>>
      %dma_start3A_682 = tpu.memref_squeeze %dma_start3A_681 : memref<1x121x16xf32, #tpu.memory_space<vmem>> -> memref<121x16xf32, #tpu.memory_space<vmem>>
      %dma_start3A_683 = arith.constant 0 : i32
      %dma_start3A_684 = tpu.memref_slice %arg9[%dma_start3A_677, %dma_start3A_683] : memref<32x121xi32, #tpu.memory_space<vmem>> -> memref<1x121xi32, #tpu.memory_space<vmem>>
      %dma_start3A_685 = tpu.memref_squeeze %dma_start3A_684 : memref<1x121xi32, #tpu.memory_space<vmem>> -> memref<121xi32, #tpu.memory_space<vmem>>
      %dma_start3A_686 = arith.constant 0 : i32
      %dma_start3A_687 = arith.constant 0 : i32
      %dma_start3A_688 = tpu.memref_slice %arg3[%dma_start3A_686, %dma_start3A_687] : memref<1000x16xf32, #tpu.memory_space<hbm>> -> memref<1000x16xf32, #tpu.memory_space<hbm>>
      tpu.enqueue_indirect_dma source(%dma_start3A_688 : memref<1000x16xf32, #tpu.memory_space<hbm>>) target(%dma_start3A_682 : memref<121x16xf32, #tpu.memory_space<vmem>>) offsets(%dma_start3A_685 : memref<121xi32, #tpu.memory_space<vmem>>) semaphore(%arg14 : memref<!tpu.dma_semaphore, #tpu.memory_space<semaphore_mem>>)
      %dma_start3A_689 = arith.constant 16 : i32
      %dma_start3A_690 = arith.constant 125 : i32
      %dma_start3A_691 = arith.constant 0 : i32
      %dma_start3A_692 = tpu.memref_slice %arg13[%dma_start3A_689, %dma_start3A_690, %dma_start3A_691] : memref<32x126x16xf32, #tpu.memory_space<vmem>> -> memref<1x1x16xf32, #tpu.memory_space<vmem>>
      %dma_start3A_693 = tpu.memref_squeeze %dma_start3A_692 : memref<1x1x16xf32, #tpu.memory_space<vmem>> -> memref<1x16xf32, #tpu.memory_space<vmem>>
      %dma_start3A_694 = arith.constant 264 : i32
      %dma_start3A_695 = tpu.memref_slice %arg10[%dma_start3A_694] : memref<512xi32, #tpu.memory_space<vmem>> -> memref<1xi32, #tpu.memory_space<vmem>>
      %dma_start3A_696 = arith.constant 0 : i32
      %dma_start3A_697 = arith.constant 0 : i32
      %dma_start3A_698 = tpu.memref_slice %arg4[%dma_start3A_696, %dma_start3A_697] : memref<101x16xf32, #tpu.memory_space<hbm>> -> memref<101x16xf32, #tpu.memory_space<hbm>>
      tpu.enqueue_indirect_dma source(%dma_start3A_698 : memref<101x16xf32, #tpu.memory_space<hbm>>) target(%dma_start3A_693 : memref<1x16xf32, #tpu.memory_space<vmem>>) offsets(%dma_start3A_695 : memref<1xi32, #tpu.memory_space<vmem>>) semaphore(%arg14 : memref<!tpu.dma_semaphore, #tpu.memory_space<semaphore_mem>>)
      %dma_start3A_699 = arith.constant 17 : i32
      %dma_start3A_700 = arith.constant 0 : i32
      %dma_start3A_701 = arith.constant 0 : i32
      %dma_start3A_702 = tpu.memref_slice %arg13[%dma_start3A_699, %dma_start3A_700, %dma_start3A_701] : memref<32x126x16xf32, #tpu.memory_space<vmem>> -> memref<1x4x16xf32, #tpu.memory_space<vmem>>
      %dma_start3A_703 = tpu.memref_squeeze %dma_start3A_702 : memref<1x4x16xf32, #tpu.memory_space<vmem>> -> memref<4x16xf32, #tpu.memory_space<vmem>>
      %dma_start3A_704 = arith.constant 272 : i32
      %dma_start3A_705 = tpu.memref_slice %arg10[%dma_start3A_704] : memref<512xi32, #tpu.memory_space<vmem>> -> memref<4xi32, #tpu.memory_space<vmem>>
      %dma_start3A_706 = arith.constant 0 : i32
      %dma_start3A_707 = arith.constant 0 : i32
      %dma_start3A_708 = tpu.memref_slice %arg2[%dma_start3A_706, %dma_start3A_707] : memref<200000x16xf32, #tpu.memory_space<hbm>> -> memref<200000x16xf32, #tpu.memory_space<hbm>>
      tpu.enqueue_indirect_dma source(%dma_start3A_708 : memref<200000x16xf32, #tpu.memory_space<hbm>>) target(%dma_start3A_703 : memref<4x16xf32, #tpu.memory_space<vmem>>) offsets(%dma_start3A_705 : memref<4xi32, #tpu.memory_space<vmem>>) semaphore(%arg14 : memref<!tpu.dma_semaphore, #tpu.memory_space<semaphore_mem>>)
      %dma_start3A_709 = arith.constant 17 : i32
      %dma_start3A_710 = arith.constant 17 : i32
      %dma_start3A_711 = arith.constant 4 : i32
      %dma_start3A_712 = arith.constant 0 : i32
      %dma_start3A_713 = tpu.memref_slice %arg13[%dma_start3A_710, %dma_start3A_711, %dma_start3A_712] : memref<32x126x16xf32, #tpu.memory_space<vmem>> -> memref<1x121x16xf32, #tpu.memory_space<vmem>>
      %dma_start3A_714 = tpu.memref_squeeze %dma_start3A_713 : memref<1x121x16xf32, #tpu.memory_space<vmem>> -> memref<121x16xf32, #tpu.memory_space<vmem>>
      %dma_start3A_715 = arith.constant 0 : i32
      %dma_start3A_716 = tpu.memref_slice %arg9[%dma_start3A_709, %dma_start3A_715] : memref<32x121xi32, #tpu.memory_space<vmem>> -> memref<1x121xi32, #tpu.memory_space<vmem>>
      %dma_start3A_717 = tpu.memref_squeeze %dma_start3A_716 : memref<1x121xi32, #tpu.memory_space<vmem>> -> memref<121xi32, #tpu.memory_space<vmem>>
      %dma_start3A_718 = arith.constant 0 : i32
      %dma_start3A_719 = arith.constant 0 : i32
      %dma_start3A_720 = tpu.memref_slice %arg3[%dma_start3A_718, %dma_start3A_719] : memref<1000x16xf32, #tpu.memory_space<hbm>> -> memref<1000x16xf32, #tpu.memory_space<hbm>>
      tpu.enqueue_indirect_dma source(%dma_start3A_720 : memref<1000x16xf32, #tpu.memory_space<hbm>>) target(%dma_start3A_714 : memref<121x16xf32, #tpu.memory_space<vmem>>) offsets(%dma_start3A_717 : memref<121xi32, #tpu.memory_space<vmem>>) semaphore(%arg14 : memref<!tpu.dma_semaphore, #tpu.memory_space<semaphore_mem>>)
      %dma_start3A_721 = arith.constant 17 : i32
      %dma_start3A_722 = arith.constant 125 : i32
      %dma_start3A_723 = arith.constant 0 : i32
      %dma_start3A_724 = tpu.memref_slice %arg13[%dma_start3A_721, %dma_start3A_722, %dma_start3A_723] : memref<32x126x16xf32, #tpu.memory_space<vmem>> -> memref<1x1x16xf32, #tpu.memory_space<vmem>>
      %dma_start3A_725 = tpu.memref_squeeze %dma_start3A_724 : memref<1x1x16xf32, #tpu.memory_space<vmem>> -> memref<1x16xf32, #tpu.memory_space<vmem>>
      %dma_start3A_726 = arith.constant 280 : i32
      %dma_start3A_727 = tpu.memref_slice %arg10[%dma_start3A_726] : memref<512xi32, #tpu.memory_space<vmem>> -> memref<1xi32, #tpu.memory_space<vmem>>
      %dma_start3A_728 = arith.constant 0 : i32
      %dma_start3A_729 = arith.constant 0 : i32
      %dma_start3A_730 = tpu.memref_slice %arg4[%dma_start3A_728, %dma_start3A_729] : memref<101x16xf32, #tpu.memory_space<hbm>> -> memref<101x16xf32, #tpu.memory_space<hbm>>
      tpu.enqueue_indirect_dma source(%dma_start3A_730 : memref<101x16xf32, #tpu.memory_space<hbm>>) target(%dma_start3A_725 : memref<1x16xf32, #tpu.memory_space<vmem>>) offsets(%dma_start3A_727 : memref<1xi32, #tpu.memory_space<vmem>>) semaphore(%arg14 : memref<!tpu.dma_semaphore, #tpu.memory_space<semaphore_mem>>)
      %dma_start3A_731 = arith.constant 18 : i32
      %dma_start3A_732 = arith.constant 0 : i32
      %dma_start3A_733 = arith.constant 0 : i32
      %dma_start3A_734 = tpu.memref_slice %arg13[%dma_start3A_731, %dma_start3A_732, %dma_start3A_733] : memref<32x126x16xf32, #tpu.memory_space<vmem>> -> memref<1x4x16xf32, #tpu.memory_space<vmem>>
      %dma_start3A_735 = tpu.memref_squeeze %dma_start3A_734 : memref<1x4x16xf32, #tpu.memory_space<vmem>> -> memref<4x16xf32, #tpu.memory_space<vmem>>
      %dma_start3A_736 = arith.constant 288 : i32
      %dma_start3A_737 = tpu.memref_slice %arg10[%dma_start3A_736] : memref<512xi32, #tpu.memory_space<vmem>> -> memref<4xi32, #tpu.memory_space<vmem>>
      %dma_start3A_738 = arith.constant 0 : i32
      %dma_start3A_739 = arith.constant 0 : i32
      %dma_start3A_740 = tpu.memref_slice %arg2[%dma_start3A_738, %dma_start3A_739] : memref<200000x16xf32, #tpu.memory_space<hbm>> -> memref<200000x16xf32, #tpu.memory_space<hbm>>
      tpu.enqueue_indirect_dma source(%dma_start3A_740 : memref<200000x16xf32, #tpu.memory_space<hbm>>) target(%dma_start3A_735 : memref<4x16xf32, #tpu.memory_space<vmem>>) offsets(%dma_start3A_737 : memref<4xi32, #tpu.memory_space<vmem>>) semaphore(%arg14 : memref<!tpu.dma_semaphore, #tpu.memory_space<semaphore_mem>>)
      %dma_start3A_741 = arith.constant 18 : i32
      %dma_start3A_742 = arith.constant 18 : i32
      %dma_start3A_743 = arith.constant 4 : i32
      %dma_start3A_744 = arith.constant 0 : i32
      %dma_start3A_745 = tpu.memref_slice %arg13[%dma_start3A_742, %dma_start3A_743, %dma_start3A_744] : memref<32x126x16xf32, #tpu.memory_space<vmem>> -> memref<1x121x16xf32, #tpu.memory_space<vmem>>
      %dma_start3A_746 = tpu.memref_squeeze %dma_start3A_745 : memref<1x121x16xf32, #tpu.memory_space<vmem>> -> memref<121x16xf32, #tpu.memory_space<vmem>>
      %dma_start3A_747 = arith.constant 0 : i32
      %dma_start3A_748 = tpu.memref_slice %arg9[%dma_start3A_741, %dma_start3A_747] : memref<32x121xi32, #tpu.memory_space<vmem>> -> memref<1x121xi32, #tpu.memory_space<vmem>>
      %dma_start3A_749 = tpu.memref_squeeze %dma_start3A_748 : memref<1x121xi32, #tpu.memory_space<vmem>> -> memref<121xi32, #tpu.memory_space<vmem>>
      %dma_start3A_750 = arith.constant 0 : i32
      %dma_start3A_751 = arith.constant 0 : i32
      %dma_start3A_752 = tpu.memref_slice %arg3[%dma_start3A_750, %dma_start3A_751] : memref<1000x16xf32, #tpu.memory_space<hbm>> -> memref<1000x16xf32, #tpu.memory_space<hbm>>
      tpu.enqueue_indirect_dma source(%dma_start3A_752 : memref<1000x16xf32, #tpu.memory_space<hbm>>) target(%dma_start3A_746 : memref<121x16xf32, #tpu.memory_space<vmem>>) offsets(%dma_start3A_749 : memref<121xi32, #tpu.memory_space<vmem>>) semaphore(%arg14 : memref<!tpu.dma_semaphore, #tpu.memory_space<semaphore_mem>>)
      %dma_start3A_753 = arith.constant 18 : i32
      %dma_start3A_754 = arith.constant 125 : i32
      %dma_start3A_755 = arith.constant 0 : i32
      %dma_start3A_756 = tpu.memref_slice %arg13[%dma_start3A_753, %dma_start3A_754, %dma_start3A_755] : memref<32x126x16xf32, #tpu.memory_space<vmem>> -> memref<1x1x16xf32, #tpu.memory_space<vmem>>
      %dma_start3A_757 = tpu.memref_squeeze %dma_start3A_756 : memref<1x1x16xf32, #tpu.memory_space<vmem>> -> memref<1x16xf32, #tpu.memory_space<vmem>>
      %dma_start3A_758 = arith.constant 296 : i32
      %dma_start3A_759 = tpu.memref_slice %arg10[%dma_start3A_758] : memref<512xi32, #tpu.memory_space<vmem>> -> memref<1xi32, #tpu.memory_space<vmem>>
      %dma_start3A_760 = arith.constant 0 : i32
      %dma_start3A_761 = arith.constant 0 : i32
      %dma_start3A_762 = tpu.memref_slice %arg4[%dma_start3A_760, %dma_start3A_761] : memref<101x16xf32, #tpu.memory_space<hbm>> -> memref<101x16xf32, #tpu.memory_space<hbm>>
      tpu.enqueue_indirect_dma source(%dma_start3A_762 : memref<101x16xf32, #tpu.memory_space<hbm>>) target(%dma_start3A_757 : memref<1x16xf32, #tpu.memory_space<vmem>>) offsets(%dma_start3A_759 : memref<1xi32, #tpu.memory_space<vmem>>) semaphore(%arg14 : memref<!tpu.dma_semaphore, #tpu.memory_space<semaphore_mem>>)
      %dma_start3A_763 = arith.constant 19 : i32
      %dma_start3A_764 = arith.constant 0 : i32
      %dma_start3A_765 = arith.constant 0 : i32
      %dma_start3A_766 = tpu.memref_slice %arg13[%dma_start3A_763, %dma_start3A_764, %dma_start3A_765] : memref<32x126x16xf32, #tpu.memory_space<vmem>> -> memref<1x4x16xf32, #tpu.memory_space<vmem>>
      %dma_start3A_767 = tpu.memref_squeeze %dma_start3A_766 : memref<1x4x16xf32, #tpu.memory_space<vmem>> -> memref<4x16xf32, #tpu.memory_space<vmem>>
      %dma_start3A_768 = arith.constant 304 : i32
      %dma_start3A_769 = tpu.memref_slice %arg10[%dma_start3A_768] : memref<512xi32, #tpu.memory_space<vmem>> -> memref<4xi32, #tpu.memory_space<vmem>>
      %dma_start3A_770 = arith.constant 0 : i32
      %dma_start3A_771 = arith.constant 0 : i32
      %dma_start3A_772 = tpu.memref_slice %arg2[%dma_start3A_770, %dma_start3A_771] : memref<200000x16xf32, #tpu.memory_space<hbm>> -> memref<200000x16xf32, #tpu.memory_space<hbm>>
      tpu.enqueue_indirect_dma source(%dma_start3A_772 : memref<200000x16xf32, #tpu.memory_space<hbm>>) target(%dma_start3A_767 : memref<4x16xf32, #tpu.memory_space<vmem>>) offsets(%dma_start3A_769 : memref<4xi32, #tpu.memory_space<vmem>>) semaphore(%arg14 : memref<!tpu.dma_semaphore, #tpu.memory_space<semaphore_mem>>)
      %dma_start3A_773 = arith.constant 19 : i32
      %dma_start3A_774 = arith.constant 19 : i32
      %dma_start3A_775 = arith.constant 4 : i32
      %dma_start3A_776 = arith.constant 0 : i32
      %dma_start3A_777 = tpu.memref_slice %arg13[%dma_start3A_774, %dma_start3A_775, %dma_start3A_776] : memref<32x126x16xf32, #tpu.memory_space<vmem>> -> memref<1x121x16xf32, #tpu.memory_space<vmem>>
      %dma_start3A_778 = tpu.memref_squeeze %dma_start3A_777 : memref<1x121x16xf32, #tpu.memory_space<vmem>> -> memref<121x16xf32, #tpu.memory_space<vmem>>
      %dma_start3A_779 = arith.constant 0 : i32
      %dma_start3A_780 = tpu.memref_slice %arg9[%dma_start3A_773, %dma_start3A_779] : memref<32x121xi32, #tpu.memory_space<vmem>> -> memref<1x121xi32, #tpu.memory_space<vmem>>
      %dma_start3A_781 = tpu.memref_squeeze %dma_start3A_780 : memref<1x121xi32, #tpu.memory_space<vmem>> -> memref<121xi32, #tpu.memory_space<vmem>>
      %dma_start3A_782 = arith.constant 0 : i32
      %dma_start3A_783 = arith.constant 0 : i32
      %dma_start3A_784 = tpu.memref_slice %arg3[%dma_start3A_782, %dma_start3A_783] : memref<1000x16xf32, #tpu.memory_space<hbm>> -> memref<1000x16xf32, #tpu.memory_space<hbm>>
      tpu.enqueue_indirect_dma source(%dma_start3A_784 : memref<1000x16xf32, #tpu.memory_space<hbm>>) target(%dma_start3A_778 : memref<121x16xf32, #tpu.memory_space<vmem>>) offsets(%dma_start3A_781 : memref<121xi32, #tpu.memory_space<vmem>>) semaphore(%arg14 : memref<!tpu.dma_semaphore, #tpu.memory_space<semaphore_mem>>)
      %dma_start3A_785 = arith.constant 19 : i32
      %dma_start3A_786 = arith.constant 125 : i32
      %dma_start3A_787 = arith.constant 0 : i32
      %dma_start3A_788 = tpu.memref_slice %arg13[%dma_start3A_785, %dma_start3A_786, %dma_start3A_787] : memref<32x126x16xf32, #tpu.memory_space<vmem>> -> memref<1x1x16xf32, #tpu.memory_space<vmem>>
      %dma_start3A_789 = tpu.memref_squeeze %dma_start3A_788 : memref<1x1x16xf32, #tpu.memory_space<vmem>> -> memref<1x16xf32, #tpu.memory_space<vmem>>
      %dma_start3A_790 = arith.constant 312 : i32
      %dma_start3A_791 = tpu.memref_slice %arg10[%dma_start3A_790] : memref<512xi32, #tpu.memory_space<vmem>> -> memref<1xi32, #tpu.memory_space<vmem>>
      %dma_start3A_792 = arith.constant 0 : i32
      %dma_start3A_793 = arith.constant 0 : i32
      %dma_start3A_794 = tpu.memref_slice %arg4[%dma_start3A_792, %dma_start3A_793] : memref<101x16xf32, #tpu.memory_space<hbm>> -> memref<101x16xf32, #tpu.memory_space<hbm>>
      tpu.enqueue_indirect_dma source(%dma_start3A_794 : memref<101x16xf32, #tpu.memory_space<hbm>>) target(%dma_start3A_789 : memref<1x16xf32, #tpu.memory_space<vmem>>) offsets(%dma_start3A_791 : memref<1xi32, #tpu.memory_space<vmem>>) semaphore(%arg14 : memref<!tpu.dma_semaphore, #tpu.memory_space<semaphore_mem>>)
      %dma_start3A_795 = arith.constant 20 : i32
      %dma_start3A_796 = arith.constant 0 : i32
      %dma_start3A_797 = arith.constant 0 : i32
      %dma_start3A_798 = tpu.memref_slice %arg13[%dma_start3A_795, %dma_start3A_796, %dma_start3A_797] : memref<32x126x16xf32, #tpu.memory_space<vmem>> -> memref<1x4x16xf32, #tpu.memory_space<vmem>>
      %dma_start3A_799 = tpu.memref_squeeze %dma_start3A_798 : memref<1x4x16xf32, #tpu.memory_space<vmem>> -> memref<4x16xf32, #tpu.memory_space<vmem>>
      %dma_start3A_800 = arith.constant 320 : i32
      %dma_start3A_801 = tpu.memref_slice %arg10[%dma_start3A_800] : memref<512xi32, #tpu.memory_space<vmem>> -> memref<4xi32, #tpu.memory_space<vmem>>
      %dma_start3A_802 = arith.constant 0 : i32
      %dma_start3A_803 = arith.constant 0 : i32
      %dma_start3A_804 = tpu.memref_slice %arg2[%dma_start3A_802, %dma_start3A_803] : memref<200000x16xf32, #tpu.memory_space<hbm>> -> memref<200000x16xf32, #tpu.memory_space<hbm>>
      tpu.enqueue_indirect_dma source(%dma_start3A_804 : memref<200000x16xf32, #tpu.memory_space<hbm>>) target(%dma_start3A_799 : memref<4x16xf32, #tpu.memory_space<vmem>>) offsets(%dma_start3A_801 : memref<4xi32, #tpu.memory_space<vmem>>) semaphore(%arg14 : memref<!tpu.dma_semaphore, #tpu.memory_space<semaphore_mem>>)
      %dma_start3A_805 = arith.constant 20 : i32
      %dma_start3A_806 = arith.constant 20 : i32
      %dma_start3A_807 = arith.constant 4 : i32
      %dma_start3A_808 = arith.constant 0 : i32
      %dma_start3A_809 = tpu.memref_slice %arg13[%dma_start3A_806, %dma_start3A_807, %dma_start3A_808] : memref<32x126x16xf32, #tpu.memory_space<vmem>> -> memref<1x121x16xf32, #tpu.memory_space<vmem>>
      %dma_start3A_810 = tpu.memref_squeeze %dma_start3A_809 : memref<1x121x16xf32, #tpu.memory_space<vmem>> -> memref<121x16xf32, #tpu.memory_space<vmem>>
      %dma_start3A_811 = arith.constant 0 : i32
      %dma_start3A_812 = tpu.memref_slice %arg9[%dma_start3A_805, %dma_start3A_811] : memref<32x121xi32, #tpu.memory_space<vmem>> -> memref<1x121xi32, #tpu.memory_space<vmem>>
      %dma_start3A_813 = tpu.memref_squeeze %dma_start3A_812 : memref<1x121xi32, #tpu.memory_space<vmem>> -> memref<121xi32, #tpu.memory_space<vmem>>
      %dma_start3A_814 = arith.constant 0 : i32
      %dma_start3A_815 = arith.constant 0 : i32
      %dma_start3A_816 = tpu.memref_slice %arg3[%dma_start3A_814, %dma_start3A_815] : memref<1000x16xf32, #tpu.memory_space<hbm>> -> memref<1000x16xf32, #tpu.memory_space<hbm>>
      tpu.enqueue_indirect_dma source(%dma_start3A_816 : memref<1000x16xf32, #tpu.memory_space<hbm>>) target(%dma_start3A_810 : memref<121x16xf32, #tpu.memory_space<vmem>>) offsets(%dma_start3A_813 : memref<121xi32, #tpu.memory_space<vmem>>) semaphore(%arg14 : memref<!tpu.dma_semaphore, #tpu.memory_space<semaphore_mem>>)
      %dma_start3A_817 = arith.constant 20 : i32
      %dma_start3A_818 = arith.constant 125 : i32
      %dma_start3A_819 = arith.constant 0 : i32
      %dma_start3A_820 = tpu.memref_slice %arg13[%dma_start3A_817, %dma_start3A_818, %dma_start3A_819] : memref<32x126x16xf32, #tpu.memory_space<vmem>> -> memref<1x1x16xf32, #tpu.memory_space<vmem>>
      %dma_start3A_821 = tpu.memref_squeeze %dma_start3A_820 : memref<1x1x16xf32, #tpu.memory_space<vmem>> -> memref<1x16xf32, #tpu.memory_space<vmem>>
      %dma_start3A_822 = arith.constant 328 : i32
      %dma_start3A_823 = tpu.memref_slice %arg10[%dma_start3A_822] : memref<512xi32, #tpu.memory_space<vmem>> -> memref<1xi32, #tpu.memory_space<vmem>>
      %dma_start3A_824 = arith.constant 0 : i32
      %dma_start3A_825 = arith.constant 0 : i32
      %dma_start3A_826 = tpu.memref_slice %arg4[%dma_start3A_824, %dma_start3A_825] : memref<101x16xf32, #tpu.memory_space<hbm>> -> memref<101x16xf32, #tpu.memory_space<hbm>>
      tpu.enqueue_indirect_dma source(%dma_start3A_826 : memref<101x16xf32, #tpu.memory_space<hbm>>) target(%dma_start3A_821 : memref<1x16xf32, #tpu.memory_space<vmem>>) offsets(%dma_start3A_823 : memref<1xi32, #tpu.memory_space<vmem>>) semaphore(%arg14 : memref<!tpu.dma_semaphore, #tpu.memory_space<semaphore_mem>>)
      %dma_start3A_827 = arith.constant 21 : i32
      %dma_start3A_828 = arith.constant 0 : i32
      %dma_start3A_829 = arith.constant 0 : i32
      %dma_start3A_830 = tpu.memref_slice %arg13[%dma_start3A_827, %dma_start3A_828, %dma_start3A_829] : memref<32x126x16xf32, #tpu.memory_space<vmem>> -> memref<1x4x16xf32, #tpu.memory_space<vmem>>
      %dma_start3A_831 = tpu.memref_squeeze %dma_start3A_830 : memref<1x4x16xf32, #tpu.memory_space<vmem>> -> memref<4x16xf32, #tpu.memory_space<vmem>>
      %dma_start3A_832 = arith.constant 336 : i32
      %dma_start3A_833 = tpu.memref_slice %arg10[%dma_start3A_832] : memref<512xi32, #tpu.memory_space<vmem>> -> memref<4xi32, #tpu.memory_space<vmem>>
      %dma_start3A_834 = arith.constant 0 : i32
      %dma_start3A_835 = arith.constant 0 : i32
      %dma_start3A_836 = tpu.memref_slice %arg2[%dma_start3A_834, %dma_start3A_835] : memref<200000x16xf32, #tpu.memory_space<hbm>> -> memref<200000x16xf32, #tpu.memory_space<hbm>>
      tpu.enqueue_indirect_dma source(%dma_start3A_836 : memref<200000x16xf32, #tpu.memory_space<hbm>>) target(%dma_start3A_831 : memref<4x16xf32, #tpu.memory_space<vmem>>) offsets(%dma_start3A_833 : memref<4xi32, #tpu.memory_space<vmem>>) semaphore(%arg14 : memref<!tpu.dma_semaphore, #tpu.memory_space<semaphore_mem>>)
      %dma_start3A_837 = arith.constant 21 : i32
      %dma_start3A_838 = arith.constant 21 : i32
      %dma_start3A_839 = arith.constant 4 : i32
      %dma_start3A_840 = arith.constant 0 : i32
      %dma_start3A_841 = tpu.memref_slice %arg13[%dma_start3A_838, %dma_start3A_839, %dma_start3A_840] : memref<32x126x16xf32, #tpu.memory_space<vmem>> -> memref<1x121x16xf32, #tpu.memory_space<vmem>>
      %dma_start3A_842 = tpu.memref_squeeze %dma_start3A_841 : memref<1x121x16xf32, #tpu.memory_space<vmem>> -> memref<121x16xf32, #tpu.memory_space<vmem>>
      %dma_start3A_843 = arith.constant 0 : i32
      %dma_start3A_844 = tpu.memref_slice %arg9[%dma_start3A_837, %dma_start3A_843] : memref<32x121xi32, #tpu.memory_space<vmem>> -> memref<1x121xi32, #tpu.memory_space<vmem>>
      %dma_start3A_845 = tpu.memref_squeeze %dma_start3A_844 : memref<1x121xi32, #tpu.memory_space<vmem>> -> memref<121xi32, #tpu.memory_space<vmem>>
      %dma_start3A_846 = arith.constant 0 : i32
      %dma_start3A_847 = arith.constant 0 : i32
      %dma_start3A_848 = tpu.memref_slice %arg3[%dma_start3A_846, %dma_start3A_847] : memref<1000x16xf32, #tpu.memory_space<hbm>> -> memref<1000x16xf32, #tpu.memory_space<hbm>>
      tpu.enqueue_indirect_dma source(%dma_start3A_848 : memref<1000x16xf32, #tpu.memory_space<hbm>>) target(%dma_start3A_842 : memref<121x16xf32, #tpu.memory_space<vmem>>) offsets(%dma_start3A_845 : memref<121xi32, #tpu.memory_space<vmem>>) semaphore(%arg14 : memref<!tpu.dma_semaphore, #tpu.memory_space<semaphore_mem>>)
      %dma_start3A_849 = arith.constant 21 : i32
      %dma_start3A_850 = arith.constant 125 : i32
      %dma_start3A_851 = arith.constant 0 : i32
      %dma_start3A_852 = tpu.memref_slice %arg13[%dma_start3A_849, %dma_start3A_850, %dma_start3A_851] : memref<32x126x16xf32, #tpu.memory_space<vmem>> -> memref<1x1x16xf32, #tpu.memory_space<vmem>>
      %dma_start3A_853 = tpu.memref_squeeze %dma_start3A_852 : memref<1x1x16xf32, #tpu.memory_space<vmem>> -> memref<1x16xf32, #tpu.memory_space<vmem>>
      %dma_start3A_854 = arith.constant 344 : i32
      %dma_start3A_855 = tpu.memref_slice %arg10[%dma_start3A_854] : memref<512xi32, #tpu.memory_space<vmem>> -> memref<1xi32, #tpu.memory_space<vmem>>
      %dma_start3A_856 = arith.constant 0 : i32
      %dma_start3A_857 = arith.constant 0 : i32
      %dma_start3A_858 = tpu.memref_slice %arg4[%dma_start3A_856, %dma_start3A_857] : memref<101x16xf32, #tpu.memory_space<hbm>> -> memref<101x16xf32, #tpu.memory_space<hbm>>
      tpu.enqueue_indirect_dma source(%dma_start3A_858 : memref<101x16xf32, #tpu.memory_space<hbm>>) target(%dma_start3A_853 : memref<1x16xf32, #tpu.memory_space<vmem>>) offsets(%dma_start3A_855 : memref<1xi32, #tpu.memory_space<vmem>>) semaphore(%arg14 : memref<!tpu.dma_semaphore, #tpu.memory_space<semaphore_mem>>)
      %dma_start3A_859 = arith.constant 22 : i32
      %dma_start3A_860 = arith.constant 0 : i32
      %dma_start3A_861 = arith.constant 0 : i32
      %dma_start3A_862 = tpu.memref_slice %arg13[%dma_start3A_859, %dma_start3A_860, %dma_start3A_861] : memref<32x126x16xf32, #tpu.memory_space<vmem>> -> memref<1x4x16xf32, #tpu.memory_space<vmem>>
      %dma_start3A_863 = tpu.memref_squeeze %dma_start3A_862 : memref<1x4x16xf32, #tpu.memory_space<vmem>> -> memref<4x16xf32, #tpu.memory_space<vmem>>
      %dma_start3A_864 = arith.constant 352 : i32
      %dma_start3A_865 = tpu.memref_slice %arg10[%dma_start3A_864] : memref<512xi32, #tpu.memory_space<vmem>> -> memref<4xi32, #tpu.memory_space<vmem>>
      %dma_start3A_866 = arith.constant 0 : i32
      %dma_start3A_867 = arith.constant 0 : i32
      %dma_start3A_868 = tpu.memref_slice %arg2[%dma_start3A_866, %dma_start3A_867] : memref<200000x16xf32, #tpu.memory_space<hbm>> -> memref<200000x16xf32, #tpu.memory_space<hbm>>
      tpu.enqueue_indirect_dma source(%dma_start3A_868 : memref<200000x16xf32, #tpu.memory_space<hbm>>) target(%dma_start3A_863 : memref<4x16xf32, #tpu.memory_space<vmem>>) offsets(%dma_start3A_865 : memref<4xi32, #tpu.memory_space<vmem>>) semaphore(%arg14 : memref<!tpu.dma_semaphore, #tpu.memory_space<semaphore_mem>>)
      %dma_start3A_869 = arith.constant 22 : i32
      %dma_start3A_870 = arith.constant 22 : i32
      %dma_start3A_871 = arith.constant 4 : i32
      %dma_start3A_872 = arith.constant 0 : i32
      %dma_start3A_873 = tpu.memref_slice %arg13[%dma_start3A_870, %dma_start3A_871, %dma_start3A_872] : memref<32x126x16xf32, #tpu.memory_space<vmem>> -> memref<1x121x16xf32, #tpu.memory_space<vmem>>
      %dma_start3A_874 = tpu.memref_squeeze %dma_start3A_873 : memref<1x121x16xf32, #tpu.memory_space<vmem>> -> memref<121x16xf32, #tpu.memory_space<vmem>>
      %dma_start3A_875 = arith.constant 0 : i32
      %dma_start3A_876 = tpu.memref_slice %arg9[%dma_start3A_869, %dma_start3A_875] : memref<32x121xi32, #tpu.memory_space<vmem>> -> memref<1x121xi32, #tpu.memory_space<vmem>>
      %dma_start3A_877 = tpu.memref_squeeze %dma_start3A_876 : memref<1x121xi32, #tpu.memory_space<vmem>> -> memref<121xi32, #tpu.memory_space<vmem>>
      %dma_start3A_878 = arith.constant 0 : i32
      %dma_start3A_879 = arith.constant 0 : i32
      %dma_start3A_880 = tpu.memref_slice %arg3[%dma_start3A_878, %dma_start3A_879] : memref<1000x16xf32, #tpu.memory_space<hbm>> -> memref<1000x16xf32, #tpu.memory_space<hbm>>
      tpu.enqueue_indirect_dma source(%dma_start3A_880 : memref<1000x16xf32, #tpu.memory_space<hbm>>) target(%dma_start3A_874 : memref<121x16xf32, #tpu.memory_space<vmem>>) offsets(%dma_start3A_877 : memref<121xi32, #tpu.memory_space<vmem>>) semaphore(%arg14 : memref<!tpu.dma_semaphore, #tpu.memory_space<semaphore_mem>>)
      %dma_start3A_881 = arith.constant 22 : i32
      %dma_start3A_882 = arith.constant 125 : i32
      %dma_start3A_883 = arith.constant 0 : i32
      %dma_start3A_884 = tpu.memref_slice %arg13[%dma_start3A_881, %dma_start3A_882, %dma_start3A_883] : memref<32x126x16xf32, #tpu.memory_space<vmem>> -> memref<1x1x16xf32, #tpu.memory_space<vmem>>
      %dma_start3A_885 = tpu.memref_squeeze %dma_start3A_884 : memref<1x1x16xf32, #tpu.memory_space<vmem>> -> memref<1x16xf32, #tpu.memory_space<vmem>>
      %dma_start3A_886 = arith.constant 360 : i32
      %dma_start3A_887 = tpu.memref_slice %arg10[%dma_start3A_886] : memref<512xi32, #tpu.memory_space<vmem>> -> memref<1xi32, #tpu.memory_space<vmem>>
      %dma_start3A_888 = arith.constant 0 : i32
      %dma_start3A_889 = arith.constant 0 : i32
      %dma_start3A_890 = tpu.memref_slice %arg4[%dma_start3A_888, %dma_start3A_889] : memref<101x16xf32, #tpu.memory_space<hbm>> -> memref<101x16xf32, #tpu.memory_space<hbm>>
      tpu.enqueue_indirect_dma source(%dma_start3A_890 : memref<101x16xf32, #tpu.memory_space<hbm>>) target(%dma_start3A_885 : memref<1x16xf32, #tpu.memory_space<vmem>>) offsets(%dma_start3A_887 : memref<1xi32, #tpu.memory_space<vmem>>) semaphore(%arg14 : memref<!tpu.dma_semaphore, #tpu.memory_space<semaphore_mem>>)
      %dma_start3A_891 = arith.constant 23 : i32
      %dma_start3A_892 = arith.constant 0 : i32
      %dma_start3A_893 = arith.constant 0 : i32
      %dma_start3A_894 = tpu.memref_slice %arg13[%dma_start3A_891, %dma_start3A_892, %dma_start3A_893] : memref<32x126x16xf32, #tpu.memory_space<vmem>> -> memref<1x4x16xf32, #tpu.memory_space<vmem>>
      %dma_start3A_895 = tpu.memref_squeeze %dma_start3A_894 : memref<1x4x16xf32, #tpu.memory_space<vmem>> -> memref<4x16xf32, #tpu.memory_space<vmem>>
      %dma_start3A_896 = arith.constant 368 : i32
      %dma_start3A_897 = tpu.memref_slice %arg10[%dma_start3A_896] : memref<512xi32, #tpu.memory_space<vmem>> -> memref<4xi32, #tpu.memory_space<vmem>>
      %dma_start3A_898 = arith.constant 0 : i32
      %dma_start3A_899 = arith.constant 0 : i32
      %dma_start3A_900 = tpu.memref_slice %arg2[%dma_start3A_898, %dma_start3A_899] : memref<200000x16xf32, #tpu.memory_space<hbm>> -> memref<200000x16xf32, #tpu.memory_space<hbm>>
      tpu.enqueue_indirect_dma source(%dma_start3A_900 : memref<200000x16xf32, #tpu.memory_space<hbm>>) target(%dma_start3A_895 : memref<4x16xf32, #tpu.memory_space<vmem>>) offsets(%dma_start3A_897 : memref<4xi32, #tpu.memory_space<vmem>>) semaphore(%arg14 : memref<!tpu.dma_semaphore, #tpu.memory_space<semaphore_mem>>)
      %dma_start3A_901 = arith.constant 23 : i32
      %dma_start3A_902 = arith.constant 23 : i32
      %dma_start3A_903 = arith.constant 4 : i32
      %dma_start3A_904 = arith.constant 0 : i32
      %dma_start3A_905 = tpu.memref_slice %arg13[%dma_start3A_902, %dma_start3A_903, %dma_start3A_904] : memref<32x126x16xf32, #tpu.memory_space<vmem>> -> memref<1x121x16xf32, #tpu.memory_space<vmem>>
      %dma_start3A_906 = tpu.memref_squeeze %dma_start3A_905 : memref<1x121x16xf32, #tpu.memory_space<vmem>> -> memref<121x16xf32, #tpu.memory_space<vmem>>
      %dma_start3A_907 = arith.constant 0 : i32
      %dma_start3A_908 = tpu.memref_slice %arg9[%dma_start3A_901, %dma_start3A_907] : memref<32x121xi32, #tpu.memory_space<vmem>> -> memref<1x121xi32, #tpu.memory_space<vmem>>
      %dma_start3A_909 = tpu.memref_squeeze %dma_start3A_908 : memref<1x121xi32, #tpu.memory_space<vmem>> -> memref<121xi32, #tpu.memory_space<vmem>>
      %dma_start3A_910 = arith.constant 0 : i32
      %dma_start3A_911 = arith.constant 0 : i32
      %dma_start3A_912 = tpu.memref_slice %arg3[%dma_start3A_910, %dma_start3A_911] : memref<1000x16xf32, #tpu.memory_space<hbm>> -> memref<1000x16xf32, #tpu.memory_space<hbm>>
      tpu.enqueue_indirect_dma source(%dma_start3A_912 : memref<1000x16xf32, #tpu.memory_space<hbm>>) target(%dma_start3A_906 : memref<121x16xf32, #tpu.memory_space<vmem>>) offsets(%dma_start3A_909 : memref<121xi32, #tpu.memory_space<vmem>>) semaphore(%arg14 : memref<!tpu.dma_semaphore, #tpu.memory_space<semaphore_mem>>)
      %dma_start3A_913 = arith.constant 23 : i32
      %dma_start3A_914 = arith.constant 125 : i32
      %dma_start3A_915 = arith.constant 0 : i32
      %dma_start3A_916 = tpu.memref_slice %arg13[%dma_start3A_913, %dma_start3A_914, %dma_start3A_915] : memref<32x126x16xf32, #tpu.memory_space<vmem>> -> memref<1x1x16xf32, #tpu.memory_space<vmem>>
      %dma_start3A_917 = tpu.memref_squeeze %dma_start3A_916 : memref<1x1x16xf32, #tpu.memory_space<vmem>> -> memref<1x16xf32, #tpu.memory_space<vmem>>
      %dma_start3A_918 = arith.constant 376 : i32
      %dma_start3A_919 = tpu.memref_slice %arg10[%dma_start3A_918] : memref<512xi32, #tpu.memory_space<vmem>> -> memref<1xi32, #tpu.memory_space<vmem>>
      %dma_start3A_920 = arith.constant 0 : i32
      %dma_start3A_921 = arith.constant 0 : i32
      %dma_start3A_922 = tpu.memref_slice %arg4[%dma_start3A_920, %dma_start3A_921] : memref<101x16xf32, #tpu.memory_space<hbm>> -> memref<101x16xf32, #tpu.memory_space<hbm>>
      tpu.enqueue_indirect_dma source(%dma_start3A_922 : memref<101x16xf32, #tpu.memory_space<hbm>>) target(%dma_start3A_917 : memref<1x16xf32, #tpu.memory_space<vmem>>) offsets(%dma_start3A_919 : memref<1xi32, #tpu.memory_space<vmem>>) semaphore(%arg14 : memref<!tpu.dma_semaphore, #tpu.memory_space<semaphore_mem>>)
      %dma_start3A_923 = arith.constant 24 : i32
      %dma_start3A_924 = arith.constant 0 : i32
      %dma_start3A_925 = arith.constant 0 : i32
      %dma_start3A_926 = tpu.memref_slice %arg13[%dma_start3A_923, %dma_start3A_924, %dma_start3A_925] : memref<32x126x16xf32, #tpu.memory_space<vmem>> -> memref<1x4x16xf32, #tpu.memory_space<vmem>>
      %dma_start3A_927 = tpu.memref_squeeze %dma_start3A_926 : memref<1x4x16xf32, #tpu.memory_space<vmem>> -> memref<4x16xf32, #tpu.memory_space<vmem>>
      %dma_start3A_928 = arith.constant 384 : i32
      %dma_start3A_929 = tpu.memref_slice %arg10[%dma_start3A_928] : memref<512xi32, #tpu.memory_space<vmem>> -> memref<4xi32, #tpu.memory_space<vmem>>
      %dma_start3A_930 = arith.constant 0 : i32
      %dma_start3A_931 = arith.constant 0 : i32
      %dma_start3A_932 = tpu.memref_slice %arg2[%dma_start3A_930, %dma_start3A_931] : memref<200000x16xf32, #tpu.memory_space<hbm>> -> memref<200000x16xf32, #tpu.memory_space<hbm>>
      tpu.enqueue_indirect_dma source(%dma_start3A_932 : memref<200000x16xf32, #tpu.memory_space<hbm>>) target(%dma_start3A_927 : memref<4x16xf32, #tpu.memory_space<vmem>>) offsets(%dma_start3A_929 : memref<4xi32, #tpu.memory_space<vmem>>) semaphore(%arg14 : memref<!tpu.dma_semaphore, #tpu.memory_space<semaphore_mem>>)
      %dma_start3A_933 = arith.constant 24 : i32
      %dma_start3A_934 = arith.constant 24 : i32
      %dma_start3A_935 = arith.constant 4 : i32
      %dma_start3A_936 = arith.constant 0 : i32
      %dma_start3A_937 = tpu.memref_slice %arg13[%dma_start3A_934, %dma_start3A_935, %dma_start3A_936] : memref<32x126x16xf32, #tpu.memory_space<vmem>> -> memref<1x121x16xf32, #tpu.memory_space<vmem>>
      %dma_start3A_938 = tpu.memref_squeeze %dma_start3A_937 : memref<1x121x16xf32, #tpu.memory_space<vmem>> -> memref<121x16xf32, #tpu.memory_space<vmem>>
      %dma_start3A_939 = arith.constant 0 : i32
      %dma_start3A_940 = tpu.memref_slice %arg9[%dma_start3A_933, %dma_start3A_939] : memref<32x121xi32, #tpu.memory_space<vmem>> -> memref<1x121xi32, #tpu.memory_space<vmem>>
      %dma_start3A_941 = tpu.memref_squeeze %dma_start3A_940 : memref<1x121xi32, #tpu.memory_space<vmem>> -> memref<121xi32, #tpu.memory_space<vmem>>
      %dma_start3A_942 = arith.constant 0 : i32
      %dma_start3A_943 = arith.constant 0 : i32
      %dma_start3A_944 = tpu.memref_slice %arg3[%dma_start3A_942, %dma_start3A_943] : memref<1000x16xf32, #tpu.memory_space<hbm>> -> memref<1000x16xf32, #tpu.memory_space<hbm>>
      tpu.enqueue_indirect_dma source(%dma_start3A_944 : memref<1000x16xf32, #tpu.memory_space<hbm>>) target(%dma_start3A_938 : memref<121x16xf32, #tpu.memory_space<vmem>>) offsets(%dma_start3A_941 : memref<121xi32, #tpu.memory_space<vmem>>) semaphore(%arg14 : memref<!tpu.dma_semaphore, #tpu.memory_space<semaphore_mem>>)
      %dma_start3A_945 = arith.constant 24 : i32
      %dma_start3A_946 = arith.constant 125 : i32
      %dma_start3A_947 = arith.constant 0 : i32
      %dma_start3A_948 = tpu.memref_slice %arg13[%dma_start3A_945, %dma_start3A_946, %dma_start3A_947] : memref<32x126x16xf32, #tpu.memory_space<vmem>> -> memref<1x1x16xf32, #tpu.memory_space<vmem>>
      %dma_start3A_949 = tpu.memref_squeeze %dma_start3A_948 : memref<1x1x16xf32, #tpu.memory_space<vmem>> -> memref<1x16xf32, #tpu.memory_space<vmem>>
      %dma_start3A_950 = arith.constant 392 : i32
      %dma_start3A_951 = tpu.memref_slice %arg10[%dma_start3A_950] : memref<512xi32, #tpu.memory_space<vmem>> -> memref<1xi32, #tpu.memory_space<vmem>>
      %dma_start3A_952 = arith.constant 0 : i32
      %dma_start3A_953 = arith.constant 0 : i32
      %dma_start3A_954 = tpu.memref_slice %arg4[%dma_start3A_952, %dma_start3A_953] : memref<101x16xf32, #tpu.memory_space<hbm>> -> memref<101x16xf32, #tpu.memory_space<hbm>>
      tpu.enqueue_indirect_dma source(%dma_start3A_954 : memref<101x16xf32, #tpu.memory_space<hbm>>) target(%dma_start3A_949 : memref<1x16xf32, #tpu.memory_space<vmem>>) offsets(%dma_start3A_951 : memref<1xi32, #tpu.memory_space<vmem>>) semaphore(%arg14 : memref<!tpu.dma_semaphore, #tpu.memory_space<semaphore_mem>>)
      %dma_start3A_955 = arith.constant 25 : i32
      %dma_start3A_956 = arith.constant 0 : i32
      %dma_start3A_957 = arith.constant 0 : i32
      %dma_start3A_958 = tpu.memref_slice %arg13[%dma_start3A_955, %dma_start3A_956, %dma_start3A_957] : memref<32x126x16xf32, #tpu.memory_space<vmem>> -> memref<1x4x16xf32, #tpu.memory_space<vmem>>
      %dma_start3A_959 = tpu.memref_squeeze %dma_start3A_958 : memref<1x4x16xf32, #tpu.memory_space<vmem>> -> memref<4x16xf32, #tpu.memory_space<vmem>>
      %dma_start3A_960 = arith.constant 400 : i32
      %dma_start3A_961 = tpu.memref_slice %arg10[%dma_start3A_960] : memref<512xi32, #tpu.memory_space<vmem>> -> memref<4xi32, #tpu.memory_space<vmem>>
      %dma_start3A_962 = arith.constant 0 : i32
      %dma_start3A_963 = arith.constant 0 : i32
      %dma_start3A_964 = tpu.memref_slice %arg2[%dma_start3A_962, %dma_start3A_963] : memref<200000x16xf32, #tpu.memory_space<hbm>> -> memref<200000x16xf32, #tpu.memory_space<hbm>>
      tpu.enqueue_indirect_dma source(%dma_start3A_964 : memref<200000x16xf32, #tpu.memory_space<hbm>>) target(%dma_start3A_959 : memref<4x16xf32, #tpu.memory_space<vmem>>) offsets(%dma_start3A_961 : memref<4xi32, #tpu.memory_space<vmem>>) semaphore(%arg14 : memref<!tpu.dma_semaphore, #tpu.memory_space<semaphore_mem>>)
      %dma_start3A_965 = arith.constant 25 : i32
      %dma_start3A_966 = arith.constant 25 : i32
      %dma_start3A_967 = arith.constant 4 : i32
      %dma_start3A_968 = arith.constant 0 : i32
      %dma_start3A_969 = tpu.memref_slice %arg13[%dma_start3A_966, %dma_start3A_967, %dma_start3A_968] : memref<32x126x16xf32, #tpu.memory_space<vmem>> -> memref<1x121x16xf32, #tpu.memory_space<vmem>>
      %dma_start3A_970 = tpu.memref_squeeze %dma_start3A_969 : memref<1x121x16xf32, #tpu.memory_space<vmem>> -> memref<121x16xf32, #tpu.memory_space<vmem>>
      %dma_start3A_971 = arith.constant 0 : i32
      %dma_start3A_972 = tpu.memref_slice %arg9[%dma_start3A_965, %dma_start3A_971] : memref<32x121xi32, #tpu.memory_space<vmem>> -> memref<1x121xi32, #tpu.memory_space<vmem>>
      %dma_start3A_973 = tpu.memref_squeeze %dma_start3A_972 : memref<1x121xi32, #tpu.memory_space<vmem>> -> memref<121xi32, #tpu.memory_space<vmem>>
      %dma_start3A_974 = arith.constant 0 : i32
      %dma_start3A_975 = arith.constant 0 : i32
      %dma_start3A_976 = tpu.memref_slice %arg3[%dma_start3A_974, %dma_start3A_975] : memref<1000x16xf32, #tpu.memory_space<hbm>> -> memref<1000x16xf32, #tpu.memory_space<hbm>>
      tpu.enqueue_indirect_dma source(%dma_start3A_976 : memref<1000x16xf32, #tpu.memory_space<hbm>>) target(%dma_start3A_970 : memref<121x16xf32, #tpu.memory_space<vmem>>) offsets(%dma_start3A_973 : memref<121xi32, #tpu.memory_space<vmem>>) semaphore(%arg14 : memref<!tpu.dma_semaphore, #tpu.memory_space<semaphore_mem>>)
      %dma_start3A_977 = arith.constant 25 : i32
      %dma_start3A_978 = arith.constant 125 : i32
      %dma_start3A_979 = arith.constant 0 : i32
      %dma_start3A_980 = tpu.memref_slice %arg13[%dma_start3A_977, %dma_start3A_978, %dma_start3A_979] : memref<32x126x16xf32, #tpu.memory_space<vmem>> -> memref<1x1x16xf32, #tpu.memory_space<vmem>>
      %dma_start3A_981 = tpu.memref_squeeze %dma_start3A_980 : memref<1x1x16xf32, #tpu.memory_space<vmem>> -> memref<1x16xf32, #tpu.memory_space<vmem>>
      %dma_start3A_982 = arith.constant 408 : i32
      %dma_start3A_983 = tpu.memref_slice %arg10[%dma_start3A_982] : memref<512xi32, #tpu.memory_space<vmem>> -> memref<1xi32, #tpu.memory_space<vmem>>
      %dma_start3A_984 = arith.constant 0 : i32
      %dma_start3A_985 = arith.constant 0 : i32
      %dma_start3A_986 = tpu.memref_slice %arg4[%dma_start3A_984, %dma_start3A_985] : memref<101x16xf32, #tpu.memory_space<hbm>> -> memref<101x16xf32, #tpu.memory_space<hbm>>
      tpu.enqueue_indirect_dma source(%dma_start3A_986 : memref<101x16xf32, #tpu.memory_space<hbm>>) target(%dma_start3A_981 : memref<1x16xf32, #tpu.memory_space<vmem>>) offsets(%dma_start3A_983 : memref<1xi32, #tpu.memory_space<vmem>>) semaphore(%arg14 : memref<!tpu.dma_semaphore, #tpu.memory_space<semaphore_mem>>)
      %dma_start3A_987 = arith.constant 26 : i32
      %dma_start3A_988 = arith.constant 0 : i32
      %dma_start3A_989 = arith.constant 0 : i32
      %dma_start3A_990 = tpu.memref_slice %arg13[%dma_start3A_987, %dma_start3A_988, %dma_start3A_989] : memref<32x126x16xf32, #tpu.memory_space<vmem>> -> memref<1x4x16xf32, #tpu.memory_space<vmem>>
      %dma_start3A_991 = tpu.memref_squeeze %dma_start3A_990 : memref<1x4x16xf32, #tpu.memory_space<vmem>> -> memref<4x16xf32, #tpu.memory_space<vmem>>
      %dma_start3A_992 = arith.constant 416 : i32
      %dma_start3A_993 = tpu.memref_slice %arg10[%dma_start3A_992] : memref<512xi32, #tpu.memory_space<vmem>> -> memref<4xi32, #tpu.memory_space<vmem>>
      %dma_start3A_994 = arith.constant 0 : i32
      %dma_start3A_995 = arith.constant 0 : i32
      %dma_start3A_996 = tpu.memref_slice %arg2[%dma_start3A_994, %dma_start3A_995] : memref<200000x16xf32, #tpu.memory_space<hbm>> -> memref<200000x16xf32, #tpu.memory_space<hbm>>
      tpu.enqueue_indirect_dma source(%dma_start3A_996 : memref<200000x16xf32, #tpu.memory_space<hbm>>) target(%dma_start3A_991 : memref<4x16xf32, #tpu.memory_space<vmem>>) offsets(%dma_start3A_993 : memref<4xi32, #tpu.memory_space<vmem>>) semaphore(%arg14 : memref<!tpu.dma_semaphore, #tpu.memory_space<semaphore_mem>>)
      %dma_start3A_997 = arith.constant 26 : i32
      %dma_start3A_998 = arith.constant 26 : i32
      %dma_start3A_999 = arith.constant 4 : i32
      %dma_start3A_1000 = arith.constant 0 : i32
      %dma_start3A_1001 = tpu.memref_slice %arg13[%dma_start3A_998, %dma_start3A_999, %dma_start3A_1000] : memref<32x126x16xf32, #tpu.memory_space<vmem>> -> memref<1x121x16xf32, #tpu.memory_space<vmem>>
      %dma_start3A_1002 = tpu.memref_squeeze %dma_start3A_1001 : memref<1x121x16xf32, #tpu.memory_space<vmem>> -> memref<121x16xf32, #tpu.memory_space<vmem>>
      %dma_start3A_1003 = arith.constant 0 : i32
      %dma_start3A_1004 = tpu.memref_slice %arg9[%dma_start3A_997, %dma_start3A_1003] : memref<32x121xi32, #tpu.memory_space<vmem>> -> memref<1x121xi32, #tpu.memory_space<vmem>>
      %dma_start3A_1005 = tpu.memref_squeeze %dma_start3A_1004 : memref<1x121xi32, #tpu.memory_space<vmem>> -> memref<121xi32, #tpu.memory_space<vmem>>
      %dma_start3A_1006 = arith.constant 0 : i32
      %dma_start3A_1007 = arith.constant 0 : i32
      %dma_start3A_1008 = tpu.memref_slice %arg3[%dma_start3A_1006, %dma_start3A_1007] : memref<1000x16xf32, #tpu.memory_space<hbm>> -> memref<1000x16xf32, #tpu.memory_space<hbm>>
      tpu.enqueue_indirect_dma source(%dma_start3A_1008 : memref<1000x16xf32, #tpu.memory_space<hbm>>) target(%dma_start3A_1002 : memref<121x16xf32, #tpu.memory_space<vmem>>) offsets(%dma_start3A_1005 : memref<121xi32, #tpu.memory_space<vmem>>) semaphore(%arg14 : memref<!tpu.dma_semaphore, #tpu.memory_space<semaphore_mem>>)
      %dma_start3A_1009 = arith.constant 26 : i32
      %dma_start3A_1010 = arith.constant 125 : i32
      %dma_start3A_1011 = arith.constant 0 : i32
      %dma_start3A_1012 = tpu.memref_slice %arg13[%dma_start3A_1009, %dma_start3A_1010, %dma_start3A_1011] : memref<32x126x16xf32, #tpu.memory_space<vmem>> -> memref<1x1x16xf32, #tpu.memory_space<vmem>>
      %dma_start3A_1013 = tpu.memref_squeeze %dma_start3A_1012 : memref<1x1x16xf32, #tpu.memory_space<vmem>> -> memref<1x16xf32, #tpu.memory_space<vmem>>
      %dma_start3A_1014 = arith.constant 424 : i32
      %dma_start3A_1015 = tpu.memref_slice %arg10[%dma_start3A_1014] : memref<512xi32, #tpu.memory_space<vmem>> -> memref<1xi32, #tpu.memory_space<vmem>>
      %dma_start3A_1016 = arith.constant 0 : i32
      %dma_start3A_1017 = arith.constant 0 : i32
      %dma_start3A_1018 = tpu.memref_slice %arg4[%dma_start3A_1016, %dma_start3A_1017] : memref<101x16xf32, #tpu.memory_space<hbm>> -> memref<101x16xf32, #tpu.memory_space<hbm>>
      tpu.enqueue_indirect_dma source(%dma_start3A_1018 : memref<101x16xf32, #tpu.memory_space<hbm>>) target(%dma_start3A_1013 : memref<1x16xf32, #tpu.memory_space<vmem>>) offsets(%dma_start3A_1015 : memref<1xi32, #tpu.memory_space<vmem>>) semaphore(%arg14 : memref<!tpu.dma_semaphore, #tpu.memory_space<semaphore_mem>>)
      %dma_start3A_1019 = arith.constant 27 : i32
      %dma_start3A_1020 = arith.constant 0 : i32
      %dma_start3A_1021 = arith.constant 0 : i32
      %dma_start3A_1022 = tpu.memref_slice %arg13[%dma_start3A_1019, %dma_start3A_1020, %dma_start3A_1021] : memref<32x126x16xf32, #tpu.memory_space<vmem>> -> memref<1x4x16xf32, #tpu.memory_space<vmem>>
      %dma_start3A_1023 = tpu.memref_squeeze %dma_start3A_1022 : memref<1x4x16xf32, #tpu.memory_space<vmem>> -> memref<4x16xf32, #tpu.memory_space<vmem>>
      %dma_start3A_1024 = arith.constant 432 : i32
      %dma_start3A_1025 = tpu.memref_slice %arg10[%dma_start3A_1024] : memref<512xi32, #tpu.memory_space<vmem>> -> memref<4xi32, #tpu.memory_space<vmem>>
      %dma_start3A_1026 = arith.constant 0 : i32
      %dma_start3A_1027 = arith.constant 0 : i32
      %dma_start3A_1028 = tpu.memref_slice %arg2[%dma_start3A_1026, %dma_start3A_1027] : memref<200000x16xf32, #tpu.memory_space<hbm>> -> memref<200000x16xf32, #tpu.memory_space<hbm>>
      tpu.enqueue_indirect_dma source(%dma_start3A_1028 : memref<200000x16xf32, #tpu.memory_space<hbm>>) target(%dma_start3A_1023 : memref<4x16xf32, #tpu.memory_space<vmem>>) offsets(%dma_start3A_1025 : memref<4xi32, #tpu.memory_space<vmem>>) semaphore(%arg14 : memref<!tpu.dma_semaphore, #tpu.memory_space<semaphore_mem>>)
      %dma_start3A_1029 = arith.constant 27 : i32
      %dma_start3A_1030 = arith.constant 27 : i32
      %dma_start3A_1031 = arith.constant 4 : i32
      %dma_start3A_1032 = arith.constant 0 : i32
      %dma_start3A_1033 = tpu.memref_slice %arg13[%dma_start3A_1030, %dma_start3A_1031, %dma_start3A_1032] : memref<32x126x16xf32, #tpu.memory_space<vmem>> -> memref<1x121x16xf32, #tpu.memory_space<vmem>>
      %dma_start3A_1034 = tpu.memref_squeeze %dma_start3A_1033 : memref<1x121x16xf32, #tpu.memory_space<vmem>> -> memref<121x16xf32, #tpu.memory_space<vmem>>
      %dma_start3A_1035 = arith.constant 0 : i32
      %dma_start3A_1036 = tpu.memref_slice %arg9[%dma_start3A_1029, %dma_start3A_1035] : memref<32x121xi32, #tpu.memory_space<vmem>> -> memref<1x121xi32, #tpu.memory_space<vmem>>
      %dma_start3A_1037 = tpu.memref_squeeze %dma_start3A_1036 : memref<1x121xi32, #tpu.memory_space<vmem>> -> memref<121xi32, #tpu.memory_space<vmem>>
      %dma_start3A_1038 = arith.constant 0 : i32
      %dma_start3A_1039 = arith.constant 0 : i32
      %dma_start3A_1040 = tpu.memref_slice %arg3[%dma_start3A_1038, %dma_start3A_1039] : memref<1000x16xf32, #tpu.memory_space<hbm>> -> memref<1000x16xf32, #tpu.memory_space<hbm>>
      tpu.enqueue_indirect_dma source(%dma_start3A_1040 : memref<1000x16xf32, #tpu.memory_space<hbm>>) target(%dma_start3A_1034 : memref<121x16xf32, #tpu.memory_space<vmem>>) offsets(%dma_start3A_1037 : memref<121xi32, #tpu.memory_space<vmem>>) semaphore(%arg14 : memref<!tpu.dma_semaphore, #tpu.memory_space<semaphore_mem>>)
      %dma_start3A_1041 = arith.constant 27 : i32
      %dma_start3A_1042 = arith.constant 125 : i32
      %dma_start3A_1043 = arith.constant 0 : i32
      %dma_start3A_1044 = tpu.memref_slice %arg13[%dma_start3A_1041, %dma_start3A_1042, %dma_start3A_1043] : memref<32x126x16xf32, #tpu.memory_space<vmem>> -> memref<1x1x16xf32, #tpu.memory_space<vmem>>
      %dma_start3A_1045 = tpu.memref_squeeze %dma_start3A_1044 : memref<1x1x16xf32, #tpu.memory_space<vmem>> -> memref<1x16xf32, #tpu.memory_space<vmem>>
      %dma_start3A_1046 = arith.constant 440 : i32
      %dma_start3A_1047 = tpu.memref_slice %arg10[%dma_start3A_1046] : memref<512xi32, #tpu.memory_space<vmem>> -> memref<1xi32, #tpu.memory_space<vmem>>
      %dma_start3A_1048 = arith.constant 0 : i32
      %dma_start3A_1049 = arith.constant 0 : i32
      %dma_start3A_1050 = tpu.memref_slice %arg4[%dma_start3A_1048, %dma_start3A_1049] : memref<101x16xf32, #tpu.memory_space<hbm>> -> memref<101x16xf32, #tpu.memory_space<hbm>>
      tpu.enqueue_indirect_dma source(%dma_start3A_1050 : memref<101x16xf32, #tpu.memory_space<hbm>>) target(%dma_start3A_1045 : memref<1x16xf32, #tpu.memory_space<vmem>>) offsets(%dma_start3A_1047 : memref<1xi32, #tpu.memory_space<vmem>>) semaphore(%arg14 : memref<!tpu.dma_semaphore, #tpu.memory_space<semaphore_mem>>)
      %dma_start3A_1051 = arith.constant 28 : i32
      %dma_start3A_1052 = arith.constant 0 : i32
      %dma_start3A_1053 = arith.constant 0 : i32
      %dma_start3A_1054 = tpu.memref_slice %arg13[%dma_start3A_1051, %dma_start3A_1052, %dma_start3A_1053] : memref<32x126x16xf32, #tpu.memory_space<vmem>> -> memref<1x4x16xf32, #tpu.memory_space<vmem>>
      %dma_start3A_1055 = tpu.memref_squeeze %dma_start3A_1054 : memref<1x4x16xf32, #tpu.memory_space<vmem>> -> memref<4x16xf32, #tpu.memory_space<vmem>>
      %dma_start3A_1056 = arith.constant 448 : i32
      %dma_start3A_1057 = tpu.memref_slice %arg10[%dma_start3A_1056] : memref<512xi32, #tpu.memory_space<vmem>> -> memref<4xi32, #tpu.memory_space<vmem>>
      %dma_start3A_1058 = arith.constant 0 : i32
      %dma_start3A_1059 = arith.constant 0 : i32
      %dma_start3A_1060 = tpu.memref_slice %arg2[%dma_start3A_1058, %dma_start3A_1059] : memref<200000x16xf32, #tpu.memory_space<hbm>> -> memref<200000x16xf32, #tpu.memory_space<hbm>>
      tpu.enqueue_indirect_dma source(%dma_start3A_1060 : memref<200000x16xf32, #tpu.memory_space<hbm>>) target(%dma_start3A_1055 : memref<4x16xf32, #tpu.memory_space<vmem>>) offsets(%dma_start3A_1057 : memref<4xi32, #tpu.memory_space<vmem>>) semaphore(%arg14 : memref<!tpu.dma_semaphore, #tpu.memory_space<semaphore_mem>>)
      %dma_start3A_1061 = arith.constant 28 : i32
      %dma_start3A_1062 = arith.constant 28 : i32
      %dma_start3A_1063 = arith.constant 4 : i32
      %dma_start3A_1064 = arith.constant 0 : i32
      %dma_start3A_1065 = tpu.memref_slice %arg13[%dma_start3A_1062, %dma_start3A_1063, %dma_start3A_1064] : memref<32x126x16xf32, #tpu.memory_space<vmem>> -> memref<1x121x16xf32, #tpu.memory_space<vmem>>
      %dma_start3A_1066 = tpu.memref_squeeze %dma_start3A_1065 : memref<1x121x16xf32, #tpu.memory_space<vmem>> -> memref<121x16xf32, #tpu.memory_space<vmem>>
      %dma_start3A_1067 = arith.constant 0 : i32
      %dma_start3A_1068 = tpu.memref_slice %arg9[%dma_start3A_1061, %dma_start3A_1067] : memref<32x121xi32, #tpu.memory_space<vmem>> -> memref<1x121xi32, #tpu.memory_space<vmem>>
      %dma_start3A_1069 = tpu.memref_squeeze %dma_start3A_1068 : memref<1x121xi32, #tpu.memory_space<vmem>> -> memref<121xi32, #tpu.memory_space<vmem>>
      %dma_start3A_1070 = arith.constant 0 : i32
      %dma_start3A_1071 = arith.constant 0 : i32
      %dma_start3A_1072 = tpu.memref_slice %arg3[%dma_start3A_1070, %dma_start3A_1071] : memref<1000x16xf32, #tpu.memory_space<hbm>> -> memref<1000x16xf32, #tpu.memory_space<hbm>>
      tpu.enqueue_indirect_dma source(%dma_start3A_1072 : memref<1000x16xf32, #tpu.memory_space<hbm>>) target(%dma_start3A_1066 : memref<121x16xf32, #tpu.memory_space<vmem>>) offsets(%dma_start3A_1069 : memref<121xi32, #tpu.memory_space<vmem>>) semaphore(%arg14 : memref<!tpu.dma_semaphore, #tpu.memory_space<semaphore_mem>>)
      %dma_start3A_1073 = arith.constant 28 : i32
      %dma_start3A_1074 = arith.constant 125 : i32
      %dma_start3A_1075 = arith.constant 0 : i32
      %dma_start3A_1076 = tpu.memref_slice %arg13[%dma_start3A_1073, %dma_start3A_1074, %dma_start3A_1075] : memref<32x126x16xf32, #tpu.memory_space<vmem>> -> memref<1x1x16xf32, #tpu.memory_space<vmem>>
      %dma_start3A_1077 = tpu.memref_squeeze %dma_start3A_1076 : memref<1x1x16xf32, #tpu.memory_space<vmem>> -> memref<1x16xf32, #tpu.memory_space<vmem>>
      %dma_start3A_1078 = arith.constant 456 : i32
      %dma_start3A_1079 = tpu.memref_slice %arg10[%dma_start3A_1078] : memref<512xi32, #tpu.memory_space<vmem>> -> memref<1xi32, #tpu.memory_space<vmem>>
      %dma_start3A_1080 = arith.constant 0 : i32
      %dma_start3A_1081 = arith.constant 0 : i32
      %dma_start3A_1082 = tpu.memref_slice %arg4[%dma_start3A_1080, %dma_start3A_1081] : memref<101x16xf32, #tpu.memory_space<hbm>> -> memref<101x16xf32, #tpu.memory_space<hbm>>
      tpu.enqueue_indirect_dma source(%dma_start3A_1082 : memref<101x16xf32, #tpu.memory_space<hbm>>) target(%dma_start3A_1077 : memref<1x16xf32, #tpu.memory_space<vmem>>) offsets(%dma_start3A_1079 : memref<1xi32, #tpu.memory_space<vmem>>) semaphore(%arg14 : memref<!tpu.dma_semaphore, #tpu.memory_space<semaphore_mem>>)
      %dma_start3A_1083 = arith.constant 29 : i32
      %dma_start3A_1084 = arith.constant 0 : i32
      %dma_start3A_1085 = arith.constant 0 : i32
      %dma_start3A_1086 = tpu.memref_slice %arg13[%dma_start3A_1083, %dma_start3A_1084, %dma_start3A_1085] : memref<32x126x16xf32, #tpu.memory_space<vmem>> -> memref<1x4x16xf32, #tpu.memory_space<vmem>>
      %dma_start3A_1087 = tpu.memref_squeeze %dma_start3A_1086 : memref<1x4x16xf32, #tpu.memory_space<vmem>> -> memref<4x16xf32, #tpu.memory_space<vmem>>
      %dma_start3A_1088 = arith.constant 464 : i32
      %dma_start3A_1089 = tpu.memref_slice %arg10[%dma_start3A_1088] : memref<512xi32, #tpu.memory_space<vmem>> -> memref<4xi32, #tpu.memory_space<vmem>>
      %dma_start3A_1090 = arith.constant 0 : i32
      %dma_start3A_1091 = arith.constant 0 : i32
      %dma_start3A_1092 = tpu.memref_slice %arg2[%dma_start3A_1090, %dma_start3A_1091] : memref<200000x16xf32, #tpu.memory_space<hbm>> -> memref<200000x16xf32, #tpu.memory_space<hbm>>
      tpu.enqueue_indirect_dma source(%dma_start3A_1092 : memref<200000x16xf32, #tpu.memory_space<hbm>>) target(%dma_start3A_1087 : memref<4x16xf32, #tpu.memory_space<vmem>>) offsets(%dma_start3A_1089 : memref<4xi32, #tpu.memory_space<vmem>>) semaphore(%arg14 : memref<!tpu.dma_semaphore, #tpu.memory_space<semaphore_mem>>)
      %dma_start3A_1093 = arith.constant 29 : i32
      %dma_start3A_1094 = arith.constant 29 : i32
      %dma_start3A_1095 = arith.constant 4 : i32
      %dma_start3A_1096 = arith.constant 0 : i32
      %dma_start3A_1097 = tpu.memref_slice %arg13[%dma_start3A_1094, %dma_start3A_1095, %dma_start3A_1096] : memref<32x126x16xf32, #tpu.memory_space<vmem>> -> memref<1x121x16xf32, #tpu.memory_space<vmem>>
      %dma_start3A_1098 = tpu.memref_squeeze %dma_start3A_1097 : memref<1x121x16xf32, #tpu.memory_space<vmem>> -> memref<121x16xf32, #tpu.memory_space<vmem>>
      %dma_start3A_1099 = arith.constant 0 : i32
      %dma_start3A_1100 = tpu.memref_slice %arg9[%dma_start3A_1093, %dma_start3A_1099] : memref<32x121xi32, #tpu.memory_space<vmem>> -> memref<1x121xi32, #tpu.memory_space<vmem>>
      %dma_start3A_1101 = tpu.memref_squeeze %dma_start3A_1100 : memref<1x121xi32, #tpu.memory_space<vmem>> -> memref<121xi32, #tpu.memory_space<vmem>>
      %dma_start3A_1102 = arith.constant 0 : i32
      %dma_start3A_1103 = arith.constant 0 : i32
      %dma_start3A_1104 = tpu.memref_slice %arg3[%dma_start3A_1102, %dma_start3A_1103] : memref<1000x16xf32, #tpu.memory_space<hbm>> -> memref<1000x16xf32, #tpu.memory_space<hbm>>
      tpu.enqueue_indirect_dma source(%dma_start3A_1104 : memref<1000x16xf32, #tpu.memory_space<hbm>>) target(%dma_start3A_1098 : memref<121x16xf32, #tpu.memory_space<vmem>>) offsets(%dma_start3A_1101 : memref<121xi32, #tpu.memory_space<vmem>>) semaphore(%arg14 : memref<!tpu.dma_semaphore, #tpu.memory_space<semaphore_mem>>)
      %dma_start3A_1105 = arith.constant 29 : i32
      %dma_start3A_1106 = arith.constant 125 : i32
      %dma_start3A_1107 = arith.constant 0 : i32
      %dma_start3A_1108 = tpu.memref_slice %arg13[%dma_start3A_1105, %dma_start3A_1106, %dma_start3A_1107] : memref<32x126x16xf32, #tpu.memory_space<vmem>> -> memref<1x1x16xf32, #tpu.memory_space<vmem>>
      %dma_start3A_1109 = tpu.memref_squeeze %dma_start3A_1108 : memref<1x1x16xf32, #tpu.memory_space<vmem>> -> memref<1x16xf32, #tpu.memory_space<vmem>>
      %dma_start3A_1110 = arith.constant 472 : i32
      %dma_start3A_1111 = tpu.memref_slice %arg10[%dma_start3A_1110] : memref<512xi32, #tpu.memory_space<vmem>> -> memref<1xi32, #tpu.memory_space<vmem>>
      %dma_start3A_1112 = arith.constant 0 : i32
      %dma_start3A_1113 = arith.constant 0 : i32
      %dma_start3A_1114 = tpu.memref_slice %arg4[%dma_start3A_1112, %dma_start3A_1113] : memref<101x16xf32, #tpu.memory_space<hbm>> -> memref<101x16xf32, #tpu.memory_space<hbm>>
      tpu.enqueue_indirect_dma source(%dma_start3A_1114 : memref<101x16xf32, #tpu.memory_space<hbm>>) target(%dma_start3A_1109 : memref<1x16xf32, #tpu.memory_space<vmem>>) offsets(%dma_start3A_1111 : memref<1xi32, #tpu.memory_space<vmem>>) semaphore(%arg14 : memref<!tpu.dma_semaphore, #tpu.memory_space<semaphore_mem>>)
      %dma_start3A_1115 = arith.constant 30 : i32
      %dma_start3A_1116 = arith.constant 0 : i32
      %dma_start3A_1117 = arith.constant 0 : i32
      %dma_start3A_1118 = tpu.memref_slice %arg13[%dma_start3A_1115, %dma_start3A_1116, %dma_start3A_1117] : memref<32x126x16xf32, #tpu.memory_space<vmem>> -> memref<1x4x16xf32, #tpu.memory_space<vmem>>
      %dma_start3A_1119 = tpu.memref_squeeze %dma_start3A_1118 : memref<1x4x16xf32, #tpu.memory_space<vmem>> -> memref<4x16xf32, #tpu.memory_space<vmem>>
      %dma_start3A_1120 = arith.constant 480 : i32
      %dma_start3A_1121 = tpu.memref_slice %arg10[%dma_start3A_1120] : memref<512xi32, #tpu.memory_space<vmem>> -> memref<4xi32, #tpu.memory_space<vmem>>
      %dma_start3A_1122 = arith.constant 0 : i32
      %dma_start3A_1123 = arith.constant 0 : i32
      %dma_start3A_1124 = tpu.memref_slice %arg2[%dma_start3A_1122, %dma_start3A_1123] : memref<200000x16xf32, #tpu.memory_space<hbm>> -> memref<200000x16xf32, #tpu.memory_space<hbm>>
      tpu.enqueue_indirect_dma source(%dma_start3A_1124 : memref<200000x16xf32, #tpu.memory_space<hbm>>) target(%dma_start3A_1119 : memref<4x16xf32, #tpu.memory_space<vmem>>) offsets(%dma_start3A_1121 : memref<4xi32, #tpu.memory_space<vmem>>) semaphore(%arg14 : memref<!tpu.dma_semaphore, #tpu.memory_space<semaphore_mem>>)
      %dma_start3A_1125 = arith.constant 30 : i32
      %dma_start3A_1126 = arith.constant 30 : i32
      %dma_start3A_1127 = arith.constant 4 : i32
      %dma_start3A_1128 = arith.constant 0 : i32
      %dma_start3A_1129 = tpu.memref_slice %arg13[%dma_start3A_1126, %dma_start3A_1127, %dma_start3A_1128] : memref<32x126x16xf32, #tpu.memory_space<vmem>> -> memref<1x121x16xf32, #tpu.memory_space<vmem>>
      %dma_start3A_1130 = tpu.memref_squeeze %dma_start3A_1129 : memref<1x121x16xf32, #tpu.memory_space<vmem>> -> memref<121x16xf32, #tpu.memory_space<vmem>>
      %dma_start3A_1131 = arith.constant 0 : i32
      %dma_start3A_1132 = tpu.memref_slice %arg9[%dma_start3A_1125, %dma_start3A_1131] : memref<32x121xi32, #tpu.memory_space<vmem>> -> memref<1x121xi32, #tpu.memory_space<vmem>>
      %dma_start3A_1133 = tpu.memref_squeeze %dma_start3A_1132 : memref<1x121xi32, #tpu.memory_space<vmem>> -> memref<121xi32, #tpu.memory_space<vmem>>
      %dma_start3A_1134 = arith.constant 0 : i32
      %dma_start3A_1135 = arith.constant 0 : i32
      %dma_start3A_1136 = tpu.memref_slice %arg3[%dma_start3A_1134, %dma_start3A_1135] : memref<1000x16xf32, #tpu.memory_space<hbm>> -> memref<1000x16xf32, #tpu.memory_space<hbm>>
      tpu.enqueue_indirect_dma source(%dma_start3A_1136 : memref<1000x16xf32, #tpu.memory_space<hbm>>) target(%dma_start3A_1130 : memref<121x16xf32, #tpu.memory_space<vmem>>) offsets(%dma_start3A_1133 : memref<121xi32, #tpu.memory_space<vmem>>) semaphore(%arg14 : memref<!tpu.dma_semaphore, #tpu.memory_space<semaphore_mem>>)
      %dma_start3A_1137 = arith.constant 30 : i32
      %dma_start3A_1138 = arith.constant 125 : i32
      %dma_start3A_1139 = arith.constant 0 : i32
      %dma_start3A_1140 = tpu.memref_slice %arg13[%dma_start3A_1137, %dma_start3A_1138, %dma_start3A_1139] : memref<32x126x16xf32, #tpu.memory_space<vmem>> -> memref<1x1x16xf32, #tpu.memory_space<vmem>>
      %dma_start3A_1141 = tpu.memref_squeeze %dma_start3A_1140 : memref<1x1x16xf32, #tpu.memory_space<vmem>> -> memref<1x16xf32, #tpu.memory_space<vmem>>
      %dma_start3A_1142 = arith.constant 488 : i32
      %dma_start3A_1143 = tpu.memref_slice %arg10[%dma_start3A_1142] : memref<512xi32, #tpu.memory_space<vmem>> -> memref<1xi32, #tpu.memory_space<vmem>>
      %dma_start3A_1144 = arith.constant 0 : i32
      %dma_start3A_1145 = arith.constant 0 : i32
      %dma_start3A_1146 = tpu.memref_slice %arg4[%dma_start3A_1144, %dma_start3A_1145] : memref<101x16xf32, #tpu.memory_space<hbm>> -> memref<101x16xf32, #tpu.memory_space<hbm>>
      tpu.enqueue_indirect_dma source(%dma_start3A_1146 : memref<101x16xf32, #tpu.memory_space<hbm>>) target(%dma_start3A_1141 : memref<1x16xf32, #tpu.memory_space<vmem>>) offsets(%dma_start3A_1143 : memref<1xi32, #tpu.memory_space<vmem>>) semaphore(%arg14 : memref<!tpu.dma_semaphore, #tpu.memory_space<semaphore_mem>>)
      %dma_start3A_1147 = arith.constant 31 : i32
      %dma_start3A_1148 = arith.constant 0 : i32
      %dma_start3A_1149 = arith.constant 0 : i32
      %dma_start3A_1150 = tpu.memref_slice %arg13[%dma_start3A_1147, %dma_start3A_1148, %dma_start3A_1149] : memref<32x126x16xf32, #tpu.memory_space<vmem>> -> memref<1x4x16xf32, #tpu.memory_space<vmem>>
      %dma_start3A_1151 = tpu.memref_squeeze %dma_start3A_1150 : memref<1x4x16xf32, #tpu.memory_space<vmem>> -> memref<4x16xf32, #tpu.memory_space<vmem>>
      %dma_start3A_1152 = arith.constant 496 : i32
      %dma_start3A_1153 = tpu.memref_slice %arg10[%dma_start3A_1152] : memref<512xi32, #tpu.memory_space<vmem>> -> memref<4xi32, #tpu.memory_space<vmem>>
      %dma_start3A_1154 = arith.constant 0 : i32
      %dma_start3A_1155 = arith.constant 0 : i32
      %dma_start3A_1156 = tpu.memref_slice %arg2[%dma_start3A_1154, %dma_start3A_1155] : memref<200000x16xf32, #tpu.memory_space<hbm>> -> memref<200000x16xf32, #tpu.memory_space<hbm>>
      tpu.enqueue_indirect_dma source(%dma_start3A_1156 : memref<200000x16xf32, #tpu.memory_space<hbm>>) target(%dma_start3A_1151 : memref<4x16xf32, #tpu.memory_space<vmem>>) offsets(%dma_start3A_1153 : memref<4xi32, #tpu.memory_space<vmem>>) semaphore(%arg14 : memref<!tpu.dma_semaphore, #tpu.memory_space<semaphore_mem>>)
      %dma_start3A_1157 = arith.constant 31 : i32
      %dma_start3A_1158 = arith.constant 31 : i32
      %dma_start3A_1159 = arith.constant 4 : i32
      %dma_start3A_1160 = arith.constant 0 : i32
      %dma_start3A_1161 = tpu.memref_slice %arg13[%dma_start3A_1158, %dma_start3A_1159, %dma_start3A_1160] : memref<32x126x16xf32, #tpu.memory_space<vmem>> -> memref<1x121x16xf32, #tpu.memory_space<vmem>>
      %dma_start3A_1162 = tpu.memref_squeeze %dma_start3A_1161 : memref<1x121x16xf32, #tpu.memory_space<vmem>> -> memref<121x16xf32, #tpu.memory_space<vmem>>
      %dma_start3A_1163 = arith.constant 0 : i32
      %dma_start3A_1164 = tpu.memref_slice %arg9[%dma_start3A_1157, %dma_start3A_1163] : memref<32x121xi32, #tpu.memory_space<vmem>> -> memref<1x121xi32, #tpu.memory_space<vmem>>
      %dma_start3A_1165 = tpu.memref_squeeze %dma_start3A_1164 : memref<1x121xi32, #tpu.memory_space<vmem>> -> memref<121xi32, #tpu.memory_space<vmem>>
      %dma_start3A_1166 = arith.constant 0 : i32
      %dma_start3A_1167 = arith.constant 0 : i32
      %dma_start3A_1168 = tpu.memref_slice %arg3[%dma_start3A_1166, %dma_start3A_1167] : memref<1000x16xf32, #tpu.memory_space<hbm>> -> memref<1000x16xf32, #tpu.memory_space<hbm>>
      tpu.enqueue_indirect_dma source(%dma_start3A_1168 : memref<1000x16xf32, #tpu.memory_space<hbm>>) target(%dma_start3A_1162 : memref<121x16xf32, #tpu.memory_space<vmem>>) offsets(%dma_start3A_1165 : memref<121xi32, #tpu.memory_space<vmem>>) semaphore(%arg14 : memref<!tpu.dma_semaphore, #tpu.memory_space<semaphore_mem>>)
      %dma_start3A_1169 = arith.constant 31 : i32
      %dma_start3A_1170 = arith.constant 125 : i32
      %dma_start3A_1171 = arith.constant 0 : i32
      %dma_start3A_1172 = tpu.memref_slice %arg13[%dma_start3A_1169, %dma_start3A_1170, %dma_start3A_1171] : memref<32x126x16xf32, #tpu.memory_space<vmem>> -> memref<1x1x16xf32, #tpu.memory_space<vmem>>
      %dma_start3A_1173 = tpu.memref_squeeze %dma_start3A_1172 : memref<1x1x16xf32, #tpu.memory_space<vmem>> -> memref<1x16xf32, #tpu.memory_space<vmem>>
      %dma_start3A_1174 = arith.constant 504 : i32
      %dma_start3A_1175 = tpu.memref_slice %arg10[%dma_start3A_1174] : memref<512xi32, #tpu.memory_space<vmem>> -> memref<1xi32, #tpu.memory_space<vmem>>
      %dma_start3A_1176 = arith.constant 0 : i32
      %dma_start3A_1177 = arith.constant 0 : i32
      %dma_start3A_1178 = tpu.memref_slice %arg4[%dma_start3A_1176, %dma_start3A_1177] : memref<101x16xf32, #tpu.memory_space<hbm>> -> memref<101x16xf32, #tpu.memory_space<hbm>>
      tpu.enqueue_indirect_dma source(%dma_start3A_1178 : memref<101x16xf32, #tpu.memory_space<hbm>>) target(%dma_start3A_1173 : memref<1x16xf32, #tpu.memory_space<vmem>>) offsets(%dma_start3A_1175 : memref<1xi32, #tpu.memory_space<vmem>>) semaphore(%arg14 : memref<!tpu.dma_semaphore, #tpu.memory_space<semaphore_mem>>)
      %dma_wait3A = arith.constant 0 : i32
      %dma_wait3A_1179 = arith.constant 0 : i32
      %dma_wait3A_1180 = arith.constant 0 : i32
      %dma_wait3A_1181 = tpu.memref_slice %arg13[%dma_wait3A, %dma_wait3A_1179, %dma_wait3A_1180] : memref<32x126x16xf32, #tpu.memory_space<vmem>> -> memref<1x4x16xf32, #tpu.memory_space<vmem>>
      %dma_wait3A_1182 = tpu.memref_squeeze %dma_wait3A_1181 : memref<1x4x16xf32, #tpu.memory_space<vmem>> -> memref<4x16xf32, #tpu.memory_space<vmem>>
      %dma_wait3A_1183 = arith.constant 0 : i32
      %dma_wait3A_1184 = tpu.memref_slice %arg10[%dma_wait3A_1183] : memref<512xi32, #tpu.memory_space<vmem>> -> memref<4xi32, #tpu.memory_space<vmem>>
      %dma_wait3A_1185 = arith.constant 0 : i32
      %dma_wait3A_1186 = arith.constant 0 : i32
      %dma_wait3A_1187 = tpu.memref_slice %arg2[%dma_wait3A_1185, %dma_wait3A_1186] : memref<200000x16xf32, #tpu.memory_space<hbm>> -> memref<200000x16xf32, #tpu.memory_space<hbm>>
      tpu.wait_indirect_dma semaphore(%arg14 : memref<!tpu.dma_semaphore, #tpu.memory_space<semaphore_mem>>) src(%dma_wait3A_1187 : memref<200000x16xf32, #tpu.memory_space<hbm>>) dst(%dma_wait3A_1182 : memref<4x16xf32, #tpu.memory_space<vmem>>)
      %dma_wait3A_1188 = arith.constant 0 : i32
      %dma_wait3A_1189 = arith.constant 0 : i32
      %dma_wait3A_1190 = arith.constant 4 : i32
      %dma_wait3A_1191 = arith.constant 0 : i32
      %dma_wait3A_1192 = tpu.memref_slice %arg13[%dma_wait3A_1189, %dma_wait3A_1190, %dma_wait3A_1191] : memref<32x126x16xf32, #tpu.memory_space<vmem>> -> memref<1x121x16xf32, #tpu.memory_space<vmem>>
      %dma_wait3A_1193 = tpu.memref_squeeze %dma_wait3A_1192 : memref<1x121x16xf32, #tpu.memory_space<vmem>> -> memref<121x16xf32, #tpu.memory_space<vmem>>
      %dma_wait3A_1194 = arith.constant 0 : i32
      %dma_wait3A_1195 = tpu.memref_slice %arg9[%dma_wait3A_1188, %dma_wait3A_1194] : memref<32x121xi32, #tpu.memory_space<vmem>> -> memref<1x121xi32, #tpu.memory_space<vmem>>
      %dma_wait3A_1196 = tpu.memref_squeeze %dma_wait3A_1195 : memref<1x121xi32, #tpu.memory_space<vmem>> -> memref<121xi32, #tpu.memory_space<vmem>>
      %dma_wait3A_1197 = arith.constant 0 : i32
      %dma_wait3A_1198 = arith.constant 0 : i32
      %dma_wait3A_1199 = tpu.memref_slice %arg3[%dma_wait3A_1197, %dma_wait3A_1198] : memref<1000x16xf32, #tpu.memory_space<hbm>> -> memref<1000x16xf32, #tpu.memory_space<hbm>>
      tpu.wait_indirect_dma semaphore(%arg14 : memref<!tpu.dma_semaphore, #tpu.memory_space<semaphore_mem>>) src(%dma_wait3A_1199 : memref<1000x16xf32, #tpu.memory_space<hbm>>) dst(%dma_wait3A_1193 : memref<121x16xf32, #tpu.memory_space<vmem>>)
      %dma_wait3A_1200 = arith.constant 0 : i32
      %dma_wait3A_1201 = arith.constant 125 : i32
      %dma_wait3A_1202 = arith.constant 0 : i32
      %dma_wait3A_1203 = tpu.memref_slice %arg13[%dma_wait3A_1200, %dma_wait3A_1201, %dma_wait3A_1202] : memref<32x126x16xf32, #tpu.memory_space<vmem>> -> memref<1x1x16xf32, #tpu.memory_space<vmem>>
      %dma_wait3A_1204 = tpu.memref_squeeze %dma_wait3A_1203 : memref<1x1x16xf32, #tpu.memory_space<vmem>> -> memref<1x16xf32, #tpu.memory_space<vmem>>
      %dma_wait3A_1205 = arith.constant 8 : i32
      %dma_wait3A_1206 = tpu.memref_slice %arg10[%dma_wait3A_1205] : memref<512xi32, #tpu.memory_space<vmem>> -> memref<1xi32, #tpu.memory_space<vmem>>
      %dma_wait3A_1207 = arith.constant 0 : i32
      %dma_wait3A_1208 = arith.constant 0 : i32
      %dma_wait3A_1209 = tpu.memref_slice %arg4[%dma_wait3A_1207, %dma_wait3A_1208] : memref<101x16xf32, #tpu.memory_space<hbm>> -> memref<101x16xf32, #tpu.memory_space<hbm>>
      tpu.wait_indirect_dma semaphore(%arg14 : memref<!tpu.dma_semaphore, #tpu.memory_space<semaphore_mem>>) src(%dma_wait3A_1209 : memref<101x16xf32, #tpu.memory_space<hbm>>) dst(%dma_wait3A_1204 : memref<1x16xf32, #tpu.memory_space<vmem>>)
      %dma_wait3A_1210 = arith.constant 1 : i32
      %dma_wait3A_1211 = arith.constant 0 : i32
      %dma_wait3A_1212 = arith.constant 0 : i32
      %dma_wait3A_1213 = tpu.memref_slice %arg13[%dma_wait3A_1210, %dma_wait3A_1211, %dma_wait3A_1212] : memref<32x126x16xf32, #tpu.memory_space<vmem>> -> memref<1x4x16xf32, #tpu.memory_space<vmem>>
      %dma_wait3A_1214 = tpu.memref_squeeze %dma_wait3A_1213 : memref<1x4x16xf32, #tpu.memory_space<vmem>> -> memref<4x16xf32, #tpu.memory_space<vmem>>
      %dma_wait3A_1215 = arith.constant 16 : i32
      %dma_wait3A_1216 = tpu.memref_slice %arg10[%dma_wait3A_1215] : memref<512xi32, #tpu.memory_space<vmem>> -> memref<4xi32, #tpu.memory_space<vmem>>
      %dma_wait3A_1217 = arith.constant 0 : i32
      %dma_wait3A_1218 = arith.constant 0 : i32
      %dma_wait3A_1219 = tpu.memref_slice %arg2[%dma_wait3A_1217, %dma_wait3A_1218] : memref<200000x16xf32, #tpu.memory_space<hbm>> -> memref<200000x16xf32, #tpu.memory_space<hbm>>
      tpu.wait_indirect_dma semaphore(%arg14 : memref<!tpu.dma_semaphore, #tpu.memory_space<semaphore_mem>>) src(%dma_wait3A_1219 : memref<200000x16xf32, #tpu.memory_space<hbm>>) dst(%dma_wait3A_1214 : memref<4x16xf32, #tpu.memory_space<vmem>>)
      %dma_wait3A_1220 = arith.constant 1 : i32
      %dma_wait3A_1221 = arith.constant 1 : i32
      %dma_wait3A_1222 = arith.constant 4 : i32
      %dma_wait3A_1223 = arith.constant 0 : i32
      %dma_wait3A_1224 = tpu.memref_slice %arg13[%dma_wait3A_1221, %dma_wait3A_1222, %dma_wait3A_1223] : memref<32x126x16xf32, #tpu.memory_space<vmem>> -> memref<1x121x16xf32, #tpu.memory_space<vmem>>
      %dma_wait3A_1225 = tpu.memref_squeeze %dma_wait3A_1224 : memref<1x121x16xf32, #tpu.memory_space<vmem>> -> memref<121x16xf32, #tpu.memory_space<vmem>>
      %dma_wait3A_1226 = arith.constant 0 : i32
      %dma_wait3A_1227 = tpu.memref_slice %arg9[%dma_wait3A_1220, %dma_wait3A_1226] : memref<32x121xi32, #tpu.memory_space<vmem>> -> memref<1x121xi32, #tpu.memory_space<vmem>>
      %dma_wait3A_1228 = tpu.memref_squeeze %dma_wait3A_1227 : memref<1x121xi32, #tpu.memory_space<vmem>> -> memref<121xi32, #tpu.memory_space<vmem>>
      %dma_wait3A_1229 = arith.constant 0 : i32
      %dma_wait3A_1230 = arith.constant 0 : i32
      %dma_wait3A_1231 = tpu.memref_slice %arg3[%dma_wait3A_1229, %dma_wait3A_1230] : memref<1000x16xf32, #tpu.memory_space<hbm>> -> memref<1000x16xf32, #tpu.memory_space<hbm>>
      tpu.wait_indirect_dma semaphore(%arg14 : memref<!tpu.dma_semaphore, #tpu.memory_space<semaphore_mem>>) src(%dma_wait3A_1231 : memref<1000x16xf32, #tpu.memory_space<hbm>>) dst(%dma_wait3A_1225 : memref<121x16xf32, #tpu.memory_space<vmem>>)
      %dma_wait3A_1232 = arith.constant 1 : i32
      %dma_wait3A_1233 = arith.constant 125 : i32
      %dma_wait3A_1234 = arith.constant 0 : i32
      %dma_wait3A_1235 = tpu.memref_slice %arg13[%dma_wait3A_1232, %dma_wait3A_1233, %dma_wait3A_1234] : memref<32x126x16xf32, #tpu.memory_space<vmem>> -> memref<1x1x16xf32, #tpu.memory_space<vmem>>
      %dma_wait3A_1236 = tpu.memref_squeeze %dma_wait3A_1235 : memref<1x1x16xf32, #tpu.memory_space<vmem>> -> memref<1x16xf32, #tpu.memory_space<vmem>>
      %dma_wait3A_1237 = arith.constant 24 : i32
      %dma_wait3A_1238 = tpu.memref_slice %arg10[%dma_wait3A_1237] : memref<512xi32, #tpu.memory_space<vmem>> -> memref<1xi32, #tpu.memory_space<vmem>>
      %dma_wait3A_1239 = arith.constant 0 : i32
      %dma_wait3A_1240 = arith.constant 0 : i32
      %dma_wait3A_1241 = tpu.memref_slice %arg4[%dma_wait3A_1239, %dma_wait3A_1240] : memref<101x16xf32, #tpu.memory_space<hbm>> -> memref<101x16xf32, #tpu.memory_space<hbm>>
      tpu.wait_indirect_dma semaphore(%arg14 : memref<!tpu.dma_semaphore, #tpu.memory_space<semaphore_mem>>) src(%dma_wait3A_1241 : memref<101x16xf32, #tpu.memory_space<hbm>>) dst(%dma_wait3A_1236 : memref<1x16xf32, #tpu.memory_space<vmem>>)
      %dma_wait3A_1242 = arith.constant 2 : i32
      %dma_wait3A_1243 = arith.constant 0 : i32
      %dma_wait3A_1244 = arith.constant 0 : i32
      %dma_wait3A_1245 = tpu.memref_slice %arg13[%dma_wait3A_1242, %dma_wait3A_1243, %dma_wait3A_1244] : memref<32x126x16xf32, #tpu.memory_space<vmem>> -> memref<1x4x16xf32, #tpu.memory_space<vmem>>
      %dma_wait3A_1246 = tpu.memref_squeeze %dma_wait3A_1245 : memref<1x4x16xf32, #tpu.memory_space<vmem>> -> memref<4x16xf32, #tpu.memory_space<vmem>>
      %dma_wait3A_1247 = arith.constant 32 : i32
      %dma_wait3A_1248 = tpu.memref_slice %arg10[%dma_wait3A_1247] : memref<512xi32, #tpu.memory_space<vmem>> -> memref<4xi32, #tpu.memory_space<vmem>>
      %dma_wait3A_1249 = arith.constant 0 : i32
      %dma_wait3A_1250 = arith.constant 0 : i32
      %dma_wait3A_1251 = tpu.memref_slice %arg2[%dma_wait3A_1249, %dma_wait3A_1250] : memref<200000x16xf32, #tpu.memory_space<hbm>> -> memref<200000x16xf32, #tpu.memory_space<hbm>>
      tpu.wait_indirect_dma semaphore(%arg14 : memref<!tpu.dma_semaphore, #tpu.memory_space<semaphore_mem>>) src(%dma_wait3A_1251 : memref<200000x16xf32, #tpu.memory_space<hbm>>) dst(%dma_wait3A_1246 : memref<4x16xf32, #tpu.memory_space<vmem>>)
      %dma_wait3A_1252 = arith.constant 2 : i32
      %dma_wait3A_1253 = arith.constant 2 : i32
      %dma_wait3A_1254 = arith.constant 4 : i32
      %dma_wait3A_1255 = arith.constant 0 : i32
      %dma_wait3A_1256 = tpu.memref_slice %arg13[%dma_wait3A_1253, %dma_wait3A_1254, %dma_wait3A_1255] : memref<32x126x16xf32, #tpu.memory_space<vmem>> -> memref<1x121x16xf32, #tpu.memory_space<vmem>>
      %dma_wait3A_1257 = tpu.memref_squeeze %dma_wait3A_1256 : memref<1x121x16xf32, #tpu.memory_space<vmem>> -> memref<121x16xf32, #tpu.memory_space<vmem>>
      %dma_wait3A_1258 = arith.constant 0 : i32
      %dma_wait3A_1259 = tpu.memref_slice %arg9[%dma_wait3A_1252, %dma_wait3A_1258] : memref<32x121xi32, #tpu.memory_space<vmem>> -> memref<1x121xi32, #tpu.memory_space<vmem>>
      %dma_wait3A_1260 = tpu.memref_squeeze %dma_wait3A_1259 : memref<1x121xi32, #tpu.memory_space<vmem>> -> memref<121xi32, #tpu.memory_space<vmem>>
      %dma_wait3A_1261 = arith.constant 0 : i32
      %dma_wait3A_1262 = arith.constant 0 : i32
      %dma_wait3A_1263 = tpu.memref_slice %arg3[%dma_wait3A_1261, %dma_wait3A_1262] : memref<1000x16xf32, #tpu.memory_space<hbm>> -> memref<1000x16xf32, #tpu.memory_space<hbm>>
      tpu.wait_indirect_dma semaphore(%arg14 : memref<!tpu.dma_semaphore, #tpu.memory_space<semaphore_mem>>) src(%dma_wait3A_1263 : memref<1000x16xf32, #tpu.memory_space<hbm>>) dst(%dma_wait3A_1257 : memref<121x16xf32, #tpu.memory_space<vmem>>)
      %dma_wait3A_1264 = arith.constant 2 : i32
      %dma_wait3A_1265 = arith.constant 125 : i32
      %dma_wait3A_1266 = arith.constant 0 : i32
      %dma_wait3A_1267 = tpu.memref_slice %arg13[%dma_wait3A_1264, %dma_wait3A_1265, %dma_wait3A_1266] : memref<32x126x16xf32, #tpu.memory_space<vmem>> -> memref<1x1x16xf32, #tpu.memory_space<vmem>>
      %dma_wait3A_1268 = tpu.memref_squeeze %dma_wait3A_1267 : memref<1x1x16xf32, #tpu.memory_space<vmem>> -> memref<1x16xf32, #tpu.memory_space<vmem>>
      %dma_wait3A_1269 = arith.constant 40 : i32
      %dma_wait3A_1270 = tpu.memref_slice %arg10[%dma_wait3A_1269] : memref<512xi32, #tpu.memory_space<vmem>> -> memref<1xi32, #tpu.memory_space<vmem>>
      %dma_wait3A_1271 = arith.constant 0 : i32
      %dma_wait3A_1272 = arith.constant 0 : i32
      %dma_wait3A_1273 = tpu.memref_slice %arg4[%dma_wait3A_1271, %dma_wait3A_1272] : memref<101x16xf32, #tpu.memory_space<hbm>> -> memref<101x16xf32, #tpu.memory_space<hbm>>
      tpu.wait_indirect_dma semaphore(%arg14 : memref<!tpu.dma_semaphore, #tpu.memory_space<semaphore_mem>>) src(%dma_wait3A_1273 : memref<101x16xf32, #tpu.memory_space<hbm>>) dst(%dma_wait3A_1268 : memref<1x16xf32, #tpu.memory_space<vmem>>)
      %dma_wait3A_1274 = arith.constant 3 : i32
      %dma_wait3A_1275 = arith.constant 0 : i32
      %dma_wait3A_1276 = arith.constant 0 : i32
      %dma_wait3A_1277 = tpu.memref_slice %arg13[%dma_wait3A_1274, %dma_wait3A_1275, %dma_wait3A_1276] : memref<32x126x16xf32, #tpu.memory_space<vmem>> -> memref<1x4x16xf32, #tpu.memory_space<vmem>>
      %dma_wait3A_1278 = tpu.memref_squeeze %dma_wait3A_1277 : memref<1x4x16xf32, #tpu.memory_space<vmem>> -> memref<4x16xf32, #tpu.memory_space<vmem>>
      %dma_wait3A_1279 = arith.constant 48 : i32
      %dma_wait3A_1280 = tpu.memref_slice %arg10[%dma_wait3A_1279] : memref<512xi32, #tpu.memory_space<vmem>> -> memref<4xi32, #tpu.memory_space<vmem>>
      %dma_wait3A_1281 = arith.constant 0 : i32
      %dma_wait3A_1282 = arith.constant 0 : i32
      %dma_wait3A_1283 = tpu.memref_slice %arg2[%dma_wait3A_1281, %dma_wait3A_1282] : memref<200000x16xf32, #tpu.memory_space<hbm>> -> memref<200000x16xf32, #tpu.memory_space<hbm>>
      tpu.wait_indirect_dma semaphore(%arg14 : memref<!tpu.dma_semaphore, #tpu.memory_space<semaphore_mem>>) src(%dma_wait3A_1283 : memref<200000x16xf32, #tpu.memory_space<hbm>>) dst(%dma_wait3A_1278 : memref<4x16xf32, #tpu.memory_space<vmem>>)
      %dma_wait3A_1284 = arith.constant 3 : i32
      %dma_wait3A_1285 = arith.constant 3 : i32
      %dma_wait3A_1286 = arith.constant 4 : i32
      %dma_wait3A_1287 = arith.constant 0 : i32
      %dma_wait3A_1288 = tpu.memref_slice %arg13[%dma_wait3A_1285, %dma_wait3A_1286, %dma_wait3A_1287] : memref<32x126x16xf32, #tpu.memory_space<vmem>> -> memref<1x121x16xf32, #tpu.memory_space<vmem>>
      %dma_wait3A_1289 = tpu.memref_squeeze %dma_wait3A_1288 : memref<1x121x16xf32, #tpu.memory_space<vmem>> -> memref<121x16xf32, #tpu.memory_space<vmem>>
      %dma_wait3A_1290 = arith.constant 0 : i32
      %dma_wait3A_1291 = tpu.memref_slice %arg9[%dma_wait3A_1284, %dma_wait3A_1290] : memref<32x121xi32, #tpu.memory_space<vmem>> -> memref<1x121xi32, #tpu.memory_space<vmem>>
      %dma_wait3A_1292 = tpu.memref_squeeze %dma_wait3A_1291 : memref<1x121xi32, #tpu.memory_space<vmem>> -> memref<121xi32, #tpu.memory_space<vmem>>
      %dma_wait3A_1293 = arith.constant 0 : i32
      %dma_wait3A_1294 = arith.constant 0 : i32
      %dma_wait3A_1295 = tpu.memref_slice %arg3[%dma_wait3A_1293, %dma_wait3A_1294] : memref<1000x16xf32, #tpu.memory_space<hbm>> -> memref<1000x16xf32, #tpu.memory_space<hbm>>
      tpu.wait_indirect_dma semaphore(%arg14 : memref<!tpu.dma_semaphore, #tpu.memory_space<semaphore_mem>>) src(%dma_wait3A_1295 : memref<1000x16xf32, #tpu.memory_space<hbm>>) dst(%dma_wait3A_1289 : memref<121x16xf32, #tpu.memory_space<vmem>>)
      %dma_wait3A_1296 = arith.constant 3 : i32
      %dma_wait3A_1297 = arith.constant 125 : i32
      %dma_wait3A_1298 = arith.constant 0 : i32
      %dma_wait3A_1299 = tpu.memref_slice %arg13[%dma_wait3A_1296, %dma_wait3A_1297, %dma_wait3A_1298] : memref<32x126x16xf32, #tpu.memory_space<vmem>> -> memref<1x1x16xf32, #tpu.memory_space<vmem>>
      %dma_wait3A_1300 = tpu.memref_squeeze %dma_wait3A_1299 : memref<1x1x16xf32, #tpu.memory_space<vmem>> -> memref<1x16xf32, #tpu.memory_space<vmem>>
      %dma_wait3A_1301 = arith.constant 56 : i32
      %dma_wait3A_1302 = tpu.memref_slice %arg10[%dma_wait3A_1301] : memref<512xi32, #tpu.memory_space<vmem>> -> memref<1xi32, #tpu.memory_space<vmem>>
      %dma_wait3A_1303 = arith.constant 0 : i32
      %dma_wait3A_1304 = arith.constant 0 : i32
      %dma_wait3A_1305 = tpu.memref_slice %arg4[%dma_wait3A_1303, %dma_wait3A_1304] : memref<101x16xf32, #tpu.memory_space<hbm>> -> memref<101x16xf32, #tpu.memory_space<hbm>>
      tpu.wait_indirect_dma semaphore(%arg14 : memref<!tpu.dma_semaphore, #tpu.memory_space<semaphore_mem>>) src(%dma_wait3A_1305 : memref<101x16xf32, #tpu.memory_space<hbm>>) dst(%dma_wait3A_1300 : memref<1x16xf32, #tpu.memory_space<vmem>>)
      %dma_wait3A_1306 = arith.constant 4 : i32
      %dma_wait3A_1307 = arith.constant 0 : i32
      %dma_wait3A_1308 = arith.constant 0 : i32
      %dma_wait3A_1309 = tpu.memref_slice %arg13[%dma_wait3A_1306, %dma_wait3A_1307, %dma_wait3A_1308] : memref<32x126x16xf32, #tpu.memory_space<vmem>> -> memref<1x4x16xf32, #tpu.memory_space<vmem>>
      %dma_wait3A_1310 = tpu.memref_squeeze %dma_wait3A_1309 : memref<1x4x16xf32, #tpu.memory_space<vmem>> -> memref<4x16xf32, #tpu.memory_space<vmem>>
      %dma_wait3A_1311 = arith.constant 64 : i32
      %dma_wait3A_1312 = tpu.memref_slice %arg10[%dma_wait3A_1311] : memref<512xi32, #tpu.memory_space<vmem>> -> memref<4xi32, #tpu.memory_space<vmem>>
      %dma_wait3A_1313 = arith.constant 0 : i32
      %dma_wait3A_1314 = arith.constant 0 : i32
      %dma_wait3A_1315 = tpu.memref_slice %arg2[%dma_wait3A_1313, %dma_wait3A_1314] : memref<200000x16xf32, #tpu.memory_space<hbm>> -> memref<200000x16xf32, #tpu.memory_space<hbm>>
      tpu.wait_indirect_dma semaphore(%arg14 : memref<!tpu.dma_semaphore, #tpu.memory_space<semaphore_mem>>) src(%dma_wait3A_1315 : memref<200000x16xf32, #tpu.memory_space<hbm>>) dst(%dma_wait3A_1310 : memref<4x16xf32, #tpu.memory_space<vmem>>)
      %dma_wait3A_1316 = arith.constant 4 : i32
      %dma_wait3A_1317 = arith.constant 4 : i32
      %dma_wait3A_1318 = arith.constant 4 : i32
      %dma_wait3A_1319 = arith.constant 0 : i32
      %dma_wait3A_1320 = tpu.memref_slice %arg13[%dma_wait3A_1317, %dma_wait3A_1318, %dma_wait3A_1319] : memref<32x126x16xf32, #tpu.memory_space<vmem>> -> memref<1x121x16xf32, #tpu.memory_space<vmem>>
      %dma_wait3A_1321 = tpu.memref_squeeze %dma_wait3A_1320 : memref<1x121x16xf32, #tpu.memory_space<vmem>> -> memref<121x16xf32, #tpu.memory_space<vmem>>
      %dma_wait3A_1322 = arith.constant 0 : i32
      %dma_wait3A_1323 = tpu.memref_slice %arg9[%dma_wait3A_1316, %dma_wait3A_1322] : memref<32x121xi32, #tpu.memory_space<vmem>> -> memref<1x121xi32, #tpu.memory_space<vmem>>
      %dma_wait3A_1324 = tpu.memref_squeeze %dma_wait3A_1323 : memref<1x121xi32, #tpu.memory_space<vmem>> -> memref<121xi32, #tpu.memory_space<vmem>>
      %dma_wait3A_1325 = arith.constant 0 : i32
      %dma_wait3A_1326 = arith.constant 0 : i32
      %dma_wait3A_1327 = tpu.memref_slice %arg3[%dma_wait3A_1325, %dma_wait3A_1326] : memref<1000x16xf32, #tpu.memory_space<hbm>> -> memref<1000x16xf32, #tpu.memory_space<hbm>>
      tpu.wait_indirect_dma semaphore(%arg14 : memref<!tpu.dma_semaphore, #tpu.memory_space<semaphore_mem>>) src(%dma_wait3A_1327 : memref<1000x16xf32, #tpu.memory_space<hbm>>) dst(%dma_wait3A_1321 : memref<121x16xf32, #tpu.memory_space<vmem>>)
      %dma_wait3A_1328 = arith.constant 4 : i32
      %dma_wait3A_1329 = arith.constant 125 : i32
      %dma_wait3A_1330 = arith.constant 0 : i32
      %dma_wait3A_1331 = tpu.memref_slice %arg13[%dma_wait3A_1328, %dma_wait3A_1329, %dma_wait3A_1330] : memref<32x126x16xf32, #tpu.memory_space<vmem>> -> memref<1x1x16xf32, #tpu.memory_space<vmem>>
      %dma_wait3A_1332 = tpu.memref_squeeze %dma_wait3A_1331 : memref<1x1x16xf32, #tpu.memory_space<vmem>> -> memref<1x16xf32, #tpu.memory_space<vmem>>
      %dma_wait3A_1333 = arith.constant 72 : i32
      %dma_wait3A_1334 = tpu.memref_slice %arg10[%dma_wait3A_1333] : memref<512xi32, #tpu.memory_space<vmem>> -> memref<1xi32, #tpu.memory_space<vmem>>
      %dma_wait3A_1335 = arith.constant 0 : i32
      %dma_wait3A_1336 = arith.constant 0 : i32
      %dma_wait3A_1337 = tpu.memref_slice %arg4[%dma_wait3A_1335, %dma_wait3A_1336] : memref<101x16xf32, #tpu.memory_space<hbm>> -> memref<101x16xf32, #tpu.memory_space<hbm>>
      tpu.wait_indirect_dma semaphore(%arg14 : memref<!tpu.dma_semaphore, #tpu.memory_space<semaphore_mem>>) src(%dma_wait3A_1337 : memref<101x16xf32, #tpu.memory_space<hbm>>) dst(%dma_wait3A_1332 : memref<1x16xf32, #tpu.memory_space<vmem>>)
      %dma_wait3A_1338 = arith.constant 5 : i32
      %dma_wait3A_1339 = arith.constant 0 : i32
      %dma_wait3A_1340 = arith.constant 0 : i32
      %dma_wait3A_1341 = tpu.memref_slice %arg13[%dma_wait3A_1338, %dma_wait3A_1339, %dma_wait3A_1340] : memref<32x126x16xf32, #tpu.memory_space<vmem>> -> memref<1x4x16xf32, #tpu.memory_space<vmem>>
      %dma_wait3A_1342 = tpu.memref_squeeze %dma_wait3A_1341 : memref<1x4x16xf32, #tpu.memory_space<vmem>> -> memref<4x16xf32, #tpu.memory_space<vmem>>
      %dma_wait3A_1343 = arith.constant 80 : i32
      %dma_wait3A_1344 = tpu.memref_slice %arg10[%dma_wait3A_1343] : memref<512xi32, #tpu.memory_space<vmem>> -> memref<4xi32, #tpu.memory_space<vmem>>
      %dma_wait3A_1345 = arith.constant 0 : i32
      %dma_wait3A_1346 = arith.constant 0 : i32
      %dma_wait3A_1347 = tpu.memref_slice %arg2[%dma_wait3A_1345, %dma_wait3A_1346] : memref<200000x16xf32, #tpu.memory_space<hbm>> -> memref<200000x16xf32, #tpu.memory_space<hbm>>
      tpu.wait_indirect_dma semaphore(%arg14 : memref<!tpu.dma_semaphore, #tpu.memory_space<semaphore_mem>>) src(%dma_wait3A_1347 : memref<200000x16xf32, #tpu.memory_space<hbm>>) dst(%dma_wait3A_1342 : memref<4x16xf32, #tpu.memory_space<vmem>>)
      %dma_wait3A_1348 = arith.constant 5 : i32
      %dma_wait3A_1349 = arith.constant 5 : i32
      %dma_wait3A_1350 = arith.constant 4 : i32
      %dma_wait3A_1351 = arith.constant 0 : i32
      %dma_wait3A_1352 = tpu.memref_slice %arg13[%dma_wait3A_1349, %dma_wait3A_1350, %dma_wait3A_1351] : memref<32x126x16xf32, #tpu.memory_space<vmem>> -> memref<1x121x16xf32, #tpu.memory_space<vmem>>
      %dma_wait3A_1353 = tpu.memref_squeeze %dma_wait3A_1352 : memref<1x121x16xf32, #tpu.memory_space<vmem>> -> memref<121x16xf32, #tpu.memory_space<vmem>>
      %dma_wait3A_1354 = arith.constant 0 : i32
      %dma_wait3A_1355 = tpu.memref_slice %arg9[%dma_wait3A_1348, %dma_wait3A_1354] : memref<32x121xi32, #tpu.memory_space<vmem>> -> memref<1x121xi32, #tpu.memory_space<vmem>>
      %dma_wait3A_1356 = tpu.memref_squeeze %dma_wait3A_1355 : memref<1x121xi32, #tpu.memory_space<vmem>> -> memref<121xi32, #tpu.memory_space<vmem>>
      %dma_wait3A_1357 = arith.constant 0 : i32
      %dma_wait3A_1358 = arith.constant 0 : i32
      %dma_wait3A_1359 = tpu.memref_slice %arg3[%dma_wait3A_1357, %dma_wait3A_1358] : memref<1000x16xf32, #tpu.memory_space<hbm>> -> memref<1000x16xf32, #tpu.memory_space<hbm>>
      tpu.wait_indirect_dma semaphore(%arg14 : memref<!tpu.dma_semaphore, #tpu.memory_space<semaphore_mem>>) src(%dma_wait3A_1359 : memref<1000x16xf32, #tpu.memory_space<hbm>>) dst(%dma_wait3A_1353 : memref<121x16xf32, #tpu.memory_space<vmem>>)
      %dma_wait3A_1360 = arith.constant 5 : i32
      %dma_wait3A_1361 = arith.constant 125 : i32
      %dma_wait3A_1362 = arith.constant 0 : i32
      %dma_wait3A_1363 = tpu.memref_slice %arg13[%dma_wait3A_1360, %dma_wait3A_1361, %dma_wait3A_1362] : memref<32x126x16xf32, #tpu.memory_space<vmem>> -> memref<1x1x16xf32, #tpu.memory_space<vmem>>
      %dma_wait3A_1364 = tpu.memref_squeeze %dma_wait3A_1363 : memref<1x1x16xf32, #tpu.memory_space<vmem>> -> memref<1x16xf32, #tpu.memory_space<vmem>>
      %dma_wait3A_1365 = arith.constant 88 : i32
      %dma_wait3A_1366 = tpu.memref_slice %arg10[%dma_wait3A_1365] : memref<512xi32, #tpu.memory_space<vmem>> -> memref<1xi32, #tpu.memory_space<vmem>>
      %dma_wait3A_1367 = arith.constant 0 : i32
      %dma_wait3A_1368 = arith.constant 0 : i32
      %dma_wait3A_1369 = tpu.memref_slice %arg4[%dma_wait3A_1367, %dma_wait3A_1368] : memref<101x16xf32, #tpu.memory_space<hbm>> -> memref<101x16xf32, #tpu.memory_space<hbm>>
      tpu.wait_indirect_dma semaphore(%arg14 : memref<!tpu.dma_semaphore, #tpu.memory_space<semaphore_mem>>) src(%dma_wait3A_1369 : memref<101x16xf32, #tpu.memory_space<hbm>>) dst(%dma_wait3A_1364 : memref<1x16xf32, #tpu.memory_space<vmem>>)
      %dma_wait3A_1370 = arith.constant 6 : i32
      %dma_wait3A_1371 = arith.constant 0 : i32
      %dma_wait3A_1372 = arith.constant 0 : i32
      %dma_wait3A_1373 = tpu.memref_slice %arg13[%dma_wait3A_1370, %dma_wait3A_1371, %dma_wait3A_1372] : memref<32x126x16xf32, #tpu.memory_space<vmem>> -> memref<1x4x16xf32, #tpu.memory_space<vmem>>
      %dma_wait3A_1374 = tpu.memref_squeeze %dma_wait3A_1373 : memref<1x4x16xf32, #tpu.memory_space<vmem>> -> memref<4x16xf32, #tpu.memory_space<vmem>>
      %dma_wait3A_1375 = arith.constant 96 : i32
      %dma_wait3A_1376 = tpu.memref_slice %arg10[%dma_wait3A_1375] : memref<512xi32, #tpu.memory_space<vmem>> -> memref<4xi32, #tpu.memory_space<vmem>>
      %dma_wait3A_1377 = arith.constant 0 : i32
      %dma_wait3A_1378 = arith.constant 0 : i32
      %dma_wait3A_1379 = tpu.memref_slice %arg2[%dma_wait3A_1377, %dma_wait3A_1378] : memref<200000x16xf32, #tpu.memory_space<hbm>> -> memref<200000x16xf32, #tpu.memory_space<hbm>>
      tpu.wait_indirect_dma semaphore(%arg14 : memref<!tpu.dma_semaphore, #tpu.memory_space<semaphore_mem>>) src(%dma_wait3A_1379 : memref<200000x16xf32, #tpu.memory_space<hbm>>) dst(%dma_wait3A_1374 : memref<4x16xf32, #tpu.memory_space<vmem>>)
      %dma_wait3A_1380 = arith.constant 6 : i32
      %dma_wait3A_1381 = arith.constant 6 : i32
      %dma_wait3A_1382 = arith.constant 4 : i32
      %dma_wait3A_1383 = arith.constant 0 : i32
      %dma_wait3A_1384 = tpu.memref_slice %arg13[%dma_wait3A_1381, %dma_wait3A_1382, %dma_wait3A_1383] : memref<32x126x16xf32, #tpu.memory_space<vmem>> -> memref<1x121x16xf32, #tpu.memory_space<vmem>>
      %dma_wait3A_1385 = tpu.memref_squeeze %dma_wait3A_1384 : memref<1x121x16xf32, #tpu.memory_space<vmem>> -> memref<121x16xf32, #tpu.memory_space<vmem>>
      %dma_wait3A_1386 = arith.constant 0 : i32
      %dma_wait3A_1387 = tpu.memref_slice %arg9[%dma_wait3A_1380, %dma_wait3A_1386] : memref<32x121xi32, #tpu.memory_space<vmem>> -> memref<1x121xi32, #tpu.memory_space<vmem>>
      %dma_wait3A_1388 = tpu.memref_squeeze %dma_wait3A_1387 : memref<1x121xi32, #tpu.memory_space<vmem>> -> memref<121xi32, #tpu.memory_space<vmem>>
      %dma_wait3A_1389 = arith.constant 0 : i32
      %dma_wait3A_1390 = arith.constant 0 : i32
      %dma_wait3A_1391 = tpu.memref_slice %arg3[%dma_wait3A_1389, %dma_wait3A_1390] : memref<1000x16xf32, #tpu.memory_space<hbm>> -> memref<1000x16xf32, #tpu.memory_space<hbm>>
      tpu.wait_indirect_dma semaphore(%arg14 : memref<!tpu.dma_semaphore, #tpu.memory_space<semaphore_mem>>) src(%dma_wait3A_1391 : memref<1000x16xf32, #tpu.memory_space<hbm>>) dst(%dma_wait3A_1385 : memref<121x16xf32, #tpu.memory_space<vmem>>)
      %dma_wait3A_1392 = arith.constant 6 : i32
      %dma_wait3A_1393 = arith.constant 125 : i32
      %dma_wait3A_1394 = arith.constant 0 : i32
      %dma_wait3A_1395 = tpu.memref_slice %arg13[%dma_wait3A_1392, %dma_wait3A_1393, %dma_wait3A_1394] : memref<32x126x16xf32, #tpu.memory_space<vmem>> -> memref<1x1x16xf32, #tpu.memory_space<vmem>>
      %dma_wait3A_1396 = tpu.memref_squeeze %dma_wait3A_1395 : memref<1x1x16xf32, #tpu.memory_space<vmem>> -> memref<1x16xf32, #tpu.memory_space<vmem>>
      %dma_wait3A_1397 = arith.constant 104 : i32
      %dma_wait3A_1398 = tpu.memref_slice %arg10[%dma_wait3A_1397] : memref<512xi32, #tpu.memory_space<vmem>> -> memref<1xi32, #tpu.memory_space<vmem>>
      %dma_wait3A_1399 = arith.constant 0 : i32
      %dma_wait3A_1400 = arith.constant 0 : i32
      %dma_wait3A_1401 = tpu.memref_slice %arg4[%dma_wait3A_1399, %dma_wait3A_1400] : memref<101x16xf32, #tpu.memory_space<hbm>> -> memref<101x16xf32, #tpu.memory_space<hbm>>
      tpu.wait_indirect_dma semaphore(%arg14 : memref<!tpu.dma_semaphore, #tpu.memory_space<semaphore_mem>>) src(%dma_wait3A_1401 : memref<101x16xf32, #tpu.memory_space<hbm>>) dst(%dma_wait3A_1396 : memref<1x16xf32, #tpu.memory_space<vmem>>)
      %dma_wait3A_1402 = arith.constant 7 : i32
      %dma_wait3A_1403 = arith.constant 0 : i32
      %dma_wait3A_1404 = arith.constant 0 : i32
      %dma_wait3A_1405 = tpu.memref_slice %arg13[%dma_wait3A_1402, %dma_wait3A_1403, %dma_wait3A_1404] : memref<32x126x16xf32, #tpu.memory_space<vmem>> -> memref<1x4x16xf32, #tpu.memory_space<vmem>>
      %dma_wait3A_1406 = tpu.memref_squeeze %dma_wait3A_1405 : memref<1x4x16xf32, #tpu.memory_space<vmem>> -> memref<4x16xf32, #tpu.memory_space<vmem>>
      %dma_wait3A_1407 = arith.constant 112 : i32
      %dma_wait3A_1408 = tpu.memref_slice %arg10[%dma_wait3A_1407] : memref<512xi32, #tpu.memory_space<vmem>> -> memref<4xi32, #tpu.memory_space<vmem>>
      %dma_wait3A_1409 = arith.constant 0 : i32
      %dma_wait3A_1410 = arith.constant 0 : i32
      %dma_wait3A_1411 = tpu.memref_slice %arg2[%dma_wait3A_1409, %dma_wait3A_1410] : memref<200000x16xf32, #tpu.memory_space<hbm>> -> memref<200000x16xf32, #tpu.memory_space<hbm>>
      tpu.wait_indirect_dma semaphore(%arg14 : memref<!tpu.dma_semaphore, #tpu.memory_space<semaphore_mem>>) src(%dma_wait3A_1411 : memref<200000x16xf32, #tpu.memory_space<hbm>>) dst(%dma_wait3A_1406 : memref<4x16xf32, #tpu.memory_space<vmem>>)
      %dma_wait3A_1412 = arith.constant 7 : i32
      %dma_wait3A_1413 = arith.constant 7 : i32
      %dma_wait3A_1414 = arith.constant 4 : i32
      %dma_wait3A_1415 = arith.constant 0 : i32
      %dma_wait3A_1416 = tpu.memref_slice %arg13[%dma_wait3A_1413, %dma_wait3A_1414, %dma_wait3A_1415] : memref<32x126x16xf32, #tpu.memory_space<vmem>> -> memref<1x121x16xf32, #tpu.memory_space<vmem>>
      %dma_wait3A_1417 = tpu.memref_squeeze %dma_wait3A_1416 : memref<1x121x16xf32, #tpu.memory_space<vmem>> -> memref<121x16xf32, #tpu.memory_space<vmem>>
      %dma_wait3A_1418 = arith.constant 0 : i32
      %dma_wait3A_1419 = tpu.memref_slice %arg9[%dma_wait3A_1412, %dma_wait3A_1418] : memref<32x121xi32, #tpu.memory_space<vmem>> -> memref<1x121xi32, #tpu.memory_space<vmem>>
      %dma_wait3A_1420 = tpu.memref_squeeze %dma_wait3A_1419 : memref<1x121xi32, #tpu.memory_space<vmem>> -> memref<121xi32, #tpu.memory_space<vmem>>
      %dma_wait3A_1421 = arith.constant 0 : i32
      %dma_wait3A_1422 = arith.constant 0 : i32
      %dma_wait3A_1423 = tpu.memref_slice %arg3[%dma_wait3A_1421, %dma_wait3A_1422] : memref<1000x16xf32, #tpu.memory_space<hbm>> -> memref<1000x16xf32, #tpu.memory_space<hbm>>
      tpu.wait_indirect_dma semaphore(%arg14 : memref<!tpu.dma_semaphore, #tpu.memory_space<semaphore_mem>>) src(%dma_wait3A_1423 : memref<1000x16xf32, #tpu.memory_space<hbm>>) dst(%dma_wait3A_1417 : memref<121x16xf32, #tpu.memory_space<vmem>>)
      %dma_wait3A_1424 = arith.constant 7 : i32
      %dma_wait3A_1425 = arith.constant 125 : i32
      %dma_wait3A_1426 = arith.constant 0 : i32
      %dma_wait3A_1427 = tpu.memref_slice %arg13[%dma_wait3A_1424, %dma_wait3A_1425, %dma_wait3A_1426] : memref<32x126x16xf32, #tpu.memory_space<vmem>> -> memref<1x1x16xf32, #tpu.memory_space<vmem>>
      %dma_wait3A_1428 = tpu.memref_squeeze %dma_wait3A_1427 : memref<1x1x16xf32, #tpu.memory_space<vmem>> -> memref<1x16xf32, #tpu.memory_space<vmem>>
      %dma_wait3A_1429 = arith.constant 120 : i32
      %dma_wait3A_1430 = tpu.memref_slice %arg10[%dma_wait3A_1429] : memref<512xi32, #tpu.memory_space<vmem>> -> memref<1xi32, #tpu.memory_space<vmem>>
      %dma_wait3A_1431 = arith.constant 0 : i32
      %dma_wait3A_1432 = arith.constant 0 : i32
      %dma_wait3A_1433 = tpu.memref_slice %arg4[%dma_wait3A_1431, %dma_wait3A_1432] : memref<101x16xf32, #tpu.memory_space<hbm>> -> memref<101x16xf32, #tpu.memory_space<hbm>>
      tpu.wait_indirect_dma semaphore(%arg14 : memref<!tpu.dma_semaphore, #tpu.memory_space<semaphore_mem>>) src(%dma_wait3A_1433 : memref<101x16xf32, #tpu.memory_space<hbm>>) dst(%dma_wait3A_1428 : memref<1x16xf32, #tpu.memory_space<vmem>>)
      %dma_wait3A_1434 = arith.constant 8 : i32
      %dma_wait3A_1435 = arith.constant 0 : i32
      %dma_wait3A_1436 = arith.constant 0 : i32
      %dma_wait3A_1437 = tpu.memref_slice %arg13[%dma_wait3A_1434, %dma_wait3A_1435, %dma_wait3A_1436] : memref<32x126x16xf32, #tpu.memory_space<vmem>> -> memref<1x4x16xf32, #tpu.memory_space<vmem>>
      %dma_wait3A_1438 = tpu.memref_squeeze %dma_wait3A_1437 : memref<1x4x16xf32, #tpu.memory_space<vmem>> -> memref<4x16xf32, #tpu.memory_space<vmem>>
      %dma_wait3A_1439 = arith.constant 128 : i32
      %dma_wait3A_1440 = tpu.memref_slice %arg10[%dma_wait3A_1439] : memref<512xi32, #tpu.memory_space<vmem>> -> memref<4xi32, #tpu.memory_space<vmem>>
      %dma_wait3A_1441 = arith.constant 0 : i32
      %dma_wait3A_1442 = arith.constant 0 : i32
      %dma_wait3A_1443 = tpu.memref_slice %arg2[%dma_wait3A_1441, %dma_wait3A_1442] : memref<200000x16xf32, #tpu.memory_space<hbm>> -> memref<200000x16xf32, #tpu.memory_space<hbm>>
      tpu.wait_indirect_dma semaphore(%arg14 : memref<!tpu.dma_semaphore, #tpu.memory_space<semaphore_mem>>) src(%dma_wait3A_1443 : memref<200000x16xf32, #tpu.memory_space<hbm>>) dst(%dma_wait3A_1438 : memref<4x16xf32, #tpu.memory_space<vmem>>)
      %dma_wait3A_1444 = arith.constant 8 : i32
      %dma_wait3A_1445 = arith.constant 8 : i32
      %dma_wait3A_1446 = arith.constant 4 : i32
      %dma_wait3A_1447 = arith.constant 0 : i32
      %dma_wait3A_1448 = tpu.memref_slice %arg13[%dma_wait3A_1445, %dma_wait3A_1446, %dma_wait3A_1447] : memref<32x126x16xf32, #tpu.memory_space<vmem>> -> memref<1x121x16xf32, #tpu.memory_space<vmem>>
      %dma_wait3A_1449 = tpu.memref_squeeze %dma_wait3A_1448 : memref<1x121x16xf32, #tpu.memory_space<vmem>> -> memref<121x16xf32, #tpu.memory_space<vmem>>
      %dma_wait3A_1450 = arith.constant 0 : i32
      %dma_wait3A_1451 = tpu.memref_slice %arg9[%dma_wait3A_1444, %dma_wait3A_1450] : memref<32x121xi32, #tpu.memory_space<vmem>> -> memref<1x121xi32, #tpu.memory_space<vmem>>
      %dma_wait3A_1452 = tpu.memref_squeeze %dma_wait3A_1451 : memref<1x121xi32, #tpu.memory_space<vmem>> -> memref<121xi32, #tpu.memory_space<vmem>>
      %dma_wait3A_1453 = arith.constant 0 : i32
      %dma_wait3A_1454 = arith.constant 0 : i32
      %dma_wait3A_1455 = tpu.memref_slice %arg3[%dma_wait3A_1453, %dma_wait3A_1454] : memref<1000x16xf32, #tpu.memory_space<hbm>> -> memref<1000x16xf32, #tpu.memory_space<hbm>>
      tpu.wait_indirect_dma semaphore(%arg14 : memref<!tpu.dma_semaphore, #tpu.memory_space<semaphore_mem>>) src(%dma_wait3A_1455 : memref<1000x16xf32, #tpu.memory_space<hbm>>) dst(%dma_wait3A_1449 : memref<121x16xf32, #tpu.memory_space<vmem>>)
      %dma_wait3A_1456 = arith.constant 8 : i32
      %dma_wait3A_1457 = arith.constant 125 : i32
      %dma_wait3A_1458 = arith.constant 0 : i32
      %dma_wait3A_1459 = tpu.memref_slice %arg13[%dma_wait3A_1456, %dma_wait3A_1457, %dma_wait3A_1458] : memref<32x126x16xf32, #tpu.memory_space<vmem>> -> memref<1x1x16xf32, #tpu.memory_space<vmem>>
      %dma_wait3A_1460 = tpu.memref_squeeze %dma_wait3A_1459 : memref<1x1x16xf32, #tpu.memory_space<vmem>> -> memref<1x16xf32, #tpu.memory_space<vmem>>
      %dma_wait3A_1461 = arith.constant 136 : i32
      %dma_wait3A_1462 = tpu.memref_slice %arg10[%dma_wait3A_1461] : memref<512xi32, #tpu.memory_space<vmem>> -> memref<1xi32, #tpu.memory_space<vmem>>
      %dma_wait3A_1463 = arith.constant 0 : i32
      %dma_wait3A_1464 = arith.constant 0 : i32
      %dma_wait3A_1465 = tpu.memref_slice %arg4[%dma_wait3A_1463, %dma_wait3A_1464] : memref<101x16xf32, #tpu.memory_space<hbm>> -> memref<101x16xf32, #tpu.memory_space<hbm>>
      tpu.wait_indirect_dma semaphore(%arg14 : memref<!tpu.dma_semaphore, #tpu.memory_space<semaphore_mem>>) src(%dma_wait3A_1465 : memref<101x16xf32, #tpu.memory_space<hbm>>) dst(%dma_wait3A_1460 : memref<1x16xf32, #tpu.memory_space<vmem>>)
      %dma_wait3A_1466 = arith.constant 9 : i32
      %dma_wait3A_1467 = arith.constant 0 : i32
      %dma_wait3A_1468 = arith.constant 0 : i32
      %dma_wait3A_1469 = tpu.memref_slice %arg13[%dma_wait3A_1466, %dma_wait3A_1467, %dma_wait3A_1468] : memref<32x126x16xf32, #tpu.memory_space<vmem>> -> memref<1x4x16xf32, #tpu.memory_space<vmem>>
      %dma_wait3A_1470 = tpu.memref_squeeze %dma_wait3A_1469 : memref<1x4x16xf32, #tpu.memory_space<vmem>> -> memref<4x16xf32, #tpu.memory_space<vmem>>
      %dma_wait3A_1471 = arith.constant 144 : i32
      %dma_wait3A_1472 = tpu.memref_slice %arg10[%dma_wait3A_1471] : memref<512xi32, #tpu.memory_space<vmem>> -> memref<4xi32, #tpu.memory_space<vmem>>
      %dma_wait3A_1473 = arith.constant 0 : i32
      %dma_wait3A_1474 = arith.constant 0 : i32
      %dma_wait3A_1475 = tpu.memref_slice %arg2[%dma_wait3A_1473, %dma_wait3A_1474] : memref<200000x16xf32, #tpu.memory_space<hbm>> -> memref<200000x16xf32, #tpu.memory_space<hbm>>
      tpu.wait_indirect_dma semaphore(%arg14 : memref<!tpu.dma_semaphore, #tpu.memory_space<semaphore_mem>>) src(%dma_wait3A_1475 : memref<200000x16xf32, #tpu.memory_space<hbm>>) dst(%dma_wait3A_1470 : memref<4x16xf32, #tpu.memory_space<vmem>>)
      %dma_wait3A_1476 = arith.constant 9 : i32
      %dma_wait3A_1477 = arith.constant 9 : i32
      %dma_wait3A_1478 = arith.constant 4 : i32
      %dma_wait3A_1479 = arith.constant 0 : i32
      %dma_wait3A_1480 = tpu.memref_slice %arg13[%dma_wait3A_1477, %dma_wait3A_1478, %dma_wait3A_1479] : memref<32x126x16xf32, #tpu.memory_space<vmem>> -> memref<1x121x16xf32, #tpu.memory_space<vmem>>
      %dma_wait3A_1481 = tpu.memref_squeeze %dma_wait3A_1480 : memref<1x121x16xf32, #tpu.memory_space<vmem>> -> memref<121x16xf32, #tpu.memory_space<vmem>>
      %dma_wait3A_1482 = arith.constant 0 : i32
      %dma_wait3A_1483 = tpu.memref_slice %arg9[%dma_wait3A_1476, %dma_wait3A_1482] : memref<32x121xi32, #tpu.memory_space<vmem>> -> memref<1x121xi32, #tpu.memory_space<vmem>>
      %dma_wait3A_1484 = tpu.memref_squeeze %dma_wait3A_1483 : memref<1x121xi32, #tpu.memory_space<vmem>> -> memref<121xi32, #tpu.memory_space<vmem>>
      %dma_wait3A_1485 = arith.constant 0 : i32
      %dma_wait3A_1486 = arith.constant 0 : i32
      %dma_wait3A_1487 = tpu.memref_slice %arg3[%dma_wait3A_1485, %dma_wait3A_1486] : memref<1000x16xf32, #tpu.memory_space<hbm>> -> memref<1000x16xf32, #tpu.memory_space<hbm>>
      tpu.wait_indirect_dma semaphore(%arg14 : memref<!tpu.dma_semaphore, #tpu.memory_space<semaphore_mem>>) src(%dma_wait3A_1487 : memref<1000x16xf32, #tpu.memory_space<hbm>>) dst(%dma_wait3A_1481 : memref<121x16xf32, #tpu.memory_space<vmem>>)
      %dma_wait3A_1488 = arith.constant 9 : i32
      %dma_wait3A_1489 = arith.constant 125 : i32
      %dma_wait3A_1490 = arith.constant 0 : i32
      %dma_wait3A_1491 = tpu.memref_slice %arg13[%dma_wait3A_1488, %dma_wait3A_1489, %dma_wait3A_1490] : memref<32x126x16xf32, #tpu.memory_space<vmem>> -> memref<1x1x16xf32, #tpu.memory_space<vmem>>
      %dma_wait3A_1492 = tpu.memref_squeeze %dma_wait3A_1491 : memref<1x1x16xf32, #tpu.memory_space<vmem>> -> memref<1x16xf32, #tpu.memory_space<vmem>>
      %dma_wait3A_1493 = arith.constant 152 : i32
      %dma_wait3A_1494 = tpu.memref_slice %arg10[%dma_wait3A_1493] : memref<512xi32, #tpu.memory_space<vmem>> -> memref<1xi32, #tpu.memory_space<vmem>>
      %dma_wait3A_1495 = arith.constant 0 : i32
      %dma_wait3A_1496 = arith.constant 0 : i32
      %dma_wait3A_1497 = tpu.memref_slice %arg4[%dma_wait3A_1495, %dma_wait3A_1496] : memref<101x16xf32, #tpu.memory_space<hbm>> -> memref<101x16xf32, #tpu.memory_space<hbm>>
      tpu.wait_indirect_dma semaphore(%arg14 : memref<!tpu.dma_semaphore, #tpu.memory_space<semaphore_mem>>) src(%dma_wait3A_1497 : memref<101x16xf32, #tpu.memory_space<hbm>>) dst(%dma_wait3A_1492 : memref<1x16xf32, #tpu.memory_space<vmem>>)
      %dma_wait3A_1498 = arith.constant 10 : i32
      %dma_wait3A_1499 = arith.constant 0 : i32
      %dma_wait3A_1500 = arith.constant 0 : i32
      %dma_wait3A_1501 = tpu.memref_slice %arg13[%dma_wait3A_1498, %dma_wait3A_1499, %dma_wait3A_1500] : memref<32x126x16xf32, #tpu.memory_space<vmem>> -> memref<1x4x16xf32, #tpu.memory_space<vmem>>
      %dma_wait3A_1502 = tpu.memref_squeeze %dma_wait3A_1501 : memref<1x4x16xf32, #tpu.memory_space<vmem>> -> memref<4x16xf32, #tpu.memory_space<vmem>>
      %dma_wait3A_1503 = arith.constant 160 : i32
      %dma_wait3A_1504 = tpu.memref_slice %arg10[%dma_wait3A_1503] : memref<512xi32, #tpu.memory_space<vmem>> -> memref<4xi32, #tpu.memory_space<vmem>>
      %dma_wait3A_1505 = arith.constant 0 : i32
      %dma_wait3A_1506 = arith.constant 0 : i32
      %dma_wait3A_1507 = tpu.memref_slice %arg2[%dma_wait3A_1505, %dma_wait3A_1506] : memref<200000x16xf32, #tpu.memory_space<hbm>> -> memref<200000x16xf32, #tpu.memory_space<hbm>>
      tpu.wait_indirect_dma semaphore(%arg14 : memref<!tpu.dma_semaphore, #tpu.memory_space<semaphore_mem>>) src(%dma_wait3A_1507 : memref<200000x16xf32, #tpu.memory_space<hbm>>) dst(%dma_wait3A_1502 : memref<4x16xf32, #tpu.memory_space<vmem>>)
      %dma_wait3A_1508 = arith.constant 10 : i32
      %dma_wait3A_1509 = arith.constant 10 : i32
      %dma_wait3A_1510 = arith.constant 4 : i32
      %dma_wait3A_1511 = arith.constant 0 : i32
      %dma_wait3A_1512 = tpu.memref_slice %arg13[%dma_wait3A_1509, %dma_wait3A_1510, %dma_wait3A_1511] : memref<32x126x16xf32, #tpu.memory_space<vmem>> -> memref<1x121x16xf32, #tpu.memory_space<vmem>>
      %dma_wait3A_1513 = tpu.memref_squeeze %dma_wait3A_1512 : memref<1x121x16xf32, #tpu.memory_space<vmem>> -> memref<121x16xf32, #tpu.memory_space<vmem>>
      %dma_wait3A_1514 = arith.constant 0 : i32
      %dma_wait3A_1515 = tpu.memref_slice %arg9[%dma_wait3A_1508, %dma_wait3A_1514] : memref<32x121xi32, #tpu.memory_space<vmem>> -> memref<1x121xi32, #tpu.memory_space<vmem>>
      %dma_wait3A_1516 = tpu.memref_squeeze %dma_wait3A_1515 : memref<1x121xi32, #tpu.memory_space<vmem>> -> memref<121xi32, #tpu.memory_space<vmem>>
      %dma_wait3A_1517 = arith.constant 0 : i32
      %dma_wait3A_1518 = arith.constant 0 : i32
      %dma_wait3A_1519 = tpu.memref_slice %arg3[%dma_wait3A_1517, %dma_wait3A_1518] : memref<1000x16xf32, #tpu.memory_space<hbm>> -> memref<1000x16xf32, #tpu.memory_space<hbm>>
      tpu.wait_indirect_dma semaphore(%arg14 : memref<!tpu.dma_semaphore, #tpu.memory_space<semaphore_mem>>) src(%dma_wait3A_1519 : memref<1000x16xf32, #tpu.memory_space<hbm>>) dst(%dma_wait3A_1513 : memref<121x16xf32, #tpu.memory_space<vmem>>)
      %dma_wait3A_1520 = arith.constant 10 : i32
      %dma_wait3A_1521 = arith.constant 125 : i32
      %dma_wait3A_1522 = arith.constant 0 : i32
      %dma_wait3A_1523 = tpu.memref_slice %arg13[%dma_wait3A_1520, %dma_wait3A_1521, %dma_wait3A_1522] : memref<32x126x16xf32, #tpu.memory_space<vmem>> -> memref<1x1x16xf32, #tpu.memory_space<vmem>>
      %dma_wait3A_1524 = tpu.memref_squeeze %dma_wait3A_1523 : memref<1x1x16xf32, #tpu.memory_space<vmem>> -> memref<1x16xf32, #tpu.memory_space<vmem>>
      %dma_wait3A_1525 = arith.constant 168 : i32
      %dma_wait3A_1526 = tpu.memref_slice %arg10[%dma_wait3A_1525] : memref<512xi32, #tpu.memory_space<vmem>> -> memref<1xi32, #tpu.memory_space<vmem>>
      %dma_wait3A_1527 = arith.constant 0 : i32
      %dma_wait3A_1528 = arith.constant 0 : i32
      %dma_wait3A_1529 = tpu.memref_slice %arg4[%dma_wait3A_1527, %dma_wait3A_1528] : memref<101x16xf32, #tpu.memory_space<hbm>> -> memref<101x16xf32, #tpu.memory_space<hbm>>
      tpu.wait_indirect_dma semaphore(%arg14 : memref<!tpu.dma_semaphore, #tpu.memory_space<semaphore_mem>>) src(%dma_wait3A_1529 : memref<101x16xf32, #tpu.memory_space<hbm>>) dst(%dma_wait3A_1524 : memref<1x16xf32, #tpu.memory_space<vmem>>)
      %dma_wait3A_1530 = arith.constant 11 : i32
      %dma_wait3A_1531 = arith.constant 0 : i32
      %dma_wait3A_1532 = arith.constant 0 : i32
      %dma_wait3A_1533 = tpu.memref_slice %arg13[%dma_wait3A_1530, %dma_wait3A_1531, %dma_wait3A_1532] : memref<32x126x16xf32, #tpu.memory_space<vmem>> -> memref<1x4x16xf32, #tpu.memory_space<vmem>>
      %dma_wait3A_1534 = tpu.memref_squeeze %dma_wait3A_1533 : memref<1x4x16xf32, #tpu.memory_space<vmem>> -> memref<4x16xf32, #tpu.memory_space<vmem>>
      %dma_wait3A_1535 = arith.constant 176 : i32
      %dma_wait3A_1536 = tpu.memref_slice %arg10[%dma_wait3A_1535] : memref<512xi32, #tpu.memory_space<vmem>> -> memref<4xi32, #tpu.memory_space<vmem>>
      %dma_wait3A_1537 = arith.constant 0 : i32
      %dma_wait3A_1538 = arith.constant 0 : i32
      %dma_wait3A_1539 = tpu.memref_slice %arg2[%dma_wait3A_1537, %dma_wait3A_1538] : memref<200000x16xf32, #tpu.memory_space<hbm>> -> memref<200000x16xf32, #tpu.memory_space<hbm>>
      tpu.wait_indirect_dma semaphore(%arg14 : memref<!tpu.dma_semaphore, #tpu.memory_space<semaphore_mem>>) src(%dma_wait3A_1539 : memref<200000x16xf32, #tpu.memory_space<hbm>>) dst(%dma_wait3A_1534 : memref<4x16xf32, #tpu.memory_space<vmem>>)
      %dma_wait3A_1540 = arith.constant 11 : i32
      %dma_wait3A_1541 = arith.constant 11 : i32
      %dma_wait3A_1542 = arith.constant 4 : i32
      %dma_wait3A_1543 = arith.constant 0 : i32
      %dma_wait3A_1544 = tpu.memref_slice %arg13[%dma_wait3A_1541, %dma_wait3A_1542, %dma_wait3A_1543] : memref<32x126x16xf32, #tpu.memory_space<vmem>> -> memref<1x121x16xf32, #tpu.memory_space<vmem>>
      %dma_wait3A_1545 = tpu.memref_squeeze %dma_wait3A_1544 : memref<1x121x16xf32, #tpu.memory_space<vmem>> -> memref<121x16xf32, #tpu.memory_space<vmem>>
      %dma_wait3A_1546 = arith.constant 0 : i32
      %dma_wait3A_1547 = tpu.memref_slice %arg9[%dma_wait3A_1540, %dma_wait3A_1546] : memref<32x121xi32, #tpu.memory_space<vmem>> -> memref<1x121xi32, #tpu.memory_space<vmem>>
      %dma_wait3A_1548 = tpu.memref_squeeze %dma_wait3A_1547 : memref<1x121xi32, #tpu.memory_space<vmem>> -> memref<121xi32, #tpu.memory_space<vmem>>
      %dma_wait3A_1549 = arith.constant 0 : i32
      %dma_wait3A_1550 = arith.constant 0 : i32
      %dma_wait3A_1551 = tpu.memref_slice %arg3[%dma_wait3A_1549, %dma_wait3A_1550] : memref<1000x16xf32, #tpu.memory_space<hbm>> -> memref<1000x16xf32, #tpu.memory_space<hbm>>
      tpu.wait_indirect_dma semaphore(%arg14 : memref<!tpu.dma_semaphore, #tpu.memory_space<semaphore_mem>>) src(%dma_wait3A_1551 : memref<1000x16xf32, #tpu.memory_space<hbm>>) dst(%dma_wait3A_1545 : memref<121x16xf32, #tpu.memory_space<vmem>>)
      %dma_wait3A_1552 = arith.constant 11 : i32
      %dma_wait3A_1553 = arith.constant 125 : i32
      %dma_wait3A_1554 = arith.constant 0 : i32
      %dma_wait3A_1555 = tpu.memref_slice %arg13[%dma_wait3A_1552, %dma_wait3A_1553, %dma_wait3A_1554] : memref<32x126x16xf32, #tpu.memory_space<vmem>> -> memref<1x1x16xf32, #tpu.memory_space<vmem>>
      %dma_wait3A_1556 = tpu.memref_squeeze %dma_wait3A_1555 : memref<1x1x16xf32, #tpu.memory_space<vmem>> -> memref<1x16xf32, #tpu.memory_space<vmem>>
      %dma_wait3A_1557 = arith.constant 184 : i32
      %dma_wait3A_1558 = tpu.memref_slice %arg10[%dma_wait3A_1557] : memref<512xi32, #tpu.memory_space<vmem>> -> memref<1xi32, #tpu.memory_space<vmem>>
      %dma_wait3A_1559 = arith.constant 0 : i32
      %dma_wait3A_1560 = arith.constant 0 : i32
      %dma_wait3A_1561 = tpu.memref_slice %arg4[%dma_wait3A_1559, %dma_wait3A_1560] : memref<101x16xf32, #tpu.memory_space<hbm>> -> memref<101x16xf32, #tpu.memory_space<hbm>>
      tpu.wait_indirect_dma semaphore(%arg14 : memref<!tpu.dma_semaphore, #tpu.memory_space<semaphore_mem>>) src(%dma_wait3A_1561 : memref<101x16xf32, #tpu.memory_space<hbm>>) dst(%dma_wait3A_1556 : memref<1x16xf32, #tpu.memory_space<vmem>>)
      %dma_wait3A_1562 = arith.constant 12 : i32
      %dma_wait3A_1563 = arith.constant 0 : i32
      %dma_wait3A_1564 = arith.constant 0 : i32
      %dma_wait3A_1565 = tpu.memref_slice %arg13[%dma_wait3A_1562, %dma_wait3A_1563, %dma_wait3A_1564] : memref<32x126x16xf32, #tpu.memory_space<vmem>> -> memref<1x4x16xf32, #tpu.memory_space<vmem>>
      %dma_wait3A_1566 = tpu.memref_squeeze %dma_wait3A_1565 : memref<1x4x16xf32, #tpu.memory_space<vmem>> -> memref<4x16xf32, #tpu.memory_space<vmem>>
      %dma_wait3A_1567 = arith.constant 192 : i32
      %dma_wait3A_1568 = tpu.memref_slice %arg10[%dma_wait3A_1567] : memref<512xi32, #tpu.memory_space<vmem>> -> memref<4xi32, #tpu.memory_space<vmem>>
      %dma_wait3A_1569 = arith.constant 0 : i32
      %dma_wait3A_1570 = arith.constant 0 : i32
      %dma_wait3A_1571 = tpu.memref_slice %arg2[%dma_wait3A_1569, %dma_wait3A_1570] : memref<200000x16xf32, #tpu.memory_space<hbm>> -> memref<200000x16xf32, #tpu.memory_space<hbm>>
      tpu.wait_indirect_dma semaphore(%arg14 : memref<!tpu.dma_semaphore, #tpu.memory_space<semaphore_mem>>) src(%dma_wait3A_1571 : memref<200000x16xf32, #tpu.memory_space<hbm>>) dst(%dma_wait3A_1566 : memref<4x16xf32, #tpu.memory_space<vmem>>)
      %dma_wait3A_1572 = arith.constant 12 : i32
      %dma_wait3A_1573 = arith.constant 12 : i32
      %dma_wait3A_1574 = arith.constant 4 : i32
      %dma_wait3A_1575 = arith.constant 0 : i32
      %dma_wait3A_1576 = tpu.memref_slice %arg13[%dma_wait3A_1573, %dma_wait3A_1574, %dma_wait3A_1575] : memref<32x126x16xf32, #tpu.memory_space<vmem>> -> memref<1x121x16xf32, #tpu.memory_space<vmem>>
      %dma_wait3A_1577 = tpu.memref_squeeze %dma_wait3A_1576 : memref<1x121x16xf32, #tpu.memory_space<vmem>> -> memref<121x16xf32, #tpu.memory_space<vmem>>
      %dma_wait3A_1578 = arith.constant 0 : i32
      %dma_wait3A_1579 = tpu.memref_slice %arg9[%dma_wait3A_1572, %dma_wait3A_1578] : memref<32x121xi32, #tpu.memory_space<vmem>> -> memref<1x121xi32, #tpu.memory_space<vmem>>
      %dma_wait3A_1580 = tpu.memref_squeeze %dma_wait3A_1579 : memref<1x121xi32, #tpu.memory_space<vmem>> -> memref<121xi32, #tpu.memory_space<vmem>>
      %dma_wait3A_1581 = arith.constant 0 : i32
      %dma_wait3A_1582 = arith.constant 0 : i32
      %dma_wait3A_1583 = tpu.memref_slice %arg3[%dma_wait3A_1581, %dma_wait3A_1582] : memref<1000x16xf32, #tpu.memory_space<hbm>> -> memref<1000x16xf32, #tpu.memory_space<hbm>>
      tpu.wait_indirect_dma semaphore(%arg14 : memref<!tpu.dma_semaphore, #tpu.memory_space<semaphore_mem>>) src(%dma_wait3A_1583 : memref<1000x16xf32, #tpu.memory_space<hbm>>) dst(%dma_wait3A_1577 : memref<121x16xf32, #tpu.memory_space<vmem>>)
      %dma_wait3A_1584 = arith.constant 12 : i32
      %dma_wait3A_1585 = arith.constant 125 : i32
      %dma_wait3A_1586 = arith.constant 0 : i32
      %dma_wait3A_1587 = tpu.memref_slice %arg13[%dma_wait3A_1584, %dma_wait3A_1585, %dma_wait3A_1586] : memref<32x126x16xf32, #tpu.memory_space<vmem>> -> memref<1x1x16xf32, #tpu.memory_space<vmem>>
      %dma_wait3A_1588 = tpu.memref_squeeze %dma_wait3A_1587 : memref<1x1x16xf32, #tpu.memory_space<vmem>> -> memref<1x16xf32, #tpu.memory_space<vmem>>
      %dma_wait3A_1589 = arith.constant 200 : i32
      %dma_wait3A_1590 = tpu.memref_slice %arg10[%dma_wait3A_1589] : memref<512xi32, #tpu.memory_space<vmem>> -> memref<1xi32, #tpu.memory_space<vmem>>
      %dma_wait3A_1591 = arith.constant 0 : i32
      %dma_wait3A_1592 = arith.constant 0 : i32
      %dma_wait3A_1593 = tpu.memref_slice %arg4[%dma_wait3A_1591, %dma_wait3A_1592] : memref<101x16xf32, #tpu.memory_space<hbm>> -> memref<101x16xf32, #tpu.memory_space<hbm>>
      tpu.wait_indirect_dma semaphore(%arg14 : memref<!tpu.dma_semaphore, #tpu.memory_space<semaphore_mem>>) src(%dma_wait3A_1593 : memref<101x16xf32, #tpu.memory_space<hbm>>) dst(%dma_wait3A_1588 : memref<1x16xf32, #tpu.memory_space<vmem>>)
      %dma_wait3A_1594 = arith.constant 13 : i32
      %dma_wait3A_1595 = arith.constant 0 : i32
      %dma_wait3A_1596 = arith.constant 0 : i32
      %dma_wait3A_1597 = tpu.memref_slice %arg13[%dma_wait3A_1594, %dma_wait3A_1595, %dma_wait3A_1596] : memref<32x126x16xf32, #tpu.memory_space<vmem>> -> memref<1x4x16xf32, #tpu.memory_space<vmem>>
      %dma_wait3A_1598 = tpu.memref_squeeze %dma_wait3A_1597 : memref<1x4x16xf32, #tpu.memory_space<vmem>> -> memref<4x16xf32, #tpu.memory_space<vmem>>
      %dma_wait3A_1599 = arith.constant 208 : i32
      %dma_wait3A_1600 = tpu.memref_slice %arg10[%dma_wait3A_1599] : memref<512xi32, #tpu.memory_space<vmem>> -> memref<4xi32, #tpu.memory_space<vmem>>
      %dma_wait3A_1601 = arith.constant 0 : i32
      %dma_wait3A_1602 = arith.constant 0 : i32
      %dma_wait3A_1603 = tpu.memref_slice %arg2[%dma_wait3A_1601, %dma_wait3A_1602] : memref<200000x16xf32, #tpu.memory_space<hbm>> -> memref<200000x16xf32, #tpu.memory_space<hbm>>
      tpu.wait_indirect_dma semaphore(%arg14 : memref<!tpu.dma_semaphore, #tpu.memory_space<semaphore_mem>>) src(%dma_wait3A_1603 : memref<200000x16xf32, #tpu.memory_space<hbm>>) dst(%dma_wait3A_1598 : memref<4x16xf32, #tpu.memory_space<vmem>>)
      %dma_wait3A_1604 = arith.constant 13 : i32
      %dma_wait3A_1605 = arith.constant 13 : i32
      %dma_wait3A_1606 = arith.constant 4 : i32
      %dma_wait3A_1607 = arith.constant 0 : i32
      %dma_wait3A_1608 = tpu.memref_slice %arg13[%dma_wait3A_1605, %dma_wait3A_1606, %dma_wait3A_1607] : memref<32x126x16xf32, #tpu.memory_space<vmem>> -> memref<1x121x16xf32, #tpu.memory_space<vmem>>
      %dma_wait3A_1609 = tpu.memref_squeeze %dma_wait3A_1608 : memref<1x121x16xf32, #tpu.memory_space<vmem>> -> memref<121x16xf32, #tpu.memory_space<vmem>>
      %dma_wait3A_1610 = arith.constant 0 : i32
      %dma_wait3A_1611 = tpu.memref_slice %arg9[%dma_wait3A_1604, %dma_wait3A_1610] : memref<32x121xi32, #tpu.memory_space<vmem>> -> memref<1x121xi32, #tpu.memory_space<vmem>>
      %dma_wait3A_1612 = tpu.memref_squeeze %dma_wait3A_1611 : memref<1x121xi32, #tpu.memory_space<vmem>> -> memref<121xi32, #tpu.memory_space<vmem>>
      %dma_wait3A_1613 = arith.constant 0 : i32
      %dma_wait3A_1614 = arith.constant 0 : i32
      %dma_wait3A_1615 = tpu.memref_slice %arg3[%dma_wait3A_1613, %dma_wait3A_1614] : memref<1000x16xf32, #tpu.memory_space<hbm>> -> memref<1000x16xf32, #tpu.memory_space<hbm>>
      tpu.wait_indirect_dma semaphore(%arg14 : memref<!tpu.dma_semaphore, #tpu.memory_space<semaphore_mem>>) src(%dma_wait3A_1615 : memref<1000x16xf32, #tpu.memory_space<hbm>>) dst(%dma_wait3A_1609 : memref<121x16xf32, #tpu.memory_space<vmem>>)
      %dma_wait3A_1616 = arith.constant 13 : i32
      %dma_wait3A_1617 = arith.constant 125 : i32
      %dma_wait3A_1618 = arith.constant 0 : i32
      %dma_wait3A_1619 = tpu.memref_slice %arg13[%dma_wait3A_1616, %dma_wait3A_1617, %dma_wait3A_1618] : memref<32x126x16xf32, #tpu.memory_space<vmem>> -> memref<1x1x16xf32, #tpu.memory_space<vmem>>
      %dma_wait3A_1620 = tpu.memref_squeeze %dma_wait3A_1619 : memref<1x1x16xf32, #tpu.memory_space<vmem>> -> memref<1x16xf32, #tpu.memory_space<vmem>>
      %dma_wait3A_1621 = arith.constant 216 : i32
      %dma_wait3A_1622 = tpu.memref_slice %arg10[%dma_wait3A_1621] : memref<512xi32, #tpu.memory_space<vmem>> -> memref<1xi32, #tpu.memory_space<vmem>>
      %dma_wait3A_1623 = arith.constant 0 : i32
      %dma_wait3A_1624 = arith.constant 0 : i32
      %dma_wait3A_1625 = tpu.memref_slice %arg4[%dma_wait3A_1623, %dma_wait3A_1624] : memref<101x16xf32, #tpu.memory_space<hbm>> -> memref<101x16xf32, #tpu.memory_space<hbm>>
      tpu.wait_indirect_dma semaphore(%arg14 : memref<!tpu.dma_semaphore, #tpu.memory_space<semaphore_mem>>) src(%dma_wait3A_1625 : memref<101x16xf32, #tpu.memory_space<hbm>>) dst(%dma_wait3A_1620 : memref<1x16xf32, #tpu.memory_space<vmem>>)
      %dma_wait3A_1626 = arith.constant 14 : i32
      %dma_wait3A_1627 = arith.constant 0 : i32
      %dma_wait3A_1628 = arith.constant 0 : i32
      %dma_wait3A_1629 = tpu.memref_slice %arg13[%dma_wait3A_1626, %dma_wait3A_1627, %dma_wait3A_1628] : memref<32x126x16xf32, #tpu.memory_space<vmem>> -> memref<1x4x16xf32, #tpu.memory_space<vmem>>
      %dma_wait3A_1630 = tpu.memref_squeeze %dma_wait3A_1629 : memref<1x4x16xf32, #tpu.memory_space<vmem>> -> memref<4x16xf32, #tpu.memory_space<vmem>>
      %dma_wait3A_1631 = arith.constant 224 : i32
      %dma_wait3A_1632 = tpu.memref_slice %arg10[%dma_wait3A_1631] : memref<512xi32, #tpu.memory_space<vmem>> -> memref<4xi32, #tpu.memory_space<vmem>>
      %dma_wait3A_1633 = arith.constant 0 : i32
      %dma_wait3A_1634 = arith.constant 0 : i32
      %dma_wait3A_1635 = tpu.memref_slice %arg2[%dma_wait3A_1633, %dma_wait3A_1634] : memref<200000x16xf32, #tpu.memory_space<hbm>> -> memref<200000x16xf32, #tpu.memory_space<hbm>>
      tpu.wait_indirect_dma semaphore(%arg14 : memref<!tpu.dma_semaphore, #tpu.memory_space<semaphore_mem>>) src(%dma_wait3A_1635 : memref<200000x16xf32, #tpu.memory_space<hbm>>) dst(%dma_wait3A_1630 : memref<4x16xf32, #tpu.memory_space<vmem>>)
      %dma_wait3A_1636 = arith.constant 14 : i32
      %dma_wait3A_1637 = arith.constant 14 : i32
      %dma_wait3A_1638 = arith.constant 4 : i32
      %dma_wait3A_1639 = arith.constant 0 : i32
      %dma_wait3A_1640 = tpu.memref_slice %arg13[%dma_wait3A_1637, %dma_wait3A_1638, %dma_wait3A_1639] : memref<32x126x16xf32, #tpu.memory_space<vmem>> -> memref<1x121x16xf32, #tpu.memory_space<vmem>>
      %dma_wait3A_1641 = tpu.memref_squeeze %dma_wait3A_1640 : memref<1x121x16xf32, #tpu.memory_space<vmem>> -> memref<121x16xf32, #tpu.memory_space<vmem>>
      %dma_wait3A_1642 = arith.constant 0 : i32
      %dma_wait3A_1643 = tpu.memref_slice %arg9[%dma_wait3A_1636, %dma_wait3A_1642] : memref<32x121xi32, #tpu.memory_space<vmem>> -> memref<1x121xi32, #tpu.memory_space<vmem>>
      %dma_wait3A_1644 = tpu.memref_squeeze %dma_wait3A_1643 : memref<1x121xi32, #tpu.memory_space<vmem>> -> memref<121xi32, #tpu.memory_space<vmem>>
      %dma_wait3A_1645 = arith.constant 0 : i32
      %dma_wait3A_1646 = arith.constant 0 : i32
      %dma_wait3A_1647 = tpu.memref_slice %arg3[%dma_wait3A_1645, %dma_wait3A_1646] : memref<1000x16xf32, #tpu.memory_space<hbm>> -> memref<1000x16xf32, #tpu.memory_space<hbm>>
      tpu.wait_indirect_dma semaphore(%arg14 : memref<!tpu.dma_semaphore, #tpu.memory_space<semaphore_mem>>) src(%dma_wait3A_1647 : memref<1000x16xf32, #tpu.memory_space<hbm>>) dst(%dma_wait3A_1641 : memref<121x16xf32, #tpu.memory_space<vmem>>)
      %dma_wait3A_1648 = arith.constant 14 : i32
      %dma_wait3A_1649 = arith.constant 125 : i32
      %dma_wait3A_1650 = arith.constant 0 : i32
      %dma_wait3A_1651 = tpu.memref_slice %arg13[%dma_wait3A_1648, %dma_wait3A_1649, %dma_wait3A_1650] : memref<32x126x16xf32, #tpu.memory_space<vmem>> -> memref<1x1x16xf32, #tpu.memory_space<vmem>>
      %dma_wait3A_1652 = tpu.memref_squeeze %dma_wait3A_1651 : memref<1x1x16xf32, #tpu.memory_space<vmem>> -> memref<1x16xf32, #tpu.memory_space<vmem>>
      %dma_wait3A_1653 = arith.constant 232 : i32
      %dma_wait3A_1654 = tpu.memref_slice %arg10[%dma_wait3A_1653] : memref<512xi32, #tpu.memory_space<vmem>> -> memref<1xi32, #tpu.memory_space<vmem>>
      %dma_wait3A_1655 = arith.constant 0 : i32
      %dma_wait3A_1656 = arith.constant 0 : i32
      %dma_wait3A_1657 = tpu.memref_slice %arg4[%dma_wait3A_1655, %dma_wait3A_1656] : memref<101x16xf32, #tpu.memory_space<hbm>> -> memref<101x16xf32, #tpu.memory_space<hbm>>
      tpu.wait_indirect_dma semaphore(%arg14 : memref<!tpu.dma_semaphore, #tpu.memory_space<semaphore_mem>>) src(%dma_wait3A_1657 : memref<101x16xf32, #tpu.memory_space<hbm>>) dst(%dma_wait3A_1652 : memref<1x16xf32, #tpu.memory_space<vmem>>)
      %dma_wait3A_1658 = arith.constant 15 : i32
      %dma_wait3A_1659 = arith.constant 0 : i32
      %dma_wait3A_1660 = arith.constant 0 : i32
      %dma_wait3A_1661 = tpu.memref_slice %arg13[%dma_wait3A_1658, %dma_wait3A_1659, %dma_wait3A_1660] : memref<32x126x16xf32, #tpu.memory_space<vmem>> -> memref<1x4x16xf32, #tpu.memory_space<vmem>>
      %dma_wait3A_1662 = tpu.memref_squeeze %dma_wait3A_1661 : memref<1x4x16xf32, #tpu.memory_space<vmem>> -> memref<4x16xf32, #tpu.memory_space<vmem>>
      %dma_wait3A_1663 = arith.constant 240 : i32
      %dma_wait3A_1664 = tpu.memref_slice %arg10[%dma_wait3A_1663] : memref<512xi32, #tpu.memory_space<vmem>> -> memref<4xi32, #tpu.memory_space<vmem>>
      %dma_wait3A_1665 = arith.constant 0 : i32
      %dma_wait3A_1666 = arith.constant 0 : i32
      %dma_wait3A_1667 = tpu.memref_slice %arg2[%dma_wait3A_1665, %dma_wait3A_1666] : memref<200000x16xf32, #tpu.memory_space<hbm>> -> memref<200000x16xf32, #tpu.memory_space<hbm>>
      tpu.wait_indirect_dma semaphore(%arg14 : memref<!tpu.dma_semaphore, #tpu.memory_space<semaphore_mem>>) src(%dma_wait3A_1667 : memref<200000x16xf32, #tpu.memory_space<hbm>>) dst(%dma_wait3A_1662 : memref<4x16xf32, #tpu.memory_space<vmem>>)
      %dma_wait3A_1668 = arith.constant 15 : i32
      %dma_wait3A_1669 = arith.constant 15 : i32
      %dma_wait3A_1670 = arith.constant 4 : i32
      %dma_wait3A_1671 = arith.constant 0 : i32
      %dma_wait3A_1672 = tpu.memref_slice %arg13[%dma_wait3A_1669, %dma_wait3A_1670, %dma_wait3A_1671] : memref<32x126x16xf32, #tpu.memory_space<vmem>> -> memref<1x121x16xf32, #tpu.memory_space<vmem>>
      %dma_wait3A_1673 = tpu.memref_squeeze %dma_wait3A_1672 : memref<1x121x16xf32, #tpu.memory_space<vmem>> -> memref<121x16xf32, #tpu.memory_space<vmem>>
      %dma_wait3A_1674 = arith.constant 0 : i32
      %dma_wait3A_1675 = tpu.memref_slice %arg9[%dma_wait3A_1668, %dma_wait3A_1674] : memref<32x121xi32, #tpu.memory_space<vmem>> -> memref<1x121xi32, #tpu.memory_space<vmem>>
      %dma_wait3A_1676 = tpu.memref_squeeze %dma_wait3A_1675 : memref<1x121xi32, #tpu.memory_space<vmem>> -> memref<121xi32, #tpu.memory_space<vmem>>
      %dma_wait3A_1677 = arith.constant 0 : i32
      %dma_wait3A_1678 = arith.constant 0 : i32
      %dma_wait3A_1679 = tpu.memref_slice %arg3[%dma_wait3A_1677, %dma_wait3A_1678] : memref<1000x16xf32, #tpu.memory_space<hbm>> -> memref<1000x16xf32, #tpu.memory_space<hbm>>
      tpu.wait_indirect_dma semaphore(%arg14 : memref<!tpu.dma_semaphore, #tpu.memory_space<semaphore_mem>>) src(%dma_wait3A_1679 : memref<1000x16xf32, #tpu.memory_space<hbm>>) dst(%dma_wait3A_1673 : memref<121x16xf32, #tpu.memory_space<vmem>>)
      %dma_wait3A_1680 = arith.constant 15 : i32
      %dma_wait3A_1681 = arith.constant 125 : i32
      %dma_wait3A_1682 = arith.constant 0 : i32
      %dma_wait3A_1683 = tpu.memref_slice %arg13[%dma_wait3A_1680, %dma_wait3A_1681, %dma_wait3A_1682] : memref<32x126x16xf32, #tpu.memory_space<vmem>> -> memref<1x1x16xf32, #tpu.memory_space<vmem>>
      %dma_wait3A_1684 = tpu.memref_squeeze %dma_wait3A_1683 : memref<1x1x16xf32, #tpu.memory_space<vmem>> -> memref<1x16xf32, #tpu.memory_space<vmem>>
      %dma_wait3A_1685 = arith.constant 248 : i32
      %dma_wait3A_1686 = tpu.memref_slice %arg10[%dma_wait3A_1685] : memref<512xi32, #tpu.memory_space<vmem>> -> memref<1xi32, #tpu.memory_space<vmem>>
      %dma_wait3A_1687 = arith.constant 0 : i32
      %dma_wait3A_1688 = arith.constant 0 : i32
      %dma_wait3A_1689 = tpu.memref_slice %arg4[%dma_wait3A_1687, %dma_wait3A_1688] : memref<101x16xf32, #tpu.memory_space<hbm>> -> memref<101x16xf32, #tpu.memory_space<hbm>>
      tpu.wait_indirect_dma semaphore(%arg14 : memref<!tpu.dma_semaphore, #tpu.memory_space<semaphore_mem>>) src(%dma_wait3A_1689 : memref<101x16xf32, #tpu.memory_space<hbm>>) dst(%dma_wait3A_1684 : memref<1x16xf32, #tpu.memory_space<vmem>>)
      %dma_wait3A_1690 = arith.constant 16 : i32
      %dma_wait3A_1691 = arith.constant 0 : i32
      %dma_wait3A_1692 = arith.constant 0 : i32
      %dma_wait3A_1693 = tpu.memref_slice %arg13[%dma_wait3A_1690, %dma_wait3A_1691, %dma_wait3A_1692] : memref<32x126x16xf32, #tpu.memory_space<vmem>> -> memref<1x4x16xf32, #tpu.memory_space<vmem>>
      %dma_wait3A_1694 = tpu.memref_squeeze %dma_wait3A_1693 : memref<1x4x16xf32, #tpu.memory_space<vmem>> -> memref<4x16xf32, #tpu.memory_space<vmem>>
      %dma_wait3A_1695 = arith.constant 256 : i32
      %dma_wait3A_1696 = tpu.memref_slice %arg10[%dma_wait3A_1695] : memref<512xi32, #tpu.memory_space<vmem>> -> memref<4xi32, #tpu.memory_space<vmem>>
      %dma_wait3A_1697 = arith.constant 0 : i32
      %dma_wait3A_1698 = arith.constant 0 : i32
      %dma_wait3A_1699 = tpu.memref_slice %arg2[%dma_wait3A_1697, %dma_wait3A_1698] : memref<200000x16xf32, #tpu.memory_space<hbm>> -> memref<200000x16xf32, #tpu.memory_space<hbm>>
      tpu.wait_indirect_dma semaphore(%arg14 : memref<!tpu.dma_semaphore, #tpu.memory_space<semaphore_mem>>) src(%dma_wait3A_1699 : memref<200000x16xf32, #tpu.memory_space<hbm>>) dst(%dma_wait3A_1694 : memref<4x16xf32, #tpu.memory_space<vmem>>)
      %dma_wait3A_1700 = arith.constant 16 : i32
      %dma_wait3A_1701 = arith.constant 16 : i32
      %dma_wait3A_1702 = arith.constant 4 : i32
      %dma_wait3A_1703 = arith.constant 0 : i32
      %dma_wait3A_1704 = tpu.memref_slice %arg13[%dma_wait3A_1701, %dma_wait3A_1702, %dma_wait3A_1703] : memref<32x126x16xf32, #tpu.memory_space<vmem>> -> memref<1x121x16xf32, #tpu.memory_space<vmem>>
      %dma_wait3A_1705 = tpu.memref_squeeze %dma_wait3A_1704 : memref<1x121x16xf32, #tpu.memory_space<vmem>> -> memref<121x16xf32, #tpu.memory_space<vmem>>
      %dma_wait3A_1706 = arith.constant 0 : i32
      %dma_wait3A_1707 = tpu.memref_slice %arg9[%dma_wait3A_1700, %dma_wait3A_1706] : memref<32x121xi32, #tpu.memory_space<vmem>> -> memref<1x121xi32, #tpu.memory_space<vmem>>
      %dma_wait3A_1708 = tpu.memref_squeeze %dma_wait3A_1707 : memref<1x121xi32, #tpu.memory_space<vmem>> -> memref<121xi32, #tpu.memory_space<vmem>>
      %dma_wait3A_1709 = arith.constant 0 : i32
      %dma_wait3A_1710 = arith.constant 0 : i32
      %dma_wait3A_1711 = tpu.memref_slice %arg3[%dma_wait3A_1709, %dma_wait3A_1710] : memref<1000x16xf32, #tpu.memory_space<hbm>> -> memref<1000x16xf32, #tpu.memory_space<hbm>>
      tpu.wait_indirect_dma semaphore(%arg14 : memref<!tpu.dma_semaphore, #tpu.memory_space<semaphore_mem>>) src(%dma_wait3A_1711 : memref<1000x16xf32, #tpu.memory_space<hbm>>) dst(%dma_wait3A_1705 : memref<121x16xf32, #tpu.memory_space<vmem>>)
      %dma_wait3A_1712 = arith.constant 16 : i32
      %dma_wait3A_1713 = arith.constant 125 : i32
      %dma_wait3A_1714 = arith.constant 0 : i32
      %dma_wait3A_1715 = tpu.memref_slice %arg13[%dma_wait3A_1712, %dma_wait3A_1713, %dma_wait3A_1714] : memref<32x126x16xf32, #tpu.memory_space<vmem>> -> memref<1x1x16xf32, #tpu.memory_space<vmem>>
      %dma_wait3A_1716 = tpu.memref_squeeze %dma_wait3A_1715 : memref<1x1x16xf32, #tpu.memory_space<vmem>> -> memref<1x16xf32, #tpu.memory_space<vmem>>
      %dma_wait3A_1717 = arith.constant 264 : i32
      %dma_wait3A_1718 = tpu.memref_slice %arg10[%dma_wait3A_1717] : memref<512xi32, #tpu.memory_space<vmem>> -> memref<1xi32, #tpu.memory_space<vmem>>
      %dma_wait3A_1719 = arith.constant 0 : i32
      %dma_wait3A_1720 = arith.constant 0 : i32
      %dma_wait3A_1721 = tpu.memref_slice %arg4[%dma_wait3A_1719, %dma_wait3A_1720] : memref<101x16xf32, #tpu.memory_space<hbm>> -> memref<101x16xf32, #tpu.memory_space<hbm>>
      tpu.wait_indirect_dma semaphore(%arg14 : memref<!tpu.dma_semaphore, #tpu.memory_space<semaphore_mem>>) src(%dma_wait3A_1721 : memref<101x16xf32, #tpu.memory_space<hbm>>) dst(%dma_wait3A_1716 : memref<1x16xf32, #tpu.memory_space<vmem>>)
      %dma_wait3A_1722 = arith.constant 17 : i32
      %dma_wait3A_1723 = arith.constant 0 : i32
      %dma_wait3A_1724 = arith.constant 0 : i32
      %dma_wait3A_1725 = tpu.memref_slice %arg13[%dma_wait3A_1722, %dma_wait3A_1723, %dma_wait3A_1724] : memref<32x126x16xf32, #tpu.memory_space<vmem>> -> memref<1x4x16xf32, #tpu.memory_space<vmem>>
      %dma_wait3A_1726 = tpu.memref_squeeze %dma_wait3A_1725 : memref<1x4x16xf32, #tpu.memory_space<vmem>> -> memref<4x16xf32, #tpu.memory_space<vmem>>
      %dma_wait3A_1727 = arith.constant 272 : i32
      %dma_wait3A_1728 = tpu.memref_slice %arg10[%dma_wait3A_1727] : memref<512xi32, #tpu.memory_space<vmem>> -> memref<4xi32, #tpu.memory_space<vmem>>
      %dma_wait3A_1729 = arith.constant 0 : i32
      %dma_wait3A_1730 = arith.constant 0 : i32
      %dma_wait3A_1731 = tpu.memref_slice %arg2[%dma_wait3A_1729, %dma_wait3A_1730] : memref<200000x16xf32, #tpu.memory_space<hbm>> -> memref<200000x16xf32, #tpu.memory_space<hbm>>
      tpu.wait_indirect_dma semaphore(%arg14 : memref<!tpu.dma_semaphore, #tpu.memory_space<semaphore_mem>>) src(%dma_wait3A_1731 : memref<200000x16xf32, #tpu.memory_space<hbm>>) dst(%dma_wait3A_1726 : memref<4x16xf32, #tpu.memory_space<vmem>>)
      %dma_wait3A_1732 = arith.constant 17 : i32
      %dma_wait3A_1733 = arith.constant 17 : i32
      %dma_wait3A_1734 = arith.constant 4 : i32
      %dma_wait3A_1735 = arith.constant 0 : i32
      %dma_wait3A_1736 = tpu.memref_slice %arg13[%dma_wait3A_1733, %dma_wait3A_1734, %dma_wait3A_1735] : memref<32x126x16xf32, #tpu.memory_space<vmem>> -> memref<1x121x16xf32, #tpu.memory_space<vmem>>
      %dma_wait3A_1737 = tpu.memref_squeeze %dma_wait3A_1736 : memref<1x121x16xf32, #tpu.memory_space<vmem>> -> memref<121x16xf32, #tpu.memory_space<vmem>>
      %dma_wait3A_1738 = arith.constant 0 : i32
      %dma_wait3A_1739 = tpu.memref_slice %arg9[%dma_wait3A_1732, %dma_wait3A_1738] : memref<32x121xi32, #tpu.memory_space<vmem>> -> memref<1x121xi32, #tpu.memory_space<vmem>>
      %dma_wait3A_1740 = tpu.memref_squeeze %dma_wait3A_1739 : memref<1x121xi32, #tpu.memory_space<vmem>> -> memref<121xi32, #tpu.memory_space<vmem>>
      %dma_wait3A_1741 = arith.constant 0 : i32
      %dma_wait3A_1742 = arith.constant 0 : i32
      %dma_wait3A_1743 = tpu.memref_slice %arg3[%dma_wait3A_1741, %dma_wait3A_1742] : memref<1000x16xf32, #tpu.memory_space<hbm>> -> memref<1000x16xf32, #tpu.memory_space<hbm>>
      tpu.wait_indirect_dma semaphore(%arg14 : memref<!tpu.dma_semaphore, #tpu.memory_space<semaphore_mem>>) src(%dma_wait3A_1743 : memref<1000x16xf32, #tpu.memory_space<hbm>>) dst(%dma_wait3A_1737 : memref<121x16xf32, #tpu.memory_space<vmem>>)
      %dma_wait3A_1744 = arith.constant 17 : i32
      %dma_wait3A_1745 = arith.constant 125 : i32
      %dma_wait3A_1746 = arith.constant 0 : i32
      %dma_wait3A_1747 = tpu.memref_slice %arg13[%dma_wait3A_1744, %dma_wait3A_1745, %dma_wait3A_1746] : memref<32x126x16xf32, #tpu.memory_space<vmem>> -> memref<1x1x16xf32, #tpu.memory_space<vmem>>
      %dma_wait3A_1748 = tpu.memref_squeeze %dma_wait3A_1747 : memref<1x1x16xf32, #tpu.memory_space<vmem>> -> memref<1x16xf32, #tpu.memory_space<vmem>>
      %dma_wait3A_1749 = arith.constant 280 : i32
      %dma_wait3A_1750 = tpu.memref_slice %arg10[%dma_wait3A_1749] : memref<512xi32, #tpu.memory_space<vmem>> -> memref<1xi32, #tpu.memory_space<vmem>>
      %dma_wait3A_1751 = arith.constant 0 : i32
      %dma_wait3A_1752 = arith.constant 0 : i32
      %dma_wait3A_1753 = tpu.memref_slice %arg4[%dma_wait3A_1751, %dma_wait3A_1752] : memref<101x16xf32, #tpu.memory_space<hbm>> -> memref<101x16xf32, #tpu.memory_space<hbm>>
      tpu.wait_indirect_dma semaphore(%arg14 : memref<!tpu.dma_semaphore, #tpu.memory_space<semaphore_mem>>) src(%dma_wait3A_1753 : memref<101x16xf32, #tpu.memory_space<hbm>>) dst(%dma_wait3A_1748 : memref<1x16xf32, #tpu.memory_space<vmem>>)
      %dma_wait3A_1754 = arith.constant 18 : i32
      %dma_wait3A_1755 = arith.constant 0 : i32
      %dma_wait3A_1756 = arith.constant 0 : i32
      %dma_wait3A_1757 = tpu.memref_slice %arg13[%dma_wait3A_1754, %dma_wait3A_1755, %dma_wait3A_1756] : memref<32x126x16xf32, #tpu.memory_space<vmem>> -> memref<1x4x16xf32, #tpu.memory_space<vmem>>
      %dma_wait3A_1758 = tpu.memref_squeeze %dma_wait3A_1757 : memref<1x4x16xf32, #tpu.memory_space<vmem>> -> memref<4x16xf32, #tpu.memory_space<vmem>>
      %dma_wait3A_1759 = arith.constant 288 : i32
      %dma_wait3A_1760 = tpu.memref_slice %arg10[%dma_wait3A_1759] : memref<512xi32, #tpu.memory_space<vmem>> -> memref<4xi32, #tpu.memory_space<vmem>>
      %dma_wait3A_1761 = arith.constant 0 : i32
      %dma_wait3A_1762 = arith.constant 0 : i32
      %dma_wait3A_1763 = tpu.memref_slice %arg2[%dma_wait3A_1761, %dma_wait3A_1762] : memref<200000x16xf32, #tpu.memory_space<hbm>> -> memref<200000x16xf32, #tpu.memory_space<hbm>>
      tpu.wait_indirect_dma semaphore(%arg14 : memref<!tpu.dma_semaphore, #tpu.memory_space<semaphore_mem>>) src(%dma_wait3A_1763 : memref<200000x16xf32, #tpu.memory_space<hbm>>) dst(%dma_wait3A_1758 : memref<4x16xf32, #tpu.memory_space<vmem>>)
      %dma_wait3A_1764 = arith.constant 18 : i32
      %dma_wait3A_1765 = arith.constant 18 : i32
      %dma_wait3A_1766 = arith.constant 4 : i32
      %dma_wait3A_1767 = arith.constant 0 : i32
      %dma_wait3A_1768 = tpu.memref_slice %arg13[%dma_wait3A_1765, %dma_wait3A_1766, %dma_wait3A_1767] : memref<32x126x16xf32, #tpu.memory_space<vmem>> -> memref<1x121x16xf32, #tpu.memory_space<vmem>>
      %dma_wait3A_1769 = tpu.memref_squeeze %dma_wait3A_1768 : memref<1x121x16xf32, #tpu.memory_space<vmem>> -> memref<121x16xf32, #tpu.memory_space<vmem>>
      %dma_wait3A_1770 = arith.constant 0 : i32
      %dma_wait3A_1771 = tpu.memref_slice %arg9[%dma_wait3A_1764, %dma_wait3A_1770] : memref<32x121xi32, #tpu.memory_space<vmem>> -> memref<1x121xi32, #tpu.memory_space<vmem>>
      %dma_wait3A_1772 = tpu.memref_squeeze %dma_wait3A_1771 : memref<1x121xi32, #tpu.memory_space<vmem>> -> memref<121xi32, #tpu.memory_space<vmem>>
      %dma_wait3A_1773 = arith.constant 0 : i32
      %dma_wait3A_1774 = arith.constant 0 : i32
      %dma_wait3A_1775 = tpu.memref_slice %arg3[%dma_wait3A_1773, %dma_wait3A_1774] : memref<1000x16xf32, #tpu.memory_space<hbm>> -> memref<1000x16xf32, #tpu.memory_space<hbm>>
      tpu.wait_indirect_dma semaphore(%arg14 : memref<!tpu.dma_semaphore, #tpu.memory_space<semaphore_mem>>) src(%dma_wait3A_1775 : memref<1000x16xf32, #tpu.memory_space<hbm>>) dst(%dma_wait3A_1769 : memref<121x16xf32, #tpu.memory_space<vmem>>)
      %dma_wait3A_1776 = arith.constant 18 : i32
      %dma_wait3A_1777 = arith.constant 125 : i32
      %dma_wait3A_1778 = arith.constant 0 : i32
      %dma_wait3A_1779 = tpu.memref_slice %arg13[%dma_wait3A_1776, %dma_wait3A_1777, %dma_wait3A_1778] : memref<32x126x16xf32, #tpu.memory_space<vmem>> -> memref<1x1x16xf32, #tpu.memory_space<vmem>>
      %dma_wait3A_1780 = tpu.memref_squeeze %dma_wait3A_1779 : memref<1x1x16xf32, #tpu.memory_space<vmem>> -> memref<1x16xf32, #tpu.memory_space<vmem>>
      %dma_wait3A_1781 = arith.constant 296 : i32
      %dma_wait3A_1782 = tpu.memref_slice %arg10[%dma_wait3A_1781] : memref<512xi32, #tpu.memory_space<vmem>> -> memref<1xi32, #tpu.memory_space<vmem>>
      %dma_wait3A_1783 = arith.constant 0 : i32
      %dma_wait3A_1784 = arith.constant 0 : i32
      %dma_wait3A_1785 = tpu.memref_slice %arg4[%dma_wait3A_1783, %dma_wait3A_1784] : memref<101x16xf32, #tpu.memory_space<hbm>> -> memref<101x16xf32, #tpu.memory_space<hbm>>
      tpu.wait_indirect_dma semaphore(%arg14 : memref<!tpu.dma_semaphore, #tpu.memory_space<semaphore_mem>>) src(%dma_wait3A_1785 : memref<101x16xf32, #tpu.memory_space<hbm>>) dst(%dma_wait3A_1780 : memref<1x16xf32, #tpu.memory_space<vmem>>)
      %dma_wait3A_1786 = arith.constant 19 : i32
      %dma_wait3A_1787 = arith.constant 0 : i32
      %dma_wait3A_1788 = arith.constant 0 : i32
      %dma_wait3A_1789 = tpu.memref_slice %arg13[%dma_wait3A_1786, %dma_wait3A_1787, %dma_wait3A_1788] : memref<32x126x16xf32, #tpu.memory_space<vmem>> -> memref<1x4x16xf32, #tpu.memory_space<vmem>>
      %dma_wait3A_1790 = tpu.memref_squeeze %dma_wait3A_1789 : memref<1x4x16xf32, #tpu.memory_space<vmem>> -> memref<4x16xf32, #tpu.memory_space<vmem>>
      %dma_wait3A_1791 = arith.constant 304 : i32
      %dma_wait3A_1792 = tpu.memref_slice %arg10[%dma_wait3A_1791] : memref<512xi32, #tpu.memory_space<vmem>> -> memref<4xi32, #tpu.memory_space<vmem>>
      %dma_wait3A_1793 = arith.constant 0 : i32
      %dma_wait3A_1794 = arith.constant 0 : i32
      %dma_wait3A_1795 = tpu.memref_slice %arg2[%dma_wait3A_1793, %dma_wait3A_1794] : memref<200000x16xf32, #tpu.memory_space<hbm>> -> memref<200000x16xf32, #tpu.memory_space<hbm>>
      tpu.wait_indirect_dma semaphore(%arg14 : memref<!tpu.dma_semaphore, #tpu.memory_space<semaphore_mem>>) src(%dma_wait3A_1795 : memref<200000x16xf32, #tpu.memory_space<hbm>>) dst(%dma_wait3A_1790 : memref<4x16xf32, #tpu.memory_space<vmem>>)
      %dma_wait3A_1796 = arith.constant 19 : i32
      %dma_wait3A_1797 = arith.constant 19 : i32
      %dma_wait3A_1798 = arith.constant 4 : i32
      %dma_wait3A_1799 = arith.constant 0 : i32
      %dma_wait3A_1800 = tpu.memref_slice %arg13[%dma_wait3A_1797, %dma_wait3A_1798, %dma_wait3A_1799] : memref<32x126x16xf32, #tpu.memory_space<vmem>> -> memref<1x121x16xf32, #tpu.memory_space<vmem>>
      %dma_wait3A_1801 = tpu.memref_squeeze %dma_wait3A_1800 : memref<1x121x16xf32, #tpu.memory_space<vmem>> -> memref<121x16xf32, #tpu.memory_space<vmem>>
      %dma_wait3A_1802 = arith.constant 0 : i32
      %dma_wait3A_1803 = tpu.memref_slice %arg9[%dma_wait3A_1796, %dma_wait3A_1802] : memref<32x121xi32, #tpu.memory_space<vmem>> -> memref<1x121xi32, #tpu.memory_space<vmem>>
      %dma_wait3A_1804 = tpu.memref_squeeze %dma_wait3A_1803 : memref<1x121xi32, #tpu.memory_space<vmem>> -> memref<121xi32, #tpu.memory_space<vmem>>
      %dma_wait3A_1805 = arith.constant 0 : i32
      %dma_wait3A_1806 = arith.constant 0 : i32
      %dma_wait3A_1807 = tpu.memref_slice %arg3[%dma_wait3A_1805, %dma_wait3A_1806] : memref<1000x16xf32, #tpu.memory_space<hbm>> -> memref<1000x16xf32, #tpu.memory_space<hbm>>
      tpu.wait_indirect_dma semaphore(%arg14 : memref<!tpu.dma_semaphore, #tpu.memory_space<semaphore_mem>>) src(%dma_wait3A_1807 : memref<1000x16xf32, #tpu.memory_space<hbm>>) dst(%dma_wait3A_1801 : memref<121x16xf32, #tpu.memory_space<vmem>>)
      %dma_wait3A_1808 = arith.constant 19 : i32
      %dma_wait3A_1809 = arith.constant 125 : i32
      %dma_wait3A_1810 = arith.constant 0 : i32
      %dma_wait3A_1811 = tpu.memref_slice %arg13[%dma_wait3A_1808, %dma_wait3A_1809, %dma_wait3A_1810] : memref<32x126x16xf32, #tpu.memory_space<vmem>> -> memref<1x1x16xf32, #tpu.memory_space<vmem>>
      %dma_wait3A_1812 = tpu.memref_squeeze %dma_wait3A_1811 : memref<1x1x16xf32, #tpu.memory_space<vmem>> -> memref<1x16xf32, #tpu.memory_space<vmem>>
      %dma_wait3A_1813 = arith.constant 312 : i32
      %dma_wait3A_1814 = tpu.memref_slice %arg10[%dma_wait3A_1813] : memref<512xi32, #tpu.memory_space<vmem>> -> memref<1xi32, #tpu.memory_space<vmem>>
      %dma_wait3A_1815 = arith.constant 0 : i32
      %dma_wait3A_1816 = arith.constant 0 : i32
      %dma_wait3A_1817 = tpu.memref_slice %arg4[%dma_wait3A_1815, %dma_wait3A_1816] : memref<101x16xf32, #tpu.memory_space<hbm>> -> memref<101x16xf32, #tpu.memory_space<hbm>>
      tpu.wait_indirect_dma semaphore(%arg14 : memref<!tpu.dma_semaphore, #tpu.memory_space<semaphore_mem>>) src(%dma_wait3A_1817 : memref<101x16xf32, #tpu.memory_space<hbm>>) dst(%dma_wait3A_1812 : memref<1x16xf32, #tpu.memory_space<vmem>>)
      %dma_wait3A_1818 = arith.constant 20 : i32
      %dma_wait3A_1819 = arith.constant 0 : i32
      %dma_wait3A_1820 = arith.constant 0 : i32
      %dma_wait3A_1821 = tpu.memref_slice %arg13[%dma_wait3A_1818, %dma_wait3A_1819, %dma_wait3A_1820] : memref<32x126x16xf32, #tpu.memory_space<vmem>> -> memref<1x4x16xf32, #tpu.memory_space<vmem>>
      %dma_wait3A_1822 = tpu.memref_squeeze %dma_wait3A_1821 : memref<1x4x16xf32, #tpu.memory_space<vmem>> -> memref<4x16xf32, #tpu.memory_space<vmem>>
      %dma_wait3A_1823 = arith.constant 320 : i32
      %dma_wait3A_1824 = tpu.memref_slice %arg10[%dma_wait3A_1823] : memref<512xi32, #tpu.memory_space<vmem>> -> memref<4xi32, #tpu.memory_space<vmem>>
      %dma_wait3A_1825 = arith.constant 0 : i32
      %dma_wait3A_1826 = arith.constant 0 : i32
      %dma_wait3A_1827 = tpu.memref_slice %arg2[%dma_wait3A_1825, %dma_wait3A_1826] : memref<200000x16xf32, #tpu.memory_space<hbm>> -> memref<200000x16xf32, #tpu.memory_space<hbm>>
      tpu.wait_indirect_dma semaphore(%arg14 : memref<!tpu.dma_semaphore, #tpu.memory_space<semaphore_mem>>) src(%dma_wait3A_1827 : memref<200000x16xf32, #tpu.memory_space<hbm>>) dst(%dma_wait3A_1822 : memref<4x16xf32, #tpu.memory_space<vmem>>)
      %dma_wait3A_1828 = arith.constant 20 : i32
      %dma_wait3A_1829 = arith.constant 20 : i32
      %dma_wait3A_1830 = arith.constant 4 : i32
      %dma_wait3A_1831 = arith.constant 0 : i32
      %dma_wait3A_1832 = tpu.memref_slice %arg13[%dma_wait3A_1829, %dma_wait3A_1830, %dma_wait3A_1831] : memref<32x126x16xf32, #tpu.memory_space<vmem>> -> memref<1x121x16xf32, #tpu.memory_space<vmem>>
      %dma_wait3A_1833 = tpu.memref_squeeze %dma_wait3A_1832 : memref<1x121x16xf32, #tpu.memory_space<vmem>> -> memref<121x16xf32, #tpu.memory_space<vmem>>
      %dma_wait3A_1834 = arith.constant 0 : i32
      %dma_wait3A_1835 = tpu.memref_slice %arg9[%dma_wait3A_1828, %dma_wait3A_1834] : memref<32x121xi32, #tpu.memory_space<vmem>> -> memref<1x121xi32, #tpu.memory_space<vmem>>
      %dma_wait3A_1836 = tpu.memref_squeeze %dma_wait3A_1835 : memref<1x121xi32, #tpu.memory_space<vmem>> -> memref<121xi32, #tpu.memory_space<vmem>>
      %dma_wait3A_1837 = arith.constant 0 : i32
      %dma_wait3A_1838 = arith.constant 0 : i32
      %dma_wait3A_1839 = tpu.memref_slice %arg3[%dma_wait3A_1837, %dma_wait3A_1838] : memref<1000x16xf32, #tpu.memory_space<hbm>> -> memref<1000x16xf32, #tpu.memory_space<hbm>>
      tpu.wait_indirect_dma semaphore(%arg14 : memref<!tpu.dma_semaphore, #tpu.memory_space<semaphore_mem>>) src(%dma_wait3A_1839 : memref<1000x16xf32, #tpu.memory_space<hbm>>) dst(%dma_wait3A_1833 : memref<121x16xf32, #tpu.memory_space<vmem>>)
      %dma_wait3A_1840 = arith.constant 20 : i32
      %dma_wait3A_1841 = arith.constant 125 : i32
      %dma_wait3A_1842 = arith.constant 0 : i32
      %dma_wait3A_1843 = tpu.memref_slice %arg13[%dma_wait3A_1840, %dma_wait3A_1841, %dma_wait3A_1842] : memref<32x126x16xf32, #tpu.memory_space<vmem>> -> memref<1x1x16xf32, #tpu.memory_space<vmem>>
      %dma_wait3A_1844 = tpu.memref_squeeze %dma_wait3A_1843 : memref<1x1x16xf32, #tpu.memory_space<vmem>> -> memref<1x16xf32, #tpu.memory_space<vmem>>
      %dma_wait3A_1845 = arith.constant 328 : i32
      %dma_wait3A_1846 = tpu.memref_slice %arg10[%dma_wait3A_1845] : memref<512xi32, #tpu.memory_space<vmem>> -> memref<1xi32, #tpu.memory_space<vmem>>
      %dma_wait3A_1847 = arith.constant 0 : i32
      %dma_wait3A_1848 = arith.constant 0 : i32
      %dma_wait3A_1849 = tpu.memref_slice %arg4[%dma_wait3A_1847, %dma_wait3A_1848] : memref<101x16xf32, #tpu.memory_space<hbm>> -> memref<101x16xf32, #tpu.memory_space<hbm>>
      tpu.wait_indirect_dma semaphore(%arg14 : memref<!tpu.dma_semaphore, #tpu.memory_space<semaphore_mem>>) src(%dma_wait3A_1849 : memref<101x16xf32, #tpu.memory_space<hbm>>) dst(%dma_wait3A_1844 : memref<1x16xf32, #tpu.memory_space<vmem>>)
      %dma_wait3A_1850 = arith.constant 21 : i32
      %dma_wait3A_1851 = arith.constant 0 : i32
      %dma_wait3A_1852 = arith.constant 0 : i32
      %dma_wait3A_1853 = tpu.memref_slice %arg13[%dma_wait3A_1850, %dma_wait3A_1851, %dma_wait3A_1852] : memref<32x126x16xf32, #tpu.memory_space<vmem>> -> memref<1x4x16xf32, #tpu.memory_space<vmem>>
      %dma_wait3A_1854 = tpu.memref_squeeze %dma_wait3A_1853 : memref<1x4x16xf32, #tpu.memory_space<vmem>> -> memref<4x16xf32, #tpu.memory_space<vmem>>
      %dma_wait3A_1855 = arith.constant 336 : i32
      %dma_wait3A_1856 = tpu.memref_slice %arg10[%dma_wait3A_1855] : memref<512xi32, #tpu.memory_space<vmem>> -> memref<4xi32, #tpu.memory_space<vmem>>
      %dma_wait3A_1857 = arith.constant 0 : i32
      %dma_wait3A_1858 = arith.constant 0 : i32
      %dma_wait3A_1859 = tpu.memref_slice %arg2[%dma_wait3A_1857, %dma_wait3A_1858] : memref<200000x16xf32, #tpu.memory_space<hbm>> -> memref<200000x16xf32, #tpu.memory_space<hbm>>
      tpu.wait_indirect_dma semaphore(%arg14 : memref<!tpu.dma_semaphore, #tpu.memory_space<semaphore_mem>>) src(%dma_wait3A_1859 : memref<200000x16xf32, #tpu.memory_space<hbm>>) dst(%dma_wait3A_1854 : memref<4x16xf32, #tpu.memory_space<vmem>>)
      %dma_wait3A_1860 = arith.constant 21 : i32
      %dma_wait3A_1861 = arith.constant 21 : i32
      %dma_wait3A_1862 = arith.constant 4 : i32
      %dma_wait3A_1863 = arith.constant 0 : i32
      %dma_wait3A_1864 = tpu.memref_slice %arg13[%dma_wait3A_1861, %dma_wait3A_1862, %dma_wait3A_1863] : memref<32x126x16xf32, #tpu.memory_space<vmem>> -> memref<1x121x16xf32, #tpu.memory_space<vmem>>
      %dma_wait3A_1865 = tpu.memref_squeeze %dma_wait3A_1864 : memref<1x121x16xf32, #tpu.memory_space<vmem>> -> memref<121x16xf32, #tpu.memory_space<vmem>>
      %dma_wait3A_1866 = arith.constant 0 : i32
      %dma_wait3A_1867 = tpu.memref_slice %arg9[%dma_wait3A_1860, %dma_wait3A_1866] : memref<32x121xi32, #tpu.memory_space<vmem>> -> memref<1x121xi32, #tpu.memory_space<vmem>>
      %dma_wait3A_1868 = tpu.memref_squeeze %dma_wait3A_1867 : memref<1x121xi32, #tpu.memory_space<vmem>> -> memref<121xi32, #tpu.memory_space<vmem>>
      %dma_wait3A_1869 = arith.constant 0 : i32
      %dma_wait3A_1870 = arith.constant 0 : i32
      %dma_wait3A_1871 = tpu.memref_slice %arg3[%dma_wait3A_1869, %dma_wait3A_1870] : memref<1000x16xf32, #tpu.memory_space<hbm>> -> memref<1000x16xf32, #tpu.memory_space<hbm>>
      tpu.wait_indirect_dma semaphore(%arg14 : memref<!tpu.dma_semaphore, #tpu.memory_space<semaphore_mem>>) src(%dma_wait3A_1871 : memref<1000x16xf32, #tpu.memory_space<hbm>>) dst(%dma_wait3A_1865 : memref<121x16xf32, #tpu.memory_space<vmem>>)
      %dma_wait3A_1872 = arith.constant 21 : i32
      %dma_wait3A_1873 = arith.constant 125 : i32
      %dma_wait3A_1874 = arith.constant 0 : i32
      %dma_wait3A_1875 = tpu.memref_slice %arg13[%dma_wait3A_1872, %dma_wait3A_1873, %dma_wait3A_1874] : memref<32x126x16xf32, #tpu.memory_space<vmem>> -> memref<1x1x16xf32, #tpu.memory_space<vmem>>
      %dma_wait3A_1876 = tpu.memref_squeeze %dma_wait3A_1875 : memref<1x1x16xf32, #tpu.memory_space<vmem>> -> memref<1x16xf32, #tpu.memory_space<vmem>>
      %dma_wait3A_1877 = arith.constant 344 : i32
      %dma_wait3A_1878 = tpu.memref_slice %arg10[%dma_wait3A_1877] : memref<512xi32, #tpu.memory_space<vmem>> -> memref<1xi32, #tpu.memory_space<vmem>>
      %dma_wait3A_1879 = arith.constant 0 : i32
      %dma_wait3A_1880 = arith.constant 0 : i32
      %dma_wait3A_1881 = tpu.memref_slice %arg4[%dma_wait3A_1879, %dma_wait3A_1880] : memref<101x16xf32, #tpu.memory_space<hbm>> -> memref<101x16xf32, #tpu.memory_space<hbm>>
      tpu.wait_indirect_dma semaphore(%arg14 : memref<!tpu.dma_semaphore, #tpu.memory_space<semaphore_mem>>) src(%dma_wait3A_1881 : memref<101x16xf32, #tpu.memory_space<hbm>>) dst(%dma_wait3A_1876 : memref<1x16xf32, #tpu.memory_space<vmem>>)
      %dma_wait3A_1882 = arith.constant 22 : i32
      %dma_wait3A_1883 = arith.constant 0 : i32
      %dma_wait3A_1884 = arith.constant 0 : i32
      %dma_wait3A_1885 = tpu.memref_slice %arg13[%dma_wait3A_1882, %dma_wait3A_1883, %dma_wait3A_1884] : memref<32x126x16xf32, #tpu.memory_space<vmem>> -> memref<1x4x16xf32, #tpu.memory_space<vmem>>
      %dma_wait3A_1886 = tpu.memref_squeeze %dma_wait3A_1885 : memref<1x4x16xf32, #tpu.memory_space<vmem>> -> memref<4x16xf32, #tpu.memory_space<vmem>>
      %dma_wait3A_1887 = arith.constant 352 : i32
      %dma_wait3A_1888 = tpu.memref_slice %arg10[%dma_wait3A_1887] : memref<512xi32, #tpu.memory_space<vmem>> -> memref<4xi32, #tpu.memory_space<vmem>>
      %dma_wait3A_1889 = arith.constant 0 : i32
      %dma_wait3A_1890 = arith.constant 0 : i32
      %dma_wait3A_1891 = tpu.memref_slice %arg2[%dma_wait3A_1889, %dma_wait3A_1890] : memref<200000x16xf32, #tpu.memory_space<hbm>> -> memref<200000x16xf32, #tpu.memory_space<hbm>>
      tpu.wait_indirect_dma semaphore(%arg14 : memref<!tpu.dma_semaphore, #tpu.memory_space<semaphore_mem>>) src(%dma_wait3A_1891 : memref<200000x16xf32, #tpu.memory_space<hbm>>) dst(%dma_wait3A_1886 : memref<4x16xf32, #tpu.memory_space<vmem>>)
      %dma_wait3A_1892 = arith.constant 22 : i32
      %dma_wait3A_1893 = arith.constant 22 : i32
      %dma_wait3A_1894 = arith.constant 4 : i32
      %dma_wait3A_1895 = arith.constant 0 : i32
      %dma_wait3A_1896 = tpu.memref_slice %arg13[%dma_wait3A_1893, %dma_wait3A_1894, %dma_wait3A_1895] : memref<32x126x16xf32, #tpu.memory_space<vmem>> -> memref<1x121x16xf32, #tpu.memory_space<vmem>>
      %dma_wait3A_1897 = tpu.memref_squeeze %dma_wait3A_1896 : memref<1x121x16xf32, #tpu.memory_space<vmem>> -> memref<121x16xf32, #tpu.memory_space<vmem>>
      %dma_wait3A_1898 = arith.constant 0 : i32
      %dma_wait3A_1899 = tpu.memref_slice %arg9[%dma_wait3A_1892, %dma_wait3A_1898] : memref<32x121xi32, #tpu.memory_space<vmem>> -> memref<1x121xi32, #tpu.memory_space<vmem>>
      %dma_wait3A_1900 = tpu.memref_squeeze %dma_wait3A_1899 : memref<1x121xi32, #tpu.memory_space<vmem>> -> memref<121xi32, #tpu.memory_space<vmem>>
      %dma_wait3A_1901 = arith.constant 0 : i32
      %dma_wait3A_1902 = arith.constant 0 : i32
      %dma_wait3A_1903 = tpu.memref_slice %arg3[%dma_wait3A_1901, %dma_wait3A_1902] : memref<1000x16xf32, #tpu.memory_space<hbm>> -> memref<1000x16xf32, #tpu.memory_space<hbm>>
      tpu.wait_indirect_dma semaphore(%arg14 : memref<!tpu.dma_semaphore, #tpu.memory_space<semaphore_mem>>) src(%dma_wait3A_1903 : memref<1000x16xf32, #tpu.memory_space<hbm>>) dst(%dma_wait3A_1897 : memref<121x16xf32, #tpu.memory_space<vmem>>)
      %dma_wait3A_1904 = arith.constant 22 : i32
      %dma_wait3A_1905 = arith.constant 125 : i32
      %dma_wait3A_1906 = arith.constant 0 : i32
      %dma_wait3A_1907 = tpu.memref_slice %arg13[%dma_wait3A_1904, %dma_wait3A_1905, %dma_wait3A_1906] : memref<32x126x16xf32, #tpu.memory_space<vmem>> -> memref<1x1x16xf32, #tpu.memory_space<vmem>>
      %dma_wait3A_1908 = tpu.memref_squeeze %dma_wait3A_1907 : memref<1x1x16xf32, #tpu.memory_space<vmem>> -> memref<1x16xf32, #tpu.memory_space<vmem>>
      %dma_wait3A_1909 = arith.constant 360 : i32
      %dma_wait3A_1910 = tpu.memref_slice %arg10[%dma_wait3A_1909] : memref<512xi32, #tpu.memory_space<vmem>> -> memref<1xi32, #tpu.memory_space<vmem>>
      %dma_wait3A_1911 = arith.constant 0 : i32
      %dma_wait3A_1912 = arith.constant 0 : i32
      %dma_wait3A_1913 = tpu.memref_slice %arg4[%dma_wait3A_1911, %dma_wait3A_1912] : memref<101x16xf32, #tpu.memory_space<hbm>> -> memref<101x16xf32, #tpu.memory_space<hbm>>
      tpu.wait_indirect_dma semaphore(%arg14 : memref<!tpu.dma_semaphore, #tpu.memory_space<semaphore_mem>>) src(%dma_wait3A_1913 : memref<101x16xf32, #tpu.memory_space<hbm>>) dst(%dma_wait3A_1908 : memref<1x16xf32, #tpu.memory_space<vmem>>)
      %dma_wait3A_1914 = arith.constant 23 : i32
      %dma_wait3A_1915 = arith.constant 0 : i32
      %dma_wait3A_1916 = arith.constant 0 : i32
      %dma_wait3A_1917 = tpu.memref_slice %arg13[%dma_wait3A_1914, %dma_wait3A_1915, %dma_wait3A_1916] : memref<32x126x16xf32, #tpu.memory_space<vmem>> -> memref<1x4x16xf32, #tpu.memory_space<vmem>>
      %dma_wait3A_1918 = tpu.memref_squeeze %dma_wait3A_1917 : memref<1x4x16xf32, #tpu.memory_space<vmem>> -> memref<4x16xf32, #tpu.memory_space<vmem>>
      %dma_wait3A_1919 = arith.constant 368 : i32
      %dma_wait3A_1920 = tpu.memref_slice %arg10[%dma_wait3A_1919] : memref<512xi32, #tpu.memory_space<vmem>> -> memref<4xi32, #tpu.memory_space<vmem>>
      %dma_wait3A_1921 = arith.constant 0 : i32
      %dma_wait3A_1922 = arith.constant 0 : i32
      %dma_wait3A_1923 = tpu.memref_slice %arg2[%dma_wait3A_1921, %dma_wait3A_1922] : memref<200000x16xf32, #tpu.memory_space<hbm>> -> memref<200000x16xf32, #tpu.memory_space<hbm>>
      tpu.wait_indirect_dma semaphore(%arg14 : memref<!tpu.dma_semaphore, #tpu.memory_space<semaphore_mem>>) src(%dma_wait3A_1923 : memref<200000x16xf32, #tpu.memory_space<hbm>>) dst(%dma_wait3A_1918 : memref<4x16xf32, #tpu.memory_space<vmem>>)
      %dma_wait3A_1924 = arith.constant 23 : i32
      %dma_wait3A_1925 = arith.constant 23 : i32
      %dma_wait3A_1926 = arith.constant 4 : i32
      %dma_wait3A_1927 = arith.constant 0 : i32
      %dma_wait3A_1928 = tpu.memref_slice %arg13[%dma_wait3A_1925, %dma_wait3A_1926, %dma_wait3A_1927] : memref<32x126x16xf32, #tpu.memory_space<vmem>> -> memref<1x121x16xf32, #tpu.memory_space<vmem>>
      %dma_wait3A_1929 = tpu.memref_squeeze %dma_wait3A_1928 : memref<1x121x16xf32, #tpu.memory_space<vmem>> -> memref<121x16xf32, #tpu.memory_space<vmem>>
      %dma_wait3A_1930 = arith.constant 0 : i32
      %dma_wait3A_1931 = tpu.memref_slice %arg9[%dma_wait3A_1924, %dma_wait3A_1930] : memref<32x121xi32, #tpu.memory_space<vmem>> -> memref<1x121xi32, #tpu.memory_space<vmem>>
      %dma_wait3A_1932 = tpu.memref_squeeze %dma_wait3A_1931 : memref<1x121xi32, #tpu.memory_space<vmem>> -> memref<121xi32, #tpu.memory_space<vmem>>
      %dma_wait3A_1933 = arith.constant 0 : i32
      %dma_wait3A_1934 = arith.constant 0 : i32
      %dma_wait3A_1935 = tpu.memref_slice %arg3[%dma_wait3A_1933, %dma_wait3A_1934] : memref<1000x16xf32, #tpu.memory_space<hbm>> -> memref<1000x16xf32, #tpu.memory_space<hbm>>
      tpu.wait_indirect_dma semaphore(%arg14 : memref<!tpu.dma_semaphore, #tpu.memory_space<semaphore_mem>>) src(%dma_wait3A_1935 : memref<1000x16xf32, #tpu.memory_space<hbm>>) dst(%dma_wait3A_1929 : memref<121x16xf32, #tpu.memory_space<vmem>>)
      %dma_wait3A_1936 = arith.constant 23 : i32
      %dma_wait3A_1937 = arith.constant 125 : i32
      %dma_wait3A_1938 = arith.constant 0 : i32
      %dma_wait3A_1939 = tpu.memref_slice %arg13[%dma_wait3A_1936, %dma_wait3A_1937, %dma_wait3A_1938] : memref<32x126x16xf32, #tpu.memory_space<vmem>> -> memref<1x1x16xf32, #tpu.memory_space<vmem>>
      %dma_wait3A_1940 = tpu.memref_squeeze %dma_wait3A_1939 : memref<1x1x16xf32, #tpu.memory_space<vmem>> -> memref<1x16xf32, #tpu.memory_space<vmem>>
      %dma_wait3A_1941 = arith.constant 376 : i32
      %dma_wait3A_1942 = tpu.memref_slice %arg10[%dma_wait3A_1941] : memref<512xi32, #tpu.memory_space<vmem>> -> memref<1xi32, #tpu.memory_space<vmem>>
      %dma_wait3A_1943 = arith.constant 0 : i32
      %dma_wait3A_1944 = arith.constant 0 : i32
      %dma_wait3A_1945 = tpu.memref_slice %arg4[%dma_wait3A_1943, %dma_wait3A_1944] : memref<101x16xf32, #tpu.memory_space<hbm>> -> memref<101x16xf32, #tpu.memory_space<hbm>>
      tpu.wait_indirect_dma semaphore(%arg14 : memref<!tpu.dma_semaphore, #tpu.memory_space<semaphore_mem>>) src(%dma_wait3A_1945 : memref<101x16xf32, #tpu.memory_space<hbm>>) dst(%dma_wait3A_1940 : memref<1x16xf32, #tpu.memory_space<vmem>>)
      %dma_wait3A_1946 = arith.constant 24 : i32
      %dma_wait3A_1947 = arith.constant 0 : i32
      %dma_wait3A_1948 = arith.constant 0 : i32
      %dma_wait3A_1949 = tpu.memref_slice %arg13[%dma_wait3A_1946, %dma_wait3A_1947, %dma_wait3A_1948] : memref<32x126x16xf32, #tpu.memory_space<vmem>> -> memref<1x4x16xf32, #tpu.memory_space<vmem>>
      %dma_wait3A_1950 = tpu.memref_squeeze %dma_wait3A_1949 : memref<1x4x16xf32, #tpu.memory_space<vmem>> -> memref<4x16xf32, #tpu.memory_space<vmem>>
      %dma_wait3A_1951 = arith.constant 384 : i32
      %dma_wait3A_1952 = tpu.memref_slice %arg10[%dma_wait3A_1951] : memref<512xi32, #tpu.memory_space<vmem>> -> memref<4xi32, #tpu.memory_space<vmem>>
      %dma_wait3A_1953 = arith.constant 0 : i32
      %dma_wait3A_1954 = arith.constant 0 : i32
      %dma_wait3A_1955 = tpu.memref_slice %arg2[%dma_wait3A_1953, %dma_wait3A_1954] : memref<200000x16xf32, #tpu.memory_space<hbm>> -> memref<200000x16xf32, #tpu.memory_space<hbm>>
      tpu.wait_indirect_dma semaphore(%arg14 : memref<!tpu.dma_semaphore, #tpu.memory_space<semaphore_mem>>) src(%dma_wait3A_1955 : memref<200000x16xf32, #tpu.memory_space<hbm>>) dst(%dma_wait3A_1950 : memref<4x16xf32, #tpu.memory_space<vmem>>)
      %dma_wait3A_1956 = arith.constant 24 : i32
      %dma_wait3A_1957 = arith.constant 24 : i32
      %dma_wait3A_1958 = arith.constant 4 : i32
      %dma_wait3A_1959 = arith.constant 0 : i32
      %dma_wait3A_1960 = tpu.memref_slice %arg13[%dma_wait3A_1957, %dma_wait3A_1958, %dma_wait3A_1959] : memref<32x126x16xf32, #tpu.memory_space<vmem>> -> memref<1x121x16xf32, #tpu.memory_space<vmem>>
      %dma_wait3A_1961 = tpu.memref_squeeze %dma_wait3A_1960 : memref<1x121x16xf32, #tpu.memory_space<vmem>> -> memref<121x16xf32, #tpu.memory_space<vmem>>
      %dma_wait3A_1962 = arith.constant 0 : i32
      %dma_wait3A_1963 = tpu.memref_slice %arg9[%dma_wait3A_1956, %dma_wait3A_1962] : memref<32x121xi32, #tpu.memory_space<vmem>> -> memref<1x121xi32, #tpu.memory_space<vmem>>
      %dma_wait3A_1964 = tpu.memref_squeeze %dma_wait3A_1963 : memref<1x121xi32, #tpu.memory_space<vmem>> -> memref<121xi32, #tpu.memory_space<vmem>>
      %dma_wait3A_1965 = arith.constant 0 : i32
      %dma_wait3A_1966 = arith.constant 0 : i32
      %dma_wait3A_1967 = tpu.memref_slice %arg3[%dma_wait3A_1965, %dma_wait3A_1966] : memref<1000x16xf32, #tpu.memory_space<hbm>> -> memref<1000x16xf32, #tpu.memory_space<hbm>>
      tpu.wait_indirect_dma semaphore(%arg14 : memref<!tpu.dma_semaphore, #tpu.memory_space<semaphore_mem>>) src(%dma_wait3A_1967 : memref<1000x16xf32, #tpu.memory_space<hbm>>) dst(%dma_wait3A_1961 : memref<121x16xf32, #tpu.memory_space<vmem>>)
      %dma_wait3A_1968 = arith.constant 24 : i32
      %dma_wait3A_1969 = arith.constant 125 : i32
      %dma_wait3A_1970 = arith.constant 0 : i32
      %dma_wait3A_1971 = tpu.memref_slice %arg13[%dma_wait3A_1968, %dma_wait3A_1969, %dma_wait3A_1970] : memref<32x126x16xf32, #tpu.memory_space<vmem>> -> memref<1x1x16xf32, #tpu.memory_space<vmem>>
      %dma_wait3A_1972 = tpu.memref_squeeze %dma_wait3A_1971 : memref<1x1x16xf32, #tpu.memory_space<vmem>> -> memref<1x16xf32, #tpu.memory_space<vmem>>
      %dma_wait3A_1973 = arith.constant 392 : i32
      %dma_wait3A_1974 = tpu.memref_slice %arg10[%dma_wait3A_1973] : memref<512xi32, #tpu.memory_space<vmem>> -> memref<1xi32, #tpu.memory_space<vmem>>
      %dma_wait3A_1975 = arith.constant 0 : i32
      %dma_wait3A_1976 = arith.constant 0 : i32
      %dma_wait3A_1977 = tpu.memref_slice %arg4[%dma_wait3A_1975, %dma_wait3A_1976] : memref<101x16xf32, #tpu.memory_space<hbm>> -> memref<101x16xf32, #tpu.memory_space<hbm>>
      tpu.wait_indirect_dma semaphore(%arg14 : memref<!tpu.dma_semaphore, #tpu.memory_space<semaphore_mem>>) src(%dma_wait3A_1977 : memref<101x16xf32, #tpu.memory_space<hbm>>) dst(%dma_wait3A_1972 : memref<1x16xf32, #tpu.memory_space<vmem>>)
      %dma_wait3A_1978 = arith.constant 25 : i32
      %dma_wait3A_1979 = arith.constant 0 : i32
      %dma_wait3A_1980 = arith.constant 0 : i32
      %dma_wait3A_1981 = tpu.memref_slice %arg13[%dma_wait3A_1978, %dma_wait3A_1979, %dma_wait3A_1980] : memref<32x126x16xf32, #tpu.memory_space<vmem>> -> memref<1x4x16xf32, #tpu.memory_space<vmem>>
      %dma_wait3A_1982 = tpu.memref_squeeze %dma_wait3A_1981 : memref<1x4x16xf32, #tpu.memory_space<vmem>> -> memref<4x16xf32, #tpu.memory_space<vmem>>
      %dma_wait3A_1983 = arith.constant 400 : i32
      %dma_wait3A_1984 = tpu.memref_slice %arg10[%dma_wait3A_1983] : memref<512xi32, #tpu.memory_space<vmem>> -> memref<4xi32, #tpu.memory_space<vmem>>
      %dma_wait3A_1985 = arith.constant 0 : i32
      %dma_wait3A_1986 = arith.constant 0 : i32
      %dma_wait3A_1987 = tpu.memref_slice %arg2[%dma_wait3A_1985, %dma_wait3A_1986] : memref<200000x16xf32, #tpu.memory_space<hbm>> -> memref<200000x16xf32, #tpu.memory_space<hbm>>
      tpu.wait_indirect_dma semaphore(%arg14 : memref<!tpu.dma_semaphore, #tpu.memory_space<semaphore_mem>>) src(%dma_wait3A_1987 : memref<200000x16xf32, #tpu.memory_space<hbm>>) dst(%dma_wait3A_1982 : memref<4x16xf32, #tpu.memory_space<vmem>>)
      %dma_wait3A_1988 = arith.constant 25 : i32
      %dma_wait3A_1989 = arith.constant 25 : i32
      %dma_wait3A_1990 = arith.constant 4 : i32
      %dma_wait3A_1991 = arith.constant 0 : i32
      %dma_wait3A_1992 = tpu.memref_slice %arg13[%dma_wait3A_1989, %dma_wait3A_1990, %dma_wait3A_1991] : memref<32x126x16xf32, #tpu.memory_space<vmem>> -> memref<1x121x16xf32, #tpu.memory_space<vmem>>
      %dma_wait3A_1993 = tpu.memref_squeeze %dma_wait3A_1992 : memref<1x121x16xf32, #tpu.memory_space<vmem>> -> memref<121x16xf32, #tpu.memory_space<vmem>>
      %dma_wait3A_1994 = arith.constant 0 : i32
      %dma_wait3A_1995 = tpu.memref_slice %arg9[%dma_wait3A_1988, %dma_wait3A_1994] : memref<32x121xi32, #tpu.memory_space<vmem>> -> memref<1x121xi32, #tpu.memory_space<vmem>>
      %dma_wait3A_1996 = tpu.memref_squeeze %dma_wait3A_1995 : memref<1x121xi32, #tpu.memory_space<vmem>> -> memref<121xi32, #tpu.memory_space<vmem>>
      %dma_wait3A_1997 = arith.constant 0 : i32
      %dma_wait3A_1998 = arith.constant 0 : i32
      %dma_wait3A_1999 = tpu.memref_slice %arg3[%dma_wait3A_1997, %dma_wait3A_1998] : memref<1000x16xf32, #tpu.memory_space<hbm>> -> memref<1000x16xf32, #tpu.memory_space<hbm>>
      tpu.wait_indirect_dma semaphore(%arg14 : memref<!tpu.dma_semaphore, #tpu.memory_space<semaphore_mem>>) src(%dma_wait3A_1999 : memref<1000x16xf32, #tpu.memory_space<hbm>>) dst(%dma_wait3A_1993 : memref<121x16xf32, #tpu.memory_space<vmem>>)
      %dma_wait3A_2000 = arith.constant 25 : i32
      %dma_wait3A_2001 = arith.constant 125 : i32
      %dma_wait3A_2002 = arith.constant 0 : i32
      %dma_wait3A_2003 = tpu.memref_slice %arg13[%dma_wait3A_2000, %dma_wait3A_2001, %dma_wait3A_2002] : memref<32x126x16xf32, #tpu.memory_space<vmem>> -> memref<1x1x16xf32, #tpu.memory_space<vmem>>
      %dma_wait3A_2004 = tpu.memref_squeeze %dma_wait3A_2003 : memref<1x1x16xf32, #tpu.memory_space<vmem>> -> memref<1x16xf32, #tpu.memory_space<vmem>>
      %dma_wait3A_2005 = arith.constant 408 : i32
      %dma_wait3A_2006 = tpu.memref_slice %arg10[%dma_wait3A_2005] : memref<512xi32, #tpu.memory_space<vmem>> -> memref<1xi32, #tpu.memory_space<vmem>>
      %dma_wait3A_2007 = arith.constant 0 : i32
      %dma_wait3A_2008 = arith.constant 0 : i32
      %dma_wait3A_2009 = tpu.memref_slice %arg4[%dma_wait3A_2007, %dma_wait3A_2008] : memref<101x16xf32, #tpu.memory_space<hbm>> -> memref<101x16xf32, #tpu.memory_space<hbm>>
      tpu.wait_indirect_dma semaphore(%arg14 : memref<!tpu.dma_semaphore, #tpu.memory_space<semaphore_mem>>) src(%dma_wait3A_2009 : memref<101x16xf32, #tpu.memory_space<hbm>>) dst(%dma_wait3A_2004 : memref<1x16xf32, #tpu.memory_space<vmem>>)
      %dma_wait3A_2010 = arith.constant 26 : i32
      %dma_wait3A_2011 = arith.constant 0 : i32
      %dma_wait3A_2012 = arith.constant 0 : i32
      %dma_wait3A_2013 = tpu.memref_slice %arg13[%dma_wait3A_2010, %dma_wait3A_2011, %dma_wait3A_2012] : memref<32x126x16xf32, #tpu.memory_space<vmem>> -> memref<1x4x16xf32, #tpu.memory_space<vmem>>
      %dma_wait3A_2014 = tpu.memref_squeeze %dma_wait3A_2013 : memref<1x4x16xf32, #tpu.memory_space<vmem>> -> memref<4x16xf32, #tpu.memory_space<vmem>>
      %dma_wait3A_2015 = arith.constant 416 : i32
      %dma_wait3A_2016 = tpu.memref_slice %arg10[%dma_wait3A_2015] : memref<512xi32, #tpu.memory_space<vmem>> -> memref<4xi32, #tpu.memory_space<vmem>>
      %dma_wait3A_2017 = arith.constant 0 : i32
      %dma_wait3A_2018 = arith.constant 0 : i32
      %dma_wait3A_2019 = tpu.memref_slice %arg2[%dma_wait3A_2017, %dma_wait3A_2018] : memref<200000x16xf32, #tpu.memory_space<hbm>> -> memref<200000x16xf32, #tpu.memory_space<hbm>>
      tpu.wait_indirect_dma semaphore(%arg14 : memref<!tpu.dma_semaphore, #tpu.memory_space<semaphore_mem>>) src(%dma_wait3A_2019 : memref<200000x16xf32, #tpu.memory_space<hbm>>) dst(%dma_wait3A_2014 : memref<4x16xf32, #tpu.memory_space<vmem>>)
      %dma_wait3A_2020 = arith.constant 26 : i32
      %dma_wait3A_2021 = arith.constant 26 : i32
      %dma_wait3A_2022 = arith.constant 4 : i32
      %dma_wait3A_2023 = arith.constant 0 : i32
      %dma_wait3A_2024 = tpu.memref_slice %arg13[%dma_wait3A_2021, %dma_wait3A_2022, %dma_wait3A_2023] : memref<32x126x16xf32, #tpu.memory_space<vmem>> -> memref<1x121x16xf32, #tpu.memory_space<vmem>>
      %dma_wait3A_2025 = tpu.memref_squeeze %dma_wait3A_2024 : memref<1x121x16xf32, #tpu.memory_space<vmem>> -> memref<121x16xf32, #tpu.memory_space<vmem>>
      %dma_wait3A_2026 = arith.constant 0 : i32
      %dma_wait3A_2027 = tpu.memref_slice %arg9[%dma_wait3A_2020, %dma_wait3A_2026] : memref<32x121xi32, #tpu.memory_space<vmem>> -> memref<1x121xi32, #tpu.memory_space<vmem>>
      %dma_wait3A_2028 = tpu.memref_squeeze %dma_wait3A_2027 : memref<1x121xi32, #tpu.memory_space<vmem>> -> memref<121xi32, #tpu.memory_space<vmem>>
      %dma_wait3A_2029 = arith.constant 0 : i32
      %dma_wait3A_2030 = arith.constant 0 : i32
      %dma_wait3A_2031 = tpu.memref_slice %arg3[%dma_wait3A_2029, %dma_wait3A_2030] : memref<1000x16xf32, #tpu.memory_space<hbm>> -> memref<1000x16xf32, #tpu.memory_space<hbm>>
      tpu.wait_indirect_dma semaphore(%arg14 : memref<!tpu.dma_semaphore, #tpu.memory_space<semaphore_mem>>) src(%dma_wait3A_2031 : memref<1000x16xf32, #tpu.memory_space<hbm>>) dst(%dma_wait3A_2025 : memref<121x16xf32, #tpu.memory_space<vmem>>)
      %dma_wait3A_2032 = arith.constant 26 : i32
      %dma_wait3A_2033 = arith.constant 125 : i32
      %dma_wait3A_2034 = arith.constant 0 : i32
      %dma_wait3A_2035 = tpu.memref_slice %arg13[%dma_wait3A_2032, %dma_wait3A_2033, %dma_wait3A_2034] : memref<32x126x16xf32, #tpu.memory_space<vmem>> -> memref<1x1x16xf32, #tpu.memory_space<vmem>>
      %dma_wait3A_2036 = tpu.memref_squeeze %dma_wait3A_2035 : memref<1x1x16xf32, #tpu.memory_space<vmem>> -> memref<1x16xf32, #tpu.memory_space<vmem>>
      %dma_wait3A_2037 = arith.constant 424 : i32
      %dma_wait3A_2038 = tpu.memref_slice %arg10[%dma_wait3A_2037] : memref<512xi32, #tpu.memory_space<vmem>> -> memref<1xi32, #tpu.memory_space<vmem>>
      %dma_wait3A_2039 = arith.constant 0 : i32
      %dma_wait3A_2040 = arith.constant 0 : i32
      %dma_wait3A_2041 = tpu.memref_slice %arg4[%dma_wait3A_2039, %dma_wait3A_2040] : memref<101x16xf32, #tpu.memory_space<hbm>> -> memref<101x16xf32, #tpu.memory_space<hbm>>
      tpu.wait_indirect_dma semaphore(%arg14 : memref<!tpu.dma_semaphore, #tpu.memory_space<semaphore_mem>>) src(%dma_wait3A_2041 : memref<101x16xf32, #tpu.memory_space<hbm>>) dst(%dma_wait3A_2036 : memref<1x16xf32, #tpu.memory_space<vmem>>)
      %dma_wait3A_2042 = arith.constant 27 : i32
      %dma_wait3A_2043 = arith.constant 0 : i32
      %dma_wait3A_2044 = arith.constant 0 : i32
      %dma_wait3A_2045 = tpu.memref_slice %arg13[%dma_wait3A_2042, %dma_wait3A_2043, %dma_wait3A_2044] : memref<32x126x16xf32, #tpu.memory_space<vmem>> -> memref<1x4x16xf32, #tpu.memory_space<vmem>>
      %dma_wait3A_2046 = tpu.memref_squeeze %dma_wait3A_2045 : memref<1x4x16xf32, #tpu.memory_space<vmem>> -> memref<4x16xf32, #tpu.memory_space<vmem>>
      %dma_wait3A_2047 = arith.constant 432 : i32
      %dma_wait3A_2048 = tpu.memref_slice %arg10[%dma_wait3A_2047] : memref<512xi32, #tpu.memory_space<vmem>> -> memref<4xi32, #tpu.memory_space<vmem>>
      %dma_wait3A_2049 = arith.constant 0 : i32
      %dma_wait3A_2050 = arith.constant 0 : i32
      %dma_wait3A_2051 = tpu.memref_slice %arg2[%dma_wait3A_2049, %dma_wait3A_2050] : memref<200000x16xf32, #tpu.memory_space<hbm>> -> memref<200000x16xf32, #tpu.memory_space<hbm>>
      tpu.wait_indirect_dma semaphore(%arg14 : memref<!tpu.dma_semaphore, #tpu.memory_space<semaphore_mem>>) src(%dma_wait3A_2051 : memref<200000x16xf32, #tpu.memory_space<hbm>>) dst(%dma_wait3A_2046 : memref<4x16xf32, #tpu.memory_space<vmem>>)
      %dma_wait3A_2052 = arith.constant 27 : i32
      %dma_wait3A_2053 = arith.constant 27 : i32
      %dma_wait3A_2054 = arith.constant 4 : i32
      %dma_wait3A_2055 = arith.constant 0 : i32
      %dma_wait3A_2056 = tpu.memref_slice %arg13[%dma_wait3A_2053, %dma_wait3A_2054, %dma_wait3A_2055] : memref<32x126x16xf32, #tpu.memory_space<vmem>> -> memref<1x121x16xf32, #tpu.memory_space<vmem>>
      %dma_wait3A_2057 = tpu.memref_squeeze %dma_wait3A_2056 : memref<1x121x16xf32, #tpu.memory_space<vmem>> -> memref<121x16xf32, #tpu.memory_space<vmem>>
      %dma_wait3A_2058 = arith.constant 0 : i32
      %dma_wait3A_2059 = tpu.memref_slice %arg9[%dma_wait3A_2052, %dma_wait3A_2058] : memref<32x121xi32, #tpu.memory_space<vmem>> -> memref<1x121xi32, #tpu.memory_space<vmem>>
      %dma_wait3A_2060 = tpu.memref_squeeze %dma_wait3A_2059 : memref<1x121xi32, #tpu.memory_space<vmem>> -> memref<121xi32, #tpu.memory_space<vmem>>
      %dma_wait3A_2061 = arith.constant 0 : i32
      %dma_wait3A_2062 = arith.constant 0 : i32
      %dma_wait3A_2063 = tpu.memref_slice %arg3[%dma_wait3A_2061, %dma_wait3A_2062] : memref<1000x16xf32, #tpu.memory_space<hbm>> -> memref<1000x16xf32, #tpu.memory_space<hbm>>
      tpu.wait_indirect_dma semaphore(%arg14 : memref<!tpu.dma_semaphore, #tpu.memory_space<semaphore_mem>>) src(%dma_wait3A_2063 : memref<1000x16xf32, #tpu.memory_space<hbm>>) dst(%dma_wait3A_2057 : memref<121x16xf32, #tpu.memory_space<vmem>>)
      %dma_wait3A_2064 = arith.constant 27 : i32
      %dma_wait3A_2065 = arith.constant 125 : i32
      %dma_wait3A_2066 = arith.constant 0 : i32
      %dma_wait3A_2067 = tpu.memref_slice %arg13[%dma_wait3A_2064, %dma_wait3A_2065, %dma_wait3A_2066] : memref<32x126x16xf32, #tpu.memory_space<vmem>> -> memref<1x1x16xf32, #tpu.memory_space<vmem>>
      %dma_wait3A_2068 = tpu.memref_squeeze %dma_wait3A_2067 : memref<1x1x16xf32, #tpu.memory_space<vmem>> -> memref<1x16xf32, #tpu.memory_space<vmem>>
      %dma_wait3A_2069 = arith.constant 440 : i32
      %dma_wait3A_2070 = tpu.memref_slice %arg10[%dma_wait3A_2069] : memref<512xi32, #tpu.memory_space<vmem>> -> memref<1xi32, #tpu.memory_space<vmem>>
      %dma_wait3A_2071 = arith.constant 0 : i32
      %dma_wait3A_2072 = arith.constant 0 : i32
      %dma_wait3A_2073 = tpu.memref_slice %arg4[%dma_wait3A_2071, %dma_wait3A_2072] : memref<101x16xf32, #tpu.memory_space<hbm>> -> memref<101x16xf32, #tpu.memory_space<hbm>>
      tpu.wait_indirect_dma semaphore(%arg14 : memref<!tpu.dma_semaphore, #tpu.memory_space<semaphore_mem>>) src(%dma_wait3A_2073 : memref<101x16xf32, #tpu.memory_space<hbm>>) dst(%dma_wait3A_2068 : memref<1x16xf32, #tpu.memory_space<vmem>>)
      %dma_wait3A_2074 = arith.constant 28 : i32
      %dma_wait3A_2075 = arith.constant 0 : i32
      %dma_wait3A_2076 = arith.constant 0 : i32
      %dma_wait3A_2077 = tpu.memref_slice %arg13[%dma_wait3A_2074, %dma_wait3A_2075, %dma_wait3A_2076] : memref<32x126x16xf32, #tpu.memory_space<vmem>> -> memref<1x4x16xf32, #tpu.memory_space<vmem>>
      %dma_wait3A_2078 = tpu.memref_squeeze %dma_wait3A_2077 : memref<1x4x16xf32, #tpu.memory_space<vmem>> -> memref<4x16xf32, #tpu.memory_space<vmem>>
      %dma_wait3A_2079 = arith.constant 448 : i32
      %dma_wait3A_2080 = tpu.memref_slice %arg10[%dma_wait3A_2079] : memref<512xi32, #tpu.memory_space<vmem>> -> memref<4xi32, #tpu.memory_space<vmem>>
      %dma_wait3A_2081 = arith.constant 0 : i32
      %dma_wait3A_2082 = arith.constant 0 : i32
      %dma_wait3A_2083 = tpu.memref_slice %arg2[%dma_wait3A_2081, %dma_wait3A_2082] : memref<200000x16xf32, #tpu.memory_space<hbm>> -> memref<200000x16xf32, #tpu.memory_space<hbm>>
      tpu.wait_indirect_dma semaphore(%arg14 : memref<!tpu.dma_semaphore, #tpu.memory_space<semaphore_mem>>) src(%dma_wait3A_2083 : memref<200000x16xf32, #tpu.memory_space<hbm>>) dst(%dma_wait3A_2078 : memref<4x16xf32, #tpu.memory_space<vmem>>)
      %dma_wait3A_2084 = arith.constant 28 : i32
      %dma_wait3A_2085 = arith.constant 28 : i32
      %dma_wait3A_2086 = arith.constant 4 : i32
      %dma_wait3A_2087 = arith.constant 0 : i32
      %dma_wait3A_2088 = tpu.memref_slice %arg13[%dma_wait3A_2085, %dma_wait3A_2086, %dma_wait3A_2087] : memref<32x126x16xf32, #tpu.memory_space<vmem>> -> memref<1x121x16xf32, #tpu.memory_space<vmem>>
      %dma_wait3A_2089 = tpu.memref_squeeze %dma_wait3A_2088 : memref<1x121x16xf32, #tpu.memory_space<vmem>> -> memref<121x16xf32, #tpu.memory_space<vmem>>
      %dma_wait3A_2090 = arith.constant 0 : i32
      %dma_wait3A_2091 = tpu.memref_slice %arg9[%dma_wait3A_2084, %dma_wait3A_2090] : memref<32x121xi32, #tpu.memory_space<vmem>> -> memref<1x121xi32, #tpu.memory_space<vmem>>
      %dma_wait3A_2092 = tpu.memref_squeeze %dma_wait3A_2091 : memref<1x121xi32, #tpu.memory_space<vmem>> -> memref<121xi32, #tpu.memory_space<vmem>>
      %dma_wait3A_2093 = arith.constant 0 : i32
      %dma_wait3A_2094 = arith.constant 0 : i32
      %dma_wait3A_2095 = tpu.memref_slice %arg3[%dma_wait3A_2093, %dma_wait3A_2094] : memref<1000x16xf32, #tpu.memory_space<hbm>> -> memref<1000x16xf32, #tpu.memory_space<hbm>>
      tpu.wait_indirect_dma semaphore(%arg14 : memref<!tpu.dma_semaphore, #tpu.memory_space<semaphore_mem>>) src(%dma_wait3A_2095 : memref<1000x16xf32, #tpu.memory_space<hbm>>) dst(%dma_wait3A_2089 : memref<121x16xf32, #tpu.memory_space<vmem>>)
      %dma_wait3A_2096 = arith.constant 28 : i32
      %dma_wait3A_2097 = arith.constant 125 : i32
      %dma_wait3A_2098 = arith.constant 0 : i32
      %dma_wait3A_2099 = tpu.memref_slice %arg13[%dma_wait3A_2096, %dma_wait3A_2097, %dma_wait3A_2098] : memref<32x126x16xf32, #tpu.memory_space<vmem>> -> memref<1x1x16xf32, #tpu.memory_space<vmem>>
      %dma_wait3A_2100 = tpu.memref_squeeze %dma_wait3A_2099 : memref<1x1x16xf32, #tpu.memory_space<vmem>> -> memref<1x16xf32, #tpu.memory_space<vmem>>
      %dma_wait3A_2101 = arith.constant 456 : i32
      %dma_wait3A_2102 = tpu.memref_slice %arg10[%dma_wait3A_2101] : memref<512xi32, #tpu.memory_space<vmem>> -> memref<1xi32, #tpu.memory_space<vmem>>
      %dma_wait3A_2103 = arith.constant 0 : i32
      %dma_wait3A_2104 = arith.constant 0 : i32
      %dma_wait3A_2105 = tpu.memref_slice %arg4[%dma_wait3A_2103, %dma_wait3A_2104] : memref<101x16xf32, #tpu.memory_space<hbm>> -> memref<101x16xf32, #tpu.memory_space<hbm>>
      tpu.wait_indirect_dma semaphore(%arg14 : memref<!tpu.dma_semaphore, #tpu.memory_space<semaphore_mem>>) src(%dma_wait3A_2105 : memref<101x16xf32, #tpu.memory_space<hbm>>) dst(%dma_wait3A_2100 : memref<1x16xf32, #tpu.memory_space<vmem>>)
      %dma_wait3A_2106 = arith.constant 29 : i32
      %dma_wait3A_2107 = arith.constant 0 : i32
      %dma_wait3A_2108 = arith.constant 0 : i32
      %dma_wait3A_2109 = tpu.memref_slice %arg13[%dma_wait3A_2106, %dma_wait3A_2107, %dma_wait3A_2108] : memref<32x126x16xf32, #tpu.memory_space<vmem>> -> memref<1x4x16xf32, #tpu.memory_space<vmem>>
      %dma_wait3A_2110 = tpu.memref_squeeze %dma_wait3A_2109 : memref<1x4x16xf32, #tpu.memory_space<vmem>> -> memref<4x16xf32, #tpu.memory_space<vmem>>
      %dma_wait3A_2111 = arith.constant 464 : i32
      %dma_wait3A_2112 = tpu.memref_slice %arg10[%dma_wait3A_2111] : memref<512xi32, #tpu.memory_space<vmem>> -> memref<4xi32, #tpu.memory_space<vmem>>
      %dma_wait3A_2113 = arith.constant 0 : i32
      %dma_wait3A_2114 = arith.constant 0 : i32
      %dma_wait3A_2115 = tpu.memref_slice %arg2[%dma_wait3A_2113, %dma_wait3A_2114] : memref<200000x16xf32, #tpu.memory_space<hbm>> -> memref<200000x16xf32, #tpu.memory_space<hbm>>
      tpu.wait_indirect_dma semaphore(%arg14 : memref<!tpu.dma_semaphore, #tpu.memory_space<semaphore_mem>>) src(%dma_wait3A_2115 : memref<200000x16xf32, #tpu.memory_space<hbm>>) dst(%dma_wait3A_2110 : memref<4x16xf32, #tpu.memory_space<vmem>>)
      %dma_wait3A_2116 = arith.constant 29 : i32
      %dma_wait3A_2117 = arith.constant 29 : i32
      %dma_wait3A_2118 = arith.constant 4 : i32
      %dma_wait3A_2119 = arith.constant 0 : i32
      %dma_wait3A_2120 = tpu.memref_slice %arg13[%dma_wait3A_2117, %dma_wait3A_2118, %dma_wait3A_2119] : memref<32x126x16xf32, #tpu.memory_space<vmem>> -> memref<1x121x16xf32, #tpu.memory_space<vmem>>
      %dma_wait3A_2121 = tpu.memref_squeeze %dma_wait3A_2120 : memref<1x121x16xf32, #tpu.memory_space<vmem>> -> memref<121x16xf32, #tpu.memory_space<vmem>>
      %dma_wait3A_2122 = arith.constant 0 : i32
      %dma_wait3A_2123 = tpu.memref_slice %arg9[%dma_wait3A_2116, %dma_wait3A_2122] : memref<32x121xi32, #tpu.memory_space<vmem>> -> memref<1x121xi32, #tpu.memory_space<vmem>>
      %dma_wait3A_2124 = tpu.memref_squeeze %dma_wait3A_2123 : memref<1x121xi32, #tpu.memory_space<vmem>> -> memref<121xi32, #tpu.memory_space<vmem>>
      %dma_wait3A_2125 = arith.constant 0 : i32
      %dma_wait3A_2126 = arith.constant 0 : i32
      %dma_wait3A_2127 = tpu.memref_slice %arg3[%dma_wait3A_2125, %dma_wait3A_2126] : memref<1000x16xf32, #tpu.memory_space<hbm>> -> memref<1000x16xf32, #tpu.memory_space<hbm>>
      tpu.wait_indirect_dma semaphore(%arg14 : memref<!tpu.dma_semaphore, #tpu.memory_space<semaphore_mem>>) src(%dma_wait3A_2127 : memref<1000x16xf32, #tpu.memory_space<hbm>>) dst(%dma_wait3A_2121 : memref<121x16xf32, #tpu.memory_space<vmem>>)
      %dma_wait3A_2128 = arith.constant 29 : i32
      %dma_wait3A_2129 = arith.constant 125 : i32
      %dma_wait3A_2130 = arith.constant 0 : i32
      %dma_wait3A_2131 = tpu.memref_slice %arg13[%dma_wait3A_2128, %dma_wait3A_2129, %dma_wait3A_2130] : memref<32x126x16xf32, #tpu.memory_space<vmem>> -> memref<1x1x16xf32, #tpu.memory_space<vmem>>
      %dma_wait3A_2132 = tpu.memref_squeeze %dma_wait3A_2131 : memref<1x1x16xf32, #tpu.memory_space<vmem>> -> memref<1x16xf32, #tpu.memory_space<vmem>>
      %dma_wait3A_2133 = arith.constant 472 : i32
      %dma_wait3A_2134 = tpu.memref_slice %arg10[%dma_wait3A_2133] : memref<512xi32, #tpu.memory_space<vmem>> -> memref<1xi32, #tpu.memory_space<vmem>>
      %dma_wait3A_2135 = arith.constant 0 : i32
      %dma_wait3A_2136 = arith.constant 0 : i32
      %dma_wait3A_2137 = tpu.memref_slice %arg4[%dma_wait3A_2135, %dma_wait3A_2136] : memref<101x16xf32, #tpu.memory_space<hbm>> -> memref<101x16xf32, #tpu.memory_space<hbm>>
      tpu.wait_indirect_dma semaphore(%arg14 : memref<!tpu.dma_semaphore, #tpu.memory_space<semaphore_mem>>) src(%dma_wait3A_2137 : memref<101x16xf32, #tpu.memory_space<hbm>>) dst(%dma_wait3A_2132 : memref<1x16xf32, #tpu.memory_space<vmem>>)
      %dma_wait3A_2138 = arith.constant 30 : i32
      %dma_wait3A_2139 = arith.constant 0 : i32
      %dma_wait3A_2140 = arith.constant 0 : i32
      %dma_wait3A_2141 = tpu.memref_slice %arg13[%dma_wait3A_2138, %dma_wait3A_2139, %dma_wait3A_2140] : memref<32x126x16xf32, #tpu.memory_space<vmem>> -> memref<1x4x16xf32, #tpu.memory_space<vmem>>
      %dma_wait3A_2142 = tpu.memref_squeeze %dma_wait3A_2141 : memref<1x4x16xf32, #tpu.memory_space<vmem>> -> memref<4x16xf32, #tpu.memory_space<vmem>>
      %dma_wait3A_2143 = arith.constant 480 : i32
      %dma_wait3A_2144 = tpu.memref_slice %arg10[%dma_wait3A_2143] : memref<512xi32, #tpu.memory_space<vmem>> -> memref<4xi32, #tpu.memory_space<vmem>>
      %dma_wait3A_2145 = arith.constant 0 : i32
      %dma_wait3A_2146 = arith.constant 0 : i32
      %dma_wait3A_2147 = tpu.memref_slice %arg2[%dma_wait3A_2145, %dma_wait3A_2146] : memref<200000x16xf32, #tpu.memory_space<hbm>> -> memref<200000x16xf32, #tpu.memory_space<hbm>>
      tpu.wait_indirect_dma semaphore(%arg14 : memref<!tpu.dma_semaphore, #tpu.memory_space<semaphore_mem>>) src(%dma_wait3A_2147 : memref<200000x16xf32, #tpu.memory_space<hbm>>) dst(%dma_wait3A_2142 : memref<4x16xf32, #tpu.memory_space<vmem>>)
      %dma_wait3A_2148 = arith.constant 30 : i32
      %dma_wait3A_2149 = arith.constant 30 : i32
      %dma_wait3A_2150 = arith.constant 4 : i32
      %dma_wait3A_2151 = arith.constant 0 : i32
      %dma_wait3A_2152 = tpu.memref_slice %arg13[%dma_wait3A_2149, %dma_wait3A_2150, %dma_wait3A_2151] : memref<32x126x16xf32, #tpu.memory_space<vmem>> -> memref<1x121x16xf32, #tpu.memory_space<vmem>>
      %dma_wait3A_2153 = tpu.memref_squeeze %dma_wait3A_2152 : memref<1x121x16xf32, #tpu.memory_space<vmem>> -> memref<121x16xf32, #tpu.memory_space<vmem>>
      %dma_wait3A_2154 = arith.constant 0 : i32
      %dma_wait3A_2155 = tpu.memref_slice %arg9[%dma_wait3A_2148, %dma_wait3A_2154] : memref<32x121xi32, #tpu.memory_space<vmem>> -> memref<1x121xi32, #tpu.memory_space<vmem>>
      %dma_wait3A_2156 = tpu.memref_squeeze %dma_wait3A_2155 : memref<1x121xi32, #tpu.memory_space<vmem>> -> memref<121xi32, #tpu.memory_space<vmem>>
      %dma_wait3A_2157 = arith.constant 0 : i32
      %dma_wait3A_2158 = arith.constant 0 : i32
      %dma_wait3A_2159 = tpu.memref_slice %arg3[%dma_wait3A_2157, %dma_wait3A_2158] : memref<1000x16xf32, #tpu.memory_space<hbm>> -> memref<1000x16xf32, #tpu.memory_space<hbm>>
      tpu.wait_indirect_dma semaphore(%arg14 : memref<!tpu.dma_semaphore, #tpu.memory_space<semaphore_mem>>) src(%dma_wait3A_2159 : memref<1000x16xf32, #tpu.memory_space<hbm>>) dst(%dma_wait3A_2153 : memref<121x16xf32, #tpu.memory_space<vmem>>)
      %dma_wait3A_2160 = arith.constant 30 : i32
      %dma_wait3A_2161 = arith.constant 125 : i32
      %dma_wait3A_2162 = arith.constant 0 : i32
      %dma_wait3A_2163 = tpu.memref_slice %arg13[%dma_wait3A_2160, %dma_wait3A_2161, %dma_wait3A_2162] : memref<32x126x16xf32, #tpu.memory_space<vmem>> -> memref<1x1x16xf32, #tpu.memory_space<vmem>>
      %dma_wait3A_2164 = tpu.memref_squeeze %dma_wait3A_2163 : memref<1x1x16xf32, #tpu.memory_space<vmem>> -> memref<1x16xf32, #tpu.memory_space<vmem>>
      %dma_wait3A_2165 = arith.constant 488 : i32
      %dma_wait3A_2166 = tpu.memref_slice %arg10[%dma_wait3A_2165] : memref<512xi32, #tpu.memory_space<vmem>> -> memref<1xi32, #tpu.memory_space<vmem>>
      %dma_wait3A_2167 = arith.constant 0 : i32
      %dma_wait3A_2168 = arith.constant 0 : i32
      %dma_wait3A_2169 = tpu.memref_slice %arg4[%dma_wait3A_2167, %dma_wait3A_2168] : memref<101x16xf32, #tpu.memory_space<hbm>> -> memref<101x16xf32, #tpu.memory_space<hbm>>
      tpu.wait_indirect_dma semaphore(%arg14 : memref<!tpu.dma_semaphore, #tpu.memory_space<semaphore_mem>>) src(%dma_wait3A_2169 : memref<101x16xf32, #tpu.memory_space<hbm>>) dst(%dma_wait3A_2164 : memref<1x16xf32, #tpu.memory_space<vmem>>)
      %dma_wait3A_2170 = arith.constant 31 : i32
      %dma_wait3A_2171 = arith.constant 0 : i32
      %dma_wait3A_2172 = arith.constant 0 : i32
      %dma_wait3A_2173 = tpu.memref_slice %arg13[%dma_wait3A_2170, %dma_wait3A_2171, %dma_wait3A_2172] : memref<32x126x16xf32, #tpu.memory_space<vmem>> -> memref<1x4x16xf32, #tpu.memory_space<vmem>>
      %dma_wait3A_2174 = tpu.memref_squeeze %dma_wait3A_2173 : memref<1x4x16xf32, #tpu.memory_space<vmem>> -> memref<4x16xf32, #tpu.memory_space<vmem>>
      %dma_wait3A_2175 = arith.constant 496 : i32
      %dma_wait3A_2176 = tpu.memref_slice %arg10[%dma_wait3A_2175] : memref<512xi32, #tpu.memory_space<vmem>> -> memref<4xi32, #tpu.memory_space<vmem>>
      %dma_wait3A_2177 = arith.constant 0 : i32
      %dma_wait3A_2178 = arith.constant 0 : i32
      %dma_wait3A_2179 = tpu.memref_slice %arg2[%dma_wait3A_2177, %dma_wait3A_2178] : memref<200000x16xf32, #tpu.memory_space<hbm>> -> memref<200000x16xf32, #tpu.memory_space<hbm>>
      tpu.wait_indirect_dma semaphore(%arg14 : memref<!tpu.dma_semaphore, #tpu.memory_space<semaphore_mem>>) src(%dma_wait3A_2179 : memref<200000x16xf32, #tpu.memory_space<hbm>>) dst(%dma_wait3A_2174 : memref<4x16xf32, #tpu.memory_space<vmem>>)
      %dma_wait3A_2180 = arith.constant 31 : i32
      %dma_wait3A_2181 = arith.constant 31 : i32
      %dma_wait3A_2182 = arith.constant 4 : i32
      %dma_wait3A_2183 = arith.constant 0 : i32
      %dma_wait3A_2184 = tpu.memref_slice %arg13[%dma_wait3A_2181, %dma_wait3A_2182, %dma_wait3A_2183] : memref<32x126x16xf32, #tpu.memory_space<vmem>> -> memref<1x121x16xf32, #tpu.memory_space<vmem>>
      %dma_wait3A_2185 = tpu.memref_squeeze %dma_wait3A_2184 : memref<1x121x16xf32, #tpu.memory_space<vmem>> -> memref<121x16xf32, #tpu.memory_space<vmem>>
      %dma_wait3A_2186 = arith.constant 0 : i32
      %dma_wait3A_2187 = tpu.memref_slice %arg9[%dma_wait3A_2180, %dma_wait3A_2186] : memref<32x121xi32, #tpu.memory_space<vmem>> -> memref<1x121xi32, #tpu.memory_space<vmem>>
      %dma_wait3A_2188 = tpu.memref_squeeze %dma_wait3A_2187 : memref<1x121xi32, #tpu.memory_space<vmem>> -> memref<121xi32, #tpu.memory_space<vmem>>
      %dma_wait3A_2189 = arith.constant 0 : i32
      %dma_wait3A_2190 = arith.constant 0 : i32
      %dma_wait3A_2191 = tpu.memref_slice %arg3[%dma_wait3A_2189, %dma_wait3A_2190] : memref<1000x16xf32, #tpu.memory_space<hbm>> -> memref<1000x16xf32, #tpu.memory_space<hbm>>
      tpu.wait_indirect_dma semaphore(%arg14 : memref<!tpu.dma_semaphore, #tpu.memory_space<semaphore_mem>>) src(%dma_wait3A_2191 : memref<1000x16xf32, #tpu.memory_space<hbm>>) dst(%dma_wait3A_2185 : memref<121x16xf32, #tpu.memory_space<vmem>>)
      %dma_wait3A_2192 = arith.constant 31 : i32
      %dma_wait3A_2193 = arith.constant 125 : i32
      %dma_wait3A_2194 = arith.constant 0 : i32
      %dma_wait3A_2195 = tpu.memref_slice %arg13[%dma_wait3A_2192, %dma_wait3A_2193, %dma_wait3A_2194] : memref<32x126x16xf32, #tpu.memory_space<vmem>> -> memref<1x1x16xf32, #tpu.memory_space<vmem>>
      %dma_wait3A_2196 = tpu.memref_squeeze %dma_wait3A_2195 : memref<1x1x16xf32, #tpu.memory_space<vmem>> -> memref<1x16xf32, #tpu.memory_space<vmem>>
      %dma_wait3A_2197 = arith.constant 504 : i32
      %dma_wait3A_2198 = tpu.memref_slice %arg10[%dma_wait3A_2197] : memref<512xi32, #tpu.memory_space<vmem>> -> memref<1xi32, #tpu.memory_space<vmem>>
      %dma_wait3A_2199 = arith.constant 0 : i32
      %dma_wait3A_2200 = arith.constant 0 : i32
      %dma_wait3A_2201 = tpu.memref_slice %arg4[%dma_wait3A_2199, %dma_wait3A_2200] : memref<101x16xf32, #tpu.memory_space<hbm>> -> memref<101x16xf32, #tpu.memory_space<hbm>>
      tpu.wait_indirect_dma semaphore(%arg14 : memref<!tpu.dma_semaphore, #tpu.memory_space<semaphore_mem>>) src(%dma_wait3A_2201 : memref<101x16xf32, #tpu.memory_space<hbm>>) dst(%dma_wait3A_2196 : memref<1x16xf32, #tpu.memory_space<vmem>>)
      "tpu.region"() ({
        %run_scoped3A = tpu.sem_alloc : memref<!tpu.dma_semaphore, #tpu.memory_space<semaphore_mem>>
        %dma_start3A_2202 = arith.constant 0 : i32
        %dma_start3A_2203 = arith.constant 0 : i32
        %dma_start3A_2204 = tpu.memref_slice %arg8[%add3A_14, %dma_start3A_2202, %dma_start3A_2203] : memref<16384x126x16xf32, #tpu.memory_space<hbm>> -> memref<32x126x16xf32, #tpu.memory_space<hbm>>
        %dma_start3A_2205 = arith.constant 0 : i32
        %dma_start3A_2206 = arith.constant 0 : i32
        %dma_start3A_2207 = tpu.memref_slice %arg8[%add3A_14, %dma_start3A_2205, %dma_start3A_2206] : memref<16384x126x16xf32, #tpu.memory_space<hbm>> -> memref<32x126x16xf32, #tpu.memory_space<hbm>>
        tpu.enqueue_dma source(%arg13 : memref<32x126x16xf32, #tpu.memory_space<vmem>>) target(%dma_start3A_2207 : memref<32x126x16xf32, #tpu.memory_space<hbm>>) target_semaphore(%run_scoped3A : memref<!tpu.dma_semaphore, #tpu.memory_space<semaphore_mem>>)
        %dma_wait3A_2208 = arith.constant 0 : i32
        %dma_wait3A_2209 = arith.constant 0 : i32
        %dma_wait3A_2210 = tpu.memref_slice %arg8[%add3A_14, %dma_wait3A_2208, %dma_wait3A_2209] : memref<16384x126x16xf32, #tpu.memory_space<hbm>> -> memref<32x126x16xf32, #tpu.memory_space<hbm>>
        %dma_wait3A_2211 = arith.constant 0 : i32
        %dma_wait3A_2212 = arith.constant 0 : i32
        %dma_wait3A_2213 = tpu.memref_slice %arg8[%add3A_14, %dma_wait3A_2211, %dma_wait3A_2212] : memref<16384x126x16xf32, #tpu.memory_space<hbm>> -> memref<32x126x16xf32, #tpu.memory_space<hbm>>
        tpu.wait_dma2 semaphore(%run_scoped3A : memref<!tpu.dma_semaphore, #tpu.memory_space<semaphore_mem>>) src(%arg13 : memref<32x126x16xf32, #tpu.memory_space<vmem>>) dst(%dma_wait3A_2213 : memref<32x126x16xf32, #tpu.memory_space<hbm>>)
        tpu.yield
      }) : () -> ()
    }
    %scan3A_4 = arith.constant 16 : i32
    return
  }
}

</mosaic_0001>

<sc_bundles>
// kernel: kernel.3.cloned.1.call-start
scs
__scs_entry_jumppad:
0x0: {  	(pc) =	sbr.rel $0x88, $3  }
0x1: {  	(tag) =	ssettag $0x0;
	lr =	simm.s32 $0x1  }
0x2: {  	[smem:$0x3F9B] =	sst lr;
	_ =	strace $0xD0000000  }
0x3: {  	_ = 	snop  }
0x4: {  	_ = 	snop  }
0x5: {  	_ = 	snop  }
0x6: {  	_ = 	snop  }
0x7: {  	_ = 	snop  }
__scs_overlays_trampoline_lowered:
0x8: {  	[smem:$0x3FAA] =	sst s0  }
0x9: {  	[smem:$0x3FAB] =	sst s1  }
0xa: {  	[smem:$0x3FAC] =	sst s2  }
0xb: {  	[smem:$0x3FAD] =	sst s3  }
0xc: {  	[smem:$0x3FAE] =	sst s4  }
0xd: {  	[smem:$0x3FAF] =	sst s5  }
0xe: {  	[smem:$0x3FB0] =	sst s6  }
0xf: {  	[smem:$0x3FB1] =	sst s7  }
0x10: {  	[smem:$0x3FB2] =	sst s8  }
0x11: {  	[smem:$0x3FB3] =	sst s9;
	s0 =	simm.s32 @!p0 $0x0  }
0x12: {  	s1 =	sld [smem:$0x3F99];
	s0 =	simm.s32 @p0 $0x1  }
0x13: {  	[smem:$0x3FB4] =	sst s0;
	s0 =	simm.s32 @!p1 $0x0  }
0x14: {  	s2 =	sld [smem:$0x3F98];
	s0 =	simm.s32 @p1 $0x1  }
0x15: {  	[smem:$0x3FB5] =	sst s0;
	s0 =	simm.s32 @!p2 $0x0  }
0x16: {  	s3 =	sld [smem:$0x3FDB];
	s0 =	simm.s32 @p2 $0x1  }
0x17: {  	s4 =	simm.s32 $0x1BF5;
	[smem:$0x3FB7] =	sst s0  }
0x18: {  	s0 =	sld [smem:$0x3F9A];
	_ =	swait.ge [sflag:s4], $0x0  }
0x19: {  	s7 =	sld [smem:$0x3F9B]  }
0x1a: {  	s8 =	sadd.s32 $0xFFFFE003, lr  }
0x1b: {  	s9 =	sadd.s32 $0xFFFFFEF7, lr;
	s5 =	simm.s32 $0xFFFFFFFF;
	p2 =	slt.u32 s8, $0xFFFFF086  }
0x1c: {  	p1 =	slt.u32 s9, $0xF7A;
	s5 =	simm.s32 @!p2 $0x0  }
0x1d: {  	s5 =	simm.s32 @p1 $0x1;
	p0 =	seq.s32 s7, s2  }
0x1e: {  	s7 =	smul.u32 @!p0 $0xF7A, s2;
	p2 =	seq.s32 @!p0 s5, $0x0  }
0x1f: {  	s9 =	smul.u32 $0xF7A, s1;
	s8 =	simm.s32 @!p0 $0x1BF5;
	p2 =	por !p2, p0  }
0x20: {  	[sflag:s8] =	ssyncset.s32 @!p0 $0xFFFFF086;
	s6 =	sadd.s32 @!p0 s3, s7;
	s7 =	simm.s32 @!p0 $0x108  }
0x21: {  	s3 =	sadd.s32 s3, s9;
	s6 =	sadd.s32 @!p0 $0x88, s6;
	s7 =	simm.s32 @p2 $0x1082  }
0x22: {  	[simem:s7], [sflag:s8] =	dma.local @!p0 [hbm:s6], $0xF7A  }
0x23: {  	s9 =	sor.u32 $0xD0000000, s2;
	s6 =	simm.s32 $0x108;
	_ =	swait.ge @!p0 [sflag:s8], $0x0  }
0x24: {  	s3 =	sadd.s32 $0x88, s3;
	s6 =	simm.s32 @!p1 $0x1082;
	[sflag:s4] =	ssyncset.s32 $0xFFFFF086  }
0x25: {  	[simem:s6], [sflag:s4] =	dma.local [hbm:s3], $0xF7A  }
0x26: {  	[smem:$0x3F9B] =	sst s1;
	(tag) =	ssettag s2;
	_ =	strace s9  }
0x27: {  	s1 =	sld [smem:$0x3FAB]  }
0x28: {  	s2 =	sld [smem:$0x3FAC]  }
0x29: {  	s4 =	sld [smem:$0x3FAE]  }
0x2a: {  	p0 =	seq.s32 s5, $0x0;
	s5 =	sld [smem:$0x3FAF]  }
0x2b: {  	s6 =	sld [smem:$0x3FB0]  }
0x2c: {  	s7 =	sld [smem:$0x3FB1]  }
0x2d: {  	s3 =	simm.s32 $0x108;
	s8 =	sld [smem:$0x3FB2]  }
0x2e: {  	s3 =	simm.s32 @!p0 $0x1082;
	s9 =	sld [smem:$0x3FB3]  }
0x2f: {  	lr =	sadd.s32 s0, s3;
	s0 =	sld [smem:$0x3FAA]  }
0x30: {  	s3 =	sld [smem:$0x3FAD]  }
0x31: {  	[smem:$0x3FB6] =	sst s10  }
0x32: {  	s10 =	sld [smem:$0x3FB4];
	_ =	sdelay $0x3  }
0x33: {  	p0 =	seq.s32 s10, $0x1;
	s10 =	sld [smem:$0x3FB6];
	_ =	sdelay $0x3  }
0x34: {  	[smem:$0x3FB6] =	sst s10  }
0x35: {  	s10 =	sld [smem:$0x3FB5];
	_ =	sdelay $0x3  }
0x36: {  	p1 =	seq.s32 s10, $0x1;
	s10 =	sld [smem:$0x3FB6];
	_ =	sdelay $0x3  }
0x37: {  	[smem:$0x3FB6] =	sst s10  }
0x38: {  	s10 =	sld [smem:$0x3FB7]  }
0x39: {  	_ = 	snop;
	(pc) =	sbr.ind lr, $3  }
0x3a: {  	_ = 	snop  }
0x3b: {  	_ = 	snop  }
0x3c: {  	p2 =	seq.s32 s10, $0x1;
	s10 =	sld [smem:$0x3FB6]  }
0x3d: {  	_ =	shalt  }
0x3e: {  	_ =	shalt  }
0x3f: {  	_ =	shalt  }
0x40: {  	_ =	shalt  }
0x41: {  	_ =	shalt  }
0x42: {  	_ =	shalt  }
0x43: {  	_ =	shalt  }
0x44: {  	_ =	shalt  }
0x45: {  	_ =	shalt  }
0x46: {  	_ =	shalt  }
0x47: {  	_ =	shalt  }
0x48: {  	_ =	shalt  }
0x49: {  	_ =	shalt  }
0x4a: {  	_ =	shalt  }
0x4b: {  	_ =	shalt  }
0x4c: {  	_ =	shalt  }
0x4d: {  	_ =	shalt  }
0x4e: {  	_ =	shalt  }
0x4f: {  	_ =	shalt  }
0x50: {  	_ =	shalt  }
0x51: {  	_ =	shalt  }
0x52: {  	_ =	shalt  }
0x53: {  	_ =	shalt  }
0x54: {  	_ =	shalt  }
0x55: {  	_ =	shalt  }
0x56: {  	_ =	shalt  }
0x57: {  	_ =	shalt  }
0x58: {  	_ =	shalt  }
0x59: {  	_ =	shalt  }
0x5a: {  	_ =	shalt  }
0x5b: {  	_ =	shalt  }
0x5c: {  	_ =	shalt  }
0x5d: {  	_ =	shalt  }
0x5e: {  	_ =	shalt  }
0x5f: {  	_ =	shalt  }
0x60: {  	_ =	shalt  }
0x61: {  	_ =	shalt  }
0x62: {  	_ =	shalt  }
0x63: {  	_ =	shalt  }
0x64: {  	_ =	shalt  }
0x65: {  	_ =	shalt  }
0x66: {  	_ =	shalt  }
0x67: {  	_ =	shalt  }
0x68: {  	_ =	shalt  }
0x69: {  	_ =	shalt  }
0x6a: {  	_ =	shalt  }
0x6b: {  	_ =	shalt  }
0x6c: {  	_ =	shalt  }
0x6d: {  	_ =	shalt  }
0x6e: {  	_ =	shalt  }
0x6f: {  	_ =	shalt  }
0x70: {  	_ =	shalt  }
0x71: {  	_ =	shalt  }
0x72: {  	_ =	shalt  }
0x73: {  	_ =	shalt  }
0x74: {  	_ =	shalt  }
0x75: {  	_ =	shalt  }
0x76: {  	_ =	shalt  }
0x77: {  	_ =	shalt  }
0x78: {  	_ =	shalt  }
0x79: {  	_ =	shalt  }
0x7a: {  	_ =	shalt  }
0x7b: {  	_ =	shalt  }
0x7c: {  	_ =	shalt  }
0x7d: {  	_ =	shalt  }
0x7e: {  	_ =	shalt  }
0x7f: {  	_ =	shalt  }
0x80: {  	_ =	shalt  }
0x81: {  	_ =	shalt  }
0x82: {  	_ =	shalt  }
0x83: {  	_ =	shalt  }
0x84: {  	_ =	shalt  }
0x85: {  	_ =	shalt  }
0x86: {  	_ =	shalt  }
0x87: {  	_ =	shalt  }
.Lfunc_end0:
.L_simem_size_0:
called_computation.1_lowered:
.L_overlay_start_0:
0x88: {  	s2 =	sld [smem:$0x3FD9]  }
0x89: {  	s3 =	sld [smem:$0x3FFE];
	_ =	sdelay $0x1  }
0x8a: {  	s1 =	srdreg.scid  }
0x8b: {  	s0 =	sand.u32 $0x1, s1  }
0x8c: {  	s17 =	sshll.u32 s0, $0xA;
	s2 =	sadd.s32 s3, s2  }
0x8d: {  	s2 =	sadd.s32 s2, s17  }
0x8e: {  	[smem:$0x3FC2] =	sst s2  }
0x8f: {  	_ = 	snop  }
0x90: {  	s2 =	sld [smem:$0x3FC7]  }
0x91: {  	s18 =	sld [smem:$0x3FD0];
	(tm) =	ssettm $0x1  }
0x92: {  	s4 =	sld [smem:$0x3FFB];
	_ =	sdelay $0x3  }
0x93: {  	_ =	strace s4  }
0x94: {  	s4 =	sld [smem:$0x3FFC];
	_ =	sdelay $0x3  }
0x95: {  	_ =	strace s4  }
0x96: {  	s4 =	sld [smem:$0x3FFD];
	_ =	sdelay $0x3  }
0x97: {  	_ =	strace s4  }
0x98: {  	_ =	strace $0x8FFFFFFF  }
0x99: {  	s19 =	sld [smem:$0x3FDB];
	_ =	sdelay $0x1  }
0x9a: {  	s5 =	simm.s32 $_scs_section_size  }
0x9b: {  	s6 =	simm.s32 $_size__tile_overlayer_lowered;
	s7 =	simm.s32 $_tile_overlayer_lowered  }
0x9c: {  	s22 =	simm.s32 $0x1BFF;
	s21 =	sshll.u32 s7, $0x1;
	s4 =	sadd.s32 s5, s19  }
0x9d: {  	s8 =	simm.s32 $0x0;
	s20 =	sshll.u32 s6, $0x1;
	s6 =	sadd.s32 s21, s4  }
0x9e: {  	[timem:s8], [sflag:s22] =	dma.local [hbm:s6], s20  }
0x9f: {  	_ =	swait.ge [sflag:s22], s20  }
0xa0: {  	s5 =	ssub.s32 $0x0, s20;
	[sflag:s22] =	ssyncset.done $0x0  }
0xa1: {  	[sflag:s22] =	ssyncadd.s32 s5;
	_ =	sdelay $0x1  }
0xa2: {  	s23 =	simm.s32 $0x1B8B  }
0xa3: {  	_ =	swait.ge [sflag:s23], $0x1  }
0xa4: {  	[sflag:s23] =	ssyncset.done $0x0  }
0xa5: {  	s25 =	simm.s32 $0x1B8E;
	s24 =	sld [smem:$0x3FFE];
	[sflag:s23] =	ssyncadd.s32 $0xFFFFFFFF  }
0xa6: {  	s26 =	simm.s32 $execute0_lowered;
	[smem:$0x3FD2] =	sst s25  }
0xa7: {  	s6 =	sshll.u32 s26, $0x1;
	_ =	strace $0x80000046;
	[dreg:$0x1] =	wrdreg $0xFFFFFFFF  }
0xa8: {  	s28 =	simm.s32 $_size_execute0_lowered;
	s4 =	sadd.s32 s4, s6;
	[dreg:$0x0] =	wrdreg $0x0  }
0xa9: {  	s6 =	sshll.u32 s28, $0x1;
	[dreg:$0x2] =	wrdreg s4  }
0xaa: {  	[dreg:$0x3] =	wrdreg s6  }
0xab: {  	[dreg:$0x4] =	wrdreg $0xC0  }
0xac: {  	_ =	task [dreg:s8], $0x5FFFF  }
0xad: {  	[dreg:$0x1] =	wrdreg $0xFFFFFFFF  }
0xae: {  	[dreg:$0x0] =	wrdreg $0x60  }
0xaf: {  	[dreg:$0x2] =	wrdreg s24  }
0xb0: {  	[dreg:$0x3] =	wrdreg s2  }
0xb1: {  	[dreg:$0x4] =	wrdreg s18  }
0xb2: {  	[dreg:$0x5] =	wrdreg $0x9  }
0xb3: {  	_ =	task.clear_ibuf [dreg:s8], $0x6FFFF;
	_ =	strace $0x90000046  }
0xb4: {  	s29 =	simm.s32 $0x9;
	_ =	strace $0x80000048  }
0xb5: {  	_ =	swait.ge [sflag:s29], $0x1  }
0xb6: {  	[sflag:s29] =	ssyncadd.s32 $0xFFFFFFFF  }
0xb7: {  	_ =	strace $0x90000048  }
0xb8: {  	_ =	sfence  }
0xb9: {  	s30 =	sld [smem:$0x0];
	_ =	sdelay $0x2  }
0xba: {  	s31 =	sshll.u32 s1, $0xD;
	s1 =	sshrl.u32 s1, $0x2  }
0xbb: {  	s3 =	sand.u32 $0x4000, s31;
	s1 =	sadd.s32 s1, s30  }
0xbc: {  	s0 =	sor.u32 s3, s0;
	s1 =	sshll.u32 s1, $0x11  }
0xbd: {  	s0 =	sor.u32 s1, s0  }
0xbe: {  	s0 =	sadd.s32 $0x8F2B, s0  }
0xbf: {  	[sflag:s0] =	ssyncadd.remote.s32 $0x1  }
0xc0: {  	_ =	sfence.sel $0xFFFF  }
0xc1: {  	[dreg:$0x0] =	wrdreg $0xFFFFFFFF;
	(pc) =	sbr.abs _section_cstart, $3  }
0xc2: {  	[dreg:$0x1] =	wrdreg $0xFFFFFFFF  }
0xc3: {  	_ =	task.clear_ibuf [dreg:s8], $0x2FFFF;
	_ =	strace $0x9FFFFFFF  }
0xc4: {  	(tm) =	ssettm $0x7FFFFFFF  }
0xc5: {  	_ =	shalt  }
tec
execute0_lowered:
.L_overlay_start_1:
0x0: {  	(tag) =	ssettag $0x1  }
0x1: {  	s1 =	rddreg [dreg:$0x0]  }
0x2: {  	s0 =	srdreg.scid;
	s3 =	rddreg [dreg:$0x1]  }
0x3: {  	s2 =	simm.s32 $0x0;
	s7 =	sand.u32 $0x1, s0;
	s0 =	rddreg [dreg:$0x2]  }
0x4: {  	s17 =	simm.s32 $0x1200;
	[smem:$0x7FF] =	sst s2  }
0x5: {  	s18 =	simm.s32 $0x1240;
	_ =	strace $0x80000047;
	[dreg:$0x5] =	wrdreg s17  }
0x6: {  	s19 =	simm.s32 $0x12A0;
	[dreg:$0x6] =	wrdreg s18  }
0x7: {  	s20 =	simm.s32 $0x1008;
	[dreg:$0x7] =	wrdreg s19  }
0x8: {  	s21 =	simm.s32 $0x1A30;
	[dreg:$0x8] =	wrdreg s20  }
0x9: {  	s22 =	simm.s32 $0x1010;
	[dreg:$0x9] =	wrdreg s21  }
0xa: {  	s23 =	simm.s32 $0x1A40;
	[dreg:$0xa] =	wrdreg s22  }
0xb: {  	s24 =	simm.s32 $0x80;
	[dreg:$0xb] =	wrdreg s23  }
0xc: {  	s25 =	simm.s32 $0x1A80;
	[dreg:$0xc] =	wrdreg s24  }
0xd: {  	s26 =	simm.s32 $0x1018;
	[dreg:$0xd] =	wrdreg s25  }
0xe: {  	s30 =	simm.s32 $0x2210;
	[dreg:$0xe] =	wrdreg s26  }
0xf: {  	s31 =	simm.s32 $0x1020;
	[dreg:$0xf] =	wrdreg s30  }
0x10: {  	s8 =	simm.s32 $0x2260;
	[dreg:$0x10] =	wrdreg s31  }
0x11: {  	s9 =	simm.s32 $0x1028;
	[dreg:$0x13] =	wrdreg s8  }
0x12: {  	s10 =	simm.s32 $0x29F0;
	[dreg:$0x14] =	wrdreg s9  }
0x13: {  	s12 =	simm.s32 $0x1030;
	[dreg:$0x15] =	wrdreg s10  }
0x14: {  	s13 =	simm.s32 $0x2A00;
	[dreg:$0x16] =	wrdreg s12  }
0x15: {  	s14 =	simm.s32 $0x180;
	[dreg:$0x17] =	wrdreg s13  }
0x16: {  	s15 =	simm.s32 $0x2A40;
	[dreg:$0x18] =	wrdreg s14  }
0x17: {  	s16 =	simm.s32 $0x1038;
	[dreg:$0x19] =	wrdreg s15  }
0x18: {  	[dreg:$0x1a] =	wrdreg s16;
	s17 =	simm.s32 $0x31D0  }
0x19: {  	s18 =	simm.s32 $0x1040;
	[dreg:$0x1b] =	wrdreg s17  }
0x1a: {  	s19 =	simm.s32 $0x31E0;
	[dreg:$0x1c] =	wrdreg s18  }
0x1b: {  	s20 =	simm.s32 $0x200;
	[dreg:$0x1d] =	wrdreg s19  }
0x1c: {  	s21 =	simm.s32 $0x3220;
	[dreg:$0x1e] =	wrdreg s20  }
0x1d: {  	s22 =	simm.s32 $0x1048;
	[dreg:$0x1f] =	wrdreg s21  }
0x1e: {  	s23 =	simm.s32 $0x39B0;
	[smem:$0x762] =	sst s22  }
0x1f: {  	s24 =	simm.s32 $0x1050;
	[smem:$0x763] =	sst s23  }
0x20: {  	s25 =	simm.s32 $0x39C0;
	[smem:$0x764] =	sst s24  }
0x21: {  	s26 =	simm.s32 $0x280;
	[smem:$0x765] =	sst s25  }
0x22: {  	s30 =	simm.s32 $0x3A00;
	[smem:$0x766] =	sst s26  }
0x23: {  	s31 =	simm.s32 $0x1058;
	[smem:$0x767] =	sst s30  }
0x24: {  	s8 =	simm.s32 $0x41A0;
	[smem:$0x768] =	sst s31  }
0x25: {  	s9 =	simm.s32 $0x300;
	[smem:$0x76B] =	sst s8  }
0x26: {  	s10 =	simm.s32 $0x41E0;
	[smem:$0x76C] =	sst s9  }
0x27: {  	s12 =	simm.s32 $0x1068;
	[smem:$0x76D] =	sst s10  }
0x28: {  	s13 =	simm.s32 $0x4970;
	[smem:$0x76E] =	sst s12  }
0x29: {  	s11 =	stileid.u32;
	s14 =	simm.s32 $0x1070;
	[smem:$0x76F] =	sst s13  }
0x2a: {  	s4 =	sshll.u32 s11, $0xA;
	s15 =	simm.s32 $0x4980;
	[smem:$0x770] =	sst s14  }
0x2b: {  	s5 =	sshll.u32 s7, $0x9;
	s16 =	simm.s32 $0x380;
	[smem:$0x771] =	sst s15  }
0x2c: {  	s6 =	sor.u32 s5, s4;
	s5 =	simm.s32 $0x100;
	[smem:$0x772] =	sst s16  }
0x2d: {  	s17 =	simm.s32 $0x49C0;
	[dreg:$0x12] =	wrdreg s5  }
0x2e: {  	s18 =	simm.s32 $0x1078;
	[smem:$0x773] =	sst s17  }
0x2f: {  	s19 =	simm.s32 $0x5150;
	[smem:$0x774] =	sst s18  }
0x30: {  	s20 =	simm.s32 $0x1080;
	[smem:$0x775] =	sst s19  }
0x31: {  	s21 =	simm.s32 $0x5160;
	[smem:$0x776] =	sst s20  }
0x32: {  	s22 =	simm.s32 $0x400;
	[smem:$0x777] =	sst s21  }
0x33: {  	s23 =	simm.s32 $0x51A0;
	[smem:$0x778] =	sst s22  }
0x34: {  	s24 =	simm.s32 $0x1088;
	[smem:$0x779] =	sst s23  }
0x35: {  	s25 =	simm.s32 $0x5930;
	[smem:$0x77A] =	sst s24  }
0x36: {  	s26 =	simm.s32 $0x1090;
	[smem:$0x77B] =	sst s25  }
0x37: {  	s30 =	simm.s32 $0x5940;
	[smem:$0x77C] =	sst s26  }
0x38: {  	s31 =	simm.s32 $0x480;
	[smem:$0x77D] =	sst s30  }
0x39: {  	s8 =	simm.s32 $0x6110;
	[smem:$0x77E] =	sst s31  }
0x3a: {  	s9 =	simm.s32 $0x10A0;
	[smem:$0x781] =	sst s8  }
0x3b: {  	s10 =	simm.s32 $0x6120;
	[smem:$0x782] =	sst s9  }
0x3c: {  	s12 =	simm.s32 $0x500;
	[smem:$0x783] =	sst s10  }
0x3d: {  	s13 =	simm.s32 $0x6160;
	[smem:$0x784] =	sst s12  }
0x3e: {  	s14 =	simm.s32 $0x10A8;
	[smem:$0x785] =	sst s13  }
0x3f: {  	s15 =	simm.s32 $0x68F0;
	[smem:$0x786] =	sst s14  }
0x40: {  	s16 =	simm.s32 $0x10B0;
	[smem:$0x787] =	sst s15  }
0x41: {  	s5 =	simm.s32 $0x1060;
	[smem:$0x788] =	sst s16  }
0x42: {  	s17 =	simm.s32 $0x6900;
	[smem:$0x76A] =	sst s5  }
0x43: {  	s18 =	simm.s32 $0x580;
	[smem:$0x789] =	sst s17  }
0x44: {  	s19 =	simm.s32 $0x6940;
	[smem:$0x78A] =	sst s18  }
0x45: {  	s20 =	simm.s32 $0x10B8;
	[smem:$0x78B] =	sst s19  }
0x46: {  	s21 =	simm.s32 $0x70D0;
	[smem:$0x78C] =	sst s20  }
0x47: {  	s22 =	simm.s32 $0x10C0;
	[smem:$0x78D] =	sst s21  }
0x48: {  	s23 =	simm.s32 $0x70E0;
	[smem:$0x78E] =	sst s22  }
0x49: {  	s24 =	simm.s32 $0x600;
	[smem:$0x78F] =	sst s23  }
0x4a: {  	s25 =	simm.s32 $0x7120;
	[smem:$0x790] =	sst s24  }
0x4b: {  	s26 =	simm.s32 $0x10C8;
	[smem:$0x791] =	sst s25  }
0x4c: {  	s30 =	simm.s32 $0x78B0;
	[smem:$0x792] =	sst s26  }
0x4d: {  	s31 =	simm.s32 $0x10D0;
	[smem:$0x793] =	sst s30  }
0x4e: {  	s8 =	simm.s32 $0x7900;
	[smem:$0x794] =	sst s31  }
0x4f: {  	s9 =	simm.s32 $0x10D8;
	[smem:$0x797] =	sst s8  }
0x50: {  	s10 =	simm.s32 $0x8090;
	[smem:$0x798] =	sst s9  }
0x51: {  	s12 =	simm.s32 $0x10E0;
	[smem:$0x799] =	sst s10  }
0x52: {  	s13 =	simm.s32 $0x80A0;
	[smem:$0x79A] =	sst s12  }
0x53: {  	s14 =	simm.s32 $0x700;
	[smem:$0x79B] =	sst s13  }
0x54: {  	s15 =	simm.s32 $0x80E0;
	[smem:$0x79C] =	sst s14  }
0x55: {  	s4 =	sshrl.u32 s6, $0x3;
	s16 =	simm.s32 $0x10E8;
	[smem:$0x79D] =	sst s15  }
0x56: {  	s3 =	sadd.s32 s4, s3;
	[smem:$0x79E] =	sst s16  }
0x57: {  	s4 =	simm.s32 $0x2220;
	[dreg:$0x4] =	wrdreg s3  }
0x58: {  	s5 =	simm.s32 $0x1098;
	[dreg:$0x11] =	wrdreg s4  }
0x59: {  	s17 =	simm.s32 $0x8870;
	[smem:$0x780] =	sst s5  }
0x5a: {  	s18 =	simm.s32 $0x10F0;
	[smem:$0x79F] =	sst s17  }
0x5b: {  	s19 =	simm.s32 $0x8880;
	[smem:$0x7A0] =	sst s18  }
0x5c: {  	s20 =	simm.s32 $0x780;
	[smem:$0x7A1] =	sst s19  }
0x5d: {  	s21 =	simm.s32 $0x88C0;
	[smem:$0x7A2] =	sst s20  }
0x5e: {  	s22 =	simm.s32 $0x10F8;
	[smem:$0x7A3] =	sst s21  }
0x5f: {  	s23 =	simm.s32 $0x9050;
	[smem:$0x7A4] =	sst s22  }
0x60: {  	s24 =	simm.s32 $0x1100;
	[smem:$0x7A5] =	sst s23  }
0x61: {  	s25 =	simm.s32 $0x9060;
	[smem:$0x7A6] =	sst s24  }
0x62: {  	s26 =	simm.s32 $0x800;
	[smem:$0x7A7] =	sst s25  }
0x63: {  	s30 =	simm.s32 $0x90A0;
	[smem:$0x7A8] =	sst s26  }
0x64: {  	s31 =	simm.s32 $0x1108;
	[smem:$0x7A9] =	sst s30  }
0x65: {  	s8 =	simm.s32 $0x9840;
	[smem:$0x7AA] =	sst s31  }
0x66: {  	s9 =	simm.s32 $0x880;
	[smem:$0x7AD] =	sst s8  }
0x67: {  	s10 =	simm.s32 $0x9880;
	[smem:$0x7AE] =	sst s9  }
0x68: {  	s12 =	simm.s32 $0x1118;
	[smem:$0x7AF] =	sst s10  }
0x69: {  	s13 =	simm.s32 $0xA010;
	[smem:$0x7B0] =	sst s12  }
0x6a: {  	s14 =	simm.s32 $0x1120;
	[smem:$0x7B1] =	sst s13  }
0x6b: {  	s15 =	simm.s32 $0xA020;
	[smem:$0x7B2] =	sst s14  }
0x6c: {  	s16 =	simm.s32 $0x900;
	[smem:$0x7B3] =	sst s15  }
0x6d: {  	s4 =	simm.s32 $0x4190;
	[smem:$0x7B4] =	sst s16  }
0x6e: {  	s5 =	simm.s32 $0x680;
	[smem:$0x769] =	sst s4  }
0x6f: {  	s17 =	simm.s32 $0xA060;
	[smem:$0x796] =	sst s5  }
0x70: {  	s18 =	simm.s32 $0x1128;
	[smem:$0x7B5] =	sst s17  }
0x71: {  	s19 =	simm.s32 $0xA7F0;
	[smem:$0x7B6] =	sst s18  }
0x72: {  	s20 =	simm.s32 $0x1130;
	[smem:$0x7B7] =	sst s19  }
0x73: {  	s21 =	simm.s32 $0xA800;
	[smem:$0x7B8] =	sst s20  }
0x74: {  	s22 =	simm.s32 $0x980;
	[smem:$0x7B9] =	sst s21  }
0x75: {  	s23 =	simm.s32 $0xA840;
	[smem:$0x7BA] =	sst s22  }
0x76: {  	s24 =	simm.s32 $0x1138;
	[smem:$0x7BB] =	sst s23  }
0x77: {  	s25 =	simm.s32 $0xAFD0;
	[smem:$0x7BC] =	sst s24  }
0x78: {  	s26 =	simm.s32 $0x1140;
	[smem:$0x7BD] =	sst s25  }
0x79: {  	s30 =	simm.s32 $0xAFE0;
	[smem:$0x7BE] =	sst s26  }
0x7a: {  	s31 =	simm.s32 $0xA00;
	[smem:$0x7BF] =	sst s30  }
0x7b: {  	s8 =	simm.s32 $0xB7B0;
	[smem:$0x7C0] =	sst s31  }
0x7c: {  	s9 =	simm.s32 $0x1150;
	[smem:$0x7C3] =	sst s8  }
0x7d: {  	s10 =	simm.s32 $0xB7C0;
	[smem:$0x7C4] =	sst s9  }
0x7e: {  	s12 =	simm.s32 $0xA80;
	[smem:$0x7C5] =	sst s10  }
0x7f: {  	s13 =	simm.s32 $0xB800;
	[smem:$0x7C6] =	sst s12  }
0x80: {  	s14 =	simm.s32 $0x1158;
	[smem:$0x7C7] =	sst s13  }
0x81: {  	s15 =	simm.s32 $0xBF90;
	[smem:$0x7C8] =	sst s14  }
0x82: {  	s16 =	simm.s32 $0x1160;
	[smem:$0x7C9] =	sst s15  }
0x83: {  	s4 =	simm.s32 $0x5980;
	[smem:$0x7CA] =	sst s16  }
0x84: {  	s5 =	simm.s32 $0x1110;
	[smem:$0x77F] =	sst s4  }
0x85: {  	s17 =	simm.s32 $0xBFA0;
	[smem:$0x7AC] =	sst s5  }
0x86: {  	s18 =	simm.s32 $0xB00;
	[smem:$0x7CB] =	sst s17  }
0x87: {  	s19 =	simm.s32 $0xBFE0;
	[smem:$0x7CC] =	sst s18  }
0x88: {  	s20 =	simm.s32 $0x1168;
	[smem:$0x7CD] =	sst s19  }
0x89: {  	s21 =	simm.s32 $0xC770;
	[smem:$0x7CE] =	sst s20  }
0x8a: {  	s22 =	simm.s32 $0x1170;
	[smem:$0x7CF] =	sst s21  }
0x8b: {  	s23 =	simm.s32 $0xC780;
	[smem:$0x7D0] =	sst s22  }
0x8c: {  	s24 =	simm.s32 $0xB80;
	[smem:$0x7D1] =	sst s23  }
0x8d: {  	s25 =	simm.s32 $0xC7C0;
	[smem:$0x7D2] =	sst s24  }
0x8e: {  	s26 =	simm.s32 $0x1178;
	[smem:$0x7D3] =	sst s25  }
0x8f: {  	s30 =	simm.s32 $0xCF50;
	[smem:$0x7D4] =	sst s26  }
0x90: {  	s31 =	simm.s32 $0x1180;
	[smem:$0x7D5] =	sst s30  }
0x91: {  	s8 =	simm.s32 $0xCFA0;
	[smem:$0x7D6] =	sst s31  }
0x92: {  	v0 =	vimm.s32 $0x52504240;
	v1 =	vimm.s32 $0x72706260;
	s9 =	simm.s32 $0x1188;
	[smem:$0x7D9] =	sst s8  }
0x93: {  	v2 =	vimm.s32 $0x12100200;
	v3 =	vimm.s32 $0x32302220;
	s10 =	simm.s32 $0xD730;
	[smem:$0x7DA] =	sst s9  }
0x94: {  	vm5 =	vcmask $0x1F10;
	v4 =	vimm.s32 $0x13110301;
	s12 =	simm.s32 $0x1190;
	[smem:$0x7DB] =	sst s10  }
0x95: {  	v5 =	vimm.s32 $0x33312321;
	v6 =	vimm.s32 $0xD2D0C2C0;
	s13 =	simm.s32 $0xD740;
	[smem:$0x7DC] =	sst s12  }
0x96: {  	v7 =	vimm.s32 $0xF2F0E2E0;
	v8 =	vimm.s32 $0x92908280;
	s14 =	simm.s32 $0xC80;
	[smem:$0x7DD] =	sst s13  }
0x97: {  	v9 =	vimm.s32 $0xB2B0A2A0;
	vm11 =	vcmask $0x300;
	vm6 =	vcmask $0x704;
	s15 =	simm.s32 $0xD780;
	[smem:$0x7DE] =	sst s14  }
0x98: {  	vm0 =	vcmask $0xB08;
	vm1 =	vcmask $0xF0C;
	vm2 =	vcmask $0x1310;
	s16 =	simm.s32 $0x1198;
	[smem:$0x7DF] =	sst s15  }
0x99: {  	vm3 =	vcmask $0x1714;
	vm4 =	vcmask $0x1B18;
	vm7 =	vcmask $0x1F1C;
	s4 =	simm.s32 $0x78C0;
	[smem:$0x7E0] =	sst s16  }
0x9a: {  	vm8 =	vcmask $0x2320;
	vm9 =	vcmask $0x2724;
	vm10 =	vcmask $0x2B28;
	s5 =	simm.s32 $0x1148;
	[smem:$0x795] =	sst s4  }
0x9b: {  	vm12 =	vcmask $0x2F2C;
	v0 =	vunpack.c.0.s8.s32 v0;
	v1 =	vunpack.c.0.s8.s32 v1;
	s17 =	simm.s32 $0xDF10;
	[smem:$0x7C2] =	sst s5  }
0x9c: {  	vm13 =	vcmask $0x3330;
	v2 =	vunpack.c.0.s8.s32 v2;
	v3 =	vunpack.c.0.s8.s32 v3;
	s18 =	simm.s32 $0x11A0;
	[smem:$0x7E1] =	sst s17  }
0x9d: {  	vm14 =	vcmask $0x3B38;
	v4 =	vunpack.c.0.s8.s32 v4;
	v0 =	vsel vm5, v1, v0;
	s8 =	simm.s32 $0xDF20;
	[smem:$0x7E2] =	sst s18  }
0x9e: {  	v1 =	vsel vm5, v3, v2;
	v2 =	vimm.s32 $0x53514341;
	v3 =	vimm.s32 $0x73716361;
	s19 =	simm.s32 $0xD00;
	[smem:$0x7E3] =	sst s8  }
0x9f: {  	v5 =	vunpack.c.0.s8.s32 v5;
	v2 =	vunpack.c.0.s8.s32 v2;
	v3 =	vunpack.c.0.s8.s32 v3;
	s20 =	simm.s32 $0xDF60;
	[smem:$0x7E4] =	sst s19  }
0xa0: {  	v6 =	vunpack.c.0.s8.s32 v6;
	v7 =	vunpack.c.0.s8.s32 v7;
	v8 =	vunpack.c.0.s8.s32 v8;
	s21 =	simm.s32 $0x11A8;
	[smem:$0x7E5] =	sst s20  }
0xa1: {  	v9 =	vunpack.c.0.s8.s32 v9;
	v0 =	vcombine.low v1, v0;
	v1 =	vsel vm5, v3, v2;
	s23 =	simm.s32 $0xE6F0;
	[smem:$0x7E6] =	sst s21  }
0xa2: {  	s28 =	simm.s32 $0x10E50;
	v2 =	vsel vm5, v5, v4;
	v3 =	vsel vm5, v7, v6;
	v5 =	vimm.s32 $0xF3F1E3E1;
	s24 =	simm.s32 $0x11B0;
	[smem:$0x7E7] =	sst s23  }
0xa3: {  	s29 =	simm.s32 $0x0;
	v4 =	vsel vm5, v9, v8;
	v6 =	vimm.s32 $0x93918381;
	v7 =	vimm.s32 $0xB3B1A3A1;
	s26 =	simm.s32 $0xE700;
	[smem:$0x7E8] =	sst s24  }
0xa4: {  	s3 =	sadd.s32 $0x3200, s1;
	v8 =	vlaneseq.u32;
	v1 =	vcombine.low v2, v1;
	v2 =	vcombine.low v4, v3;
	s30 =	simm.s32 $0xD80;
	[smem:$0x7E9] =	sst s26  }
0xa5: {  	s6 =	sshrl.u32 s6, $0x2;
	v3 =	vimm.s32 $0xD3D1C3C1;
	v4 =	vimm.s32 $0x172;
	v5 =	vunpack.c.0.s8.s32 v5;
	s31 =	simm.s32 $0xE740;
	[smem:$0x7EA] =	sst s30  }
0xa6: {  	v6 =	vunpack.c.0.s8.s32 v6;
	v9 =	vmul.u32 $0x10, v8;
	v4 =	vsel vm11, $0x100, v4;
	s9 =	sadd.s32 s6, s1;
	s12 =	simm.s32 $0x11B8;
	[smem:$0x7EC] =	sst s31  }
0xa7: {  	v7 =	vunpack.c.0.s8.s32 v7;
	v3 =	vunpack.c.0.s8.s32 v3;
	s22 =	sshll.u32 s11, $0xE;
	s14 =	simm.s32 $0xEED0;
	v4 =	vsel vm6, $0x102, v4;
	[smem:$0x7ED] =	sst s12  }
0xa8: {  	s25 =	ssub.s32 $0x2, s7;
	s15 =	simm.s32 $0x11C0;
	v2 =	vand.u32 $0xFF, v2;
	[smem:$0x7EE] =	sst s14;
	v8 =	vor.u32 $0x8, v9;
	v9 =	vor.u32 $0x108, v9  }
0xa9: {  	s13 =	sshll.u32 s7, $0xD;
	s16 =	simm.s32 $0xEEE0;
	[smem:$0x7F0] =	sst s15;
	v4 =	vsel vm0, $0x110, v4;
	v3 =	vsel vm5, v5, v3;
	v5 =	vsel vm5, v7, v6  }
0xaa: {  	s7 =	smul.u32 $0x1F800, s7;
	s4 =	simm.s32 $0x9830;
	[smem:$0x7F2] =	sst s16;
	vm5 =	vcmask $0x3734;
	v6 =	vimm.s32 $0x1F2;
	v7 =	vimm.s32 $0x1F3  }
0xab: {  	s5 =	simm.s32 $0xC00;
	s10 =	sshrl.u32 s25, $0x1;
	[smem:$0x7AB] =	sst s4;
	v4 =	vsel vm1, $0x112, v4;
	v3 =	vcombine.low v5, v3;
	v5 =	vimm.s32 $0x173  }
0xac: {  	s17 =	sadd.s32 $0x2200, s9;
	s18 =	simm.s32 $0xE00;
	[smem:$0x7D8] =	sst s5;
	v6 =	vsel vm11, $0x180, v6;
	v7 =	vsel vm11, $0x181, v7;
	v4 =	vsel vm2, $0x120, v4  }
0xad: {  	s19 =	smul.u32 $0x3F000, s11;
	s20 =	simm.s32 $0xEF20;
	[smem:$0x7F1] =	sst s17;
	v5 =	vsel vm11, $0x101, v5;
	v6 =	vsel vm6, $0x182, v6;
	v7 =	vsel vm6, $0x183, v7  }
0xae: {  	s21 =	simm.s32 $0x11C8;
	s23 =	simm.s32 $0x11D0;
	[smem:$0x7F3] =	sst s18;
	v4 =	vsel vm3, $0x122, v4;
	v3 =	vand.u32 $0xFF, v3;
	v5 =	vsel vm6, $0x103, v5  }
0xaf: {  	s24 =	simm.s32 $0xF6C0;
	s11 =	simm.s32 $0x1000;
	[smem:$0x7F4] =	sst s20;
	v6 =	vsel vm0, $0x190, v6;
	v7 =	vsel vm0, $0x191, v7;
	v4 =	vsel vm4, $0x130, v4  }
0xb0: {  	s12 =	simm.s32 $0x4;
	s26 =	simm.s32 $0xF700;
	[smem:$0x7F5] =	sst s21;
	v5 =	vsel vm0, $0x111, v5;
	v6 =	vsel vm1, $0x192, v6;
	v7 =	vsel vm1, $0x193, v7  }
0xb1: {  	s30 =	simm.s32 $0x11D8;
	s14 =	simm.s32 $0x79;
	[smem:$0x7F8] =	sst s23;
	v4 =	vsel vm7, $0x132, v4;
	v5 =	vsel vm1, $0x113, v5;
	v6 =	vsel vm2, $0x1A0, v6  }
0xb2: {  	s31 =	simm.s32 $0xFE90;
	s15 =	simm.s32 $0x1;
	[smem:$0x7F9] =	sst s24;
	v7 =	vsel vm2, $0x1A1, v7;
	v4 =	vsel vm8, $0x140, v4;
	v5 =	vsel vm2, $0x121, v5  }
0xb3: {  	s16 =	simm.s32 $0x11E0;
	s4 =	simm.s32 $0xB020;
	[smem:$0x7FB] =	sst s26;
	v6 =	vsel vm3, $0x1A2, v6;
	v7 =	vsel vm3, $0x1A3, v7;
	v4 =	vsel vm9, $0x142, v4  }
0xb4: {  	s5 =	sadd.s32 $0x1800, s1;
	s8 =	ssub.s32 s25, s10;
	[smem:$0x7FC] =	sst s30;
	v5 =	vsel vm3, $0x123, v5;
	v6 =	vsel vm4, $0x1B0, v6;
	v7 =	vsel vm4, $0x1B1, v7  }
0xb5: {  	s10 =	simm.s32 $0x2;
	s25 =	simm.s32 $0xE80;
	[smem:$0x7FD] =	sst s31;
	v4 =	vsel vm10, $0x150, v4;
	v5 =	vsel vm4, $0x131, v5;
	v6 =	vsel vm7, $0x1B2, v6  }
0xb6: {  	s17 =	simm.s32 $0xFEA0;
	s18 =	simm.s32 $0xF00;
	s20 =	simm.s32 $0x11E8;
	v7 =	vsel vm7, $0x1B3, v7;
	v4 =	vsel vm12, $0x152, v4;
	v5 =	vsel vm7, $0x133, v5  }
0xb7: {  	s21 =	simm.s32 $0x10670;
	s23 =	simm.s32 $0x10680;
	s24 =	simm.s32 $0xF80;
	v6 =	vsel vm8, $0x1C0, v6;
	v7 =	vsel vm8, $0x1C1, v7;
	v4 =	vsel vm13, $0x160, v4  }
0xb8: {  	s26 =	simm.s32 $0x11F8;
	[smem:$0x7C1] =	sst s4;
	s4 =	simm.s32 $0xCF60;
	v5 =	vsel vm8, $0x141, v5;
	v6 =	vsel vm9, $0x1C2, v6;
	v7 =	vsel vm9, $0x1C3, v7  }
0xb9: {  	s8 =	smax.u32 s8, $0x1;
	s0 =	sadd.s32 s19, s0;
	[smem:$0x7FA] =	sst s25;
	v4 =	vsel vm5, $0x162, v4;
	v5 =	vsel vm9, $0x143, v5;
	v6 =	vsel vm10, $0x1D0, v6  }
0xba: {  	s19 =	simm.s32 $0xFEE0;
	[smem:$0x7D7] =	sst s4;
	s4 =	sadd.s32 $0x1A00, s1;
	v7 =	vsel vm10, $0x1D1, v7;
	v4 =	vsel vm14, $0x170, v4;
	v5 =	vsel vm10, $0x151, v5  }
0xbb: {  	s1 =	sadd.s32 s22, s1;
	[smem:$0x7EB] =	sst s8;
	s0 =	sadd.s32 s7, s0;
	v6 =	vsel vm12, $0x1D2, v6;
	v7 =	vsel vm12, $0x1D3, v7;
	v5 =	vsel vm12, $0x153, v5  }
0xbc: {  	s22 =	simm.s32 $0xF6B0;
	s1 =	sadd.s32 s13, s1;
	[smem:$0x7F6] =	sst s0;
	v6 =	vsel vm13, $0x1E0, v6;
	v7 =	vsel vm13, $0x1E1, v7;
	v5 =	vsel vm13, $0x161, v5  }
0xbd: {  	s25 =	simm.s32 $0x106C0;
	[smem:$0x7F7] =	sst s22;
	s1 =	sadd.s32 $0x64E00, s1;
	v6 =	vsel vm5, $0x1E2, v6;
	v7 =	vsel vm5, $0x1E3, v7;
	v5 =	vsel vm5, $0x163, v5  }
0xbe: {  	s13 =	simm.s32 $0x1260;
	s22 =	simm.s32 $0x11F0;
	[smem:$0x7EF] =	sst s1;
	v6 =	vsel vm14, $0x1F0, v6;
	v7 =	vsel vm14, $0x1F1, v7;
	v5 =	vsel vm14, $0x171, v5  }
.LBB2_1:
0xbf: {  	s7 =	sld [smem:$0x7EF]  }
0xc0: {  	s30 =	sld [smem:$0x7F6]  }
0xc1: {  	s31 =	sld [smem:$0x7F1];
	s0 =	simm.s32 $0x0  }
.LBB2_2:
0xc2: {  	[tilespmem:s2], [sflag:$0x2] =	stream.linear.gather [hbm4b:s7+s2], $0x1000, $0x38;
	[tilespmem:$0x10E60] =	vst v63  }
0xc3: {  	_ =	swait.ge [sflag:s10], $0x1000  }
0xc4: {  	[sflag:s10] =	ssyncset.done $0x0  }
0xc5: {  	s6 =	rddreg [dreg:$0x5];
	[sflag:s10] =	ssyncadd.s32 $0xFFFFF000  }
0xc6: {  	[tilespmem:s6], [sflag:$0x2] =	stream.linear.gather [hbm4b:s31+s2], $0x40, $0x38;
	[tilespmem:$0x10E60] =	vst v63  }
0xc7: {  	_ =	swait.ge [sflag:s10], $0x40  }
0xc8: {  	s8 =	rddreg [dreg:$0x4];
	[sflag:s10] =	ssyncset.done $0x0  }
0xc9: {  	s1 =	rddreg [dreg:$0x6];
	[sflag:s10] =	ssyncadd.s32 $0xFFFFFFC0;
	s6 =	sadd.s32 s0, s8  }
0xca: {  	[tilespmem:s1], [sflag:$0x2] =	stream.linear.gather [hbm4b:s6+s2], $0x20, $0x38;
	[tilespmem:$0x10E60] =	vst v63  }
0xcb: {  	_ =	swait.ge [sflag:s10], $0x20  }
0xcc: {  	[sflag:s10] =	ssyncset.done $0x0  }
0xcd: {  	[sflag:s10] =	ssyncadd.s32 $0xFFFFFFE0  }
0xce: {  	v10 =	vld [tilespmem:$0x1200];
	_ =	sdelay $0x4  }
0xcf: {  	v10 =	vshll.u32 v10, $0x1  }
0xd0: {  	[tilespmem:v0+s11+$0x0] =	vst.idx.msk $0xffff, v10;
	v10 =	vor.u32 $0x1, v10  }
0xd1: {  	[tilespmem:v1+s11+$0x0] =	vst.idx.msk $0xffff, v10  }
0xd2: {  	v10 =	vld [tilespmem:$0x1210];
	_ =	sdelay $0x4  }
0xd3: {  	v10 =	vshll.u32 v10, $0x1  }
0xd4: {  	[tilespmem:v2+s11+$0x0] =	vst.idx.msk $0xffff, v10;
	v10 =	vor.u32 $0x1, v10  }
0xd5: {  	[tilespmem:v3+s11+$0x0] =	vst.idx.msk $0xffff, v10  }
0xd6: {  	v10 =	vld [tilespmem:$0x1220];
	_ =	sdelay $0x4  }
0xd7: {  	v10 =	vshll.u32 v10, $0x1  }
0xd8: {  	[tilespmem:v4+s11+$0x0] =	vst.idx.msk $0xffff, v10;
	v10 =	vor.u32 $0x1, v10  }
0xd9: {  	[tilespmem:v5+s11+$0x0] =	vst.idx.msk $0xffff, v10  }
0xda: {  	v10 =	vld [tilespmem:$0x1230];
	_ =	sdelay $0x4  }
0xdb: {  	v10 =	vshll.u32 v10, $0x1  }
0xdc: {  	[tilespmem:v6+s11+$0x0] =	vst.idx.msk $0xffff, v10;
	v10 =	vor.u32 $0x1, v10  }
0xdd: {  	[tilespmem:v7+s11+$0x0] =	vst.idx.msk $0xffff, v10  }
0xde: {  	v10 =	vld [tilespmem:$0x1240];
	_ =	sdelay $0x4  }
0xdf: {  	[tilespmem:v8+s11+$0x0] =	vst.idx.msk $0xffff, v10  }
0xe0: {  	v10 =	vld [tilespmem:$0x1250];
	_ =	sdelay $0x2  }
0xe1: {  	s9 =	rddreg [dreg:$0x7]  }
0xe2: {  	s1 =	rddreg [dreg:$0x8]  }
0xe3: {  	s6 =	rddreg [dreg:$0x9];
	[tilespmem:v9+s11+$0x0] =	vst.idx.msk $0xffff, v10  }
0xe4: {  	[tilespmem:s13], [sflag:$0x1] =	stream.indirect.gather [hbm4b:s3+s12], $0x10, s11, s12, $0xb8;
	[tilespmem:$0x10E60] =	vst v63  }
0xe5: {  	s8 =	rddreg [dreg:$0xa]  }
0xe6: {  	[tilespmem:s9], [sflag:$0x1] =	stream.indirect.gather [hbm4b:s4+s14], $0x10, s2, s14, $0xb8;
	[tilespmem:$0x10E60] =	vst v63  }
0xe7: {  	s9 =	rddreg [dreg:$0xb]  }
0xe8: {  	[tilespmem:s6], [sflag:$0x1] =	stream.indirect.gather [hbm4b:s5+s15], $0x10, s1, s15, $0xb8;
	[tilespmem:$0x10E60] =	vst v63  }
0xe9: {  	s1 =	rddreg [dreg:$0xc]  }
0xea: {  	s6 =	rddreg [dreg:$0xd]  }
0xeb: {  	[tilespmem:s9], [sflag:$0x1] =	stream.indirect.gather [hbm4b:s3+s12], $0x10, s8, s12, $0xb8;
	[tilespmem:$0x10E60] =	vst v63  }
0xec: {  	s8 =	rddreg [dreg:$0xe]  }
0xed: {  	s9 =	rddreg [dreg:$0xf]  }
0xee: {  	[tilespmem:s6], [sflag:$0x1] =	stream.indirect.gather [hbm4b:s4+s14], $0x10, s1, s14, $0xb8;
	[tilespmem:$0x10E60] =	vst v63  }
0xef: {  	s1 =	rddreg [dreg:$0x10]  }
0xf0: {  	s6 =	rddreg [dreg:$0x11]  }
0xf1: {  	[tilespmem:s9], [sflag:$0x1] =	stream.indirect.gather [hbm4b:s5+s15], $0x10, s8, s15, $0xb8;
	[tilespmem:$0x10E60] =	vst v63  }
0xf2: {  	s8 =	rddreg [dreg:$0x12]  }
0xf3: {  	s9 =	rddreg [dreg:$0x13]  }
0xf4: {  	[tilespmem:s6], [sflag:$0x1] =	stream.indirect.gather [hbm4b:s3+s12], $0x10, s1, s12, $0xb8;
	[tilespmem:$0x10E60] =	vst v63  }
0xf5: {  	s1 =	rddreg [dreg:$0x14]  }
0xf6: {  	s6 =	rddreg [dreg:$0x15]  }
0xf7: {  	[tilespmem:s9], [sflag:$0x1] =	stream.indirect.gather [hbm4b:s4+s14], $0x10, s8, s14, $0xb8;
	[tilespmem:$0x10E60] =	vst v63  }
0xf8: {  	s8 =	rddreg [dreg:$0x16]  }
0xf9: {  	s9 =	rddreg [dreg:$0x17]  }
0xfa: {  	[tilespmem:s6], [sflag:$0x1] =	stream.indirect.gather [hbm4b:s5+s15], $0x10, s1, s15, $0xb8;
	[tilespmem:$0x10E60] =	vst v63  }
0xfb: {  	s1 =	rddreg [dreg:$0x18]  }
0xfc: {  	s6 =	rddreg [dreg:$0x19]  }
0xfd: {  	[tilespmem:s9], [sflag:$0x1] =	stream.indirect.gather [hbm4b:s3+s12], $0x10, s8, s12, $0xb8;
	[tilespmem:$0x10E60] =	vst v63  }
0xfe: {  	s8 =	rddreg [dreg:$0x1a]  }
0xff: {  	s9 =	rddreg [dreg:$0x1b]  }
0x100: {  	[tilespmem:s6], [sflag:$0x1] =	stream.indirect.gather [hbm4b:s4+s14], $0x10, s1, s14, $0xb8;
	[tilespmem:$0x10E60] =	vst v63  }
0x101: {  	s1 =	rddreg [dreg:$0x1c]  }
0x102: {  	s6 =	rddreg [dreg:$0x1d]  }
0x103: {  	[tilespmem:s9], [sflag:$0x1] =	stream.indirect.gather [hbm4b:s5+s15], $0x10, s8, s15, $0xb8;
	[tilespmem:$0x10E60] =	vst v63  }
0x104: {  	s8 =	rddreg [dreg:$0x1e]  }
0x105: {  	s9 =	rddreg [dreg:$0x1f]  }
0x106: {  	[tilespmem:s6], [sflag:$0x1] =	stream.indirect.gather [hbm4b:s3+s12], $0x10, s1, s12, $0xb8;
	[tilespmem:$0x10E60] =	vst v63  }
0x107: {  	s1 =	sld [smem:$0x762]  }
0x108: {  	s6 =	sld [smem:$0x763]  }
0x109: {  	[tilespmem:s9], [sflag:$0x1] =	stream.indirect.gather [hbm4b:s4+s14], $0x10, s8, s14, $0xb8;
	[tilespmem:$0x10E60] =	vst v63  }
0x10a: {  	s8 =	sld [smem:$0x764]  }
0x10b: {  	s9 =	sld [smem:$0x765]  }
0x10c: {  	[tilespmem:s6], [sflag:$0x1] =	stream.indirect.gather [hbm4b:s5+s15], $0x10, s1, s15, $0xb8;
	[tilespmem:$0x10E60] =	vst v63  }
0x10d: {  	s1 =	sld [smem:$0x766]  }
0x10e: {  	s6 =	sld [smem:$0x767]  }
0x10f: {  	[tilespmem:s9], [sflag:$0x1] =	stream.indirect.gather [hbm4b:s3+s12], $0x10, s8, s12, $0xb8;
	[tilespmem:$0x10E60] =	vst v63  }
0x110: {  	s8 =	sld [smem:$0x768]  }
0x111: {  	s9 =	sld [smem:$0x769]  }
0x112: {  	[tilespmem:s6], [sflag:$0x1] =	stream.indirect.gather [hbm4b:s4+s14], $0x10, s1, s14, $0xb8;
	[tilespmem:$0x10E60] =	vst v63  }
0x113: {  	s1 =	sld [smem:$0x76A]  }
0x114: {  	s6 =	sld [smem:$0x76B]  }
0x115: {  	[tilespmem:s9], [sflag:$0x1] =	stream.indirect.gather [hbm4b:s5+s15], $0x10, s8, s15, $0xb8;
	[tilespmem:$0x10E60] =	vst v63  }
0x116: {  	s8 =	sld [smem:$0x76C]  }
0x117: {  	s9 =	sld [smem:$0x76D]  }
0x118: {  	[tilespmem:s6], [sflag:$0x1] =	stream.indirect.gather [hbm4b:s3+s12], $0x10, s1, s12, $0xb8;
	[tilespmem:$0x10E60] =	vst v63  }
0x119: {  	s1 =	sld [smem:$0x76E]  }
0x11a: {  	s6 =	sld [smem:$0x76F]  }
0x11b: {  	[tilespmem:s9], [sflag:$0x1] =	stream.indirect.gather [hbm4b:s4+s14], $0x10, s8, s14, $0xb8;
	[tilespmem:$0x10E60] =	vst v63  }
0x11c: {  	s8 =	sld [smem:$0x770]  }
0x11d: {  	s9 =	sld [smem:$0x771]  }
0x11e: {  	[tilespmem:s6], [sflag:$0x1] =	stream.indirect.gather [hbm4b:s5+s15], $0x10, s1, s15, $0xb8;
	[tilespmem:$0x10E60] =	vst v63  }
0x11f: {  	s1 =	sld [smem:$0x772]  }
0x120: {  	s6 =	sld [smem:$0x773]  }
0x121: {  	[tilespmem:s9], [sflag:$0x1] =	stream.indirect.gather [hbm4b:s3+s12], $0x10, s8, s12, $0xb8;
	[tilespmem:$0x10E60] =	vst v63  }
0x122: {  	s8 =	sld [smem:$0x774]  }
0x123: {  	s9 =	sld [smem:$0x775]  }
0x124: {  	[tilespmem:s6], [sflag:$0x1] =	stream.indirect.gather [hbm4b:s4+s14], $0x10, s1, s14, $0xb8;
	[tilespmem:$0x10E60] =	vst v63  }
0x125: {  	s1 =	sld [smem:$0x776]  }
0x126: {  	s6 =	sld [smem:$0x777]  }
0x127: {  	[tilespmem:s9], [sflag:$0x1] =	stream.indirect.gather [hbm4b:s5+s15], $0x10, s8, s15, $0xb8;
	[tilespmem:$0x10E60] =	vst v63  }
0x128: {  	s8 =	sld [smem:$0x778]  }
0x129: {  	s9 =	sld [smem:$0x779]  }
0x12a: {  	[tilespmem:s6], [sflag:$0x1] =	stream.indirect.gather [hbm4b:s3+s12], $0x10, s1, s12, $0xb8;
	[tilespmem:$0x10E60] =	vst v63  }
0x12b: {  	s1 =	sld [smem:$0x77A]  }
0x12c: {  	s6 =	sld [smem:$0x77B]  }
0x12d: {  	[tilespmem:s9], [sflag:$0x1] =	stream.indirect.gather [hbm4b:s4+s14], $0x10, s8, s14, $0xb8;
	[tilespmem:$0x10E60] =	vst v63  }
0x12e: {  	s8 =	sld [smem:$0x77C]  }
0x12f: {  	s9 =	sld [smem:$0x77D]  }
0x130: {  	[tilespmem:s6], [sflag:$0x1] =	stream.indirect.gather [hbm4b:s5+s15], $0x10, s1, s15, $0xb8;
	[tilespmem:$0x10E60] =	vst v63  }
0x131: {  	s1 =	sld [smem:$0x77E]  }
0x132: {  	s6 =	sld [smem:$0x77F]  }
0x133: {  	[tilespmem:s9], [sflag:$0x1] =	stream.indirect.gather [hbm4b:s3+s12], $0x10, s8, s12, $0xb8;
	[tilespmem:$0x10E60] =	vst v63  }
0x134: {  	s8 =	sld [smem:$0x780]  }
0x135: {  	s9 =	sld [smem:$0x781]  }
0x136: {  	[tilespmem:s6], [sflag:$0x1] =	stream.indirect.gather [hbm4b:s4+s14], $0x10, s1, s14, $0xb8;
	[tilespmem:$0x10E60] =	vst v63  }
0x137: {  	s1 =	sld [smem:$0x782]  }
0x138: {  	s6 =	sld [smem:$0x783]  }
0x139: {  	[tilespmem:s9], [sflag:$0x1] =	stream.indirect.gather [hbm4b:s5+s15], $0x10, s8, s15, $0xb8;
	[tilespmem:$0x10E60] =	vst v63  }
0x13a: {  	s8 =	sld [smem:$0x784]  }
0x13b: {  	s9 =	sld [smem:$0x785]  }
0x13c: {  	[tilespmem:s6], [sflag:$0x1] =	stream.indirect.gather [hbm4b:s3+s12], $0x10, s1, s12, $0xb8;
	[tilespmem:$0x10E60] =	vst v63  }
0x13d: {  	s1 =	sld [smem:$0x786]  }
0x13e: {  	s6 =	sld [smem:$0x787]  }
0x13f: {  	[tilespmem:s9], [sflag:$0x1] =	stream.indirect.gather [hbm4b:s4+s14], $0x10, s8, s14, $0xb8;
	[tilespmem:$0x10E60] =	vst v63  }
0x140: {  	s8 =	sld [smem:$0x788]  }
0x141: {  	s9 =	sld [smem:$0x789]  }
0x142: {  	[tilespmem:s6], [sflag:$0x1] =	stream.indirect.gather [hbm4b:s5+s15], $0x10, s1, s15, $0xb8;
	[tilespmem:$0x10E60] =	vst v63  }
0x143: {  	s1 =	sld [smem:$0x78A]  }
0x144: {  	s6 =	sld [smem:$0x78B]  }
0x145: {  	[tilespmem:s9], [sflag:$0x1] =	stream.indirect.gather [hbm4b:s3+s12], $0x10, s8, s12, $0xb8;
	[tilespmem:$0x10E60] =	vst v63  }
0x146: {  	s8 =	sld [smem:$0x78C]  }
0x147: {  	s9 =	sld [smem:$0x78D]  }
0x148: {  	[tilespmem:s6], [sflag:$0x1] =	stream.indirect.gather [hbm4b:s4+s14], $0x10, s1, s14, $0xb8;
	[tilespmem:$0x10E60] =	vst v63  }
0x149: {  	s1 =	sld [smem:$0x78E]  }
0x14a: {  	s6 =	sld [smem:$0x78F]  }
0x14b: {  	[tilespmem:s9], [sflag:$0x1] =	stream.indirect.gather [hbm4b:s5+s15], $0x10, s8, s15, $0xb8;
	[tilespmem:$0x10E60] =	vst v63  }
0x14c: {  	s8 =	sld [smem:$0x790]  }
0x14d: {  	s9 =	sld [smem:$0x791]  }
0x14e: {  	[tilespmem:s6], [sflag:$0x1] =	stream.indirect.gather [hbm4b:s3+s12], $0x10, s1, s12, $0xb8;
	[tilespmem:$0x10E60] =	vst v63  }
0x14f: {  	s1 =	sld [smem:$0x792]  }
0x150: {  	s6 =	sld [smem:$0x793]  }
0x151: {  	[tilespmem:s9], [sflag:$0x1] =	stream.indirect.gather [hbm4b:s4+s14], $0x10, s8, s14, $0xb8;
	[tilespmem:$0x10E60] =	vst v63  }
0x152: {  	s8 =	sld [smem:$0x794]  }
0x153: {  	s9 =	sld [smem:$0x795]  }
0x154: {  	[tilespmem:s6], [sflag:$0x1] =	stream.indirect.gather [hbm4b:s5+s15], $0x10, s1, s15, $0xb8;
	[tilespmem:$0x10E60] =	vst v63  }
0x155: {  	s1 =	sld [smem:$0x796]  }
0x156: {  	s6 =	sld [smem:$0x797]  }
0x157: {  	[tilespmem:s9], [sflag:$0x1] =	stream.indirect.gather [hbm4b:s3+s12], $0x10, s8, s12, $0xb8;
	[tilespmem:$0x10E60] =	vst v63  }
0x158: {  	s8 =	sld [smem:$0x798]  }
0x159: {  	s9 =	sld [smem:$0x799]  }
0x15a: {  	[tilespmem:s6], [sflag:$0x1] =	stream.indirect.gather [hbm4b:s4+s14], $0x10, s1, s14, $0xb8;
	[tilespmem:$0x10E60] =	vst v63  }
0x15b: {  	s1 =	sld [smem:$0x79A]  }
0x15c: {  	s6 =	sld [smem:$0x79B]  }
0x15d: {  	[tilespmem:s9], [sflag:$0x1] =	stream.indirect.gather [hbm4b:s5+s15], $0x10, s8, s15, $0xb8;
	[tilespmem:$0x10E60] =	vst v63  }
0x15e: {  	s8 =	sld [smem:$0x79C]  }
0x15f: {  	s9 =	sld [smem:$0x79D]  }
0x160: {  	[tilespmem:s6], [sflag:$0x1] =	stream.indirect.gather [hbm4b:s3+s12], $0x10, s1, s12, $0xb8;
	[tilespmem:$0x10E60] =	vst v63  }
0x161: {  	s1 =	sld [smem:$0x79E]  }
0x162: {  	s6 =	sld [smem:$0x79F]  }
0x163: {  	[tilespmem:s9], [sflag:$0x1] =	stream.indirect.gather [hbm4b:s4+s14], $0x10, s8, s14, $0xb8;
	[tilespmem:$0x10E60] =	vst v63  }
0x164: {  	s8 =	sld [smem:$0x7A0]  }
0x165: {  	s9 =	sld [smem:$0x7A1]  }
0x166: {  	[tilespmem:s6], [sflag:$0x1] =	stream.indirect.gather [hbm4b:s5+s15], $0x10, s1, s15, $0xb8;
	[tilespmem:$0x10E60] =	vst v63  }
0x167: {  	s1 =	sld [smem:$0x7A2]  }
0x168: {  	s6 =	sld [smem:$0x7A3]  }
0x169: {  	[tilespmem:s9], [sflag:$0x1] =	stream.indirect.gather [hbm4b:s3+s12], $0x10, s8, s12, $0xb8;
	[tilespmem:$0x10E60] =	vst v63  }
0x16a: {  	s8 =	sld [smem:$0x7A4]  }
0x16b: {  	s9 =	sld [smem:$0x7A5]  }
0x16c: {  	[tilespmem:s6], [sflag:$0x1] =	stream.indirect.gather [hbm4b:s4+s14], $0x10, s1, s14, $0xb8;
	[tilespmem:$0x10E60] =	vst v63  }
0x16d: {  	s1 =	sld [smem:$0x7A6]  }
0x16e: {  	s6 =	sld [smem:$0x7A7]  }
0x16f: {  	[tilespmem:s9], [sflag:$0x1] =	stream.indirect.gather [hbm4b:s5+s15], $0x10, s8, s15, $0xb8;
	[tilespmem:$0x10E60] =	vst v63  }
0x170: {  	s8 =	sld [smem:$0x7A8]  }
0x171: {  	s9 =	sld [smem:$0x7A9]  }
0x172: {  	[tilespmem:s6], [sflag:$0x1] =	stream.indirect.gather [hbm4b:s3+s12], $0x10, s1, s12, $0xb8;
	[tilespmem:$0x10E60] =	vst v63  }
0x173: {  	s1 =	sld [smem:$0x7AA]  }
0x174: {  	s6 =	sld [smem:$0x7AB]  }
0x175: {  	[tilespmem:s9], [sflag:$0x1] =	stream.indirect.gather [hbm4b:s4+s14], $0x10, s8, s14, $0xb8;
	[tilespmem:$0x10E60] =	vst v63  }
0x176: {  	s8 =	sld [smem:$0x7AC]  }
0x177: {  	s9 =	sld [smem:$0x7AD]  }
0x178: {  	[tilespmem:s6], [sflag:$0x1] =	stream.indirect.gather [hbm4b:s5+s15], $0x10, s1, s15, $0xb8;
	[tilespmem:$0x10E60] =	vst v63  }
0x179: {  	s1 =	sld [smem:$0x7AE]  }
0x17a: {  	s6 =	sld [smem:$0x7AF]  }
0x17b: {  	[tilespmem:s9], [sflag:$0x1] =	stream.indirect.gather [hbm4b:s3+s12], $0x10, s8, s12, $0xb8;
	[tilespmem:$0x10E60] =	vst v63  }
0x17c: {  	s8 =	sld [smem:$0x7B0]  }
0x17d: {  	s9 =	sld [smem:$0x7B1]  }
0x17e: {  	[tilespmem:s6], [sflag:$0x1] =	stream.indirect.gather [hbm4b:s4+s14], $0x10, s1, s14, $0xb8;
	[tilespmem:$0x10E60] =	vst v63  }
0x17f: {  	s1 =	sld [smem:$0x7B2]  }
0x180: {  	s6 =	sld [smem:$0x7B3]  }
0x181: {  	[tilespmem:s9], [sflag:$0x1] =	stream.indirect.gather [hbm4b:s5+s15], $0x10, s8, s15, $0xb8;
	[tilespmem:$0x10E60] =	vst v63  }
0x182: {  	s8 =	sld [smem:$0x7B4]  }
0x183: {  	s9 =	sld [smem:$0x7B5]  }
0x184: {  	[tilespmem:s6], [sflag:$0x1] =	stream.indirect.gather [hbm4b:s3+s12], $0x10, s1, s12, $0xb8;
	[tilespmem:$0x10E60] =	vst v63  }
0x185: {  	s1 =	sld [smem:$0x7B6]  }
0x186: {  	s6 =	sld [smem:$0x7B7]  }
0x187: {  	[tilespmem:s9], [sflag:$0x1] =	stream.indirect.gather [hbm4b:s4+s14], $0x10, s8, s14, $0xb8;
	[tilespmem:$0x10E60] =	vst v63  }
0x188: {  	s8 =	sld [smem:$0x7B8]  }
0x189: {  	s9 =	sld [smem:$0x7B9]  }
0x18a: {  	[tilespmem:s6], [sflag:$0x1] =	stream.indirect.gather [hbm4b:s5+s15], $0x10, s1, s15, $0xb8;
	[tilespmem:$0x10E60] =	vst v63  }
0x18b: {  	s1 =	sld [smem:$0x7BA]  }
0x18c: {  	s6 =	sld [smem:$0x7BB]  }
0x18d: {  	[tilespmem:s9], [sflag:$0x1] =	stream.indirect.gather [hbm4b:s3+s12], $0x10, s8, s12, $0xb8;
	[tilespmem:$0x10E60] =	vst v63  }
0x18e: {  	s8 =	sld [smem:$0x7BC]  }
0x18f: {  	s9 =	sld [smem:$0x7BD]  }
0x190: {  	[tilespmem:s6], [sflag:$0x1] =	stream.indirect.gather [hbm4b:s4+s14], $0x10, s1, s14, $0xb8;
	[tilespmem:$0x10E60] =	vst v63  }
0x191: {  	s1 =	sld [smem:$0x7BE]  }
0x192: {  	s6 =	sld [smem:$0x7BF]  }
0x193: {  	[tilespmem:s9], [sflag:$0x1] =	stream.indirect.gather [hbm4b:s5+s15], $0x10, s8, s15, $0xb8;
	[tilespmem:$0x10E60] =	vst v63  }
0x194: {  	s8 =	sld [smem:$0x7C0]  }
0x195: {  	s9 =	sld [smem:$0x7C1]  }
0x196: {  	[tilespmem:s6], [sflag:$0x1] =	stream.indirect.gather [hbm4b:s3+s12], $0x10, s1, s12, $0xb8;
	[tilespmem:$0x10E60] =	vst v63  }
0x197: {  	s1 =	sld [smem:$0x7C2]  }
0x198: {  	s6 =	sld [smem:$0x7C3]  }
0x199: {  	[tilespmem:s9], [sflag:$0x1] =	stream.indirect.gather [hbm4b:s4+s14], $0x10, s8, s14, $0xb8;
	[tilespmem:$0x10E60] =	vst v63  }
0x19a: {  	s8 =	sld [smem:$0x7C4]  }
0x19b: {  	s9 =	sld [smem:$0x7C5]  }
0x19c: {  	[tilespmem:s6], [sflag:$0x1] =	stream.indirect.gather [hbm4b:s5+s15], $0x10, s1, s15, $0xb8;
	[tilespmem:$0x10E60] =	vst v63  }
0x19d: {  	s1 =	sld [smem:$0x7C6]  }
0x19e: {  	s6 =	sld [smem:$0x7C7]  }
0x19f: {  	[tilespmem:s9], [sflag:$0x1] =	stream.indirect.gather [hbm4b:s3+s12], $0x10, s8, s12, $0xb8;
	[tilespmem:$0x10E60] =	vst v63  }
0x1a0: {  	s8 =	sld [smem:$0x7C8]  }
0x1a1: {  	s9 =	sld [smem:$0x7C9]  }
0x1a2: {  	[tilespmem:s6], [sflag:$0x1] =	stream.indirect.gather [hbm4b:s4+s14], $0x10, s1, s14, $0xb8;
	[tilespmem:$0x10E60] =	vst v63  }
0x1a3: {  	s1 =	sld [smem:$0x7CA]  }
0x1a4: {  	s6 =	sld [smem:$0x7CB]  }
0x1a5: {  	[tilespmem:s9], [sflag:$0x1] =	stream.indirect.gather [hbm4b:s5+s15], $0x10, s8, s15, $0xb8;
	[tilespmem:$0x10E60] =	vst v63  }
0x1a6: {  	s8 =	sld [smem:$0x7CC]  }
0x1a7: {  	s9 =	sld [smem:$0x7CD]  }
0x1a8: {  	[tilespmem:s6], [sflag:$0x1] =	stream.indirect.gather [hbm4b:s3+s12], $0x10, s1, s12, $0xb8;
	[tilespmem:$0x10E60] =	vst v63  }
0x1a9: {  	s1 =	sld [smem:$0x7CE]  }
0x1aa: {  	s6 =	sld [smem:$0x7CF]  }
0x1ab: {  	[tilespmem:s9], [sflag:$0x1] =	stream.indirect.gather [hbm4b:s4+s14], $0x10, s8, s14, $0xb8;
	[tilespmem:$0x10E60] =	vst v63  }
0x1ac: {  	s8 =	sld [smem:$0x7D0]  }
0x1ad: {  	s9 =	sld [smem:$0x7D1]  }
0x1ae: {  	[tilespmem:s6], [sflag:$0x1] =	stream.indirect.gather [hbm4b:s5+s15], $0x10, s1, s15, $0xb8;
	[tilespmem:$0x10E60] =	vst v63  }
0x1af: {  	s1 =	sld [smem:$0x7D2]  }
0x1b0: {  	s6 =	sld [smem:$0x7D3]  }
0x1b1: {  	[tilespmem:s9], [sflag:$0x1] =	stream.indirect.gather [hbm4b:s3+s12], $0x10, s8, s12, $0xb8;
	[tilespmem:$0x10E60] =	vst v63  }
0x1b2: {  	s8 =	sld [smem:$0x7D4]  }
0x1b3: {  	s9 =	sld [smem:$0x7D5]  }
0x1b4: {  	[tilespmem:s6], [sflag:$0x1] =	stream.indirect.gather [hbm4b:s4+s14], $0x10, s1, s14, $0xb8;
	[tilespmem:$0x10E60] =	vst v63  }
0x1b5: {  	s1 =	sld [smem:$0x7D6]  }
0x1b6: {  	s6 =	sld [smem:$0x7D7]  }
0x1b7: {  	[tilespmem:s9], [sflag:$0x1] =	stream.indirect.gather [hbm4b:s5+s15], $0x10, s8, s15, $0xb8;
	[tilespmem:$0x10E60] =	vst v63  }
0x1b8: {  	s8 =	sld [smem:$0x7D8]  }
0x1b9: {  	s9 =	sld [smem:$0x7D9]  }
0x1ba: {  	[tilespmem:s6], [sflag:$0x1] =	stream.indirect.gather [hbm4b:s3+s12], $0x10, s1, s12, $0xb8;
	[tilespmem:$0x10E60] =	vst v63  }
0x1bb: {  	s1 =	sld [smem:$0x7DA]  }
0x1bc: {  	s6 =	sld [smem:$0x7DB]  }
0x1bd: {  	[tilespmem:s9], [sflag:$0x1] =	stream.indirect.gather [hbm4b:s4+s14], $0x10, s8, s14, $0xb8;
	[tilespmem:$0x10E60] =	vst v63  }
0x1be: {  	s8 =	sld [smem:$0x7DC]  }
0x1bf: {  	s9 =	sld [smem:$0x7DD]  }
0x1c0: {  	[tilespmem:s6], [sflag:$0x1] =	stream.indirect.gather [hbm4b:s5+s15], $0x10, s1, s15, $0xb8;
	[tilespmem:$0x10E60] =	vst v63  }
0x1c1: {  	s1 =	sld [smem:$0x7DE]  }
0x1c2: {  	s6 =	sld [smem:$0x7DF]  }
0x1c3: {  	[tilespmem:s9], [sflag:$0x1] =	stream.indirect.gather [hbm4b:s3+s12], $0x10, s8, s12, $0xb8;
	[tilespmem:$0x10E60] =	vst v63  }
0x1c4: {  	s8 =	sld [smem:$0x7E0]  }
0x1c5: {  	s9 =	sld [smem:$0x7E1]  }
0x1c6: {  	[tilespmem:s6], [sflag:$0x1] =	stream.indirect.gather [hbm4b:s4+s14], $0x10, s1, s14, $0xb8;
	[tilespmem:$0x10E60] =	vst v63  }
0x1c7: {  	s1 =	sld [smem:$0x7E2]  }
0x1c8: {  	s6 =	sld [smem:$0x7E3]  }
0x1c9: {  	[tilespmem:s9], [sflag:$0x1] =	stream.indirect.gather [hbm4b:s5+s15], $0x10, s8, s15, $0xb8;
	[tilespmem:$0x10E60] =	vst v63  }
0x1ca: {  	s8 =	sld [smem:$0x7E4]  }
0x1cb: {  	s9 =	sld [smem:$0x7E5]  }
0x1cc: {  	[tilespmem:s6], [sflag:$0x1] =	stream.indirect.gather [hbm4b:s3+s12], $0x10, s1, s12, $0xb8;
	[tilespmem:$0x10E60] =	vst v63  }
0x1cd: {  	s1 =	sld [smem:$0x7E6]  }
0x1ce: {  	s6 =	sld [smem:$0x7E7]  }
0x1cf: {  	[tilespmem:s9], [sflag:$0x1] =	stream.indirect.gather [hbm4b:s4+s14], $0x10, s8, s14, $0xb8;
	[tilespmem:$0x10E60] =	vst v63  }
0x1d0: {  	s8 =	sld [smem:$0x7E8]  }
0x1d1: {  	s9 =	sld [smem:$0x7E9]  }
0x1d2: {  	[tilespmem:s6], [sflag:$0x1] =	stream.indirect.gather [hbm4b:s5+s15], $0x10, s1, s15, $0xb8;
	[tilespmem:$0x10E60] =	vst v63  }
0x1d3: {  	s1 =	sld [smem:$0x7EA]  }
0x1d4: {  	s6 =	sld [smem:$0x7EC]  }
0x1d5: {  	[tilespmem:s9], [sflag:$0x1] =	stream.indirect.gather [hbm4b:s3+s12], $0x10, s8, s12, $0xb8;
	[tilespmem:$0x10E60] =	vst v63  }
0x1d6: {  	s8 =	sld [smem:$0x7ED]  }
0x1d7: {  	s9 =	sld [smem:$0x7EE]  }
0x1d8: {  	[tilespmem:s6], [sflag:$0x1] =	stream.indirect.gather [hbm4b:s4+s14], $0x10, s1, s14, $0xb8;
	[tilespmem:$0x10E60] =	vst v63  }
0x1d9: {  	s1 =	sld [smem:$0x7F0]  }
0x1da: {  	s6 =	sld [smem:$0x7F2]  }
0x1db: {  	[tilespmem:s9], [sflag:$0x1] =	stream.indirect.gather [hbm4b:s5+s15], $0x10, s8, s15, $0xb8;
	[tilespmem:$0x10E60] =	vst v63  }
0x1dc: {  	s8 =	sld [smem:$0x7F3]  }
0x1dd: {  	s9 =	sld [smem:$0x7F4]  }
0x1de: {  	[tilespmem:s6], [sflag:$0x1] =	stream.indirect.gather [hbm4b:s3+s12], $0x10, s1, s12, $0xb8;
	[tilespmem:$0x10E60] =	vst v63  }
0x1df: {  	s1 =	sld [smem:$0x7F5]  }
0x1e0: {  	s6 =	sld [smem:$0x7F7]  }
0x1e1: {  	[tilespmem:s9], [sflag:$0x1] =	stream.indirect.gather [hbm4b:s4+s14], $0x10, s8, s14, $0xb8;
	[tilespmem:$0x10E60] =	vst v63  }
0x1e2: {  	s8 =	sld [smem:$0x7F8]  }
0x1e3: {  	s9 =	sld [smem:$0x7F9]  }
0x1e4: {  	[tilespmem:s6], [sflag:$0x1] =	stream.indirect.gather [hbm4b:s5+s15], $0x10, s1, s15, $0xb8;
	[tilespmem:$0x10E60] =	vst v63  }
0x1e5: {  	s1 =	sld [smem:$0x7FA]  }
0x1e6: {  	s6 =	sld [smem:$0x7FB]  }
0x1e7: {  	[tilespmem:s9], [sflag:$0x1] =	stream.indirect.gather [hbm4b:s3+s12], $0x10, s8, s12, $0xb8;
	[tilespmem:$0x10E60] =	vst v63  }
0x1e8: {  	s8 =	sld [smem:$0x7FC]  }
0x1e9: {  	s9 =	sld [smem:$0x7FD]  }
0x1ea: {  	[tilespmem:s6], [sflag:$0x1] =	stream.indirect.gather [hbm4b:s4+s14], $0x10, s1, s14, $0xb8;
	[tilespmem:$0x10E60] =	vst v63  }
0x1eb: {  	_ = 	snop  }
0x1ec: {  	[tilespmem:s9], [sflag:$0x1] =	stream.indirect.gather [hbm4b:s5+s15], $0x10, s8, s15, $0xb8;
	[tilespmem:$0x10E60] =	vst v63  }
0x1ed: {  	_ = 	snop  }
0x1ee: {  	[tilespmem:s17], [sflag:$0x1] =	stream.indirect.gather [hbm4b:s3+s12], $0x10, s16, s12, $0xb8;
	[tilespmem:$0x10E60] =	vst v63  }
0x1ef: {  	_ = 	snop  }
0x1f0: {  	[tilespmem:s19], [sflag:$0x1] =	stream.indirect.gather [hbm4b:s4+s14], $0x10, s18, s14, $0xb8;
	[tilespmem:$0x10E60] =	vst v63  }
0x1f1: {  	_ = 	snop  }
0x1f2: {  	[tilespmem:s21], [sflag:$0x1] =	stream.indirect.gather [hbm4b:s5+s15], $0x10, s20, s15, $0xb8;
	[tilespmem:$0x10E60] =	vst v63  }
0x1f3: {  	_ = 	snop  }
0x1f4: {  	[tilespmem:s23], [sflag:$0x1] =	stream.indirect.gather [hbm4b:s3+s12], $0x10, s22, s12, $0xb8;
	[tilespmem:$0x10E60] =	vst v63  }
0x1f5: {  	_ = 	snop  }
0x1f6: {  	[tilespmem:s25], [sflag:$0x1] =	stream.indirect.gather [hbm4b:s4+s14], $0x10, s24, s14, $0xb8;
	[tilespmem:$0x10E60] =	vst v63  }
0x1f7: {  	_ = 	snop  }
0x1f8: {  	[tilespmem:s28], [sflag:$0x1] =	stream.indirect.gather [hbm4b:s5+s15], $0x10, s26, s15, $0xb8;
	[tilespmem:$0x10E60] =	vst v63  }
0x1f9: {  	_ =	swait.ge [sflag:s15], $0x40  }
0x1fa: {  	[sflag:s15] =	ssyncset.done $0x0  }
0x1fb: {  	[sflag:s15] =	ssyncadd.s32 $0xFFFFFFC0  }
0x1fc: {  	_ =	swait.ge [sflag:s15], $0x790  }
0x1fd: {  	[sflag:s15] =	ssyncset.done $0x0  }
0x1fe: {  	[sflag:s15] =	ssyncadd.s32 $0xFFFFF870  }
0x1ff: {  	_ =	swait.ge [sflag:s15], $0x10  }
0x200: {  	[sflag:s15] =	ssyncset.done $0x0  }
0x201: {  	[sflag:s15] =	ssyncadd.s32 $0xFFFFFFF0  }
0x202: {  	_ =	swait.ge [sflag:s15], $0x40  }
0x203: {  	[sflag:s15] =	ssyncset.done $0x0  }
0x204: {  	[sflag:s15] =	ssyncadd.s32 $0xFFFFFFC0  }
0x205: {  	_ =	swait.ge [sflag:s15], $0x790  }
0x206: {  	[sflag:s15] =	ssyncset.done $0x0  }
0x207: {  	[sflag:s15] =	ssyncadd.s32 $0xFFFFF870  }
0x208: {  	_ =	swait.ge [sflag:s15], $0x10  }
0x209: {  	[sflag:s15] =	ssyncset.done $0x0  }
0x20a: {  	[sflag:s15] =	ssyncadd.s32 $0xFFFFFFF0  }
0x20b: {  	_ =	swait.ge [sflag:s15], $0x40  }
0x20c: {  	[sflag:s15] =	ssyncset.done $0x0  }
0x20d: {  	[sflag:s15] =	ssyncadd.s32 $0xFFFFFFC0  }
0x20e: {  	_ =	swait.ge [sflag:s15], $0x790  }
0x20f: {  	[sflag:s15] =	ssyncset.done $0x0  }
0x210: {  	[sflag:s15] =	ssyncadd.s32 $0xFFFFF870  }
0x211: {  	_ =	swait.ge [sflag:s15], $0x10  }
0x212: {  	[sflag:s15] =	ssyncset.done $0x0  }
0x213: {  	[sflag:s15] =	ssyncadd.s32 $0xFFFFFFF0  }
0x214: {  	_ =	swait.ge [sflag:s15], $0x40  }
0x215: {  	[sflag:s15] =	ssyncset.done $0x0  }
0x216: {  	[sflag:s15] =	ssyncadd.s32 $0xFFFFFFC0  }
0x217: {  	_ =	swait.ge [sflag:s15], $0x790  }
0x218: {  	[sflag:s15] =	ssyncset.done $0x0  }
0x219: {  	[sflag:s15] =	ssyncadd.s32 $0xFFFFF870  }
0x21a: {  	_ =	swait.ge [sflag:s15], $0x10  }
0x21b: {  	[sflag:s15] =	ssyncset.done $0x0  }
0x21c: {  	[sflag:s15] =	ssyncadd.s32 $0xFFFFFFF0  }
0x21d: {  	_ =	swait.ge [sflag:s15], $0x40  }
0x21e: {  	[sflag:s15] =	ssyncset.done $0x0  }
0x21f: {  	[sflag:s15] =	ssyncadd.s32 $0xFFFFFFC0  }
0x220: {  	_ =	swait.ge [sflag:s15], $0x790  }
0x221: {  	[sflag:s15] =	ssyncset.done $0x0  }
0x222: {  	[sflag:s15] =	ssyncadd.s32 $0xFFFFF870  }
0x223: {  	_ =	swait.ge [sflag:s15], $0x10  }
0x224: {  	[sflag:s15] =	ssyncset.done $0x0  }
0x225: {  	[sflag:s15] =	ssyncadd.s32 $0xFFFFFFF0  }
0x226: {  	_ =	swait.ge [sflag:s15], $0x40  }
0x227: {  	[sflag:s15] =	ssyncset.done $0x0  }
0x228: {  	[sflag:s15] =	ssyncadd.s32 $0xFFFFFFC0  }
0x229: {  	_ =	swait.ge [sflag:s15], $0x790  }
0x22a: {  	[sflag:s15] =	ssyncset.done $0x0  }
0x22b: {  	[sflag:s15] =	ssyncadd.s32 $0xFFFFF870  }
0x22c: {  	_ =	swait.ge [sflag:s15], $0x10  }
0x22d: {  	[sflag:s15] =	ssyncset.done $0x0  }
0x22e: {  	[sflag:s15] =	ssyncadd.s32 $0xFFFFFFF0  }
0x22f: {  	_ =	swait.ge [sflag:s15], $0x40  }
0x230: {  	[sflag:s15] =	ssyncset.done $0x0  }
0x231: {  	[sflag:s15] =	ssyncadd.s32 $0xFFFFFFC0  }
0x232: {  	_ =	swait.ge [sflag:s15], $0x790  }
0x233: {  	[sflag:s15] =	ssyncset.done $0x0  }
0x234: {  	[sflag:s15] =	ssyncadd.s32 $0xFFFFF870  }
0x235: {  	_ =	swait.ge [sflag:s15], $0x10  }
0x236: {  	[sflag:s15] =	ssyncset.done $0x0  }
0x237: {  	[sflag:s15] =	ssyncadd.s32 $0xFFFFFFF0  }
0x238: {  	_ =	swait.ge [sflag:s15], $0x40  }
0x239: {  	[sflag:s15] =	ssyncset.done $0x0  }
0x23a: {  	[sflag:s15] =	ssyncadd.s32 $0xFFFFFFC0  }
0x23b: {  	_ =	swait.ge [sflag:s15], $0x790  }
0x23c: {  	[sflag:s15] =	ssyncset.done $0x0  }
0x23d: {  	[sflag:s15] =	ssyncadd.s32 $0xFFFFF870  }
0x23e: {  	_ =	swait.ge [sflag:s15], $0x10  }
0x23f: {  	[sflag:s15] =	ssyncset.done $0x0  }
0x240: {  	[sflag:s15] =	ssyncadd.s32 $0xFFFFFFF0  }
0x241: {  	_ =	swait.ge [sflag:s15], $0x40  }
0x242: {  	[sflag:s15] =	ssyncset.done $0x0  }
0x243: {  	[sflag:s15] =	ssyncadd.s32 $0xFFFFFFC0  }
0x244: {  	_ =	swait.ge [sflag:s15], $0x790  }
0x245: {  	[sflag:s15] =	ssyncset.done $0x0  }
0x246: {  	[sflag:s15] =	ssyncadd.s32 $0xFFFFF870  }
0x247: {  	_ =	swait.ge [sflag:s15], $0x10  }
0x248: {  	[sflag:s15] =	ssyncset.done $0x0  }
0x249: {  	[sflag:s15] =	ssyncadd.s32 $0xFFFFFFF0  }
0x24a: {  	_ =	swait.ge [sflag:s15], $0x40  }
0x24b: {  	[sflag:s15] =	ssyncset.done $0x0  }
0x24c: {  	[sflag:s15] =	ssyncadd.s32 $0xFFFFFFC0  }
0x24d: {  	_ =	swait.ge [sflag:s15], $0x790  }
0x24e: {  	[sflag:s15] =	ssyncset.done $0x0  }
0x24f: {  	[sflag:s15] =	ssyncadd.s32 $0xFFFFF870  }
0x250: {  	_ =	swait.ge [sflag:s15], $0x10  }
0x251: {  	[sflag:s15] =	ssyncset.done $0x0  }
0x252: {  	[sflag:s15] =	ssyncadd.s32 $0xFFFFFFF0  }
0x253: {  	_ =	swait.ge [sflag:s15], $0x40  }
0x254: {  	[sflag:s15] =	ssyncset.done $0x0  }
0x255: {  	[sflag:s15] =	ssyncadd.s32 $0xFFFFFFC0  }
0x256: {  	_ =	swait.ge [sflag:s15], $0x790  }
0x257: {  	[sflag:s15] =	ssyncset.done $0x0  }
0x258: {  	[sflag:s15] =	ssyncadd.s32 $0xFFFFF870  }
0x259: {  	_ =	swait.ge [sflag:s15], $0x10  }
0x25a: {  	[sflag:s15] =	ssyncset.done $0x0  }
0x25b: {  	[sflag:s15] =	ssyncadd.s32 $0xFFFFFFF0  }
0x25c: {  	_ =	swait.ge [sflag:s15], $0x40  }
0x25d: {  	[sflag:s15] =	ssyncset.done $0x0  }
0x25e: {  	[sflag:s15] =	ssyncadd.s32 $0xFFFFFFC0  }
0x25f: {  	_ =	swait.ge [sflag:s15], $0x790  }
0x260: {  	[sflag:s15] =	ssyncset.done $0x0  }
0x261: {  	[sflag:s15] =	ssyncadd.s32 $0xFFFFF870  }
0x262: {  	_ =	swait.ge [sflag:s15], $0x10  }
0x263: {  	[sflag:s15] =	ssyncset.done $0x0  }
0x264: {  	[sflag:s15] =	ssyncadd.s32 $0xFFFFFFF0  }
0x265: {  	_ =	swait.ge [sflag:s15], $0x40  }
0x266: {  	[sflag:s15] =	ssyncset.done $0x0  }
0x267: {  	[sflag:s15] =	ssyncadd.s32 $0xFFFFFFC0  }
0x268: {  	_ =	swait.ge [sflag:s15], $0x790  }
0x269: {  	[sflag:s15] =	ssyncset.done $0x0  }
0x26a: {  	[sflag:s15] =	ssyncadd.s32 $0xFFFFF870  }
0x26b: {  	_ =	swait.ge [sflag:s15], $0x10  }
0x26c: {  	[sflag:s15] =	ssyncset.done $0x0  }
0x26d: {  	[sflag:s15] =	ssyncadd.s32 $0xFFFFFFF0  }
0x26e: {  	_ =	swait.ge [sflag:s15], $0x40  }
0x26f: {  	[sflag:s15] =	ssyncset.done $0x0  }
0x270: {  	[sflag:s15] =	ssyncadd.s32 $0xFFFFFFC0  }
0x271: {  	_ =	swait.ge [sflag:s15], $0x790  }
0x272: {  	[sflag:s15] =	ssyncset.done $0x0  }
0x273: {  	[sflag:s15] =	ssyncadd.s32 $0xFFFFF870  }
0x274: {  	_ =	swait.ge [sflag:s15], $0x10  }
0x275: {  	[sflag:s15] =	ssyncset.done $0x0  }
0x276: {  	[sflag:s15] =	ssyncadd.s32 $0xFFFFFFF0  }
0x277: {  	_ =	swait.ge [sflag:s15], $0x40  }
0x278: {  	[sflag:s15] =	ssyncset.done $0x0  }
0x279: {  	[sflag:s15] =	ssyncadd.s32 $0xFFFFFFC0  }
0x27a: {  	_ =	swait.ge [sflag:s15], $0x790  }
0x27b: {  	[sflag:s15] =	ssyncset.done $0x0  }
0x27c: {  	[sflag:s15] =	ssyncadd.s32 $0xFFFFF870  }
0x27d: {  	_ =	swait.ge [sflag:s15], $0x10  }
0x27e: {  	[sflag:s15] =	ssyncset.done $0x0  }
0x27f: {  	[sflag:s15] =	ssyncadd.s32 $0xFFFFFFF0  }
0x280: {  	_ =	swait.ge [sflag:s15], $0x40  }
0x281: {  	[sflag:s15] =	ssyncset.done $0x0  }
0x282: {  	[sflag:s15] =	ssyncadd.s32 $0xFFFFFFC0  }
0x283: {  	_ =	swait.ge [sflag:s15], $0x790  }
0x284: {  	[sflag:s15] =	ssyncset.done $0x0  }
0x285: {  	[sflag:s15] =	ssyncadd.s32 $0xFFFFF870  }
0x286: {  	_ =	swait.ge [sflag:s15], $0x10  }
0x287: {  	[sflag:s15] =	ssyncset.done $0x0  }
0x288: {  	[sflag:s15] =	ssyncadd.s32 $0xFFFFFFF0  }
0x289: {  	_ =	swait.ge [sflag:s15], $0x40  }
0x28a: {  	[sflag:s15] =	ssyncset.done $0x0  }
0x28b: {  	[sflag:s15] =	ssyncadd.s32 $0xFFFFFFC0  }
0x28c: {  	_ =	swait.ge [sflag:s15], $0x790  }
0x28d: {  	[sflag:s15] =	ssyncset.done $0x0  }
0x28e: {  	[sflag:s15] =	ssyncadd.s32 $0xFFFFF870  }
0x28f: {  	_ =	swait.ge [sflag:s15], $0x10  }
0x290: {  	[sflag:s15] =	ssyncset.done $0x0  }
0x291: {  	[sflag:s15] =	ssyncadd.s32 $0xFFFFFFF0  }
0x292: {  	_ =	swait.ge [sflag:s15], $0x40  }
0x293: {  	[sflag:s15] =	ssyncset.done $0x0  }
0x294: {  	[sflag:s15] =	ssyncadd.s32 $0xFFFFFFC0  }
0x295: {  	_ =	swait.ge [sflag:s15], $0x790  }
0x296: {  	[sflag:s15] =	ssyncset.done $0x0  }
0x297: {  	[sflag:s15] =	ssyncadd.s32 $0xFFFFF870  }
0x298: {  	_ =	swait.ge [sflag:s15], $0x10  }
0x299: {  	[sflag:s15] =	ssyncset.done $0x0  }
0x29a: {  	[sflag:s15] =	ssyncadd.s32 $0xFFFFFFF0  }
0x29b: {  	_ =	swait.ge [sflag:s15], $0x40  }
0x29c: {  	[sflag:s15] =	ssyncset.done $0x0  }
0x29d: {  	[sflag:s15] =	ssyncadd.s32 $0xFFFFFFC0  }
0x29e: {  	_ =	swait.ge [sflag:s15], $0x790  }
0x29f: {  	[sflag:s15] =	ssyncset.done $0x0  }
0x2a0: {  	[sflag:s15] =	ssyncadd.s32 $0xFFFFF870  }
0x2a1: {  	_ =	swait.ge [sflag:s15], $0x10  }
0x2a2: {  	[sflag:s15] =	ssyncset.done $0x0  }
0x2a3: {  	[sflag:s15] =	ssyncadd.s32 $0xFFFFFFF0  }
0x2a4: {  	_ =	swait.ge [sflag:s15], $0x40  }
0x2a5: {  	[sflag:s15] =	ssyncset.done $0x0  }
0x2a6: {  	[sflag:s15] =	ssyncadd.s32 $0xFFFFFFC0  }
0x2a7: {  	_ =	swait.ge [sflag:s15], $0x790  }
0x2a8: {  	[sflag:s15] =	ssyncset.done $0x0  }
0x2a9: {  	[sflag:s15] =	ssyncadd.s32 $0xFFFFF870  }
0x2aa: {  	_ =	swait.ge [sflag:s15], $0x10  }
0x2ab: {  	[sflag:s15] =	ssyncset.done $0x0  }
0x2ac: {  	[sflag:s15] =	ssyncadd.s32 $0xFFFFFFF0  }
0x2ad: {  	_ =	swait.ge [sflag:s15], $0x40  }
0x2ae: {  	[sflag:s15] =	ssyncset.done $0x0  }
0x2af: {  	[sflag:s15] =	ssyncadd.s32 $0xFFFFFFC0  }
0x2b0: {  	_ =	swait.ge [sflag:s15], $0x790  }
0x2b1: {  	[sflag:s15] =	ssyncset.done $0x0  }
0x2b2: {  	[sflag:s15] =	ssyncadd.s32 $0xFFFFF870  }
0x2b3: {  	_ =	swait.ge [sflag:s15], $0x10  }
0x2b4: {  	[sflag:s15] =	ssyncset.done $0x0  }
0x2b5: {  	[sflag:s15] =	ssyncadd.s32 $0xFFFFFFF0  }
0x2b6: {  	_ =	swait.ge [sflag:s15], $0x40  }
0x2b7: {  	[sflag:s15] =	ssyncset.done $0x0  }
0x2b8: {  	[sflag:s15] =	ssyncadd.s32 $0xFFFFFFC0  }
0x2b9: {  	_ =	swait.ge [sflag:s15], $0x790  }
0x2ba: {  	[sflag:s15] =	ssyncset.done $0x0  }
0x2bb: {  	[sflag:s15] =	ssyncadd.s32 $0xFFFFF870  }
0x2bc: {  	_ =	swait.ge [sflag:s15], $0x10  }
0x2bd: {  	[sflag:s15] =	ssyncset.done $0x0  }
0x2be: {  	[sflag:s15] =	ssyncadd.s32 $0xFFFFFFF0  }
0x2bf: {  	_ =	swait.ge [sflag:s15], $0x40  }
0x2c0: {  	[sflag:s15] =	ssyncset.done $0x0  }
0x2c1: {  	[sflag:s15] =	ssyncadd.s32 $0xFFFFFFC0  }
0x2c2: {  	_ =	swait.ge [sflag:s15], $0x790  }
0x2c3: {  	[sflag:s15] =	ssyncset.done $0x0  }
0x2c4: {  	[sflag:s15] =	ssyncadd.s32 $0xFFFFF870  }
0x2c5: {  	_ =	swait.ge [sflag:s15], $0x10  }
0x2c6: {  	[sflag:s15] =	ssyncset.done $0x0  }
0x2c7: {  	[sflag:s15] =	ssyncadd.s32 $0xFFFFFFF0  }
0x2c8: {  	_ =	swait.ge [sflag:s15], $0x40  }
0x2c9: {  	[sflag:s15] =	ssyncset.done $0x0  }
0x2ca: {  	[sflag:s15] =	ssyncadd.s32 $0xFFFFFFC0  }
0x2cb: {  	_ =	swait.ge [sflag:s15], $0x790  }
0x2cc: {  	[sflag:s15] =	ssyncset.done $0x0  }
0x2cd: {  	[sflag:s15] =	ssyncadd.s32 $0xFFFFF870  }
0x2ce: {  	_ =	swait.ge [sflag:s15], $0x10  }
0x2cf: {  	[sflag:s15] =	ssyncset.done $0x0  }
0x2d0: {  	[sflag:s15] =	ssyncadd.s32 $0xFFFFFFF0  }
0x2d1: {  	_ =	swait.ge [sflag:s15], $0x40  }
0x2d2: {  	[sflag:s15] =	ssyncset.done $0x0  }
0x2d3: {  	[sflag:s15] =	ssyncadd.s32 $0xFFFFFFC0  }
0x2d4: {  	_ =	swait.ge [sflag:s15], $0x790  }
0x2d5: {  	[sflag:s15] =	ssyncset.done $0x0  }
0x2d6: {  	[sflag:s15] =	ssyncadd.s32 $0xFFFFF870  }
0x2d7: {  	_ =	swait.ge [sflag:s15], $0x10  }
0x2d8: {  	[sflag:s15] =	ssyncset.done $0x0  }
0x2d9: {  	[sflag:s15] =	ssyncadd.s32 $0xFFFFFFF0  }
0x2da: {  	_ =	swait.ge [sflag:s15], $0x40  }
0x2db: {  	[sflag:s15] =	ssyncset.done $0x0  }
0x2dc: {  	[sflag:s15] =	ssyncadd.s32 $0xFFFFFFC0  }
0x2dd: {  	_ =	swait.ge [sflag:s15], $0x790  }
0x2de: {  	[sflag:s15] =	ssyncset.done $0x0  }
0x2df: {  	[sflag:s15] =	ssyncadd.s32 $0xFFFFF870  }
0x2e0: {  	_ =	swait.ge [sflag:s15], $0x10  }
0x2e1: {  	[sflag:s15] =	ssyncset.done $0x0  }
0x2e2: {  	[sflag:s15] =	ssyncadd.s32 $0xFFFFFFF0  }
0x2e3: {  	_ =	swait.ge [sflag:s15], $0x40  }
0x2e4: {  	[sflag:s15] =	ssyncset.done $0x0  }
0x2e5: {  	[sflag:s15] =	ssyncadd.s32 $0xFFFFFFC0  }
0x2e6: {  	_ =	swait.ge [sflag:s15], $0x790  }
0x2e7: {  	[sflag:s15] =	ssyncset.done $0x0  }
0x2e8: {  	[sflag:s15] =	ssyncadd.s32 $0xFFFFF870  }
0x2e9: {  	_ =	swait.ge [sflag:s15], $0x10  }
0x2ea: {  	[sflag:s15] =	ssyncset.done $0x0  }
0x2eb: {  	[sflag:s15] =	ssyncadd.s32 $0xFFFFFFF0  }
0x2ec: {  	_ =	swait.ge [sflag:s15], $0x40  }
0x2ed: {  	[sflag:s15] =	ssyncset.done $0x0  }
0x2ee: {  	[sflag:s15] =	ssyncadd.s32 $0xFFFFFFC0  }
0x2ef: {  	_ =	swait.ge [sflag:s15], $0x790  }
0x2f0: {  	[sflag:s15] =	ssyncset.done $0x0  }
0x2f1: {  	[sflag:s15] =	ssyncadd.s32 $0xFFFFF870  }
0x2f2: {  	_ =	swait.ge [sflag:s15], $0x10  }
0x2f3: {  	[sflag:s15] =	ssyncset.done $0x0  }
0x2f4: {  	[sflag:s15] =	ssyncadd.s32 $0xFFFFFFF0  }
0x2f5: {  	_ =	swait.ge [sflag:s15], $0x40  }
0x2f6: {  	[sflag:s15] =	ssyncset.done $0x0  }
0x2f7: {  	[sflag:s15] =	ssyncadd.s32 $0xFFFFFFC0  }
0x2f8: {  	_ =	swait.ge [sflag:s15], $0x790  }
0x2f9: {  	[sflag:s15] =	ssyncset.done $0x0  }
0x2fa: {  	[sflag:s15] =	ssyncadd.s32 $0xFFFFF870  }
0x2fb: {  	_ =	swait.ge [sflag:s15], $0x10  }
0x2fc: {  	[sflag:s15] =	ssyncset.done $0x0  }
0x2fd: {  	[sflag:s15] =	ssyncadd.s32 $0xFFFFFFF0  }
0x2fe: {  	_ =	swait.ge [sflag:s15], $0x40  }
0x2ff: {  	[sflag:s15] =	ssyncset.done $0x0  }
0x300: {  	[sflag:s15] =	ssyncadd.s32 $0xFFFFFFC0  }
0x301: {  	_ =	swait.ge [sflag:s15], $0x790  }
0x302: {  	[sflag:s15] =	ssyncset.done $0x0  }
0x303: {  	[sflag:s15] =	ssyncadd.s32 $0xFFFFF870  }
0x304: {  	_ =	swait.ge [sflag:s15], $0x10  }
0x305: {  	[sflag:s15] =	ssyncset.done $0x0  }
0x306: {  	[sflag:s15] =	ssyncadd.s32 $0xFFFFFFF0  }
0x307: {  	_ =	swait.ge [sflag:s15], $0x40  }
0x308: {  	[sflag:s15] =	ssyncset.done $0x0  }
0x309: {  	[sflag:s15] =	ssyncadd.s32 $0xFFFFFFC0  }
0x30a: {  	_ =	swait.ge [sflag:s15], $0x790  }
0x30b: {  	[sflag:s15] =	ssyncset.done $0x0  }
0x30c: {  	[sflag:s15] =	ssyncadd.s32 $0xFFFFF870  }
0x30d: {  	_ =	swait.ge [sflag:s15], $0x10  }
0x30e: {  	[sflag:s15] =	ssyncset.done $0x0  }
0x30f: {  	[sflag:s15] =	ssyncadd.s32 $0xFFFFFFF0  }
0x310: {  	_ =	swait.ge [sflag:s15], $0x40  }
0x311: {  	[sflag:s15] =	ssyncset.done $0x0  }
0x312: {  	[sflag:s15] =	ssyncadd.s32 $0xFFFFFFC0  }
0x313: {  	_ =	swait.ge [sflag:s15], $0x790  }
0x314: {  	[sflag:s15] =	ssyncset.done $0x0  }
0x315: {  	[sflag:s15] =	ssyncadd.s32 $0xFFFFF870  }
0x316: {  	_ =	swait.ge [sflag:s15], $0x10  }
0x317: {  	p0 =	sne.s32 s0, $0x3C;
	[sflag:s15] =	ssyncset.done $0x0  }
.Ltmp0:
0x318: {  	[sflag:s15] =	ssyncadd.s32 $0xFFFFFFF0;
	(pc) =	sbr.rel @p0 .LBB2_2-.Ltmp0, $4  }
0x319: {  	[hbm4b:s30+s2] =	stream.linear.scatter [tilespmem:s13], [sflag:$0x2], $0xFC00, $0x38;
	[tilespmem:$0x10E60] =	vst v63  }
0x31a: {  	_ =	swait.ge [sflag:s10], $0xFC00  }
0x31b: {  	s7 =	sadd.s32 $0x200, s7;
	s31 =	sadd.s32 $0x8, s31;
	[sflag:s10] =	ssyncset.done $0x0  }
0x31c: {  	s0 =	sadd.s32 $0x4, s0;
	s30 =	sadd.s32 $0x1F80, s30;
	[sflag:s10] =	ssyncadd.s32 $0xFFFF0400  }
0x31d: {  	s0 =	sld [smem:$0x7EB];
	_ =	sdelay $0x1  }
0x31e: {  	s29 =	sadd.s32 $0x1, s29  }
0x31f: {  	p0 =	sne.s32 s29, s0  }
.Ltmp1:
0x320: {  	_ = 	snop;
	(pc) =	sbr.rel @p0 .LBB2_1-.Ltmp1, $1  }
0x321: {  	_ =	sdelay $0x3  }
0x322: {  	_ =	sfence.sel $0x180000  }
0x323: {  	[bflag:$0x0] =	sbarrier.arrive $0xFFFF  }
0x324: {  	_ =	strace $0x90000047  }
0x325: {  	s0 =	stileid.u32;
	[bflag:$0x2] =	sbarrier.arrive $0xFFFF  }
0x326: {  	p0 =	sne.s32 s0, $0x0;
	s0 =	rddreg [dreg:$0x3]  }
0x327: {  	s0 =	sadd.s32 @!p0 $0x100000, s0  }
0x328: {  	[sflag:s0] =	ssyncadd.tile.s32 @!p0 $0x1;
	_ =	shalt  }
.Lfunc_end2:
_tile_overlayer_lowered:
.L_overlay_start_2:
0x329: {  	(tag) =	ssettag $0x2  }
0x32a: {  	s0 =	rddreg [dreg:$0x0];
	s2 =	stileid.u32  }
0x32b: {  	s1 =	rddreg [dreg:$0x1];
	p0 =	sne.s32 s2, $0x0  }
0x32c: {  	s3 =	rddreg [dreg:$0x2];
	[bflag:$0x3] =	sbarrier.arrive $0xFFFF;
	s2 =	simm.s32 @!p0 $0x1C02  }
0x32d: {  	[timem:s3], [sflag:s2] =	dma.local @!p0 [hbm:s0], s1  }
0x32e: {  	s0 =	simm.s32 @!p0 $0x2  }
0x32f: {  	_ =	swait.ge @!p0 [sflag:s0], s1  }
0x330: {  	s1 =	ssub.s32 @!p0 $0x0, s1;
	[sflag:s0] =	ssyncset.done @!p0 $0x0  }
0x331: {  	[sflag:s0] =	ssyncadd.s32 @!p0 s1  }
0x332: {  	[bflag:$0x3] =	sbarrier.arrive $0xFFFF  }
0x333: {  	_ =	shalt  }

// kernel: sparse-core-data-format-call.cloned.1.call-start
scs
called_computation_lowered:
.L_overlay_start_0:
0x0: {  	s2 =	sld [smem:$0x3FD9]  }
0x1: {  	s3 =	sld [smem:$0x3FFE];
	_ =	sdelay $0x1  }
0x2: {  	s1 =	srdreg.scid  }
0x3: {  	s0 =	sand.u32 $0x1, s1  }
0x4: {  	s18 =	sshll.u32 s0, $0xA;
	s2 =	sadd.s32 s3, s2  }
0x5: {  	s2 =	sadd.s32 s2, s18  }
0x6: {  	[smem:$0x3FC2] =	sst s2  }
0x7: {  	_ = 	snop  }
0x8: {  	s2 =	sld [smem:$0x3FD0];
	(tm) =	ssettm $0x1  }
0x9: {  	s19 =	sld [smem:$0x3FFB];
	_ =	sdelay $0x3  }
0xa: {  	_ =	strace s19  }
0xb: {  	s3 =	sld [smem:$0x3FFC];
	_ =	sdelay $0x3  }
0xc: {  	_ =	strace s3  }
0xd: {  	s3 =	sld [smem:$0x3FFD];
	_ =	sdelay $0x3  }
0xe: {  	_ =	strace s3  }
0xf: {  	_ =	strace $0x8FFFFFFF  }
0x10: {  	s20 =	sld [smem:$0x3FDB];
	_ =	sdelay $0x1  }
0x11: {  	s4 =	simm.s32 $_scs_section_size  }
0x12: {  	s5 =	simm.s32 $_size__tile_overlayer_lowered;
	s6 =	simm.s32 $_tile_overlayer_lowered  }
0x13: {  	s23 =	simm.s32 $0x1BFF;
	s22 =	sshll.u32 s6, $0x1;
	s3 =	sadd.s32 s4, s20  }
0x14: {  	s7 =	simm.s32 $0x0;
	s21 =	sshll.u32 s5, $0x1;
	s5 =	sadd.s32 s22, s3  }
0x15: {  	[timem:s7], [sflag:s23] =	dma.local [hbm:s5], s21  }
0x16: {  	_ =	swait.ge [sflag:s23], s21  }
0x17: {  	s4 =	ssub.s32 $0x0, s21;
	[sflag:s23] =	ssyncset.done $0x0  }
0x18: {  	[sflag:s23] =	ssyncadd.s32 s4;
	_ =	sdelay $0x1  }
0x19: {  	s24 =	simm.s32 $0x1B8B  }
0x1a: {  	_ =	swait.ge [sflag:s24], $0x1  }
0x1b: {  	[sflag:s24] =	ssyncset.done $0x0  }
0x1c: {  	s26 =	simm.s32 $0x1B8E;
	s25 =	sld [smem:$0x3FFE];
	[sflag:s24] =	ssyncadd.s32 $0xFFFFFFFF  }
0x1d: {  	s27 =	simm.s32 $execute0_lowered;
	[smem:$0x3FD2] =	sst s26  }
0x1e: {  	s5 =	sshll.u32 s27, $0x1;
	_ =	strace $0x80000049;
	[dreg:$0x1] =	wrdreg $0xFFFFFFFF  }
0x1f: {  	s28 =	simm.s32 $_size_execute0_lowered;
	s3 =	sadd.s32 s3, s5;
	[dreg:$0x0] =	wrdreg $0x0  }
0x20: {  	s5 =	sshll.u32 s28, $0x1;
	[dreg:$0x2] =	wrdreg s3  }
0x21: {  	[dreg:$0x3] =	wrdreg s5  }
0x22: {  	[dreg:$0x4] =	wrdreg $0xC0  }
0x23: {  	_ =	task [dreg:s7], $0x5FFFF  }
0x24: {  	[dreg:$0x1] =	wrdreg $0xFFFFFFFF  }
0x25: {  	[dreg:$0x0] =	wrdreg $0x60  }
0x26: {  	[dreg:$0x2] =	wrdreg s25  }
0x27: {  	[dreg:$0x3] =	wrdreg s2  }
0x28: {  	[dreg:$0x4] =	wrdreg $0x9  }
0x29: {  	_ =	task.clear_ibuf [dreg:s7], $0x5FFFF;
	_ =	strace $0x90000049  }
0x2a: {  	s29 =	simm.s32 $0x9;
	_ =	strace $0x8000004B  }
0x2b: {  	_ =	swait.ge [sflag:s29], $0x1  }
0x2c: {  	[sflag:s29] =	ssyncadd.s32 $0xFFFFFFFF  }
0x2d: {  	_ =	strace $0x9000004B  }
0x2e: {  	_ =	sfence  }
0x2f: {  	s30 =	sld [smem:$0x0];
	_ =	sdelay $0x2  }
0x30: {  	s31 =	sshll.u32 s1, $0xD;
	s1 =	sshrl.u32 s1, $0x2  }
0x31: {  	s3 =	sand.u32 $0x4000, s31;
	s1 =	sadd.s32 s1, s30  }
0x32: {  	s0 =	sor.u32 s3, s0;
	s1 =	sshll.u32 s1, $0x11  }
0x33: {  	s0 =	sor.u32 s1, s0  }
0x34: {  	s0 =	sadd.s32 $0x8F2B, s0  }
0x35: {  	[sflag:s0] =	ssyncadd.remote.s32 $0x1  }
0x36: {  	_ =	sfence.sel $0xFFFF  }
0x37: {  	[dreg:$0x0] =	wrdreg $0xFFFFFFFF;
	(pc) =	sbr.abs _section_cstart, $3  }
0x38: {  	[dreg:$0x1] =	wrdreg $0xFFFFFFFF  }
0x39: {  	_ =	task.clear_ibuf [dreg:s7], $0x2FFFF;
	_ =	strace $0x9FFFFFFF  }
0x3a: {  	(tm) =	ssettm $0x7FFFFFFF  }
0x3b: {  	_ =	shalt  }
tec
execute0_lowered:
.L_overlay_start_1:
0x0: {  	(tag) =	ssettag $0x1  }
0x1: {  	s0 =	srdreg.scid  }
0x2: {  	s1 =	sshll.u32 s0, $0x4  }
0x3: {  	s0 =	stileid.u32;
	s1 =	sand.u32 $0x10, s1  }
0x4: {  	s1 =	sor.u32 s0, s1  }
0x5: {  	s6 =	rddreg [dreg:$0x0];
	s4 =	simm.s32 $0x1;
	s2 =	sshll.u32 s1, $0x7  }
0x6: {  	s7 =	simm.s32 $0x2;
	s12 =	simm.s32 $0x0;
	s1 =	ssub.s32 $0x4000, s2  }
0x7: {  	s8 =	simm.s32 $0x20000;
	s13 =	simm.s32 $0x0;
	s3 =	sand.u32 $0xF80, s1  }
0x8: {  	s9 =	simm.s32 $0x0;
	s5 =	sshrl.u32 s1, $0xC;
	p0 =	sne.s32 s3, $0x0  }
.Ltmp0:
0x9: {  	s1 =	rddreg [dreg:$0x2];
	s4 =	simm.s32 @!p0 $0x0;
	(pc) =	sbr.rel .LBB1_1-.Ltmp0, $4  }
0xa: {  	s11 =	simm.s32 $0x0;
	s3 =	rddreg [dreg:$0x1];
	s5 =	sadd.s32 s4, s5  }
0xb: {  	_ =	strace $0x8000004A;
	s4 =	simm.s32 $0x1;
	s5 =	smul.u32 $0x7E, s5  }
0xc: {  	s6 =	sadd.s32 $0x1800, s6;
	s10 =	smov.u32 s2;
	[sflag:s4] =	ssyncpa.u1 $0x0  }
0xd: {  	p0 =	por $0x0, $0x0;
	[sflag:s7] =	ssyncpa.u1 $0x0;
	s7 =	sor.u32 $0x1, s5  }
.LBB1_4:
0xe: {  	s16 =	sshll.u32 s13, $0x3;
	s17 =	sand.u32 $0x78, s13  }
0xf: {  	s30 =	sand.u32 $0x7800, s13;
	s12 =	sshll.u32 s12, $0xF;
	s16 =	sand.u32 $0x3C00, s16  }
0x10: {  	s31 =	sand.u32 $0x7, s13;
	s16 =	sor.u32 s17, s16;
	s17 =	sadd.s32 s3, s30  }
0x11: {  	s13 =	sshll.u32 s31, $0x12;
	s16 =	sshrl.u32 s16, $0x3;
	s12 =	sadd.s32 s12, s17  }
0x12: {  	[tilespmem:s15+$0x0 ss:$0x81] =	vst.msk $0xffff, v1;
	s13 =	sor.u32 $0x400, s13;
	s12 =	sadd.s32 s16, s12  }
0x13: {  	[hbm4b:s12+s13] =	stream.strided.scatter [tilespmem:s14], [sflag:$0x2], $0x800, s8, s13, $0x20;
	[tilespmem:$0x2020] =	vst v63  }
.LBB1_5:
0x14: {  	s14 =	sadd.s32 $0x1, s9  }
0x15: {  	s12 =	sadd.s32 $0x1000, s10;
	s16 =	smov.u32 s10;
	p2 =	sgt.s32 s14, $0x7D  }
0x16: {  	s16 =	smov.u32 @p2 s12  }
0x17: {  	s14 =	simm.s32 @p2 $0x0;
	p2 =	sgt.s32 s16, $0x3FFF  }
0x18: {  	s16 =	smov.u32 @p2 s2;
	p2 =	sne.s32 s11, s7  }
.Ltmp1:
0x19: {  	p1 =	slt.u32 s11, $0x2;
	(pc) =	sbr.rel @!p2 .LBB1_6-.Ltmp1, $4  }
0x1a: {  	s15 =	simm.s32 @!p1 $0x2  }
0x1b: {  	s13 =	smov.u32 s10;
	p0 =	por !p0, !p0;
	_ =	swait.ge @!p1 [sflag:s15], $0x800  }
0x1c: {  	s12 =	smov.u32 s9;
	[sflag:s15] =	ssyncset.done @!p1 $0x0;
	s9 =	smov.u32 s14  }
0x1d: {  	s11 =	sadd.s32 $0x1, s11;
	[sflag:s15] =	ssyncadd.s32 @!p1 $0xFFFFF800;
	s10 =	smov.u32 s16  }
.LBB1_1:
0x1e: {  	p1 =	sge.u32 s11, s5  }
0x1f: {  	s31 =	sadd.s32 $0xFFFFFFFF, s11;
	s14 =	sxor.u32 @!p1 $0xFFFFFFFF, s11  }
0x20: {  	s15 =	sshll.u32 @!p1 s10, $0xB;
	s16 =	sshll.u32 @!p1 s9, $0x4;
	s17 =	simm.s32 @!p1 $0x4000  }
0x21: {  	s14 =	sshll.u32 @!p1 s14, $0xB;
	s16 =	sand.u32 @!p1 $0x7F0, s16;
	s15 =	sadd.s32 @!p1 s6, s15  }
0x22: {  	s14 =	sand.u32 @!p1 $0x800, s14;
	s15 =	sadd.s32 @!p1 s16, s15;
	s16 =	simm.s32 @!p1 $0x10  }
0x23: {  	[tilespmem:s14], [sflag:$0x1] =	stream.strided.gather @!p1 [hbm4b:s15+s16], $0x800, s17, s16, $0x38;
	[tilespmem:$0x2020] =	vst v63  }
0x24: {  	p1 =	sge.u32 s31, s5  }
.Ltmp2:
0x25: {  	_ = 	snop;
	(pc) =	sbr.rel @p1 .LBB1_5-.Ltmp2, $1  }
0x26: {  	_ =	sdelay $0x3  }
0x27: {  	s14 =	simm.s32 $0x1  }
0x28: {  	s14 =	simm.s32 @!p0 $0x0  }
0x29: {  	s15 =	sshll.u32 s14, $0xB  }
0x2a: {  	v0 =	vmov s15;
	_ =	sdelay $0x1  }
0x2b: {  	_ =	swait.ge [sflag:s4], $0x800  }
0x2c: {  	s31 =	sand.u32 $0x1, s11;
	[sflag:s4] =	ssyncset.done $0x0  }
0x2d: {  	s17 =	simm.s32 $0x0;
	s14 =	smul.u32 $0x2040, s14;
	[sflag:s4] =	ssyncadd.s32 $0xFFFFF800  }
0x2e: {  	s15 =	smul.u32 $0x2040, s31;
	v1 =	vld.idx.msk [tilespmem:v0+s17+$0x0 ss:$0x1], $0xffff;
	_ =	sdelay $0x1  }
0x2f: {  	s14 =	sshrl.u32 s14, $0x2;
	s16 =	sshrl.u32 s15, $0x2  }
0x30: {  	s15 =	sor.u32 $0x1000, s14;
	s14 =	sor.u32 $0x1000, s16;
	s16 =	simm.s32 $0x40  }
.LBB1_3:
0x31: {  	s17 =	sshra.s32 s16, $0x2;
	p1 =	sne.s32 s16, $0x1FC0;
	s16 =	sadd.s32 $0x40, s16  }
.Ltmp3:
0x32: {  	[tilespmem:s15+$0x0 ss:$0x81] =	vst.msk $0xffff, v1;
	v1 =	vld.idx.msk [tilespmem:v0+s17+$0x0 ss:$0x1], $0xffff;
	(pc) =	sbr.rel @p1 .LBB1_3-.Ltmp3, $2  }
0x33: {  	_ =	sdelay $0x2  }
0x34: {  	s15 =	sadd.s32 $0x1, s15  }
.Ltmp4:
0x35: {  	_ = 	snop;
	(pc) =	sbr.rel .LBB1_4-.Ltmp4, $1  }
0x36: {  	_ =	sdelay $0x3  }
.LBB1_6:
0x37: {  	_ =	sfence.sel $0x180000  }
0x38: {  	s2 =	simm.s32 $0x1;
	[bflag:$0x0] =	sbarrier.arrive $0xFFFF  }
0x39: {  	s31 =	simm.s32 $0x2;
	[sflag:s2] =	ssyncpa.u1 $0x1  }
0x3a: {  	[sflag:s31] =	ssyncpa.u1 $0x1  }
0x3b: {  	p0 =	sne.s32 s0, $0x0;
	_ =	strace $0x9000004A  }
0x3c: {  	s0 =	sadd.s32 @!p0 $0x100000, s1;
	[bflag:$0x2] =	sbarrier.arrive $0xFFFF  }
0x3d: {  	[sflag:s0] =	ssyncadd.tile.s32 @!p0 $0x1;
	_ =	shalt  }
.Lfunc_end1:
_tile_overlayer_lowered:
.L_overlay_start_2:
0x3e: {  	(tag) =	ssettag $0x2  }
0x3f: {  	s0 =	rddreg [dreg:$0x0];
	s2 =	stileid.u32  }
0x40: {  	s1 =	rddreg [dreg:$0x1];
	p0 =	sne.s32 s2, $0x0  }
0x41: {  	s3 =	rddreg [dreg:$0x2];
	[bflag:$0x3] =	sbarrier.arrive $0xFFFF;
	s2 =	simm.s32 @!p0 $0x1C01  }
0x42: {  	[timem:s3], [sflag:s2] =	dma.local @!p0 [hbm:s0], s1  }
0x43: {  	s0 =	simm.s32 @!p0 $0x1  }
0x44: {  	_ =	swait.ge @!p0 [sflag:s0], s1  }
0x45: {  	s1 =	ssub.s32 @!p0 $0x0, s1;
	[sflag:s0] =	ssyncset.done @!p0 $0x0  }
0x46: {  	[sflag:s0] =	ssyncadd.s32 @!p0 s1  }
0x47: {  	[bflag:$0x3] =	sbarrier.arrive $0xFFFF  }
0x48: {  	_ =	shalt  }

</sc_bundles>
